<compile_context>
chip_gen: v7x
topology: tpu7x:2x2x1
jax: 0.10.2.dev20260603
libtpu: 0.0.44.dev20260713+nightly
codegen_flags: <defaults>
</compile_context>

<pallas_src>
import functools

import jax
import jax.numpy as jnp
from jax import lax
from jax.experimental import pallas as pl
from jax.experimental.pallas import tpu as pltpu
from jax.experimental.pallas import tpu_sc as plsc

N_NODES = 10000
N_EDGES = 160000
D = 256
R = 8
NB = 4
NRP = R + 1
NH = 2
NC, NS = 2, 16
HALF = N_NODES // NC
HP = 5120
ACC_T = NH * HP // NS
DP = 10112
DEG_T = DP // NS
DEG_E = 5120
CHUNK = 128
NCHUNK = 80
TILE_E = NCHUNK * CHUNK
E_PAD = NS * TILE_E
BN = 400
NBLK = N_NODES // BN
_PAD_ROWS = E_PAD // 128
_VALID_ROWS = N_EDGES // 128



def _c(*vals):
    return tuple(jnp.int32(v) for v in vals)


def _m00(i):
    return _c(0, 0)


def _m000(i):
    return _c(0, 0, 0)


def _mi0(i):
    return (i, jnp.int32(0))


def _mdeg0(i):
    return (jnp.int32(0), i, jnp.int32(0))


def _mdeg1(i):
    return (jnp.int32(1), i, jnp.int32(0))


def _mhl0(i):
    return (jnp.int32(R), i, jnp.int32(0))


def _mhl1(i):
    return (jnp.int32(NRP + R), i, jnp.int32(0))


def _sc_agg_body(table, ga4, gb4, sa4, sb4, zacc,
                 agg_out,
                 acc_sh, gi0, gi1, si0, si1, ra0, ra1,
                 gs0, gs1, ss0, ss1, ia0, ia1, iw0, iw1):
    cid = lax.axis_index("c")
    sid = lax.axis_index("s")
    pltpu.sync_copy(zacc.at[pl.ds(sid * ACC_T, ACC_T)],
                    acc_sh.at[pl.ds(sid * ACC_T, ACC_T)])
    plsc.subcore_barrier()

    gi = (gi0, gi1)
    si = (si0, si1)
    ra = (ra0, ra1)
    gs = (gs0, gs1)
    ss = (ss0, ss1)
    ia = (ia0, ia1)
    iw = (iw0, iw1)

    def run_phase(g4, s4):
        pltpu.sync_copy(g4.at[sid, 0], gi0)
        pltpu.async_copy(s4.at[cid, sid, 0], si0, iw0)
        pltpu.async_copy(table.at[gi0], ra0, gs0)
        pltpu.async_copy(g4.at[sid, 1], gi1, ia1)

        def step(j, carry):
            for b in range(2):
                i = j * 2 + b
                pltpu.make_async_copy(table.at[gi[b]], ra[b], gs[b]).wait()

                @pl.when(i + 2 < NCHUNK)
                def _ga_prefetch():
                    pltpu.async_copy(g4.at[sid, i + 2], gi[b], ia[b])

                @pl.when(i >= 1)
                def _wait_prev_scatter():
                    pltpu.make_async_copy(
                        ra[1 - b], acc_sh.at[si[1 - b]], ss[1 - b]).wait()

                @pl.when(i + 1 < NCHUNK)
                def _sa_prefetch():
                    pltpu.async_copy(s4.at[cid, sid, i + 1], si[1 - b],
                                     iw[1 - b])

                @pl.when(i + 1 < NCHUNK)
                def _gather_next():
                    pltpu.make_async_copy(g4.at[sid, i + 1], gi[1 - b],
                                          ia[1 - b]).wait()
                    pltpu.async_copy(table.at[gi[1 - b]], ra[1 - b],
                                     gs[1 - b])

                pltpu.make_async_copy(s4.at[cid, sid, i], si[b], iw[b]).wait()
                pltpu.async_copy(ra[b], acc_sh.at[si[b]], ss[b], add=True)
            return carry

        lax.fori_loop(jnp.int32(0), jnp.int32(NCHUNK // 2), step,
                      jnp.int32(0))
        pltpu.make_async_copy(ra1, acc_sh.at[si1], ss1).wait()

    run_phase(ga4, sa4)
    run_phase(gb4, sb4)
    plsc.subcore_barrier()
    pltpu.sync_copy(acc_sh.at[pl.ds(sid * ACC_T, ACC_T)],
                    agg_out.at[pl.ds(cid * NH * HP + sid * ACC_T, ACC_T)])


_sc_agg = pl.kernel(
    _sc_agg_body,
    out_type=jax.ShapeDtypeStruct((NC * NH * HP, 128), jnp.float32),
    mesh=plsc.VectorSubcoreMesh(core_axis_name="c", subcore_axis_name="s"),
    scratch_types=[
        pltpu.VMEM_SHARED((NH * HP, 128), jnp.float32),
        pltpu.VMEM((CHUNK,), jnp.int32),
        pltpu.VMEM((CHUNK,), jnp.int32),
        pltpu.VMEM((CHUNK,), jnp.int32),
        pltpu.VMEM((CHUNK,), jnp.int32),
        pltpu.VMEM((CHUNK, 128), jnp.float32),
        pltpu.VMEM((CHUNK, 128), jnp.float32),
        pltpu.SemaphoreType.DMA,
        pltpu.SemaphoreType.DMA,
        pltpu.SemaphoreType.DMA,
        pltpu.SemaphoreType.DMA,
        pltpu.SemaphoreType.DMA,
        pltpu.SemaphoreType.DMA,
        pltpu.SemaphoreType.DMA,
        pltpu.SemaphoreType.DMA,
    ],
)


def _sc_deg_body(dstp, zdeg, onesc,
                 deg_out,
                 deg_sh, dst_v, ones_v):
    cid = lax.axis_index("c")
    sid = lax.axis_index("s")
    pltpu.sync_copy(zdeg.at[pl.ds(sid * DEG_T, DEG_T)],
                    deg_sh.at[pl.ds(sid * DEG_T, DEG_T)])
    pltpu.sync_copy(onesc, ones_v)
    plsc.subcore_barrier()
    w = cid * NS + sid

    def step(i, carry):
        base = w * DEG_E + i * CHUNK
        pltpu.sync_copy(dstp.at[pl.ds(base, CHUNK)], dst_v)
        pltpu.sync_copy(ones_v, deg_sh.at[dst_v], add=True)
        return carry

    lax.fori_loop(jnp.int32(0), jnp.int32(DEG_E // CHUNK), step,
                  jnp.int32(0))
    plsc.subcore_barrier()
    pltpu.sync_copy(deg_sh.at[pl.ds(sid * DEG_T, DEG_T)],
                    deg_out.at[cid, pl.ds(sid * DEG_T, DEG_T)])


_sc_deg = pl.kernel(
    _sc_deg_body,
    out_type=jax.ShapeDtypeStruct((NC, DP, 128), jnp.float32),
    mesh=plsc.VectorSubcoreMesh(core_axis_name="c", subcore_axis_name="s"),
    scratch_types=[
        pltpu.VMEM_SHARED((DP, 128), jnp.float32),
        pltpu.VMEM((CHUNK,), jnp.int32),
        pltpu.VMEM((CHUNK, 128), jnp.float32),
    ],
)


def _prep_body(src_ref, et_ref, dst_ref,
               ga_ref, gb_ref, sa_ref, sb_ref, dstp_ref,
               zacc_ref, zdeg_ref, ones_ref):
    rows_i = lax.broadcasted_iota(jnp.int32, (_PAD_ROWS, 128), 0)
    lane_i = lax.broadcasted_iota(jnp.int32, (_PAD_ROWS, 128), 1)
    pad = rows_i >= _VALID_ROWS
    src = src_ref[...]
    et = et_ref[...]
    ga = jnp.where(pad, lane_i, et * N_NODES + src)
    ga_ref[...] = ga
    gb_ref[...] = ga + NRP * N_NODES
    d = dst_ref[...]
    dum = HALF + lane_i % (HP - HALF)
    s0 = jnp.where(pad | (d >= HALF), dum, d)
    s1 = jnp.where(pad | (d < HALF), dum, d - HALF)
    sa_ref[0] = s0
    sa_ref[1] = s1
    sb_ref[0] = s0 + HP
    sb_ref[1] = s1 + HP
    dstp_ref[...] = jnp.where(pad, N_NODES + lane_i % (DP - N_NODES), d)
    zacc_ref[...] = jnp.zeros((NH * HP, 128), jnp.float32)
    zdeg_ref[...] = jnp.zeros((DP, 128), jnp.float32)
    ones_ref[...] = jnp.ones((CHUNK, 128), jnp.float32)


_prep = pl.pallas_call(
    _prep_body,
    grid=(1,),
    in_specs=[pl.BlockSpec((_PAD_ROWS, 128), _m00),
              pl.BlockSpec((_PAD_ROWS, 128), _m00),
              pl.BlockSpec((_PAD_ROWS, 128), _m00)],
    out_specs=[pl.BlockSpec((_PAD_ROWS, 128), _m00),
               pl.BlockSpec((_PAD_ROWS, 128), _m00),
               pl.BlockSpec((2, _PAD_ROWS, 128), _m000),
               pl.BlockSpec((2, _PAD_ROWS, 128), _m000),
               pl.BlockSpec((_PAD_ROWS, 128), _m00),
               pl.BlockSpec((NH * HP, 128), _m00),
               pl.BlockSpec((DP, 128), _m00),
               pl.BlockSpec((CHUNK, 128), _m00)],
    out_shape=[jax.ShapeDtypeStruct((_PAD_ROWS, 128), jnp.int32),
               jax.ShapeDtypeStruct((_PAD_ROWS, 128), jnp.int32),
               jax.ShapeDtypeStruct((2, _PAD_ROWS, 128), jnp.int32),
               jax.ShapeDtypeStruct((2, _PAD_ROWS, 128), jnp.int32),
               jax.ShapeDtypeStruct((_PAD_ROWS, 128), jnp.int32),
               jax.ShapeDtypeStruct((NH * HP, 128), jnp.float32),
               jax.ShapeDtypeStruct((DP, 128), jnp.float32),
               jax.ShapeDtypeStruct((CHUNK, 128), jnp.float32)],
)


def _wcat_body(comp_ref, v_ref, loopw_ref, out_ref):
    for r in range(R):
        acc = comp_ref[r, 0] * v_ref[0]
        for b in range(1, NB):
            acc = acc + comp_ref[r, b] * v_ref[b]
        for h in range(NH):
            out_ref[:, (h * NRP + r) * 128:(h * NRP + r + 1) * 128] = (
                acc[:, h * 128:(h + 1) * 128])
    lw = loopw_ref[...]
    for h in range(NH):
        out_ref[:, (h * NRP + R) * 128:(h * NRP + R + 1) * 128] = (
            lw[:, h * 128:(h + 1) * 128])


_wcat = pl.pallas_call(
    _wcat_body,
    grid=(1,),
    in_specs=[
        pl.BlockSpec(memory_space=pltpu.SMEM),
        pl.BlockSpec((NB, D, D), _m000),
        pl.BlockSpec((D, D), _m00),
    ],
    out_specs=pl.BlockSpec((D, NH * NRP * 128), _m00),
    out_shape=jax.ShapeDtypeStruct((D, NH * NRP * 128), jnp.float32),
)


def _mm_body(h_ref, w_ref, o_ref):
    x = jnp.dot(h_ref[...].astype(jnp.bfloat16),
                w_ref[...].astype(jnp.bfloat16),
                preferred_element_type=jnp.float32)
    for g in range(NH * NRP):
        o_ref[g] = x[:, g * 128:(g + 1) * 128]


def _mo(i):
    return (jnp.int32(0), i, jnp.int32(0))


_mm = pl.pallas_call(
    _mm_body,
    grid=(NBLK,),
    in_specs=[pl.BlockSpec((BN, D), _mi0),
              pl.BlockSpec((D, NH * NRP * 128), _m00)],
    out_specs=pl.BlockSpec((NH * NRP, BN, 128), _mo),
    out_shape=jax.ShapeDtypeStruct((NH * NRP, N_NODES, 128), jnp.float32),
)


def _fin_body(a0_ref, a1_ref, d0_ref, d1_ref, bias_ref, hl0_ref, hl1_ref,
              o_ref, *, act):
    d = d0_ref[0][:, 0:1] + d1_ref[0][:, 0:1]
    inv = 1.0 / jnp.maximum(d, 1.0)
    o0 = a0_ref[...] * inv + bias_ref[:, 0:128] + hl0_ref[0]
    o1 = a1_ref[...] * inv + bias_ref[:, 128:256] + hl1_ref[0]
    if act:
        o0 = jnp.maximum(o0, 0.0)
        o1 = jnp.maximum(o1, 0.0)
    o_ref[:, 0:128] = o0
    o_ref[:, 128:256] = o1


def _make_fin(act):
    return pl.pallas_call(
        functools.partial(_fin_body, act=act),
        grid=(NBLK,),
        in_specs=[pl.BlockSpec((BN, 128), _mi0),
                  pl.BlockSpec((BN, 128), _mi0),
                  pl.BlockSpec((1, BN, 128), _mdeg0),
                  pl.BlockSpec((1, BN, 128), _mdeg1),
                  pl.BlockSpec((1, D), _m00),
                  pl.BlockSpec((1, BN, 128), _mhl0),
                  pl.BlockSpec((1, BN, 128), _mhl1)],
        out_specs=pl.BlockSpec((BN, D), _mi0),
        out_shape=jax.ShapeDtypeStruct((N_NODES, D), jnp.float32),
    )


_fin_relu = _make_fin(True)
_fin_lin = _make_fin(False)


def kernel(feats, edge_index, etype, V1, comp1, bias1, loopw1,
           V2, comp2, bias2, loopw2):
    with jax.enable_x64(False):
        h2 = _kernel_f32(feats, edge_index, etype, V1, comp1, bias1, loopw1,
                         V2, comp2, bias2, loopw2)
    return h2.astype(jnp.float64)


def _kernel_f32(feats, edge_index, etype, V1, comp1, bias1, loopw1,
                V2, comp2, bias2, loopw2):
    f32 = jnp.float32
    feats = feats.astype(f32)
    V1, comp1, bias1, loopw1 = (x.astype(f32) for x in (V1, comp1, bias1, loopw1))
    V2, comp2, bias2, loopw2 = (x.astype(f32) for x in (V2, comp2, bias2, loopw2))
    src = edge_index[0].astype(jnp.int32)
    dst = edge_index[1].astype(jnp.int32)
    et = etype.astype(jnp.int32)

    src2d = jnp.pad(src, (0, E_PAD - N_EDGES)).reshape(_PAD_ROWS, 128)
    et2d = jnp.pad(et, (0, E_PAD - N_EDGES)).reshape(_PAD_ROWS, 128)
    dst2d = jnp.pad(dst, (0, E_PAD - N_EDGES)).reshape(_PAD_ROWS, 128)
    (ga2d, gb2d, sa3d, sb3d, dstp2d,
     zacc, zdeg, onesc) = _prep(src2d, et2d, dst2d)
    ga = ga2d.reshape(NS, NCHUNK, CHUNK)
    gb = gb2d.reshape(NS, NCHUNK, CHUNK)
    sa = sa3d.reshape(NC, NS, NCHUNK, CHUNK)
    sb = sb3d.reshape(NC, NS, NCHUNK, CHUNK)
    dstp = dstp2d.reshape(NC * NS * DEG_E)

    wcat1 = _wcat(comp1, V1, loopw1)
    wcat2 = _wcat(comp2, V2, loopw2)
    degout = _sc_deg(dstp, zdeg, onesc)

    def layer(h, wcat, bias, fin):
        p = _mm(h, wcat)
        aggout = _sc_agg(p.reshape(NH * NRP * N_NODES, 128),
                         ga, gb, sa, sb, zacc)
        agg0 = jnp.concatenate([aggout[0:HALF],
                                aggout[NH * HP:NH * HP + HALF]], axis=0)
        agg1 = jnp.concatenate([aggout[HP:HP + HALF],
                                aggout[NH * HP + HP:NH * HP + HP + HALF]],
                               axis=0)
        return fin(agg0, agg1, degout, degout, bias.reshape(1, D), p, p)

    feats = feats + degout[0, 0, 0] * 0.0
    h1 = layer(feats, wcat1, bias1, _fin_relu)
    return layer(h1, wcat2, bias2, _fin_lin)

# --- scband reference (transcript-rebuilt; emitter-appended) ---
"""Pipeline reference for scband-gcargcn-8126078124491 (READ-ONLY COPY).

The authoritative reference and input builder live on the scoring server;
editing this copy changes nothing except your own understanding.
"""

import jax, jax.numpy as jnp
import numpy as np
jax.config.update("jax_enable_x64", True)

N, E, D, R, NB = 10000, 160000, 256, 8, 4

def setup_inputs(seed: int = 0) -> dict:
    key = jax.random.key(seed)
    ks = jax.random.split(key, 12)
    g = 1.0 / np.sqrt(D)
    gb = 1.0 / np.sqrt(NB)
    return {
        "feats": jax.random.normal(ks[0], (N, D), dtype=jnp.float32),
        "edge_index": jax.random.randint(ks[1], (2, E), 0, N, dtype=jnp.int64),
        "etype": jax.random.randint(ks[2], (E,), 0, R, dtype=jnp.int64),
        "V1": jax.random.normal(ks[3], (NB, D, D), dtype=jnp.float32) * g,
        "comp1": jax.random.normal(ks[4], (R, NB), dtype=jnp.float32) * gb,
        "bias1": jnp.zeros((D,), dtype=jnp.float32),
        "loopw1": jax.random.normal(ks[5], (D, D), dtype=jnp.float32) * g,
        "V2": jax.random.normal(ks[6], (NB, D, D), dtype=jnp.float32) * g,
        "comp2": jax.random.normal(ks[7], (R, NB), dtype=jnp.float32) * gb,
        "bias2": jnp.zeros((D,), dtype=jnp.float32),
        "loopw2": jax.random.normal(ks[8], (D, D), dtype=jnp.float32) * g,
    }

def _rel_layer(h, src, dst, etype, norm, V, comp, bias, loopw, act):
    # basis regularizer: W_r = sum_b comp[r,b] * V_b
    W = jnp.einsum("rb,bio->rio", comp, V)          # [R, D_in, D_out]
    proj = jnp.einsum("nd,rdo->rno", h, W)          # [R, N, D_out]
    msg = proj[etype, src] * norm                    # [E, D_out]
    agg = jnp.zeros((h.shape[0], W.shape[2]), dtype=h.dtype).at[dst].add(msg)
    out = agg + bias + h @ loopw                     # bias + self-loop
    if act:
        out = jax.nn.relu(out)
    return out

def reference(feats, edge_index, etype, V1, comp1, bias1, loopw1, V2, comp2, bias2, loopw2):
    src, dst = edge_index[0], edge_index[1]
    # dgl.norm_by_dst: 1 / in_degree(dst), inf -> 0
    deg = jnp.zeros((feats.shape[0],), dtype=feats.dtype).at[dst].add(1.0)
    norm = jnp.where(deg > 0, 1.0 / jnp.maximum(deg, 1.0), 0.0)[dst][:, None]
    h = _rel_layer(feats, src, dst, etype, norm, V1, comp1, bias1, loopw1, True)
    h = _rel_layer(h, src, dst, etype, norm, V2, comp2, bias2, loopw2, False)
    return h

if __name__ == "__main__":
    import jax
    _d = setup_inputs()
    print(jax.jit(kernel)(*tuple(_d.values())))

</pallas_src>

<mosaic_0001>
#map = affine_map<(d0, d1) -> (0)>
#map1 = affine_map<(d0, d1) -> (0, 0)>
#map2 = affine_map<(d0, d1) -> (0, 0, 0)>
module attributes {stable_mosaic.version = 14 : i64} {
  func.func @_sc_deg_body(%arg0: i32, %arg1: i32, %arg2: memref<163840xi32, #tpu.memory_space<hbm>>, %arg3: memref<10112x128xf32, #tpu.memory_space<hbm>>, %arg4: memref<128x128xf32, #tpu.memory_space<hbm>>, %arg5: memref<2x10112x128xf32, #tpu.memory_space<hbm>>, %arg6: memref<10112x128xf32, #tpu.memory_space<vmem_shared>>, %arg7: memref<128xi32, #tpu.memory_space<vmem>>, %arg8: memref<128x128xf32, #tpu.memory_space<vmem>>) attributes {dimension_semantics = [#tpu.dimension_semantics<core_parallel>, #tpu.dimension_semantics<subcore_parallel>], iteration_bounds = array<i64: 2, 16>, scalar_prefetch = 0 : i64, scratch_operands = 3 : i64, tpu.core_type = #tpu.core_type<sc_vector_subcore>, window_params = [{transform_indices = #map}, {transform_indices = #map1}, {transform_indices = #map1}, {transform_indices = #map2}]} {
    %mul3A = arith.constant 632 : i32
    %mul3A_0 = arith.muli %arg1, %mul3A : i32
    %mul3A_1 = arith.constant 632 : i32
    %mul3A_2 = arith.muli %arg1, %mul3A_1 : i32
    "tpu.region"() ({
      %run_scoped3A = tpu.sem_alloc : memref<!tpu.dma_semaphore, #tpu.memory_space<semaphore_mem>>
      %dma_start3A = arith.constant 0 : i32
      %dma_start3A_20 = tpu.memref_slice %arg6[%mul3A_2, %dma_start3A] : memref<10112x128xf32, #tpu.memory_space<vmem_shared>> -> memref<632x128xf32, #tpu.memory_space<vmem_shared>>
      %dma_start3A_21 = arith.constant 0 : i32
      %dma_start3A_22 = tpu.memref_slice %arg3[%mul3A_0, %dma_start3A_21] : memref<10112x128xf32, #tpu.memory_space<hbm>> -> memref<632x128xf32, #tpu.memory_space<hbm>>
      tpu.enqueue_dma source(%dma_start3A_22 : memref<632x128xf32, #tpu.memory_space<hbm>>) target(%dma_start3A_20 : memref<632x128xf32, #tpu.memory_space<vmem_shared>>) target_semaphore(%run_scoped3A : memref<!tpu.dma_semaphore, #tpu.memory_space<semaphore_mem>>)
      %dma_wait3A = arith.constant 0 : i32
      %dma_wait3A_23 = tpu.memref_slice %arg6[%mul3A_2, %dma_wait3A] : memref<10112x128xf32, #tpu.memory_space<vmem_shared>> -> memref<632x128xf32, #tpu.memory_space<vmem_shared>>
      %dma_wait3A_24 = arith.constant 0 : i32
      %dma_wait3A_25 = tpu.memref_slice %arg3[%mul3A_0, %dma_wait3A_24] : memref<10112x128xf32, #tpu.memory_space<hbm>> -> memref<632x128xf32, #tpu.memory_space<hbm>>
      tpu.wait_dma2 semaphore(%run_scoped3A : memref<!tpu.dma_semaphore, #tpu.memory_space<semaphore_mem>>) src(%dma_wait3A_25 : memref<632x128xf32, #tpu.memory_space<hbm>>) dst(%dma_wait3A_23 : memref<632x128xf32, #tpu.memory_space<vmem_shared>>)
      tpu.yield
    }) : () -> ()
    "tpu.region"() ({
      %run_scoped3A = tpu.sem_alloc : memref<!tpu.dma_semaphore, #tpu.memory_space<semaphore_mem>>
      tpu.enqueue_dma source(%arg4 : memref<128x128xf32, #tpu.memory_space<hbm>>) target(%arg8 : memref<128x128xf32, #tpu.memory_space<vmem>>) target_semaphore(%run_scoped3A : memref<!tpu.dma_semaphore, #tpu.memory_space<semaphore_mem>>)
      tpu.wait_dma2 semaphore(%run_scoped3A : memref<!tpu.dma_semaphore, #tpu.memory_space<semaphore_mem>>) src(%arg4 : memref<128x128xf32, #tpu.memory_space<hbm>>) dst(%arg8 : memref<128x128xf32, #tpu.memory_space<vmem>>)
      tpu.yield
    }) : () -> ()
    %barrier3A = arith.constant 0 : index
    tpu.barrier barrier_id(%barrier3A)
    %mul3A_3 = arith.constant 16 : i32
    %mul3A_4 = arith.muli %arg0, %mul3A_3 : i32
    %add3A = arith.addi %mul3A_4, %arg1 : i32
    %while3A = arith.constant 0 : i32
    %while3A_5 = arith.constant 0 : i32
    %while3A_6 = arith.constant 40 : i32
    %while3A_7 = arith.subi %while3A_6, %while3A_5 : i32
    %while3A_8 = arith.addi %while3A_5, %while3A_7 : i32
    %while3A_9 = arith.constant 1 : i32
    %while3A_10 = arith.divsi %while3A_7, %while3A_9 : i32
    %while3A_11 = arith.muli %while3A_10, %while3A_9 : i32
    %while3A_12 = arith.addi %while3A_5, %while3A_11 : i32
    %while3A_13 = arith.constant 1 : i32
    scf.for %while3A_20 = %while3A_5 to %while3A_12 step %while3A_13  : i32 {
      %mul3A_21 = arith.constant 5120 : i32
      %mul3A_22 = arith.muli %add3A, %mul3A_21 : i32
      %mul3A_23 = arith.constant 128 : i32
      %mul3A_24 = arith.muli %while3A_20, %mul3A_23 : i32
      %add3A_25 = arith.addi %mul3A_22, %mul3A_24 : i32
      "tpu.region"() ({
        %run_scoped3A = tpu.sem_alloc : memref<!tpu.dma_semaphore, #tpu.memory_space<semaphore_mem>>
        %dma_start3A = tpu.memref_slice %arg2[%add3A_25] : memref<163840xi32, #tpu.memory_space<hbm>> -> memref<128xi32, #tpu.memory_space<hbm>>
        %dma_start3A_26 = tpu.memref_slice %arg2[%add3A_25] : memref<163840xi32, #tpu.memory_space<hbm>> -> memref<128xi32, #tpu.memory_space<hbm>>
        tpu.enqueue_dma source(%dma_start3A_26 : memref<128xi32, #tpu.memory_space<hbm>>) target(%arg7 : memref<128xi32, #tpu.memory_space<vmem>>) target_semaphore(%run_scoped3A : memref<!tpu.dma_semaphore, #tpu.memory_space<semaphore_mem>>)
        %dma_wait3A = tpu.memref_slice %arg2[%add3A_25] : memref<163840xi32, #tpu.memory_space<hbm>> -> memref<128xi32, #tpu.memory_space<hbm>>
        %dma_wait3A_27 = tpu.memref_slice %arg2[%add3A_25] : memref<163840xi32, #tpu.memory_space<hbm>> -> memref<128xi32, #tpu.memory_space<hbm>>
        tpu.wait_dma2 semaphore(%run_scoped3A : memref<!tpu.dma_semaphore, #tpu.memory_space<semaphore_mem>>) src(%dma_wait3A_27 : memref<128xi32, #tpu.memory_space<hbm>>) dst(%arg7 : memref<128xi32, #tpu.memory_space<vmem>>)
        tpu.yield
      }) : () -> ()
      "tpu.region"() ({
        %run_scoped3A = tpu.sem_alloc : memref<!tpu.dma_semaphore, #tpu.memory_space<semaphore_mem>>
        %dma_start3A = arith.constant 0 : i32
        %dma_start3A_26 = arith.constant 0 : i32
        %dma_start3A_27 = tpu.memref_slice %arg6[%dma_start3A, %dma_start3A_26] : memref<10112x128xf32, #tpu.memory_space<vmem_shared>> -> memref<10112x128xf32, #tpu.memory_space<vmem_shared>>
        tpu.enqueue_indirect_dma source(%arg8 : memref<128x128xf32, #tpu.memory_space<vmem>>) target(%dma_start3A_27 : memref<10112x128xf32, #tpu.memory_space<vmem_shared>>) offsets(%arg7 : memref<128xi32, #tpu.memory_space<vmem>>) semaphore(%run_scoped3A : memref<!tpu.dma_semaphore, #tpu.memory_space<semaphore_mem>>) {add = true}
        %dma_wait3A = arith.constant 0 : i32
        %dma_wait3A_28 = arith.constant 0 : i32
        %dma_wait3A_29 = tpu.memref_slice %arg6[%dma_wait3A, %dma_wait3A_28] : memref<10112x128xf32, #tpu.memory_space<vmem_shared>> -> memref<10112x128xf32, #tpu.memory_space<vmem_shared>>
        tpu.wait_indirect_dma semaphore(%run_scoped3A : memref<!tpu.dma_semaphore, #tpu.memory_space<semaphore_mem>>) src(%arg8 : memref<128x128xf32, #tpu.memory_space<vmem>>) dst(%dma_wait3A_29 : memref<10112x128xf32, #tpu.memory_space<vmem_shared>>)
        tpu.yield
      }) : () -> ()
    }
    %while3A_14 = arith.constant 1 : i32
    scf.for %while3A_20 = %while3A_12 to %while3A_8 step %while3A_14  : i32 {
      %mul3A_21 = arith.constant 5120 : i32
      %mul3A_22 = arith.muli %add3A, %mul3A_21 : i32
      %mul3A_23 = arith.constant 128 : i32
      %mul3A_24 = arith.muli %while3A_20, %mul3A_23 : i32
      %add3A_25 = arith.addi %mul3A_22, %mul3A_24 : i32
      "tpu.region"() ({
        %run_scoped3A = tpu.sem_alloc : memref<!tpu.dma_semaphore, #tpu.memory_space<semaphore_mem>>
        %dma_start3A = tpu.memref_slice %arg2[%add3A_25] : memref<163840xi32, #tpu.memory_space<hbm>> -> memref<128xi32, #tpu.memory_space<hbm>>
        %dma_start3A_26 = tpu.memref_slice %arg2[%add3A_25] : memref<163840xi32, #tpu.memory_space<hbm>> -> memref<128xi32, #tpu.memory_space<hbm>>
        tpu.enqueue_dma source(%dma_start3A_26 : memref<128xi32, #tpu.memory_space<hbm>>) target(%arg7 : memref<128xi32, #tpu.memory_space<vmem>>) target_semaphore(%run_scoped3A : memref<!tpu.dma_semaphore, #tpu.memory_space<semaphore_mem>>)
        %dma_wait3A = tpu.memref_slice %arg2[%add3A_25] : memref<163840xi32, #tpu.memory_space<hbm>> -> memref<128xi32, #tpu.memory_space<hbm>>
        %dma_wait3A_27 = tpu.memref_slice %arg2[%add3A_25] : memref<163840xi32, #tpu.memory_space<hbm>> -> memref<128xi32, #tpu.memory_space<hbm>>
        tpu.wait_dma2 semaphore(%run_scoped3A : memref<!tpu.dma_semaphore, #tpu.memory_space<semaphore_mem>>) src(%dma_wait3A_27 : memref<128xi32, #tpu.memory_space<hbm>>) dst(%arg7 : memref<128xi32, #tpu.memory_space<vmem>>)
        tpu.yield
      }) : () -> ()
      "tpu.region"() ({
        %run_scoped3A = tpu.sem_alloc : memref<!tpu.dma_semaphore, #tpu.memory_space<semaphore_mem>>
        %dma_start3A = arith.constant 0 : i32
        %dma_start3A_26 = arith.constant 0 : i32
        %dma_start3A_27 = tpu.memref_slice %arg6[%dma_start3A, %dma_start3A_26] : memref<10112x128xf32, #tpu.memory_space<vmem_shared>> -> memref<10112x128xf32, #tpu.memory_space<vmem_shared>>
        tpu.enqueue_indirect_dma source(%arg8 : memref<128x128xf32, #tpu.memory_space<vmem>>) target(%dma_start3A_27 : memref<10112x128xf32, #tpu.memory_space<vmem_shared>>) offsets(%arg7 : memref<128xi32, #tpu.memory_space<vmem>>) semaphore(%run_scoped3A : memref<!tpu.dma_semaphore, #tpu.memory_space<semaphore_mem>>) {add = true}
        %dma_wait3A = arith.constant 0 : i32
        %dma_wait3A_28 = arith.constant 0 : i32
        %dma_wait3A_29 = tpu.memref_slice %arg6[%dma_wait3A, %dma_wait3A_28] : memref<10112x128xf32, #tpu.memory_space<vmem_shared>> -> memref<10112x128xf32, #tpu.memory_space<vmem_shared>>
        tpu.wait_indirect_dma semaphore(%run_scoped3A : memref<!tpu.dma_semaphore, #tpu.memory_space<semaphore_mem>>) src(%arg8 : memref<128x128xf32, #tpu.memory_space<vmem>>) dst(%dma_wait3A_29 : memref<10112x128xf32, #tpu.memory_space<vmem_shared>>)
        tpu.yield
      }) : () -> ()
    }
    %barrier3A_15 = arith.constant 0 : index
    tpu.barrier barrier_id(%barrier3A_15)
    %mul3A_16 = arith.constant 632 : i32
    %mul3A_17 = arith.muli %arg1, %mul3A_16 : i32
    %mul3A_18 = arith.constant 632 : i32
    %mul3A_19 = arith.muli %arg1, %mul3A_18 : i32
    "tpu.region"() ({
      %run_scoped3A = tpu.sem_alloc : memref<!tpu.dma_semaphore, #tpu.memory_space<semaphore_mem>>
      %dma_start3A = arith.constant 0 : i32
      %dma_start3A_20 = tpu.memref_slice %arg5[%arg0, %mul3A_19, %dma_start3A] : memref<2x10112x128xf32, #tpu.memory_space<hbm>> -> memref<1x632x128xf32, #tpu.memory_space<hbm>>
      %dma_start3A_21 = tpu.memref_squeeze %dma_start3A_20 : memref<1x632x128xf32, #tpu.memory_space<hbm>> -> memref<632x128xf32, #tpu.memory_space<hbm>>
      %dma_start3A_22 = arith.constant 0 : i32
      %dma_start3A_23 = tpu.memref_slice %arg6[%mul3A_17, %dma_start3A_22] : memref<10112x128xf32, #tpu.memory_space<vmem_shared>> -> memref<632x128xf32, #tpu.memory_space<vmem_shared>>
      tpu.enqueue_dma source(%dma_start3A_23 : memref<632x128xf32, #tpu.memory_space<vmem_shared>>) target(%dma_start3A_21 : memref<632x128xf32, #tpu.memory_space<hbm>>) target_semaphore(%run_scoped3A : memref<!tpu.dma_semaphore, #tpu.memory_space<semaphore_mem>>)
      %dma_wait3A = arith.constant 0 : i32
      %dma_wait3A_24 = tpu.memref_slice %arg5[%arg0, %mul3A_19, %dma_wait3A] : memref<2x10112x128xf32, #tpu.memory_space<hbm>> -> memref<1x632x128xf32, #tpu.memory_space<hbm>>
      %dma_wait3A_25 = tpu.memref_squeeze %dma_wait3A_24 : memref<1x632x128xf32, #tpu.memory_space<hbm>> -> memref<632x128xf32, #tpu.memory_space<hbm>>
      %dma_wait3A_26 = arith.constant 0 : i32
      %dma_wait3A_27 = tpu.memref_slice %arg6[%mul3A_17, %dma_wait3A_26] : memref<10112x128xf32, #tpu.memory_space<vmem_shared>> -> memref<632x128xf32, #tpu.memory_space<vmem_shared>>
      tpu.wait_dma2 semaphore(%run_scoped3A : memref<!tpu.dma_semaphore, #tpu.memory_space<semaphore_mem>>) src(%dma_wait3A_27 : memref<632x128xf32, #tpu.memory_space<vmem_shared>>) dst(%dma_wait3A_25 : memref<632x128xf32, #tpu.memory_space<hbm>>)
      tpu.yield
    }) : () -> ()
    return
  }
}

#map = affine_map<(d0, d1) -> (0, 0)>
#map1 = affine_map<(d0, d1) -> (0, 0, 0)>
#map2 = affine_map<(d0, d1) -> (0, 0, 0, 0)>
module attributes {stable_mosaic.version = 14 : i64} {
  func.func @_sc_agg_body(%arg0: i32, %arg1: i32, %arg2: memref<180000x128xf32, #tpu.memory_space<hbm>>, %arg3: memref<16x80x128xi32, #tpu.memory_space<hbm>>, %arg4: memref<16x80x128xi32, #tpu.memory_space<hbm>>, %arg5: memref<2x16x80x128xi32, #tpu.memory_space<hbm>>, %arg6: memref<2x16x80x128xi32, #tpu.memory_space<hbm>>, %arg7: memref<10240x128xf32, #tpu.memory_space<hbm>>, %arg8: memref<20480x128xf32, #tpu.memory_space<hbm>>, %arg9: memref<10240x128xf32, #tpu.memory_space<vmem_shared>>, %arg10: memref<128xi32, #tpu.memory_space<vmem>>, %arg11: memref<128xi32, #tpu.memory_space<vmem>>, %arg12: memref<128xi32, #tpu.memory_space<vmem>>, %arg13: memref<128xi32, #tpu.memory_space<vmem>>, %arg14: memref<128x128xf32, #tpu.memory_space<vmem>>, %arg15: memref<128x128xf32, #tpu.memory_space<vmem>>, %arg16: memref<!tpu.dma_semaphore, #tpu.memory_space<semaphore_mem>>, %arg17: memref<!tpu.dma_semaphore, #tpu.memory_space<semaphore_mem>>, %arg18: memref<!tpu.dma_semaphore, #tpu.memory_space<semaphore_mem>>, %arg19: memref<!tpu.dma_semaphore, #tpu.memory_space<semaphore_mem>>, %arg20: memref<!tpu.dma_semaphore, #tpu.memory_space<semaphore_mem>>, %arg21: memref<!tpu.dma_semaphore, #tpu.memory_space<semaphore_mem>>, %arg22: memref<!tpu.dma_semaphore, #tpu.memory_space<semaphore_mem>>, %arg23: memref<!tpu.dma_semaphore, #tpu.memory_space<semaphore_mem>>) attributes {dimension_semantics = [#tpu.dimension_semantics<core_parallel>, #tpu.dimension_semantics<subcore_parallel>], iteration_bounds = array<i64: 2, 16>, scalar_prefetch = 0 : i64, scratch_operands = 15 : i64, tpu.core_type = #tpu.core_type<sc_vector_subcore>, window_params = [{transform_indices = #map}, {transform_indices = #map1}, {transform_indices = #map1}, {transform_indices = #map2}, {transform_indices = #map2}, {transform_indices = #map}, {transform_indices = #map}]} {
    %mul3A = arith.constant 640 : i32
    %mul3A_0 = arith.muli %arg1, %mul3A : i32
    %mul3A_1 = arith.constant 640 : i32
    %mul3A_2 = arith.muli %arg1, %mul3A_1 : i32
    "tpu.region"() ({
      %run_scoped3A_72 = tpu.sem_alloc : memref<!tpu.dma_semaphore, #tpu.memory_space<semaphore_mem>>
      %dma_start3A_73 = arith.constant 0 : i32
      %dma_start3A_74 = tpu.memref_slice %arg9[%mul3A_2, %dma_start3A_73] : memref<10240x128xf32, #tpu.memory_space<vmem_shared>> -> memref<640x128xf32, #tpu.memory_space<vmem_shared>>
      %dma_start3A_75 = arith.constant 0 : i32
      %dma_start3A_76 = tpu.memref_slice %arg7[%mul3A_0, %dma_start3A_75] : memref<10240x128xf32, #tpu.memory_space<hbm>> -> memref<640x128xf32, #tpu.memory_space<hbm>>
      tpu.enqueue_dma source(%dma_start3A_76 : memref<640x128xf32, #tpu.memory_space<hbm>>) target(%dma_start3A_74 : memref<640x128xf32, #tpu.memory_space<vmem_shared>>) target_semaphore(%run_scoped3A_72 : memref<!tpu.dma_semaphore, #tpu.memory_space<semaphore_mem>>)
      %dma_wait3A_77 = arith.constant 0 : i32
      %dma_wait3A_78 = tpu.memref_slice %arg9[%mul3A_2, %dma_wait3A_77] : memref<10240x128xf32, #tpu.memory_space<vmem_shared>> -> memref<640x128xf32, #tpu.memory_space<vmem_shared>>
      %dma_wait3A_79 = arith.constant 0 : i32
      %dma_wait3A_80 = tpu.memref_slice %arg7[%mul3A_0, %dma_wait3A_79] : memref<10240x128xf32, #tpu.memory_space<hbm>> -> memref<640x128xf32, #tpu.memory_space<hbm>>
      tpu.wait_dma2 semaphore(%run_scoped3A_72 : memref<!tpu.dma_semaphore, #tpu.memory_space<semaphore_mem>>) src(%dma_wait3A_80 : memref<640x128xf32, #tpu.memory_space<hbm>>) dst(%dma_wait3A_78 : memref<640x128xf32, #tpu.memory_space<vmem_shared>>)
      tpu.yield
    }) : () -> ()
    %barrier3A = arith.constant 0 : index
    tpu.barrier barrier_id(%barrier3A)
    %run_scoped3A = arith.constant 0 : i32
    "tpu.region"() ({
      %run_scoped3A_72 = tpu.sem_alloc : memref<!tpu.dma_semaphore, #tpu.memory_space<semaphore_mem>>
      %dma_start3A_73 = arith.constant 0 : i32
      %dma_start3A_74 = tpu.memref_slice %arg3[%arg1, %run_scoped3A, %dma_start3A_73] : memref<16x80x128xi32, #tpu.memory_space<hbm>> -> memref<1x1x128xi32, #tpu.memory_space<hbm>>
      %dma_start3A_75 = tpu.memref_squeeze %dma_start3A_74 : memref<1x1x128xi32, #tpu.memory_space<hbm>> -> memref<128xi32, #tpu.memory_space<hbm>>
      %dma_start3A_76 = arith.constant 0 : i32
      %dma_start3A_77 = tpu.memref_slice %arg3[%arg1, %run_scoped3A, %dma_start3A_76] : memref<16x80x128xi32, #tpu.memory_space<hbm>> -> memref<1x1x128xi32, #tpu.memory_space<hbm>>
      %dma_start3A_78 = tpu.memref_squeeze %dma_start3A_77 : memref<1x1x128xi32, #tpu.memory_space<hbm>> -> memref<128xi32, #tpu.memory_space<hbm>>
      tpu.enqueue_dma source(%dma_start3A_78 : memref<128xi32, #tpu.memory_space<hbm>>) target(%arg10 : memref<128xi32, #tpu.memory_space<vmem>>) target_semaphore(%run_scoped3A_72 : memref<!tpu.dma_semaphore, #tpu.memory_space<semaphore_mem>>)
      %dma_wait3A_79 = arith.constant 0 : i32
      %dma_wait3A_80 = tpu.memref_slice %arg3[%arg1, %run_scoped3A, %dma_wait3A_79] : memref<16x80x128xi32, #tpu.memory_space<hbm>> -> memref<1x1x128xi32, #tpu.memory_space<hbm>>
      %dma_wait3A_81 = tpu.memref_squeeze %dma_wait3A_80 : memref<1x1x128xi32, #tpu.memory_space<hbm>> -> memref<128xi32, #tpu.memory_space<hbm>>
      %dma_wait3A_82 = arith.constant 0 : i32
      %dma_wait3A_83 = tpu.memref_slice %arg3[%arg1, %run_scoped3A, %dma_wait3A_82] : memref<16x80x128xi32, #tpu.memory_space<hbm>> -> memref<1x1x128xi32, #tpu.memory_space<hbm>>
      %dma_wait3A_84 = tpu.memref_squeeze %dma_wait3A_83 : memref<1x1x128xi32, #tpu.memory_space<hbm>> -> memref<128xi32, #tpu.memory_space<hbm>>
      tpu.wait_dma2 semaphore(%run_scoped3A_72 : memref<!tpu.dma_semaphore, #tpu.memory_space<semaphore_mem>>) src(%dma_wait3A_84 : memref<128xi32, #tpu.memory_space<hbm>>) dst(%arg10 : memref<128xi32, #tpu.memory_space<vmem>>)
      tpu.yield
    }) : () -> ()
    %dma_start3A = arith.constant 0 : i32
    %dma_start3A_3 = arith.constant 0 : i32
    %dma_start3A_4 = tpu.memref_slice %arg5[%arg0, %arg1, %dma_start3A, %dma_start3A_3] : memref<2x16x80x128xi32, #tpu.memory_space<hbm>> -> memref<1x1x1x128xi32, #tpu.memory_space<hbm>>
    %dma_start3A_5 = tpu.memref_squeeze %dma_start3A_4 : memref<1x1x1x128xi32, #tpu.memory_space<hbm>> -> memref<128xi32, #tpu.memory_space<hbm>>
    %dma_start3A_6 = arith.constant 0 : i32
    %dma_start3A_7 = tpu.memref_slice %arg5[%arg0, %arg1, %dma_start3A, %dma_start3A_6] : memref<2x16x80x128xi32, #tpu.memory_space<hbm>> -> memref<1x1x1x128xi32, #tpu.memory_space<hbm>>
    %dma_start3A_8 = tpu.memref_squeeze %dma_start3A_7 : memref<1x1x1x128xi32, #tpu.memory_space<hbm>> -> memref<128xi32, #tpu.memory_space<hbm>>
    tpu.enqueue_dma source(%dma_start3A_8 : memref<128xi32, #tpu.memory_space<hbm>>) target(%arg12 : memref<128xi32, #tpu.memory_space<vmem>>) target_semaphore(%arg22 : memref<!tpu.dma_semaphore, #tpu.memory_space<semaphore_mem>>)
    %dma_start3A_9 = arith.constant 0 : i32
    %dma_start3A_10 = arith.constant 0 : i32
    %dma_start3A_11 = tpu.memref_slice %arg2[%dma_start3A_9, %dma_start3A_10] : memref<180000x128xf32, #tpu.memory_space<hbm>> -> memref<180000x128xf32, #tpu.memory_space<hbm>>
    tpu.enqueue_indirect_dma source(%dma_start3A_11 : memref<180000x128xf32, #tpu.memory_space<hbm>>) target(%arg14 : memref<128x128xf32, #tpu.memory_space<vmem>>) offsets(%arg10 : memref<128xi32, #tpu.memory_space<vmem>>) semaphore(%arg16 : memref<!tpu.dma_semaphore, #tpu.memory_space<semaphore_mem>>)
    %dma_start3A_12 = arith.constant 1 : i32
    %dma_start3A_13 = arith.constant 0 : i32
    %dma_start3A_14 = tpu.memref_slice %arg3[%arg1, %dma_start3A_12, %dma_start3A_13] : memref<16x80x128xi32, #tpu.memory_space<hbm>> -> memref<1x1x128xi32, #tpu.memory_space<hbm>>
    %dma_start3A_15 = tpu.memref_squeeze %dma_start3A_14 : memref<1x1x128xi32, #tpu.memory_space<hbm>> -> memref<128xi32, #tpu.memory_space<hbm>>
    %dma_start3A_16 = arith.constant 0 : i32
    %dma_start3A_17 = tpu.memref_slice %arg3[%arg1, %dma_start3A_12, %dma_start3A_16] : memref<16x80x128xi32, #tpu.memory_space<hbm>> -> memref<1x1x128xi32, #tpu.memory_space<hbm>>
    %dma_start3A_18 = tpu.memref_squeeze %dma_start3A_17 : memref<1x1x128xi32, #tpu.memory_space<hbm>> -> memref<128xi32, #tpu.memory_space<hbm>>
    tpu.enqueue_dma source(%dma_start3A_18 : memref<128xi32, #tpu.memory_space<hbm>>) target(%arg11 : memref<128xi32, #tpu.memory_space<vmem>>) target_semaphore(%arg21 : memref<!tpu.dma_semaphore, #tpu.memory_space<semaphore_mem>>)
    %while3A = arith.constant 0 : i32
    %while3A_19 = arith.constant 0 : i32
    %while3A_20 = arith.constant 40 : i32
    %while3A_21 = arith.subi %while3A_20, %while3A_19 : i32
    %while3A_22 = arith.addi %while3A_19, %while3A_21 : i32
    %while3A_23 = arith.constant 1 : i32
    %while3A_24 = arith.divsi %while3A_21, %while3A_23 : i32
    %while3A_25 = arith.muli %while3A_24, %while3A_23 : i32
    %while3A_26 = arith.addi %while3A_19, %while3A_25 : i32
    %while3A_27 = arith.constant 1 : i32
    scf.for %while3A_72 = %while3A_19 to %while3A_26 step %while3A_27  : i32 {
      %mul3A_73 = arith.constant 2 : i32
      %mul3A_74 = arith.muli %while3A_72, %mul3A_73 : i32
      %add3A_75 = arith.constant 0 : i32
      %add3A_76 = arith.addi %mul3A_74, %add3A_75 : i32
      %dma_wait3A_77 = arith.constant 0 : i32
      %dma_wait3A_78 = arith.constant 0 : i32
      %dma_wait3A_79 = tpu.memref_slice %arg2[%dma_wait3A_77, %dma_wait3A_78] : memref<180000x128xf32, #tpu.memory_space<hbm>> -> memref<180000x128xf32, #tpu.memory_space<hbm>>
      tpu.wait_indirect_dma semaphore(%arg16 : memref<!tpu.dma_semaphore, #tpu.memory_space<semaphore_mem>>) src(%dma_wait3A_79 : memref<180000x128xf32, #tpu.memory_space<hbm>>) dst(%arg14 : memref<128x128xf32, #tpu.memory_space<vmem>>)
      %add3A_80 = arith.constant 2 : i32
      %add3A_81 = arith.addi %add3A_76, %add3A_80 : i32
      %lt3A = arith.constant 80 : i32
      %lt3A_82 = arith.cmpi slt, %add3A_81, %lt3A : i32
      %convert_element_type3A = arith.extui %lt3A_82 : i1 to i32
      %cond3A = arith.constant 0 : i32
      %cond3A_83 = arith.cmpi ne, %convert_element_type3A, %cond3A : i32
      scf.if %cond3A_83 {
        %add3A_153 = arith.constant 2 : i32
        %add3A_154 = arith.addi %add3A_76, %add3A_153 : i32
        %dma_start3A_155 = arith.constant 0 : i32
        %dma_start3A_156 = tpu.memref_slice %arg3[%arg1, %add3A_154, %dma_start3A_155] : memref<16x80x128xi32, #tpu.memory_space<hbm>> -> memref<1x1x128xi32, #tpu.memory_space<hbm>>
        %dma_start3A_157 = tpu.memref_squeeze %dma_start3A_156 : memref<1x1x128xi32, #tpu.memory_space<hbm>> -> memref<128xi32, #tpu.memory_space<hbm>>
        %dma_start3A_158 = arith.constant 0 : i32
        %dma_start3A_159 = tpu.memref_slice %arg3[%arg1, %add3A_154, %dma_start3A_158] : memref<16x80x128xi32, #tpu.memory_space<hbm>> -> memref<1x1x128xi32, #tpu.memory_space<hbm>>
        %dma_start3A_160 = tpu.memref_squeeze %dma_start3A_159 : memref<1x1x128xi32, #tpu.memory_space<hbm>> -> memref<128xi32, #tpu.memory_space<hbm>>
        tpu.enqueue_dma source(%dma_start3A_160 : memref<128xi32, #tpu.memory_space<hbm>>) target(%arg10 : memref<128xi32, #tpu.memory_space<vmem>>) target_semaphore(%arg20 : memref<!tpu.dma_semaphore, #tpu.memory_space<semaphore_mem>>)
      } else {
      }
      %ge3A = arith.constant 1 : i32
      %ge3A_84 = arith.cmpi sge, %add3A_76, %ge3A : i32
      %convert_element_type3A_85 = arith.extui %ge3A_84 : i1 to i32
      %cond3A_86 = arith.constant 0 : i32
      %cond3A_87 = arith.cmpi ne, %convert_element_type3A_85, %cond3A_86 : i32
      scf.if %cond3A_87 {
        %dma_wait3A_153 = arith.constant 0 : i32
        %dma_wait3A_154 = arith.constant 0 : i32
        %dma_wait3A_155 = tpu.memref_slice %arg9[%dma_wait3A_153, %dma_wait3A_154] : memref<10240x128xf32, #tpu.memory_space<vmem_shared>> -> memref<10240x128xf32, #tpu.memory_space<vmem_shared>>
        tpu.wait_indirect_dma semaphore(%arg19 : memref<!tpu.dma_semaphore, #tpu.memory_space<semaphore_mem>>) src(%arg15 : memref<128x128xf32, #tpu.memory_space<vmem>>) dst(%dma_wait3A_155 : memref<10240x128xf32, #tpu.memory_space<vmem_shared>>)
      } else {
      }
      %add3A_88 = arith.constant 1 : i32
      %add3A_89 = arith.addi %add3A_76, %add3A_88 : i32
      %lt3A_90 = arith.constant 80 : i32
      %lt3A_91 = arith.cmpi slt, %add3A_89, %lt3A_90 : i32
      %convert_element_type3A_92 = arith.extui %lt3A_91 : i1 to i32
      %cond3A_93 = arith.constant 0 : i32
      %cond3A_94 = arith.cmpi ne, %convert_element_type3A_92, %cond3A_93 : i32
      scf.if %cond3A_94 {
        %add3A_153 = arith.constant 1 : i32
        %add3A_154 = arith.addi %add3A_76, %add3A_153 : i32
        %dma_start3A_155 = arith.constant 0 : i32
        %dma_start3A_156 = tpu.memref_slice %arg5[%arg0, %arg1, %add3A_154, %dma_start3A_155] : memref<2x16x80x128xi32, #tpu.memory_space<hbm>> -> memref<1x1x1x128xi32, #tpu.memory_space<hbm>>
        %dma_start3A_157 = tpu.memref_squeeze %dma_start3A_156 : memref<1x1x1x128xi32, #tpu.memory_space<hbm>> -> memref<128xi32, #tpu.memory_space<hbm>>
        %dma_start3A_158 = arith.constant 0 : i32
        %dma_start3A_159 = tpu.memref_slice %arg5[%arg0, %arg1, %add3A_154, %dma_start3A_158] : memref<2x16x80x128xi32, #tpu.memory_space<hbm>> -> memref<1x1x1x128xi32, #tpu.memory_space<hbm>>
        %dma_start3A_160 = tpu.memref_squeeze %dma_start3A_159 : memref<1x1x1x128xi32, #tpu.memory_space<hbm>> -> memref<128xi32, #tpu.memory_space<hbm>>
        tpu.enqueue_dma source(%dma_start3A_160 : memref<128xi32, #tpu.memory_space<hbm>>) target(%arg13 : memref<128xi32, #tpu.memory_space<vmem>>) target_semaphore(%arg23 : memref<!tpu.dma_semaphore, #tpu.memory_space<semaphore_mem>>)
      } else {
      }
      %add3A_95 = arith.constant 1 : i32
      %add3A_96 = arith.addi %add3A_76, %add3A_95 : i32
      %lt3A_97 = arith.constant 80 : i32
      %lt3A_98 = arith.cmpi slt, %add3A_96, %lt3A_97 : i32
      %convert_element_type3A_99 = arith.extui %lt3A_98 : i1 to i32
      %cond3A_100 = arith.constant 0 : i32
      %cond3A_101 = arith.cmpi ne, %convert_element_type3A_99, %cond3A_100 : i32
      scf.if %cond3A_101 {
        %add3A_153 = arith.constant 1 : i32
        %add3A_154 = arith.addi %add3A_76, %add3A_153 : i32
        %dma_wait3A_155 = arith.constant 0 : i32
        %dma_wait3A_156 = tpu.memref_slice %arg3[%arg1, %add3A_154, %dma_wait3A_155] : memref<16x80x128xi32, #tpu.memory_space<hbm>> -> memref<1x1x128xi32, #tpu.memory_space<hbm>>
        %dma_wait3A_157 = tpu.memref_squeeze %dma_wait3A_156 : memref<1x1x128xi32, #tpu.memory_space<hbm>> -> memref<128xi32, #tpu.memory_space<hbm>>
        %dma_wait3A_158 = arith.constant 0 : i32
        %dma_wait3A_159 = tpu.memref_slice %arg3[%arg1, %add3A_154, %dma_wait3A_158] : memref<16x80x128xi32, #tpu.memory_space<hbm>> -> memref<1x1x128xi32, #tpu.memory_space<hbm>>
        %dma_wait3A_160 = tpu.memref_squeeze %dma_wait3A_159 : memref<1x1x128xi32, #tpu.memory_space<hbm>> -> memref<128xi32, #tpu.memory_space<hbm>>
        tpu.wait_dma2 semaphore(%arg21 : memref<!tpu.dma_semaphore, #tpu.memory_space<semaphore_mem>>) src(%dma_wait3A_160 : memref<128xi32, #tpu.memory_space<hbm>>) dst(%arg11 : memref<128xi32, #tpu.memory_space<vmem>>)
        %dma_start3A_161 = arith.constant 0 : i32
        %dma_start3A_162 = arith.constant 0 : i32
        %dma_start3A_163 = tpu.memref_slice %arg2[%dma_start3A_161, %dma_start3A_162] : memref<180000x128xf32, #tpu.memory_space<hbm>> -> memref<180000x128xf32, #tpu.memory_space<hbm>>
        tpu.enqueue_indirect_dma source(%dma_start3A_163 : memref<180000x128xf32, #tpu.memory_space<hbm>>) target(%arg15 : memref<128x128xf32, #tpu.memory_space<vmem>>) offsets(%arg11 : memref<128xi32, #tpu.memory_space<vmem>>) semaphore(%arg17 : memref<!tpu.dma_semaphore, #tpu.memory_space<semaphore_mem>>)
      } else {
      }
      %dma_wait3A_102 = arith.constant 0 : i32
      %dma_wait3A_103 = tpu.memref_slice %arg5[%arg0, %arg1, %add3A_76, %dma_wait3A_102] : memref<2x16x80x128xi32, #tpu.memory_space<hbm>> -> memref<1x1x1x128xi32, #tpu.memory_space<hbm>>
      %dma_wait3A_104 = tpu.memref_squeeze %dma_wait3A_103 : memref<1x1x1x128xi32, #tpu.memory_space<hbm>> -> memref<128xi32, #tpu.memory_space<hbm>>
      %dma_wait3A_105 = arith.constant 0 : i32
      %dma_wait3A_106 = tpu.memref_slice %arg5[%arg0, %arg1, %add3A_76, %dma_wait3A_105] : memref<2x16x80x128xi32, #tpu.memory_space<hbm>> -> memref<1x1x1x128xi32, #tpu.memory_space<hbm>>
      %dma_wait3A_107 = tpu.memref_squeeze %dma_wait3A_106 : memref<1x1x1x128xi32, #tpu.memory_space<hbm>> -> memref<128xi32, #tpu.memory_space<hbm>>
      tpu.wait_dma2 semaphore(%arg22 : memref<!tpu.dma_semaphore, #tpu.memory_space<semaphore_mem>>) src(%dma_wait3A_107 : memref<128xi32, #tpu.memory_space<hbm>>) dst(%arg12 : memref<128xi32, #tpu.memory_space<vmem>>)
      %dma_start3A_108 = arith.constant 0 : i32
      %dma_start3A_109 = arith.constant 0 : i32
      %dma_start3A_110 = tpu.memref_slice %arg9[%dma_start3A_108, %dma_start3A_109] : memref<10240x128xf32, #tpu.memory_space<vmem_shared>> -> memref<10240x128xf32, #tpu.memory_space<vmem_shared>>
      tpu.enqueue_indirect_dma source(%arg14 : memref<128x128xf32, #tpu.memory_space<vmem>>) target(%dma_start3A_110 : memref<10240x128xf32, #tpu.memory_space<vmem_shared>>) offsets(%arg12 : memref<128xi32, #tpu.memory_space<vmem>>) semaphore(%arg18 : memref<!tpu.dma_semaphore, #tpu.memory_space<semaphore_mem>>) {add = true}
      %mul3A_111 = arith.constant 2 : i32
      %mul3A_112 = arith.muli %while3A_72, %mul3A_111 : i32
      %add3A_113 = arith.constant 1 : i32
      %add3A_114 = arith.addi %mul3A_112, %add3A_113 : i32
      %dma_wait3A_115 = arith.constant 0 : i32
      %dma_wait3A_116 = arith.constant 0 : i32
      %dma_wait3A_117 = tpu.memref_slice %arg2[%dma_wait3A_115, %dma_wait3A_116] : memref<180000x128xf32, #tpu.memory_space<hbm>> -> memref<180000x128xf32, #tpu.memory_space<hbm>>
      tpu.wait_indirect_dma semaphore(%arg17 : memref<!tpu.dma_semaphore, #tpu.memory_space<semaphore_mem>>) src(%dma_wait3A_117 : memref<180000x128xf32, #tpu.memory_space<hbm>>) dst(%arg15 : memref<128x128xf32, #tpu.memory_space<vmem>>)
      %add3A_118 = arith.constant 2 : i32
      %add3A_119 = arith.addi %add3A_114, %add3A_118 : i32
      %lt3A_120 = arith.constant 80 : i32
      %lt3A_121 = arith.cmpi slt, %add3A_119, %lt3A_120 : i32
      %convert_element_type3A_122 = arith.extui %lt3A_121 : i1 to i32
      %cond3A_123 = arith.constant 0 : i32
      %cond3A_124 = arith.cmpi ne, %convert_element_type3A_122, %cond3A_123 : i32
      scf.if %cond3A_124 {
        %add3A_153 = arith.constant 2 : i32
        %add3A_154 = arith.addi %add3A_114, %add3A_153 : i32
        %dma_start3A_155 = arith.constant 0 : i32
        %dma_start3A_156 = tpu.memref_slice %arg3[%arg1, %add3A_154, %dma_start3A_155] : memref<16x80x128xi32, #tpu.memory_space<hbm>> -> memref<1x1x128xi32, #tpu.memory_space<hbm>>
        %dma_start3A_157 = tpu.memref_squeeze %dma_start3A_156 : memref<1x1x128xi32, #tpu.memory_space<hbm>> -> memref<128xi32, #tpu.memory_space<hbm>>
        %dma_start3A_158 = arith.constant 0 : i32
        %dma_start3A_159 = tpu.memref_slice %arg3[%arg1, %add3A_154, %dma_start3A_158] : memref<16x80x128xi32, #tpu.memory_space<hbm>> -> memref<1x1x128xi32, #tpu.memory_space<hbm>>
        %dma_start3A_160 = tpu.memref_squeeze %dma_start3A_159 : memref<1x1x128xi32, #tpu.memory_space<hbm>> -> memref<128xi32, #tpu.memory_space<hbm>>
        tpu.enqueue_dma source(%dma_start3A_160 : memref<128xi32, #tpu.memory_space<hbm>>) target(%arg11 : memref<128xi32, #tpu.memory_space<vmem>>) target_semaphore(%arg21 : memref<!tpu.dma_semaphore, #tpu.memory_space<semaphore_mem>>)
      } else {
      }
      %ge3A_125 = arith.constant 1 : i32
      %ge3A_126 = arith.cmpi sge, %add3A_114, %ge3A_125 : i32
      %convert_element_type3A_127 = arith.extui %ge3A_126 : i1 to i32
      %cond3A_128 = arith.constant 0 : i32
      %cond3A_129 = arith.cmpi ne, %convert_element_type3A_127, %cond3A_128 : i32
      scf.if %cond3A_129 {
        %dma_wait3A_153 = arith.constant 0 : i32
        %dma_wait3A_154 = arith.constant 0 : i32
        %dma_wait3A_155 = tpu.memref_slice %arg9[%dma_wait3A_153, %dma_wait3A_154] : memref<10240x128xf32, #tpu.memory_space<vmem_shared>> -> memref<10240x128xf32, #tpu.memory_space<vmem_shared>>
        tpu.wait_indirect_dma semaphore(%arg18 : memref<!tpu.dma_semaphore, #tpu.memory_space<semaphore_mem>>) src(%arg14 : memref<128x128xf32, #tpu.memory_space<vmem>>) dst(%dma_wait3A_155 : memref<10240x128xf32, #tpu.memory_space<vmem_shared>>)
      } else {
      }
      %add3A_130 = arith.constant 1 : i32
      %add3A_131 = arith.addi %add3A_114, %add3A_130 : i32
      %lt3A_132 = arith.constant 80 : i32
      %lt3A_133 = arith.cmpi slt, %add3A_131, %lt3A_132 : i32
      %convert_element_type3A_134 = arith.extui %lt3A_133 : i1 to i32
      %cond3A_135 = arith.constant 0 : i32
      %cond3A_136 = arith.cmpi ne, %convert_element_type3A_134, %cond3A_135 : i32
      scf.if %cond3A_136 {
        %add3A_153 = arith.constant 1 : i32
        %add3A_154 = arith.addi %add3A_114, %add3A_153 : i32
        %dma_start3A_155 = arith.constant 0 : i32
        %dma_start3A_156 = tpu.memref_slice %arg5[%arg0, %arg1, %add3A_154, %dma_start3A_155] : memref<2x16x80x128xi32, #tpu.memory_space<hbm>> -> memref<1x1x1x128xi32, #tpu.memory_space<hbm>>
        %dma_start3A_157 = tpu.memref_squeeze %dma_start3A_156 : memref<1x1x1x128xi32, #tpu.memory_space<hbm>> -> memref<128xi32, #tpu.memory_space<hbm>>
        %dma_start3A_158 = arith.constant 0 : i32
        %dma_start3A_159 = tpu.memref_slice %arg5[%arg0, %arg1, %add3A_154, %dma_start3A_158] : memref<2x16x80x128xi32, #tpu.memory_space<hbm>> -> memref<1x1x1x128xi32, #tpu.memory_space<hbm>>
        %dma_start3A_160 = tpu.memref_squeeze %dma_start3A_159 : memref<1x1x1x128xi32, #tpu.memory_space<hbm>> -> memref<128xi32, #tpu.memory_space<hbm>>
        tpu.enqueue_dma source(%dma_start3A_160 : memref<128xi32, #tpu.memory_space<hbm>>) target(%arg12 : memref<128xi32, #tpu.memory_space<vmem>>) target_semaphore(%arg22 : memref<!tpu.dma_semaphore, #tpu.memory_space<semaphore_mem>>)
      } else {
      }
      %add3A_137 = arith.constant 1 : i32
      %add3A_138 = arith.addi %add3A_114, %add3A_137 : i32
      %lt3A_139 = arith.constant 80 : i32
      %lt3A_140 = arith.cmpi slt, %add3A_138, %lt3A_139 : i32
      %convert_element_type3A_141 = arith.extui %lt3A_140 : i1 to i32
      %cond3A_142 = arith.constant 0 : i32
      %cond3A_143 = arith.cmpi ne, %convert_element_type3A_141, %cond3A_142 : i32
      scf.if %cond3A_143 {
        %add3A_153 = arith.constant 1 : i32
        %add3A_154 = arith.addi %add3A_114, %add3A_153 : i32
        %dma_wait3A_155 = arith.constant 0 : i32
        %dma_wait3A_156 = tpu.memref_slice %arg3[%arg1, %add3A_154, %dma_wait3A_155] : memref<16x80x128xi32, #tpu.memory_space<hbm>> -> memref<1x1x128xi32, #tpu.memory_space<hbm>>
        %dma_wait3A_157 = tpu.memref_squeeze %dma_wait3A_156 : memref<1x1x128xi32, #tpu.memory_space<hbm>> -> memref<128xi32, #tpu.memory_space<hbm>>
        %dma_wait3A_158 = arith.constant 0 : i32
        %dma_wait3A_159 = tpu.memref_slice %arg3[%arg1, %add3A_154, %dma_wait3A_158] : memref<16x80x128xi32, #tpu.memory_space<hbm>> -> memref<1x1x128xi32, #tpu.memory_space<hbm>>
        %dma_wait3A_160 = tpu.memref_squeeze %dma_wait3A_159 : memref<1x1x128xi32, #tpu.memory_space<hbm>> -> memref<128xi32, #tpu.memory_space<hbm>>
        tpu.wait_dma2 semaphore(%arg20 : memref<!tpu.dma_semaphore, #tpu.memory_space<semaphore_mem>>) src(%dma_wait3A_160 : memref<128xi32, #tpu.memory_space<hbm>>) dst(%arg10 : memref<128xi32, #tpu.memory_space<vmem>>)
        %dma_start3A_161 = arith.constant 0 : i32
        %dma_start3A_162 = arith.constant 0 : i32
        %dma_start3A_163 = tpu.memref_slice %arg2[%dma_start3A_161, %dma_start3A_162] : memref<180000x128xf32, #tpu.memory_space<hbm>> -> memref<180000x128xf32, #tpu.memory_space<hbm>>
        tpu.enqueue_indirect_dma source(%dma_start3A_163 : memref<180000x128xf32, #tpu.memory_space<hbm>>) target(%arg14 : memref<128x128xf32, #tpu.memory_space<vmem>>) offsets(%arg10 : memref<128xi32, #tpu.memory_space<vmem>>) semaphore(%arg16 : memref<!tpu.dma_semaphore, #tpu.memory_space<semaphore_mem>>)
      } else {
      }
      %dma_wait3A_144 = arith.constant 0 : i32
      %dma_wait3A_145 = tpu.memref_slice %arg5[%arg0, %arg1, %add3A_114, %dma_wait3A_144] : memref<2x16x80x128xi32, #tpu.memory_space<hbm>> -> memref<1x1x1x128xi32, #tpu.memory_space<hbm>>
      %dma_wait3A_146 = tpu.memref_squeeze %dma_wait3A_145 : memref<1x1x1x128xi32, #tpu.memory_space<hbm>> -> memref<128xi32, #tpu.memory_space<hbm>>
      %dma_wait3A_147 = arith.constant 0 : i32
      %dma_wait3A_148 = tpu.memref_slice %arg5[%arg0, %arg1, %add3A_114, %dma_wait3A_147] : memref<2x16x80x128xi32, #tpu.memory_space<hbm>> -> memref<1x1x1x128xi32, #tpu.memory_space<hbm>>
      %dma_wait3A_149 = tpu.memref_squeeze %dma_wait3A_148 : memref<1x1x1x128xi32, #tpu.memory_space<hbm>> -> memref<128xi32, #tpu.memory_space<hbm>>
      tpu.wait_dma2 semaphore(%arg23 : memref<!tpu.dma_semaphore, #tpu.memory_space<semaphore_mem>>) src(%dma_wait3A_149 : memref<128xi32, #tpu.memory_space<hbm>>) dst(%arg13 : memref<128xi32, #tpu.memory_space<vmem>>)
      %dma_start3A_150 = arith.constant 0 : i32
      %dma_start3A_151 = arith.constant 0 : i32
      %dma_start3A_152 = tpu.memref_slice %arg9[%dma_start3A_150, %dma_start3A_151] : memref<10240x128xf32, #tpu.memory_space<vmem_shared>> -> memref<10240x128xf32, #tpu.memory_space<vmem_shared>>
      tpu.enqueue_indirect_dma source(%arg15 : memref<128x128xf32, #tpu.memory_space<vmem>>) target(%dma_start3A_152 : memref<10240x128xf32, #tpu.memory_space<vmem_shared>>) offsets(%arg13 : memref<128xi32, #tpu.memory_space<vmem>>) semaphore(%arg19 : memref<!tpu.dma_semaphore, #tpu.memory_space<semaphore_mem>>) {add = true}
    }
    %while3A_28 = arith.constant 1 : i32
    scf.for %while3A_72 = %while3A_26 to %while3A_22 step %while3A_28  : i32 {
      %mul3A_73 = arith.constant 2 : i32
      %mul3A_74 = arith.muli %while3A_72, %mul3A_73 : i32
      %add3A_75 = arith.constant 0 : i32
      %add3A_76 = arith.addi %mul3A_74, %add3A_75 : i32
      %dma_wait3A_77 = arith.constant 0 : i32
      %dma_wait3A_78 = arith.constant 0 : i32
      %dma_wait3A_79 = tpu.memref_slice %arg2[%dma_wait3A_77, %dma_wait3A_78] : memref<180000x128xf32, #tpu.memory_space<hbm>> -> memref<180000x128xf32, #tpu.memory_space<hbm>>
      tpu.wait_indirect_dma semaphore(%arg16 : memref<!tpu.dma_semaphore, #tpu.memory_space<semaphore_mem>>) src(%dma_wait3A_79 : memref<180000x128xf32, #tpu.memory_space<hbm>>) dst(%arg14 : memref<128x128xf32, #tpu.memory_space<vmem>>)
      %add3A_80 = arith.constant 2 : i32
      %add3A_81 = arith.addi %add3A_76, %add3A_80 : i32
      %lt3A = arith.constant 80 : i32
      %lt3A_82 = arith.cmpi slt, %add3A_81, %lt3A : i32
      %convert_element_type3A = arith.extui %lt3A_82 : i1 to i32
      %cond3A = arith.constant 0 : i32
      %cond3A_83 = arith.cmpi ne, %convert_element_type3A, %cond3A : i32
      scf.if %cond3A_83 {
        %add3A_153 = arith.constant 2 : i32
        %add3A_154 = arith.addi %add3A_76, %add3A_153 : i32
        %dma_start3A_155 = arith.constant 0 : i32
        %dma_start3A_156 = tpu.memref_slice %arg3[%arg1, %add3A_154, %dma_start3A_155] : memref<16x80x128xi32, #tpu.memory_space<hbm>> -> memref<1x1x128xi32, #tpu.memory_space<hbm>>
        %dma_start3A_157 = tpu.memref_squeeze %dma_start3A_156 : memref<1x1x128xi32, #tpu.memory_space<hbm>> -> memref<128xi32, #tpu.memory_space<hbm>>
        %dma_start3A_158 = arith.constant 0 : i32
        %dma_start3A_159 = tpu.memref_slice %arg3[%arg1, %add3A_154, %dma_start3A_158] : memref<16x80x128xi32, #tpu.memory_space<hbm>> -> memref<1x1x128xi32, #tpu.memory_space<hbm>>
        %dma_start3A_160 = tpu.memref_squeeze %dma_start3A_159 : memref<1x1x128xi32, #tpu.memory_space<hbm>> -> memref<128xi32, #tpu.memory_space<hbm>>
        tpu.enqueue_dma source(%dma_start3A_160 : memref<128xi32, #tpu.memory_space<hbm>>) target(%arg10 : memref<128xi32, #tpu.memory_space<vmem>>) target_semaphore(%arg20 : memref<!tpu.dma_semaphore, #tpu.memory_space<semaphore_mem>>)
      } else {
      }
      %ge3A = arith.constant 1 : i32
      %ge3A_84 = arith.cmpi sge, %add3A_76, %ge3A : i32
      %convert_element_type3A_85 = arith.extui %ge3A_84 : i1 to i32
      %cond3A_86 = arith.constant 0 : i32
      %cond3A_87 = arith.cmpi ne, %convert_element_type3A_85, %cond3A_86 : i32
      scf.if %cond3A_87 {
        %dma_wait3A_153 = arith.constant 0 : i32
        %dma_wait3A_154 = arith.constant 0 : i32
        %dma_wait3A_155 = tpu.memref_slice %arg9[%dma_wait3A_153, %dma_wait3A_154] : memref<10240x128xf32, #tpu.memory_space<vmem_shared>> -> memref<10240x128xf32, #tpu.memory_space<vmem_shared>>
        tpu.wait_indirect_dma semaphore(%arg19 : memref<!tpu.dma_semaphore, #tpu.memory_space<semaphore_mem>>) src(%arg15 : memref<128x128xf32, #tpu.memory_space<vmem>>) dst(%dma_wait3A_155 : memref<10240x128xf32, #tpu.memory_space<vmem_shared>>)
      } else {
      }
      %add3A_88 = arith.constant 1 : i32
      %add3A_89 = arith.addi %add3A_76, %add3A_88 : i32
      %lt3A_90 = arith.constant 80 : i32
      %lt3A_91 = arith.cmpi slt, %add3A_89, %lt3A_90 : i32
      %convert_element_type3A_92 = arith.extui %lt3A_91 : i1 to i32
      %cond3A_93 = arith.constant 0 : i32
      %cond3A_94 = arith.cmpi ne, %convert_element_type3A_92, %cond3A_93 : i32
      scf.if %cond3A_94 {
        %add3A_153 = arith.constant 1 : i32
        %add3A_154 = arith.addi %add3A_76, %add3A_153 : i32
        %dma_start3A_155 = arith.constant 0 : i32
        %dma_start3A_156 = tpu.memref_slice %arg5[%arg0, %arg1, %add3A_154, %dma_start3A_155] : memref<2x16x80x128xi32, #tpu.memory_space<hbm>> -> memref<1x1x1x128xi32, #tpu.memory_space<hbm>>
        %dma_start3A_157 = tpu.memref_squeeze %dma_start3A_156 : memref<1x1x1x128xi32, #tpu.memory_space<hbm>> -> memref<128xi32, #tpu.memory_space<hbm>>
        %dma_start3A_158 = arith.constant 0 : i32
        %dma_start3A_159 = tpu.memref_slice %arg5[%arg0, %arg1, %add3A_154, %dma_start3A_158] : memref<2x16x80x128xi32, #tpu.memory_space<hbm>> -> memref<1x1x1x128xi32, #tpu.memory_space<hbm>>
        %dma_start3A_160 = tpu.memref_squeeze %dma_start3A_159 : memref<1x1x1x128xi32, #tpu.memory_space<hbm>> -> memref<128xi32, #tpu.memory_space<hbm>>
        tpu.enqueue_dma source(%dma_start3A_160 : memref<128xi32, #tpu.memory_space<hbm>>) target(%arg13 : memref<128xi32, #tpu.memory_space<vmem>>) target_semaphore(%arg23 : memref<!tpu.dma_semaphore, #tpu.memory_space<semaphore_mem>>)
      } else {
      }
      %add3A_95 = arith.constant 1 : i32
      %add3A_96 = arith.addi %add3A_76, %add3A_95 : i32
      %lt3A_97 = arith.constant 80 : i32
      %lt3A_98 = arith.cmpi slt, %add3A_96, %lt3A_97 : i32
      %convert_element_type3A_99 = arith.extui %lt3A_98 : i1 to i32
      %cond3A_100 = arith.constant 0 : i32
      %cond3A_101 = arith.cmpi ne, %convert_element_type3A_99, %cond3A_100 : i32
      scf.if %cond3A_101 {
        %add3A_153 = arith.constant 1 : i32
        %add3A_154 = arith.addi %add3A_76, %add3A_153 : i32
        %dma_wait3A_155 = arith.constant 0 : i32
        %dma_wait3A_156 = tpu.memref_slice %arg3[%arg1, %add3A_154, %dma_wait3A_155] : memref<16x80x128xi32, #tpu.memory_space<hbm>> -> memref<1x1x128xi32, #tpu.memory_space<hbm>>
        %dma_wait3A_157 = tpu.memref_squeeze %dma_wait3A_156 : memref<1x1x128xi32, #tpu.memory_space<hbm>> -> memref<128xi32, #tpu.memory_space<hbm>>
        %dma_wait3A_158 = arith.constant 0 : i32
        %dma_wait3A_159 = tpu.memref_slice %arg3[%arg1, %add3A_154, %dma_wait3A_158] : memref<16x80x128xi32, #tpu.memory_space<hbm>> -> memref<1x1x128xi32, #tpu.memory_space<hbm>>
        %dma_wait3A_160 = tpu.memref_squeeze %dma_wait3A_159 : memref<1x1x128xi32, #tpu.memory_space<hbm>> -> memref<128xi32, #tpu.memory_space<hbm>>
        tpu.wait_dma2 semaphore(%arg21 : memref<!tpu.dma_semaphore, #tpu.memory_space<semaphore_mem>>) src(%dma_wait3A_160 : memref<128xi32, #tpu.memory_space<hbm>>) dst(%arg11 : memref<128xi32, #tpu.memory_space<vmem>>)
        %dma_start3A_161 = arith.constant 0 : i32
        %dma_start3A_162 = arith.constant 0 : i32
        %dma_start3A_163 = tpu.memref_slice %arg2[%dma_start3A_161, %dma_start3A_162] : memref<180000x128xf32, #tpu.memory_space<hbm>> -> memref<180000x128xf32, #tpu.memory_space<hbm>>
        tpu.enqueue_indirect_dma source(%dma_start3A_163 : memref<180000x128xf32, #tpu.memory_space<hbm>>) target(%arg15 : memref<128x128xf32, #tpu.memory_space<vmem>>) offsets(%arg11 : memref<128xi32, #tpu.memory_space<vmem>>) semaphore(%arg17 : memref<!tpu.dma_semaphore, #tpu.memory_space<semaphore_mem>>)
      } else {
      }
      %dma_wait3A_102 = arith.constant 0 : i32
      %dma_wait3A_103 = tpu.memref_slice %arg5[%arg0, %arg1, %add3A_76, %dma_wait3A_102] : memref<2x16x80x128xi32, #tpu.memory_space<hbm>> -> memref<1x1x1x128xi32, #tpu.memory_space<hbm>>
      %dma_wait3A_104 = tpu.memref_squeeze %dma_wait3A_103 : memref<1x1x1x128xi32, #tpu.memory_space<hbm>> -> memref<128xi32, #tpu.memory_space<hbm>>
      %dma_wait3A_105 = arith.constant 0 : i32
      %dma_wait3A_106 = tpu.memref_slice %arg5[%arg0, %arg1, %add3A_76, %dma_wait3A_105] : memref<2x16x80x128xi32, #tpu.memory_space<hbm>> -> memref<1x1x1x128xi32, #tpu.memory_space<hbm>>
      %dma_wait3A_107 = tpu.memref_squeeze %dma_wait3A_106 : memref<1x1x1x128xi32, #tpu.memory_space<hbm>> -> memref<128xi32, #tpu.memory_space<hbm>>
      tpu.wait_dma2 semaphore(%arg22 : memref<!tpu.dma_semaphore, #tpu.memory_space<semaphore_mem>>) src(%dma_wait3A_107 : memref<128xi32, #tpu.memory_space<hbm>>) dst(%arg12 : memref<128xi32, #tpu.memory_space<vmem>>)
      %dma_start3A_108 = arith.constant 0 : i32
      %dma_start3A_109 = arith.constant 0 : i32
      %dma_start3A_110 = tpu.memref_slice %arg9[%dma_start3A_108, %dma_start3A_109] : memref<10240x128xf32, #tpu.memory_space<vmem_shared>> -> memref<10240x128xf32, #tpu.memory_space<vmem_shared>>
      tpu.enqueue_indirect_dma source(%arg14 : memref<128x128xf32, #tpu.memory_space<vmem>>) target(%dma_start3A_110 : memref<10240x128xf32, #tpu.memory_space<vmem_shared>>) offsets(%arg12 : memref<128xi32, #tpu.memory_space<vmem>>) semaphore(%arg18 : memref<!tpu.dma_semaphore, #tpu.memory_space<semaphore_mem>>) {add = true}
      %mul3A_111 = arith.constant 2 : i32
      %mul3A_112 = arith.muli %while3A_72, %mul3A_111 : i32
      %add3A_113 = arith.constant 1 : i32
      %add3A_114 = arith.addi %mul3A_112, %add3A_113 : i32
      %dma_wait3A_115 = arith.constant 0 : i32
      %dma_wait3A_116 = arith.constant 0 : i32
      %dma_wait3A_117 = tpu.memref_slice %arg2[%dma_wait3A_115, %dma_wait3A_116] : memref<180000x128xf32, #tpu.memory_space<hbm>> -> memref<180000x128xf32, #tpu.memory_space<hbm>>
      tpu.wait_indirect_dma semaphore(%arg17 : memref<!tpu.dma_semaphore, #tpu.memory_space<semaphore_mem>>) src(%dma_wait3A_117 : memref<180000x128xf32, #tpu.memory_space<hbm>>) dst(%arg15 : memref<128x128xf32, #tpu.memory_space<vmem>>)
      %add3A_118 = arith.constant 2 : i32
      %add3A_119 = arith.addi %add3A_114, %add3A_118 : i32
      %lt3A_120 = arith.constant 80 : i32
      %lt3A_121 = arith.cmpi slt, %add3A_119, %lt3A_120 : i32
      %convert_element_type3A_122 = arith.extui %lt3A_121 : i1 to i32
      %cond3A_123 = arith.constant 0 : i32
      %cond3A_124 = arith.cmpi ne, %convert_element_type3A_122, %cond3A_123 : i32
      scf.if %cond3A_124 {
        %add3A_153 = arith.constant 2 : i32
        %add3A_154 = arith.addi %add3A_114, %add3A_153 : i32
        %dma_start3A_155 = arith.constant 0 : i32
        %dma_start3A_156 = tpu.memref_slice %arg3[%arg1, %add3A_154, %dma_start3A_155] : memref<16x80x128xi32, #tpu.memory_space<hbm>> -> memref<1x1x128xi32, #tpu.memory_space<hbm>>
        %dma_start3A_157 = tpu.memref_squeeze %dma_start3A_156 : memref<1x1x128xi32, #tpu.memory_space<hbm>> -> memref<128xi32, #tpu.memory_space<hbm>>
        %dma_start3A_158 = arith.constant 0 : i32
        %dma_start3A_159 = tpu.memref_slice %arg3[%arg1, %add3A_154, %dma_start3A_158] : memref<16x80x128xi32, #tpu.memory_space<hbm>> -> memref<1x1x128xi32, #tpu.memory_space<hbm>>
        %dma_start3A_160 = tpu.memref_squeeze %dma_start3A_159 : memref<1x1x128xi32, #tpu.memory_space<hbm>> -> memref<128xi32, #tpu.memory_space<hbm>>
        tpu.enqueue_dma source(%dma_start3A_160 : memref<128xi32, #tpu.memory_space<hbm>>) target(%arg11 : memref<128xi32, #tpu.memory_space<vmem>>) target_semaphore(%arg21 : memref<!tpu.dma_semaphore, #tpu.memory_space<semaphore_mem>>)
      } else {
      }
      %ge3A_125 = arith.constant 1 : i32
      %ge3A_126 = arith.cmpi sge, %add3A_114, %ge3A_125 : i32
      %convert_element_type3A_127 = arith.extui %ge3A_126 : i1 to i32
      %cond3A_128 = arith.constant 0 : i32
      %cond3A_129 = arith.cmpi ne, %convert_element_type3A_127, %cond3A_128 : i32
      scf.if %cond3A_129 {
        %dma_wait3A_153 = arith.constant 0 : i32
        %dma_wait3A_154 = arith.constant 0 : i32
        %dma_wait3A_155 = tpu.memref_slice %arg9[%dma_wait3A_153, %dma_wait3A_154] : memref<10240x128xf32, #tpu.memory_space<vmem_shared>> -> memref<10240x128xf32, #tpu.memory_space<vmem_shared>>
        tpu.wait_indirect_dma semaphore(%arg18 : memref<!tpu.dma_semaphore, #tpu.memory_space<semaphore_mem>>) src(%arg14 : memref<128x128xf32, #tpu.memory_space<vmem>>) dst(%dma_wait3A_155 : memref<10240x128xf32, #tpu.memory_space<vmem_shared>>)
      } else {
      }
      %add3A_130 = arith.constant 1 : i32
      %add3A_131 = arith.addi %add3A_114, %add3A_130 : i32
      %lt3A_132 = arith.constant 80 : i32
      %lt3A_133 = arith.cmpi slt, %add3A_131, %lt3A_132 : i32
      %convert_element_type3A_134 = arith.extui %lt3A_133 : i1 to i32
      %cond3A_135 = arith.constant 0 : i32
      %cond3A_136 = arith.cmpi ne, %convert_element_type3A_134, %cond3A_135 : i32
      scf.if %cond3A_136 {
        %add3A_153 = arith.constant 1 : i32
        %add3A_154 = arith.addi %add3A_114, %add3A_153 : i32
        %dma_start3A_155 = arith.constant 0 : i32
        %dma_start3A_156 = tpu.memref_slice %arg5[%arg0, %arg1, %add3A_154, %dma_start3A_155] : memref<2x16x80x128xi32, #tpu.memory_space<hbm>> -> memref<1x1x1x128xi32, #tpu.memory_space<hbm>>
        %dma_start3A_157 = tpu.memref_squeeze %dma_start3A_156 : memref<1x1x1x128xi32, #tpu.memory_space<hbm>> -> memref<128xi32, #tpu.memory_space<hbm>>
        %dma_start3A_158 = arith.constant 0 : i32
        %dma_start3A_159 = tpu.memref_slice %arg5[%arg0, %arg1, %add3A_154, %dma_start3A_158] : memref<2x16x80x128xi32, #tpu.memory_space<hbm>> -> memref<1x1x1x128xi32, #tpu.memory_space<hbm>>
        %dma_start3A_160 = tpu.memref_squeeze %dma_start3A_159 : memref<1x1x1x128xi32, #tpu.memory_space<hbm>> -> memref<128xi32, #tpu.memory_space<hbm>>
        tpu.enqueue_dma source(%dma_start3A_160 : memref<128xi32, #tpu.memory_space<hbm>>) target(%arg12 : memref<128xi32, #tpu.memory_space<vmem>>) target_semaphore(%arg22 : memref<!tpu.dma_semaphore, #tpu.memory_space<semaphore_mem>>)
      } else {
      }
      %add3A_137 = arith.constant 1 : i32
      %add3A_138 = arith.addi %add3A_114, %add3A_137 : i32
      %lt3A_139 = arith.constant 80 : i32
      %lt3A_140 = arith.cmpi slt, %add3A_138, %lt3A_139 : i32
      %convert_element_type3A_141 = arith.extui %lt3A_140 : i1 to i32
      %cond3A_142 = arith.constant 0 : i32
      %cond3A_143 = arith.cmpi ne, %convert_element_type3A_141, %cond3A_142 : i32
      scf.if %cond3A_143 {
        %add3A_153 = arith.constant 1 : i32
        %add3A_154 = arith.addi %add3A_114, %add3A_153 : i32
        %dma_wait3A_155 = arith.constant 0 : i32
        %dma_wait3A_156 = tpu.memref_slice %arg3[%arg1, %add3A_154, %dma_wait3A_155] : memref<16x80x128xi32, #tpu.memory_space<hbm>> -> memref<1x1x128xi32, #tpu.memory_space<hbm>>
        %dma_wait3A_157 = tpu.memref_squeeze %dma_wait3A_156 : memref<1x1x128xi32, #tpu.memory_space<hbm>> -> memref<128xi32, #tpu.memory_space<hbm>>
        %dma_wait3A_158 = arith.constant 0 : i32
        %dma_wait3A_159 = tpu.memref_slice %arg3[%arg1, %add3A_154, %dma_wait3A_158] : memref<16x80x128xi32, #tpu.memory_space<hbm>> -> memref<1x1x128xi32, #tpu.memory_space<hbm>>
        %dma_wait3A_160 = tpu.memref_squeeze %dma_wait3A_159 : memref<1x1x128xi32, #tpu.memory_space<hbm>> -> memref<128xi32, #tpu.memory_space<hbm>>
        tpu.wait_dma2 semaphore(%arg20 : memref<!tpu.dma_semaphore, #tpu.memory_space<semaphore_mem>>) src(%dma_wait3A_160 : memref<128xi32, #tpu.memory_space<hbm>>) dst(%arg10 : memref<128xi32, #tpu.memory_space<vmem>>)
        %dma_start3A_161 = arith.constant 0 : i32
        %dma_start3A_162 = arith.constant 0 : i32
        %dma_start3A_163 = tpu.memref_slice %arg2[%dma_start3A_161, %dma_start3A_162] : memref<180000x128xf32, #tpu.memory_space<hbm>> -> memref<180000x128xf32, #tpu.memory_space<hbm>>
        tpu.enqueue_indirect_dma source(%dma_start3A_163 : memref<180000x128xf32, #tpu.memory_space<hbm>>) target(%arg14 : memref<128x128xf32, #tpu.memory_space<vmem>>) offsets(%arg10 : memref<128xi32, #tpu.memory_space<vmem>>) semaphore(%arg16 : memref<!tpu.dma_semaphore, #tpu.memory_space<semaphore_mem>>)
      } else {
      }
      %dma_wait3A_144 = arith.constant 0 : i32
      %dma_wait3A_145 = tpu.memref_slice %arg5[%arg0, %arg1, %add3A_114, %dma_wait3A_144] : memref<2x16x80x128xi32, #tpu.memory_space<hbm>> -> memref<1x1x1x128xi32, #tpu.memory_space<hbm>>
      %dma_wait3A_146 = tpu.memref_squeeze %dma_wait3A_145 : memref<1x1x1x128xi32, #tpu.memory_space<hbm>> -> memref<128xi32, #tpu.memory_space<hbm>>
      %dma_wait3A_147 = arith.constant 0 : i32
      %dma_wait3A_148 = tpu.memref_slice %arg5[%arg0, %arg1, %add3A_114, %dma_wait3A_147] : memref<2x16x80x128xi32, #tpu.memory_space<hbm>> -> memref<1x1x1x128xi32, #tpu.memory_space<hbm>>
      %dma_wait3A_149 = tpu.memref_squeeze %dma_wait3A_148 : memref<1x1x1x128xi32, #tpu.memory_space<hbm>> -> memref<128xi32, #tpu.memory_space<hbm>>
      tpu.wait_dma2 semaphore(%arg23 : memref<!tpu.dma_semaphore, #tpu.memory_space<semaphore_mem>>) src(%dma_wait3A_149 : memref<128xi32, #tpu.memory_space<hbm>>) dst(%arg13 : memref<128xi32, #tpu.memory_space<vmem>>)
      %dma_start3A_150 = arith.constant 0 : i32
      %dma_start3A_151 = arith.constant 0 : i32
      %dma_start3A_152 = tpu.memref_slice %arg9[%dma_start3A_150, %dma_start3A_151] : memref<10240x128xf32, #tpu.memory_space<vmem_shared>> -> memref<10240x128xf32, #tpu.memory_space<vmem_shared>>
      tpu.enqueue_indirect_dma source(%arg15 : memref<128x128xf32, #tpu.memory_space<vmem>>) target(%dma_start3A_152 : memref<10240x128xf32, #tpu.memory_space<vmem_shared>>) offsets(%arg13 : memref<128xi32, #tpu.memory_space<vmem>>) semaphore(%arg19 : memref<!tpu.dma_semaphore, #tpu.memory_space<semaphore_mem>>) {add = true}
    }
    %dma_wait3A = arith.constant 0 : i32
    %dma_wait3A_29 = arith.constant 0 : i32
    %dma_wait3A_30 = tpu.memref_slice %arg9[%dma_wait3A, %dma_wait3A_29] : memref<10240x128xf32, #tpu.memory_space<vmem_shared>> -> memref<10240x128xf32, #tpu.memory_space<vmem_shared>>
    tpu.wait_indirect_dma semaphore(%arg19 : memref<!tpu.dma_semaphore, #tpu.memory_space<semaphore_mem>>) src(%arg15 : memref<128x128xf32, #tpu.memory_space<vmem>>) dst(%dma_wait3A_30 : memref<10240x128xf32, #tpu.memory_space<vmem_shared>>)
    %run_scoped3A_31 = arith.constant 0 : i32
    "tpu.region"() ({
      %run_scoped3A_72 = tpu.sem_alloc : memref<!tpu.dma_semaphore, #tpu.memory_space<semaphore_mem>>
      %dma_start3A_73 = arith.constant 0 : i32
      %dma_start3A_74 = tpu.memref_slice %arg4[%arg1, %run_scoped3A_31, %dma_start3A_73] : memref<16x80x128xi32, #tpu.memory_space<hbm>> -> memref<1x1x128xi32, #tpu.memory_space<hbm>>
      %dma_start3A_75 = tpu.memref_squeeze %dma_start3A_74 : memref<1x1x128xi32, #tpu.memory_space<hbm>> -> memref<128xi32, #tpu.memory_space<hbm>>
      %dma_start3A_76 = arith.constant 0 : i32
      %dma_start3A_77 = tpu.memref_slice %arg4[%arg1, %run_scoped3A_31, %dma_start3A_76] : memref<16x80x128xi32, #tpu.memory_space<hbm>> -> memref<1x1x128xi32, #tpu.memory_space<hbm>>
      %dma_start3A_78 = tpu.memref_squeeze %dma_start3A_77 : memref<1x1x128xi32, #tpu.memory_space<hbm>> -> memref<128xi32, #tpu.memory_space<hbm>>
      tpu.enqueue_dma source(%dma_start3A_78 : memref<128xi32, #tpu.memory_space<hbm>>) target(%arg10 : memref<128xi32, #tpu.memory_space<vmem>>) target_semaphore(%run_scoped3A_72 : memref<!tpu.dma_semaphore, #tpu.memory_space<semaphore_mem>>)
      %dma_wait3A_79 = arith.constant 0 : i32
      %dma_wait3A_80 = tpu.memref_slice %arg4[%arg1, %run_scoped3A_31, %dma_wait3A_79] : memref<16x80x128xi32, #tpu.memory_space<hbm>> -> memref<1x1x128xi32, #tpu.memory_space<hbm>>
      %dma_wait3A_81 = tpu.memref_squeeze %dma_wait3A_80 : memref<1x1x128xi32, #tpu.memory_space<hbm>> -> memref<128xi32, #tpu.memory_space<hbm>>
      %dma_wait3A_82 = arith.constant 0 : i32
      %dma_wait3A_83 = tpu.memref_slice %arg4[%arg1, %run_scoped3A_31, %dma_wait3A_82] : memref<16x80x128xi32, #tpu.memory_space<hbm>> -> memref<1x1x128xi32, #tpu.memory_space<hbm>>
      %dma_wait3A_84 = tpu.memref_squeeze %dma_wait3A_83 : memref<1x1x128xi32, #tpu.memory_space<hbm>> -> memref<128xi32, #tpu.memory_space<hbm>>
      tpu.wait_dma2 semaphore(%run_scoped3A_72 : memref<!tpu.dma_semaphore, #tpu.memory_space<semaphore_mem>>) src(%dma_wait3A_84 : memref<128xi32, #tpu.memory_space<hbm>>) dst(%arg10 : memref<128xi32, #tpu.memory_space<vmem>>)
      tpu.yield
    }) : () -> ()
    %dma_start3A_32 = arith.constant 0 : i32
    %dma_start3A_33 = arith.constant 0 : i32
    %dma_start3A_34 = tpu.memref_slice %arg6[%arg0, %arg1, %dma_start3A_32, %dma_start3A_33] : memref<2x16x80x128xi32, #tpu.memory_space<hbm>> -> memref<1x1x1x128xi32, #tpu.memory_space<hbm>>
    %dma_start3A_35 = tpu.memref_squeeze %dma_start3A_34 : memref<1x1x1x128xi32, #tpu.memory_space<hbm>> -> memref<128xi32, #tpu.memory_space<hbm>>
    %dma_start3A_36 = arith.constant 0 : i32
    %dma_start3A_37 = tpu.memref_slice %arg6[%arg0, %arg1, %dma_start3A_32, %dma_start3A_36] : memref<2x16x80x128xi32, #tpu.memory_space<hbm>> -> memref<1x1x1x128xi32, #tpu.memory_space<hbm>>
    %dma_start3A_38 = tpu.memref_squeeze %dma_start3A_37 : memref<1x1x1x128xi32, #tpu.memory_space<hbm>> -> memref<128xi32, #tpu.memory_space<hbm>>
    tpu.enqueue_dma source(%dma_start3A_38 : memref<128xi32, #tpu.memory_space<hbm>>) target(%arg12 : memref<128xi32, #tpu.memory_space<vmem>>) target_semaphore(%arg22 : memref<!tpu.dma_semaphore, #tpu.memory_space<semaphore_mem>>)
    %dma_start3A_39 = arith.constant 0 : i32
    %dma_start3A_40 = arith.constant 0 : i32
    %dma_start3A_41 = tpu.memref_slice %arg2[%dma_start3A_39, %dma_start3A_40] : memref<180000x128xf32, #tpu.memory_space<hbm>> -> memref<180000x128xf32, #tpu.memory_space<hbm>>
    tpu.enqueue_indirect_dma source(%dma_start3A_41 : memref<180000x128xf32, #tpu.memory_space<hbm>>) target(%arg14 : memref<128x128xf32, #tpu.memory_space<vmem>>) offsets(%arg10 : memref<128xi32, #tpu.memory_space<vmem>>) semaphore(%arg16 : memref<!tpu.dma_semaphore, #tpu.memory_space<semaphore_mem>>)
    %dma_start3A_42 = arith.constant 1 : i32
    %dma_start3A_43 = arith.constant 0 : i32
    %dma_start3A_44 = tpu.memref_slice %arg4[%arg1, %dma_start3A_42, %dma_start3A_43] : memref<16x80x128xi32, #tpu.memory_space<hbm>> -> memref<1x1x128xi32, #tpu.memory_space<hbm>>
    %dma_start3A_45 = tpu.memref_squeeze %dma_start3A_44 : memref<1x1x128xi32, #tpu.memory_space<hbm>> -> memref<128xi32, #tpu.memory_space<hbm>>
    %dma_start3A_46 = arith.constant 0 : i32
    %dma_start3A_47 = tpu.memref_slice %arg4[%arg1, %dma_start3A_42, %dma_start3A_46] : memref<16x80x128xi32, #tpu.memory_space<hbm>> -> memref<1x1x128xi32, #tpu.memory_space<hbm>>
    %dma_start3A_48 = tpu.memref_squeeze %dma_start3A_47 : memref<1x1x128xi32, #tpu.memory_space<hbm>> -> memref<128xi32, #tpu.memory_space<hbm>>
    tpu.enqueue_dma source(%dma_start3A_48 : memref<128xi32, #tpu.memory_space<hbm>>) target(%arg11 : memref<128xi32, #tpu.memory_space<vmem>>) target_semaphore(%arg21 : memref<!tpu.dma_semaphore, #tpu.memory_space<semaphore_mem>>)
    %while3A_49 = arith.constant 0 : i32
    %while3A_50 = arith.constant 0 : i32
    %while3A_51 = arith.constant 40 : i32
    %while3A_52 = arith.subi %while3A_51, %while3A_50 : i32
    %while3A_53 = arith.addi %while3A_50, %while3A_52 : i32
    %while3A_54 = arith.constant 1 : i32
    %while3A_55 = arith.divsi %while3A_52, %while3A_54 : i32
    %while3A_56 = arith.muli %while3A_55, %while3A_54 : i32
    %while3A_57 = arith.addi %while3A_50, %while3A_56 : i32
    %while3A_58 = arith.constant 1 : i32
    scf.for %while3A_72 = %while3A_50 to %while3A_57 step %while3A_58  : i32 {
      %mul3A_73 = arith.constant 2 : i32
      %mul3A_74 = arith.muli %while3A_72, %mul3A_73 : i32
      %add3A_75 = arith.constant 0 : i32
      %add3A_76 = arith.addi %mul3A_74, %add3A_75 : i32
      %dma_wait3A_77 = arith.constant 0 : i32
      %dma_wait3A_78 = arith.constant 0 : i32
      %dma_wait3A_79 = tpu.memref_slice %arg2[%dma_wait3A_77, %dma_wait3A_78] : memref<180000x128xf32, #tpu.memory_space<hbm>> -> memref<180000x128xf32, #tpu.memory_space<hbm>>
      tpu.wait_indirect_dma semaphore(%arg16 : memref<!tpu.dma_semaphore, #tpu.memory_space<semaphore_mem>>) src(%dma_wait3A_79 : memref<180000x128xf32, #tpu.memory_space<hbm>>) dst(%arg14 : memref<128x128xf32, #tpu.memory_space<vmem>>)
      %add3A_80 = arith.constant 2 : i32
      %add3A_81 = arith.addi %add3A_76, %add3A_80 : i32
      %lt3A = arith.constant 80 : i32
      %lt3A_82 = arith.cmpi slt, %add3A_81, %lt3A : i32
      %convert_element_type3A = arith.extui %lt3A_82 : i1 to i32
      %cond3A = arith.constant 0 : i32
      %cond3A_83 = arith.cmpi ne, %convert_element_type3A, %cond3A : i32
      scf.if %cond3A_83 {
        %add3A_153 = arith.constant 2 : i32
        %add3A_154 = arith.addi %add3A_76, %add3A_153 : i32
        %dma_start3A_155 = arith.constant 0 : i32
        %dma_start3A_156 = tpu.memref_slice %arg4[%arg1, %add3A_154, %dma_start3A_155] : memref<16x80x128xi32, #tpu.memory_space<hbm>> -> memref<1x1x128xi32, #tpu.memory_space<hbm>>
        %dma_start3A_157 = tpu.memref_squeeze %dma_start3A_156 : memref<1x1x128xi32, #tpu.memory_space<hbm>> -> memref<128xi32, #tpu.memory_space<hbm>>
        %dma_start3A_158 = arith.constant 0 : i32
        %dma_start3A_159 = tpu.memref_slice %arg4[%arg1, %add3A_154, %dma_start3A_158] : memref<16x80x128xi32, #tpu.memory_space<hbm>> -> memref<1x1x128xi32, #tpu.memory_space<hbm>>
        %dma_start3A_160 = tpu.memref_squeeze %dma_start3A_159 : memref<1x1x128xi32, #tpu.memory_space<hbm>> -> memref<128xi32, #tpu.memory_space<hbm>>
        tpu.enqueue_dma source(%dma_start3A_160 : memref<128xi32, #tpu.memory_space<hbm>>) target(%arg10 : memref<128xi32, #tpu.memory_space<vmem>>) target_semaphore(%arg20 : memref<!tpu.dma_semaphore, #tpu.memory_space<semaphore_mem>>)
      } else {
      }
      %ge3A = arith.constant 1 : i32
      %ge3A_84 = arith.cmpi sge, %add3A_76, %ge3A : i32
      %convert_element_type3A_85 = arith.extui %ge3A_84 : i1 to i32
      %cond3A_86 = arith.constant 0 : i32
      %cond3A_87 = arith.cmpi ne, %convert_element_type3A_85, %cond3A_86 : i32
      scf.if %cond3A_87 {
        %dma_wait3A_153 = arith.constant 0 : i32
        %dma_wait3A_154 = arith.constant 0 : i32
        %dma_wait3A_155 = tpu.memref_slice %arg9[%dma_wait3A_153, %dma_wait3A_154] : memref<10240x128xf32, #tpu.memory_space<vmem_shared>> -> memref<10240x128xf32, #tpu.memory_space<vmem_shared>>
        tpu.wait_indirect_dma semaphore(%arg19 : memref<!tpu.dma_semaphore, #tpu.memory_space<semaphore_mem>>) src(%arg15 : memref<128x128xf32, #tpu.memory_space<vmem>>) dst(%dma_wait3A_155 : memref<10240x128xf32, #tpu.memory_space<vmem_shared>>)
      } else {
      }
      %add3A_88 = arith.constant 1 : i32
      %add3A_89 = arith.addi %add3A_76, %add3A_88 : i32
      %lt3A_90 = arith.constant 80 : i32
      %lt3A_91 = arith.cmpi slt, %add3A_89, %lt3A_90 : i32
      %convert_element_type3A_92 = arith.extui %lt3A_91 : i1 to i32
      %cond3A_93 = arith.constant 0 : i32
      %cond3A_94 = arith.cmpi ne, %convert_element_type3A_92, %cond3A_93 : i32
      scf.if %cond3A_94 {
        %add3A_153 = arith.constant 1 : i32
        %add3A_154 = arith.addi %add3A_76, %add3A_153 : i32
        %dma_start3A_155 = arith.constant 0 : i32
        %dma_start3A_156 = tpu.memref_slice %arg6[%arg0, %arg1, %add3A_154, %dma_start3A_155] : memref<2x16x80x128xi32, #tpu.memory_space<hbm>> -> memref<1x1x1x128xi32, #tpu.memory_space<hbm>>
        %dma_start3A_157 = tpu.memref_squeeze %dma_start3A_156 : memref<1x1x1x128xi32, #tpu.memory_space<hbm>> -> memref<128xi32, #tpu.memory_space<hbm>>
        %dma_start3A_158 = arith.constant 0 : i32
        %dma_start3A_159 = tpu.memref_slice %arg6[%arg0, %arg1, %add3A_154, %dma_start3A_158] : memref<2x16x80x128xi32, #tpu.memory_space<hbm>> -> memref<1x1x1x128xi32, #tpu.memory_space<hbm>>
        %dma_start3A_160 = tpu.memref_squeeze %dma_start3A_159 : memref<1x1x1x128xi32, #tpu.memory_space<hbm>> -> memref<128xi32, #tpu.memory_space<hbm>>
        tpu.enqueue_dma source(%dma_start3A_160 : memref<128xi32, #tpu.memory_space<hbm>>) target(%arg13 : memref<128xi32, #tpu.memory_space<vmem>>) target_semaphore(%arg23 : memref<!tpu.dma_semaphore, #tpu.memory_space<semaphore_mem>>)
      } else {
      }
      %add3A_95 = arith.constant 1 : i32
      %add3A_96 = arith.addi %add3A_76, %add3A_95 : i32
      %lt3A_97 = arith.constant 80 : i32
      %lt3A_98 = arith.cmpi slt, %add3A_96, %lt3A_97 : i32
      %convert_element_type3A_99 = arith.extui %lt3A_98 : i1 to i32
      %cond3A_100 = arith.constant 0 : i32
      %cond3A_101 = arith.cmpi ne, %convert_element_type3A_99, %cond3A_100 : i32
      scf.if %cond3A_101 {
        %add3A_153 = arith.constant 1 : i32
        %add3A_154 = arith.addi %add3A_76, %add3A_153 : i32
        %dma_wait3A_155 = arith.constant 0 : i32
        %dma_wait3A_156 = tpu.memref_slice %arg4[%arg1, %add3A_154, %dma_wait3A_155] : memref<16x80x128xi32, #tpu.memory_space<hbm>> -> memref<1x1x128xi32, #tpu.memory_space<hbm>>
        %dma_wait3A_157 = tpu.memref_squeeze %dma_wait3A_156 : memref<1x1x128xi32, #tpu.memory_space<hbm>> -> memref<128xi32, #tpu.memory_space<hbm>>
        %dma_wait3A_158 = arith.constant 0 : i32
        %dma_wait3A_159 = tpu.memref_slice %arg4[%arg1, %add3A_154, %dma_wait3A_158] : memref<16x80x128xi32, #tpu.memory_space<hbm>> -> memref<1x1x128xi32, #tpu.memory_space<hbm>>
        %dma_wait3A_160 = tpu.memref_squeeze %dma_wait3A_159 : memref<1x1x128xi32, #tpu.memory_space<hbm>> -> memref<128xi32, #tpu.memory_space<hbm>>
        tpu.wait_dma2 semaphore(%arg21 : memref<!tpu.dma_semaphore, #tpu.memory_space<semaphore_mem>>) src(%dma_wait3A_160 : memref<128xi32, #tpu.memory_space<hbm>>) dst(%arg11 : memref<128xi32, #tpu.memory_space<vmem>>)
        %dma_start3A_161 = arith.constant 0 : i32
        %dma_start3A_162 = arith.constant 0 : i32
        %dma_start3A_163 = tpu.memref_slice %arg2[%dma_start3A_161, %dma_start3A_162] : memref<180000x128xf32, #tpu.memory_space<hbm>> -> memref<180000x128xf32, #tpu.memory_space<hbm>>
        tpu.enqueue_indirect_dma source(%dma_start3A_163 : memref<180000x128xf32, #tpu.memory_space<hbm>>) target(%arg15 : memref<128x128xf32, #tpu.memory_space<vmem>>) offsets(%arg11 : memref<128xi32, #tpu.memory_space<vmem>>) semaphore(%arg17 : memref<!tpu.dma_semaphore, #tpu.memory_space<semaphore_mem>>)
      } else {
      }
      %dma_wait3A_102 = arith.constant 0 : i32
      %dma_wait3A_103 = tpu.memref_slice %arg6[%arg0, %arg1, %add3A_76, %dma_wait3A_102] : memref<2x16x80x128xi32, #tpu.memory_space<hbm>> -> memref<1x1x1x128xi32, #tpu.memory_space<hbm>>
      %dma_wait3A_104 = tpu.memref_squeeze %dma_wait3A_103 : memref<1x1x1x128xi32, #tpu.memory_space<hbm>> -> memref<128xi32, #tpu.memory_space<hbm>>
      %dma_wait3A_105 = arith.constant 0 : i32
      %dma_wait3A_106 = tpu.memref_slice %arg6[%arg0, %arg1, %add3A_76, %dma_wait3A_105] : memref<2x16x80x128xi32, #tpu.memory_space<hbm>> -> memref<1x1x1x128xi32, #tpu.memory_space<hbm>>
      %dma_wait3A_107 = tpu.memref_squeeze %dma_wait3A_106 : memref<1x1x1x128xi32, #tpu.memory_space<hbm>> -> memref<128xi32, #tpu.memory_space<hbm>>
      tpu.wait_dma2 semaphore(%arg22 : memref<!tpu.dma_semaphore, #tpu.memory_space<semaphore_mem>>) src(%dma_wait3A_107 : memref<128xi32, #tpu.memory_space<hbm>>) dst(%arg12 : memref<128xi32, #tpu.memory_space<vmem>>)
      %dma_start3A_108 = arith.constant 0 : i32
      %dma_start3A_109 = arith.constant 0 : i32
      %dma_start3A_110 = tpu.memref_slice %arg9[%dma_start3A_108, %dma_start3A_109] : memref<10240x128xf32, #tpu.memory_space<vmem_shared>> -> memref<10240x128xf32, #tpu.memory_space<vmem_shared>>
      tpu.enqueue_indirect_dma source(%arg14 : memref<128x128xf32, #tpu.memory_space<vmem>>) target(%dma_start3A_110 : memref<10240x128xf32, #tpu.memory_space<vmem_shared>>) offsets(%arg12 : memref<128xi32, #tpu.memory_space<vmem>>) semaphore(%arg18 : memref<!tpu.dma_semaphore, #tpu.memory_space<semaphore_mem>>) {add = true}
      %mul3A_111 = arith.constant 2 : i32
      %mul3A_112 = arith.muli %while3A_72, %mul3A_111 : i32
      %add3A_113 = arith.constant 1 : i32
      %add3A_114 = arith.addi %mul3A_112, %add3A_113 : i32
      %dma_wait3A_115 = arith.constant 0 : i32
      %dma_wait3A_116 = arith.constant 0 : i32
      %dma_wait3A_117 = tpu.memref_slice %arg2[%dma_wait3A_115, %dma_wait3A_116] : memref<180000x128xf32, #tpu.memory_space<hbm>> -> memref<180000x128xf32, #tpu.memory_space<hbm>>
      tpu.wait_indirect_dma semaphore(%arg17 : memref<!tpu.dma_semaphore, #tpu.memory_space<semaphore_mem>>) src(%dma_wait3A_117 : memref<180000x128xf32, #tpu.memory_space<hbm>>) dst(%arg15 : memref<128x128xf32, #tpu.memory_space<vmem>>)
      %add3A_118 = arith.constant 2 : i32
      %add3A_119 = arith.addi %add3A_114, %add3A_118 : i32
      %lt3A_120 = arith.constant 80 : i32
      %lt3A_121 = arith.cmpi slt, %add3A_119, %lt3A_120 : i32
      %convert_element_type3A_122 = arith.extui %lt3A_121 : i1 to i32
      %cond3A_123 = arith.constant 0 : i32
      %cond3A_124 = arith.cmpi ne, %convert_element_type3A_122, %cond3A_123 : i32
      scf.if %cond3A_124 {
        %add3A_153 = arith.constant 2 : i32
        %add3A_154 = arith.addi %add3A_114, %add3A_153 : i32
        %dma_start3A_155 = arith.constant 0 : i32
        %dma_start3A_156 = tpu.memref_slice %arg4[%arg1, %add3A_154, %dma_start3A_155] : memref<16x80x128xi32, #tpu.memory_space<hbm>> -> memref<1x1x128xi32, #tpu.memory_space<hbm>>
        %dma_start3A_157 = tpu.memref_squeeze %dma_start3A_156 : memref<1x1x128xi32, #tpu.memory_space<hbm>> -> memref<128xi32, #tpu.memory_space<hbm>>
        %dma_start3A_158 = arith.constant 0 : i32
        %dma_start3A_159 = tpu.memref_slice %arg4[%arg1, %add3A_154, %dma_start3A_158] : memref<16x80x128xi32, #tpu.memory_space<hbm>> -> memref<1x1x128xi32, #tpu.memory_space<hbm>>
        %dma_start3A_160 = tpu.memref_squeeze %dma_start3A_159 : memref<1x1x128xi32, #tpu.memory_space<hbm>> -> memref<128xi32, #tpu.memory_space<hbm>>
        tpu.enqueue_dma source(%dma_start3A_160 : memref<128xi32, #tpu.memory_space<hbm>>) target(%arg11 : memref<128xi32, #tpu.memory_space<vmem>>) target_semaphore(%arg21 : memref<!tpu.dma_semaphore, #tpu.memory_space<semaphore_mem>>)
      } else {
      }
      %ge3A_125 = arith.constant 1 : i32
      %ge3A_126 = arith.cmpi sge, %add3A_114, %ge3A_125 : i32
      %convert_element_type3A_127 = arith.extui %ge3A_126 : i1 to i32
      %cond3A_128 = arith.constant 0 : i32
      %cond3A_129 = arith.cmpi ne, %convert_element_type3A_127, %cond3A_128 : i32
      scf.if %cond3A_129 {
        %dma_wait3A_153 = arith.constant 0 : i32
        %dma_wait3A_154 = arith.constant 0 : i32
        %dma_wait3A_155 = tpu.memref_slice %arg9[%dma_wait3A_153, %dma_wait3A_154] : memref<10240x128xf32, #tpu.memory_space<vmem_shared>> -> memref<10240x128xf32, #tpu.memory_space<vmem_shared>>
        tpu.wait_indirect_dma semaphore(%arg18 : memref<!tpu.dma_semaphore, #tpu.memory_space<semaphore_mem>>) src(%arg14 : memref<128x128xf32, #tpu.memory_space<vmem>>) dst(%dma_wait3A_155 : memref<10240x128xf32, #tpu.memory_space<vmem_shared>>)
      } else {
      }
      %add3A_130 = arith.constant 1 : i32
      %add3A_131 = arith.addi %add3A_114, %add3A_130 : i32
      %lt3A_132 = arith.constant 80 : i32
      %lt3A_133 = arith.cmpi slt, %add3A_131, %lt3A_132 : i32
      %convert_element_type3A_134 = arith.extui %lt3A_133 : i1 to i32
      %cond3A_135 = arith.constant 0 : i32
      %cond3A_136 = arith.cmpi ne, %convert_element_type3A_134, %cond3A_135 : i32
      scf.if %cond3A_136 {
        %add3A_153 = arith.constant 1 : i32
        %add3A_154 = arith.addi %add3A_114, %add3A_153 : i32
        %dma_start3A_155 = arith.constant 0 : i32
        %dma_start3A_156 = tpu.memref_slice %arg6[%arg0, %arg1, %add3A_154, %dma_start3A_155] : memref<2x16x80x128xi32, #tpu.memory_space<hbm>> -> memref<1x1x1x128xi32, #tpu.memory_space<hbm>>
        %dma_start3A_157 = tpu.memref_squeeze %dma_start3A_156 : memref<1x1x1x128xi32, #tpu.memory_space<hbm>> -> memref<128xi32, #tpu.memory_space<hbm>>
        %dma_start3A_158 = arith.constant 0 : i32
        %dma_start3A_159 = tpu.memref_slice %arg6[%arg0, %arg1, %add3A_154, %dma_start3A_158] : memref<2x16x80x128xi32, #tpu.memory_space<hbm>> -> memref<1x1x1x128xi32, #tpu.memory_space<hbm>>
        %dma_start3A_160 = tpu.memref_squeeze %dma_start3A_159 : memref<1x1x1x128xi32, #tpu.memory_space<hbm>> -> memref<128xi32, #tpu.memory_space<hbm>>
        tpu.enqueue_dma source(%dma_start3A_160 : memref<128xi32, #tpu.memory_space<hbm>>) target(%arg12 : memref<128xi32, #tpu.memory_space<vmem>>) target_semaphore(%arg22 : memref<!tpu.dma_semaphore, #tpu.memory_space<semaphore_mem>>)
      } else {
      }
      %add3A_137 = arith.constant 1 : i32
      %add3A_138 = arith.addi %add3A_114, %add3A_137 : i32
      %lt3A_139 = arith.constant 80 : i32
      %lt3A_140 = arith.cmpi slt, %add3A_138, %lt3A_139 : i32
      %convert_element_type3A_141 = arith.extui %lt3A_140 : i1 to i32
      %cond3A_142 = arith.constant 0 : i32
      %cond3A_143 = arith.cmpi ne, %convert_element_type3A_141, %cond3A_142 : i32
      scf.if %cond3A_143 {
        %add3A_153 = arith.constant 1 : i32
        %add3A_154 = arith.addi %add3A_114, %add3A_153 : i32
        %dma_wait3A_155 = arith.constant 0 : i32
        %dma_wait3A_156 = tpu.memref_slice %arg4[%arg1, %add3A_154, %dma_wait3A_155] : memref<16x80x128xi32, #tpu.memory_space<hbm>> -> memref<1x1x128xi32, #tpu.memory_space<hbm>>
        %dma_wait3A_157 = tpu.memref_squeeze %dma_wait3A_156 : memref<1x1x128xi32, #tpu.memory_space<hbm>> -> memref<128xi32, #tpu.memory_space<hbm>>
        %dma_wait3A_158 = arith.constant 0 : i32
        %dma_wait3A_159 = tpu.memref_slice %arg4[%arg1, %add3A_154, %dma_wait3A_158] : memref<16x80x128xi32, #tpu.memory_space<hbm>> -> memref<1x1x128xi32, #tpu.memory_space<hbm>>
        %dma_wait3A_160 = tpu.memref_squeeze %dma_wait3A_159 : memref<1x1x128xi32, #tpu.memory_space<hbm>> -> memref<128xi32, #tpu.memory_space<hbm>>
        tpu.wait_dma2 semaphore(%arg20 : memref<!tpu.dma_semaphore, #tpu.memory_space<semaphore_mem>>) src(%dma_wait3A_160 : memref<128xi32, #tpu.memory_space<hbm>>) dst(%arg10 : memref<128xi32, #tpu.memory_space<vmem>>)
        %dma_start3A_161 = arith.constant 0 : i32
        %dma_start3A_162 = arith.constant 0 : i32
        %dma_start3A_163 = tpu.memref_slice %arg2[%dma_start3A_161, %dma_start3A_162] : memref<180000x128xf32, #tpu.memory_space<hbm>> -> memref<180000x128xf32, #tpu.memory_space<hbm>>
        tpu.enqueue_indirect_dma source(%dma_start3A_163 : memref<180000x128xf32, #tpu.memory_space<hbm>>) target(%arg14 : memref<128x128xf32, #tpu.memory_space<vmem>>) offsets(%arg10 : memref<128xi32, #tpu.memory_space<vmem>>) semaphore(%arg16 : memref<!tpu.dma_semaphore, #tpu.memory_space<semaphore_mem>>)
      } else {
      }
      %dma_wait3A_144 = arith.constant 0 : i32
      %dma_wait3A_145 = tpu.memref_slice %arg6[%arg0, %arg1, %add3A_114, %dma_wait3A_144] : memref<2x16x80x128xi32, #tpu.memory_space<hbm>> -> memref<1x1x1x128xi32, #tpu.memory_space<hbm>>
      %dma_wait3A_146 = tpu.memref_squeeze %dma_wait3A_145 : memref<1x1x1x128xi32, #tpu.memory_space<hbm>> -> memref<128xi32, #tpu.memory_space<hbm>>
      %dma_wait3A_147 = arith.constant 0 : i32
      %dma_wait3A_148 = tpu.memref_slice %arg6[%arg0, %arg1, %add3A_114, %dma_wait3A_147] : memref<2x16x80x128xi32, #tpu.memory_space<hbm>> -> memref<1x1x1x128xi32, #tpu.memory_space<hbm>>
      %dma_wait3A_149 = tpu.memref_squeeze %dma_wait3A_148 : memref<1x1x1x128xi32, #tpu.memory_space<hbm>> -> memref<128xi32, #tpu.memory_space<hbm>>
      tpu.wait_dma2 semaphore(%arg23 : memref<!tpu.dma_semaphore, #tpu.memory_space<semaphore_mem>>) src(%dma_wait3A_149 : memref<128xi32, #tpu.memory_space<hbm>>) dst(%arg13 : memref<128xi32, #tpu.memory_space<vmem>>)
      %dma_start3A_150 = arith.constant 0 : i32
      %dma_start3A_151 = arith.constant 0 : i32
      %dma_start3A_152 = tpu.memref_slice %arg9[%dma_start3A_150, %dma_start3A_151] : memref<10240x128xf32, #tpu.memory_space<vmem_shared>> -> memref<10240x128xf32, #tpu.memory_space<vmem_shared>>
      tpu.enqueue_indirect_dma source(%arg15 : memref<128x128xf32, #tpu.memory_space<vmem>>) target(%dma_start3A_152 : memref<10240x128xf32, #tpu.memory_space<vmem_shared>>) offsets(%arg13 : memref<128xi32, #tpu.memory_space<vmem>>) semaphore(%arg19 : memref<!tpu.dma_semaphore, #tpu.memory_space<semaphore_mem>>) {add = true}
    }
    %while3A_59 = arith.constant 1 : i32
    scf.for %while3A_72 = %while3A_57 to %while3A_53 step %while3A_59  : i32 {
      %mul3A_73 = arith.constant 2 : i32
      %mul3A_74 = arith.muli %while3A_72, %mul3A_73 : i32
      %add3A_75 = arith.constant 0 : i32
      %add3A_76 = arith.addi %mul3A_74, %add3A_75 : i32
      %dma_wait3A_77 = arith.constant 0 : i32
      %dma_wait3A_78 = arith.constant 0 : i32
      %dma_wait3A_79 = tpu.memref_slice %arg2[%dma_wait3A_77, %dma_wait3A_78] : memref<180000x128xf32, #tpu.memory_space<hbm>> -> memref<180000x128xf32, #tpu.memory_space<hbm>>
      tpu.wait_indirect_dma semaphore(%arg16 : memref<!tpu.dma_semaphore, #tpu.memory_space<semaphore_mem>>) src(%dma_wait3A_79 : memref<180000x128xf32, #tpu.memory_space<hbm>>) dst(%arg14 : memref<128x128xf32, #tpu.memory_space<vmem>>)
      %add3A_80 = arith.constant 2 : i32
      %add3A_81 = arith.addi %add3A_76, %add3A_80 : i32
      %lt3A = arith.constant 80 : i32
      %lt3A_82 = arith.cmpi slt, %add3A_81, %lt3A : i32
      %convert_element_type3A = arith.extui %lt3A_82 : i1 to i32
      %cond3A = arith.constant 0 : i32
      %cond3A_83 = arith.cmpi ne, %convert_element_type3A, %cond3A : i32
      scf.if %cond3A_83 {
        %add3A_153 = arith.constant 2 : i32
        %add3A_154 = arith.addi %add3A_76, %add3A_153 : i32
        %dma_start3A_155 = arith.constant 0 : i32
        %dma_start3A_156 = tpu.memref_slice %arg4[%arg1, %add3A_154, %dma_start3A_155] : memref<16x80x128xi32, #tpu.memory_space<hbm>> -> memref<1x1x128xi32, #tpu.memory_space<hbm>>
        %dma_start3A_157 = tpu.memref_squeeze %dma_start3A_156 : memref<1x1x128xi32, #tpu.memory_space<hbm>> -> memref<128xi32, #tpu.memory_space<hbm>>
        %dma_start3A_158 = arith.constant 0 : i32
        %dma_start3A_159 = tpu.memref_slice %arg4[%arg1, %add3A_154, %dma_start3A_158] : memref<16x80x128xi32, #tpu.memory_space<hbm>> -> memref<1x1x128xi32, #tpu.memory_space<hbm>>
        %dma_start3A_160 = tpu.memref_squeeze %dma_start3A_159 : memref<1x1x128xi32, #tpu.memory_space<hbm>> -> memref<128xi32, #tpu.memory_space<hbm>>
        tpu.enqueue_dma source(%dma_start3A_160 : memref<128xi32, #tpu.memory_space<hbm>>) target(%arg10 : memref<128xi32, #tpu.memory_space<vmem>>) target_semaphore(%arg20 : memref<!tpu.dma_semaphore, #tpu.memory_space<semaphore_mem>>)
      } else {
      }
      %ge3A = arith.constant 1 : i32
      %ge3A_84 = arith.cmpi sge, %add3A_76, %ge3A : i32
      %convert_element_type3A_85 = arith.extui %ge3A_84 : i1 to i32
      %cond3A_86 = arith.constant 0 : i32
      %cond3A_87 = arith.cmpi ne, %convert_element_type3A_85, %cond3A_86 : i32
      scf.if %cond3A_87 {
        %dma_wait3A_153 = arith.constant 0 : i32
        %dma_wait3A_154 = arith.constant 0 : i32
        %dma_wait3A_155 = tpu.memref_slice %arg9[%dma_wait3A_153, %dma_wait3A_154] : memref<10240x128xf32, #tpu.memory_space<vmem_shared>> -> memref<10240x128xf32, #tpu.memory_space<vmem_shared>>
        tpu.wait_indirect_dma semaphore(%arg19 : memref<!tpu.dma_semaphore, #tpu.memory_space<semaphore_mem>>) src(%arg15 : memref<128x128xf32, #tpu.memory_space<vmem>>) dst(%dma_wait3A_155 : memref<10240x128xf32, #tpu.memory_space<vmem_shared>>)
      } else {
      }
      %add3A_88 = arith.constant 1 : i32
      %add3A_89 = arith.addi %add3A_76, %add3A_88 : i32
      %lt3A_90 = arith.constant 80 : i32
      %lt3A_91 = arith.cmpi slt, %add3A_89, %lt3A_90 : i32
      %convert_element_type3A_92 = arith.extui %lt3A_91 : i1 to i32
      %cond3A_93 = arith.constant 0 : i32
      %cond3A_94 = arith.cmpi ne, %convert_element_type3A_92, %cond3A_93 : i32
      scf.if %cond3A_94 {
        %add3A_153 = arith.constant 1 : i32
        %add3A_154 = arith.addi %add3A_76, %add3A_153 : i32
        %dma_start3A_155 = arith.constant 0 : i32
        %dma_start3A_156 = tpu.memref_slice %arg6[%arg0, %arg1, %add3A_154, %dma_start3A_155] : memref<2x16x80x128xi32, #tpu.memory_space<hbm>> -> memref<1x1x1x128xi32, #tpu.memory_space<hbm>>
        %dma_start3A_157 = tpu.memref_squeeze %dma_start3A_156 : memref<1x1x1x128xi32, #tpu.memory_space<hbm>> -> memref<128xi32, #tpu.memory_space<hbm>>
        %dma_start3A_158 = arith.constant 0 : i32
        %dma_start3A_159 = tpu.memref_slice %arg6[%arg0, %arg1, %add3A_154, %dma_start3A_158] : memref<2x16x80x128xi32, #tpu.memory_space<hbm>> -> memref<1x1x1x128xi32, #tpu.memory_space<hbm>>
        %dma_start3A_160 = tpu.memref_squeeze %dma_start3A_159 : memref<1x1x1x128xi32, #tpu.memory_space<hbm>> -> memref<128xi32, #tpu.memory_space<hbm>>
        tpu.enqueue_dma source(%dma_start3A_160 : memref<128xi32, #tpu.memory_space<hbm>>) target(%arg13 : memref<128xi32, #tpu.memory_space<vmem>>) target_semaphore(%arg23 : memref<!tpu.dma_semaphore, #tpu.memory_space<semaphore_mem>>)
      } else {
      }
      %add3A_95 = arith.constant 1 : i32
      %add3A_96 = arith.addi %add3A_76, %add3A_95 : i32
      %lt3A_97 = arith.constant 80 : i32
      %lt3A_98 = arith.cmpi slt, %add3A_96, %lt3A_97 : i32
      %convert_element_type3A_99 = arith.extui %lt3A_98 : i1 to i32
      %cond3A_100 = arith.constant 0 : i32
      %cond3A_101 = arith.cmpi ne, %convert_element_type3A_99, %cond3A_100 : i32
      scf.if %cond3A_101 {
        %add3A_153 = arith.constant 1 : i32
        %add3A_154 = arith.addi %add3A_76, %add3A_153 : i32
        %dma_wait3A_155 = arith.constant 0 : i32
        %dma_wait3A_156 = tpu.memref_slice %arg4[%arg1, %add3A_154, %dma_wait3A_155] : memref<16x80x128xi32, #tpu.memory_space<hbm>> -> memref<1x1x128xi32, #tpu.memory_space<hbm>>
        %dma_wait3A_157 = tpu.memref_squeeze %dma_wait3A_156 : memref<1x1x128xi32, #tpu.memory_space<hbm>> -> memref<128xi32, #tpu.memory_space<hbm>>
        %dma_wait3A_158 = arith.constant 0 : i32
        %dma_wait3A_159 = tpu.memref_slice %arg4[%arg1, %add3A_154, %dma_wait3A_158] : memref<16x80x128xi32, #tpu.memory_space<hbm>> -> memref<1x1x128xi32, #tpu.memory_space<hbm>>
        %dma_wait3A_160 = tpu.memref_squeeze %dma_wait3A_159 : memref<1x1x128xi32, #tpu.memory_space<hbm>> -> memref<128xi32, #tpu.memory_space<hbm>>
        tpu.wait_dma2 semaphore(%arg21 : memref<!tpu.dma_semaphore, #tpu.memory_space<semaphore_mem>>) src(%dma_wait3A_160 : memref<128xi32, #tpu.memory_space<hbm>>) dst(%arg11 : memref<128xi32, #tpu.memory_space<vmem>>)
        %dma_start3A_161 = arith.constant 0 : i32
        %dma_start3A_162 = arith.constant 0 : i32
        %dma_start3A_163 = tpu.memref_slice %arg2[%dma_start3A_161, %dma_start3A_162] : memref<180000x128xf32, #tpu.memory_space<hbm>> -> memref<180000x128xf32, #tpu.memory_space<hbm>>
        tpu.enqueue_indirect_dma source(%dma_start3A_163 : memref<180000x128xf32, #tpu.memory_space<hbm>>) target(%arg15 : memref<128x128xf32, #tpu.memory_space<vmem>>) offsets(%arg11 : memref<128xi32, #tpu.memory_space<vmem>>) semaphore(%arg17 : memref<!tpu.dma_semaphore, #tpu.memory_space<semaphore_mem>>)
      } else {
      }
      %dma_wait3A_102 = arith.constant 0 : i32
      %dma_wait3A_103 = tpu.memref_slice %arg6[%arg0, %arg1, %add3A_76, %dma_wait3A_102] : memref<2x16x80x128xi32, #tpu.memory_space<hbm>> -> memref<1x1x1x128xi32, #tpu.memory_space<hbm>>
      %dma_wait3A_104 = tpu.memref_squeeze %dma_wait3A_103 : memref<1x1x1x128xi32, #tpu.memory_space<hbm>> -> memref<128xi32, #tpu.memory_space<hbm>>
      %dma_wait3A_105 = arith.constant 0 : i32
      %dma_wait3A_106 = tpu.memref_slice %arg6[%arg0, %arg1, %add3A_76, %dma_wait3A_105] : memref<2x16x80x128xi32, #tpu.memory_space<hbm>> -> memref<1x1x1x128xi32, #tpu.memory_space<hbm>>
      %dma_wait3A_107 = tpu.memref_squeeze %dma_wait3A_106 : memref<1x1x1x128xi32, #tpu.memory_space<hbm>> -> memref<128xi32, #tpu.memory_space<hbm>>
      tpu.wait_dma2 semaphore(%arg22 : memref<!tpu.dma_semaphore, #tpu.memory_space<semaphore_mem>>) src(%dma_wait3A_107 : memref<128xi32, #tpu.memory_space<hbm>>) dst(%arg12 : memref<128xi32, #tpu.memory_space<vmem>>)
      %dma_start3A_108 = arith.constant 0 : i32
      %dma_start3A_109 = arith.constant 0 : i32
      %dma_start3A_110 = tpu.memref_slice %arg9[%dma_start3A_108, %dma_start3A_109] : memref<10240x128xf32, #tpu.memory_space<vmem_shared>> -> memref<10240x128xf32, #tpu.memory_space<vmem_shared>>
      tpu.enqueue_indirect_dma source(%arg14 : memref<128x128xf32, #tpu.memory_space<vmem>>) target(%dma_start3A_110 : memref<10240x128xf32, #tpu.memory_space<vmem_shared>>) offsets(%arg12 : memref<128xi32, #tpu.memory_space<vmem>>) semaphore(%arg18 : memref<!tpu.dma_semaphore, #tpu.memory_space<semaphore_mem>>) {add = true}
      %mul3A_111 = arith.constant 2 : i32
      %mul3A_112 = arith.muli %while3A_72, %mul3A_111 : i32
      %add3A_113 = arith.constant 1 : i32
      %add3A_114 = arith.addi %mul3A_112, %add3A_113 : i32
      %dma_wait3A_115 = arith.constant 0 : i32
      %dma_wait3A_116 = arith.constant 0 : i32
      %dma_wait3A_117 = tpu.memref_slice %arg2[%dma_wait3A_115, %dma_wait3A_116] : memref<180000x128xf32, #tpu.memory_space<hbm>> -> memref<180000x128xf32, #tpu.memory_space<hbm>>
      tpu.wait_indirect_dma semaphore(%arg17 : memref<!tpu.dma_semaphore, #tpu.memory_space<semaphore_mem>>) src(%dma_wait3A_117 : memref<180000x128xf32, #tpu.memory_space<hbm>>) dst(%arg15 : memref<128x128xf32, #tpu.memory_space<vmem>>)
      %add3A_118 = arith.constant 2 : i32
      %add3A_119 = arith.addi %add3A_114, %add3A_118 : i32
      %lt3A_120 = arith.constant 80 : i32
      %lt3A_121 = arith.cmpi slt, %add3A_119, %lt3A_120 : i32
      %convert_element_type3A_122 = arith.extui %lt3A_121 : i1 to i32
      %cond3A_123 = arith.constant 0 : i32
      %cond3A_124 = arith.cmpi ne, %convert_element_type3A_122, %cond3A_123 : i32
      scf.if %cond3A_124 {
        %add3A_153 = arith.constant 2 : i32
        %add3A_154 = arith.addi %add3A_114, %add3A_153 : i32
        %dma_start3A_155 = arith.constant 0 : i32
        %dma_start3A_156 = tpu.memref_slice %arg4[%arg1, %add3A_154, %dma_start3A_155] : memref<16x80x128xi32, #tpu.memory_space<hbm>> -> memref<1x1x128xi32, #tpu.memory_space<hbm>>
        %dma_start3A_157 = tpu.memref_squeeze %dma_start3A_156 : memref<1x1x128xi32, #tpu.memory_space<hbm>> -> memref<128xi32, #tpu.memory_space<hbm>>
        %dma_start3A_158 = arith.constant 0 : i32
        %dma_start3A_159 = tpu.memref_slice %arg4[%arg1, %add3A_154, %dma_start3A_158] : memref<16x80x128xi32, #tpu.memory_space<hbm>> -> memref<1x1x128xi32, #tpu.memory_space<hbm>>
        %dma_start3A_160 = tpu.memref_squeeze %dma_start3A_159 : memref<1x1x128xi32, #tpu.memory_space<hbm>> -> memref<128xi32, #tpu.memory_space<hbm>>
        tpu.enqueue_dma source(%dma_start3A_160 : memref<128xi32, #tpu.memory_space<hbm>>) target(%arg11 : memref<128xi32, #tpu.memory_space<vmem>>) target_semaphore(%arg21 : memref<!tpu.dma_semaphore, #tpu.memory_space<semaphore_mem>>)
      } else {
      }
      %ge3A_125 = arith.constant 1 : i32
      %ge3A_126 = arith.cmpi sge, %add3A_114, %ge3A_125 : i32
      %convert_element_type3A_127 = arith.extui %ge3A_126 : i1 to i32
      %cond3A_128 = arith.constant 0 : i32
      %cond3A_129 = arith.cmpi ne, %convert_element_type3A_127, %cond3A_128 : i32
      scf.if %cond3A_129 {
        %dma_wait3A_153 = arith.constant 0 : i32
        %dma_wait3A_154 = arith.constant 0 : i32
        %dma_wait3A_155 = tpu.memref_slice %arg9[%dma_wait3A_153, %dma_wait3A_154] : memref<10240x128xf32, #tpu.memory_space<vmem_shared>> -> memref<10240x128xf32, #tpu.memory_space<vmem_shared>>
        tpu.wait_indirect_dma semaphore(%arg18 : memref<!tpu.dma_semaphore, #tpu.memory_space<semaphore_mem>>) src(%arg14 : memref<128x128xf32, #tpu.memory_space<vmem>>) dst(%dma_wait3A_155 : memref<10240x128xf32, #tpu.memory_space<vmem_shared>>)
      } else {
      }
      %add3A_130 = arith.constant 1 : i32
      %add3A_131 = arith.addi %add3A_114, %add3A_130 : i32
      %lt3A_132 = arith.constant 80 : i32
      %lt3A_133 = arith.cmpi slt, %add3A_131, %lt3A_132 : i32
      %convert_element_type3A_134 = arith.extui %lt3A_133 : i1 to i32
      %cond3A_135 = arith.constant 0 : i32
      %cond3A_136 = arith.cmpi ne, %convert_element_type3A_134, %cond3A_135 : i32
      scf.if %cond3A_136 {
        %add3A_153 = arith.constant 1 : i32
        %add3A_154 = arith.addi %add3A_114, %add3A_153 : i32
        %dma_start3A_155 = arith.constant 0 : i32
        %dma_start3A_156 = tpu.memref_slice %arg6[%arg0, %arg1, %add3A_154, %dma_start3A_155] : memref<2x16x80x128xi32, #tpu.memory_space<hbm>> -> memref<1x1x1x128xi32, #tpu.memory_space<hbm>>
        %dma_start3A_157 = tpu.memref_squeeze %dma_start3A_156 : memref<1x1x1x128xi32, #tpu.memory_space<hbm>> -> memref<128xi32, #tpu.memory_space<hbm>>
        %dma_start3A_158 = arith.constant 0 : i32
        %dma_start3A_159 = tpu.memref_slice %arg6[%arg0, %arg1, %add3A_154, %dma_start3A_158] : memref<2x16x80x128xi32, #tpu.memory_space<hbm>> -> memref<1x1x1x128xi32, #tpu.memory_space<hbm>>
        %dma_start3A_160 = tpu.memref_squeeze %dma_start3A_159 : memref<1x1x1x128xi32, #tpu.memory_space<hbm>> -> memref<128xi32, #tpu.memory_space<hbm>>
        tpu.enqueue_dma source(%dma_start3A_160 : memref<128xi32, #tpu.memory_space<hbm>>) target(%arg12 : memref<128xi32, #tpu.memory_space<vmem>>) target_semaphore(%arg22 : memref<!tpu.dma_semaphore, #tpu.memory_space<semaphore_mem>>)
      } else {
      }
      %add3A_137 = arith.constant 1 : i32
      %add3A_138 = arith.addi %add3A_114, %add3A_137 : i32
      %lt3A_139 = arith.constant 80 : i32
      %lt3A_140 = arith.cmpi slt, %add3A_138, %lt3A_139 : i32
      %convert_element_type3A_141 = arith.extui %lt3A_140 : i1 to i32
      %cond3A_142 = arith.constant 0 : i32
      %cond3A_143 = arith.cmpi ne, %convert_element_type3A_141, %cond3A_142 : i32
      scf.if %cond3A_143 {
        %add3A_153 = arith.constant 1 : i32
        %add3A_154 = arith.addi %add3A_114, %add3A_153 : i32
        %dma_wait3A_155 = arith.constant 0 : i32
        %dma_wait3A_156 = tpu.memref_slice %arg4[%arg1, %add3A_154, %dma_wait3A_155] : memref<16x80x128xi32, #tpu.memory_space<hbm>> -> memref<1x1x128xi32, #tpu.memory_space<hbm>>
        %dma_wait3A_157 = tpu.memref_squeeze %dma_wait3A_156 : memref<1x1x128xi32, #tpu.memory_space<hbm>> -> memref<128xi32, #tpu.memory_space<hbm>>
        %dma_wait3A_158 = arith.constant 0 : i32
        %dma_wait3A_159 = tpu.memref_slice %arg4[%arg1, %add3A_154, %dma_wait3A_158] : memref<16x80x128xi32, #tpu.memory_space<hbm>> -> memref<1x1x128xi32, #tpu.memory_space<hbm>>
        %dma_wait3A_160 = tpu.memref_squeeze %dma_wait3A_159 : memref<1x1x128xi32, #tpu.memory_space<hbm>> -> memref<128xi32, #tpu.memory_space<hbm>>
        tpu.wait_dma2 semaphore(%arg20 : memref<!tpu.dma_semaphore, #tpu.memory_space<semaphore_mem>>) src(%dma_wait3A_160 : memref<128xi32, #tpu.memory_space<hbm>>) dst(%arg10 : memref<128xi32, #tpu.memory_space<vmem>>)
        %dma_start3A_161 = arith.constant 0 : i32
        %dma_start3A_162 = arith.constant 0 : i32
        %dma_start3A_163 = tpu.memref_slice %arg2[%dma_start3A_161, %dma_start3A_162] : memref<180000x128xf32, #tpu.memory_space<hbm>> -> memref<180000x128xf32, #tpu.memory_space<hbm>>
        tpu.enqueue_indirect_dma source(%dma_start3A_163 : memref<180000x128xf32, #tpu.memory_space<hbm>>) target(%arg14 : memref<128x128xf32, #tpu.memory_space<vmem>>) offsets(%arg10 : memref<128xi32, #tpu.memory_space<vmem>>) semaphore(%arg16 : memref<!tpu.dma_semaphore, #tpu.memory_space<semaphore_mem>>)
      } else {
      }
      %dma_wait3A_144 = arith.constant 0 : i32
      %dma_wait3A_145 = tpu.memref_slice %arg6[%arg0, %arg1, %add3A_114, %dma_wait3A_144] : memref<2x16x80x128xi32, #tpu.memory_space<hbm>> -> memref<1x1x1x128xi32, #tpu.memory_space<hbm>>
      %dma_wait3A_146 = tpu.memref_squeeze %dma_wait3A_145 : memref<1x1x1x128xi32, #tpu.memory_space<hbm>> -> memref<128xi32, #tpu.memory_space<hbm>>
      %dma_wait3A_147 = arith.constant 0 : i32
      %dma_wait3A_148 = tpu.memref_slice %arg6[%arg0, %arg1, %add3A_114, %dma_wait3A_147] : memref<2x16x80x128xi32, #tpu.memory_space<hbm>> -> memref<1x1x1x128xi32, #tpu.memory_space<hbm>>
      %dma_wait3A_149 = tpu.memref_squeeze %dma_wait3A_148 : memref<1x1x1x128xi32, #tpu.memory_space<hbm>> -> memref<128xi32, #tpu.memory_space<hbm>>
      tpu.wait_dma2 semaphore(%arg23 : memref<!tpu.dma_semaphore, #tpu.memory_space<semaphore_mem>>) src(%dma_wait3A_149 : memref<128xi32, #tpu.memory_space<hbm>>) dst(%arg13 : memref<128xi32, #tpu.memory_space<vmem>>)
      %dma_start3A_150 = arith.constant 0 : i32
      %dma_start3A_151 = arith.constant 0 : i32
      %dma_start3A_152 = tpu.memref_slice %arg9[%dma_start3A_150, %dma_start3A_151] : memref<10240x128xf32, #tpu.memory_space<vmem_shared>> -> memref<10240x128xf32, #tpu.memory_space<vmem_shared>>
      tpu.enqueue_indirect_dma source(%arg15 : memref<128x128xf32, #tpu.memory_space<vmem>>) target(%dma_start3A_152 : memref<10240x128xf32, #tpu.memory_space<vmem_shared>>) offsets(%arg13 : memref<128xi32, #tpu.memory_space<vmem>>) semaphore(%arg19 : memref<!tpu.dma_semaphore, #tpu.memory_space<semaphore_mem>>) {add = true}
    }
    %dma_wait3A_60 = arith.constant 0 : i32
    %dma_wait3A_61 = arith.constant 0 : i32
    %dma_wait3A_62 = tpu.memref_slice %arg9[%dma_wait3A_60, %dma_wait3A_61] : memref<10240x128xf32, #tpu.memory_space<vmem_shared>> -> memref<10240x128xf32, #tpu.memory_space<vmem_shared>>
    tpu.wait_indirect_dma semaphore(%arg19 : memref<!tpu.dma_semaphore, #tpu.memory_space<semaphore_mem>>) src(%arg15 : memref<128x128xf32, #tpu.memory_space<vmem>>) dst(%dma_wait3A_62 : memref<10240x128xf32, #tpu.memory_space<vmem_shared>>)
    %barrier3A_63 = arith.constant 0 : index
    tpu.barrier barrier_id(%barrier3A_63)
    %mul3A_64 = arith.constant 640 : i32
    %mul3A_65 = arith.muli %arg1, %mul3A_64 : i32
    %mul3A_66 = arith.constant 2 : i32
    %mul3A_67 = arith.muli %arg0, %mul3A_66 : i32
    %mul3A_68 = arith.constant 5120 : i32
    %mul3A_69 = arith.muli %mul3A_67, %mul3A_68 : i32
    %mul3A_70 = arith.constant 640 : i32
    %mul3A_71 = arith.muli %arg1, %mul3A_70 : i32
    %add3A = arith.addi %mul3A_69, %mul3A_71 : i32
    "tpu.region"() ({
      %run_scoped3A_72 = tpu.sem_alloc : memref<!tpu.dma_semaphore, #tpu.memory_space<semaphore_mem>>
      %dma_start3A_73 = arith.constant 0 : i32
      %dma_start3A_74 = tpu.memref_slice %arg8[%add3A, %dma_start3A_73] : memref<20480x128xf32, #tpu.memory_space<hbm>> -> memref<640x128xf32, #tpu.memory_space<hbm>>
      %dma_start3A_75 = arith.constant 0 : i32
      %dma_start3A_76 = tpu.memref_slice %arg9[%mul3A_65, %dma_start3A_75] : memref<10240x128xf32, #tpu.memory_space<vmem_shared>> -> memref<640x128xf32, #tpu.memory_space<vmem_shared>>
      tpu.enqueue_dma source(%dma_start3A_76 : memref<640x128xf32, #tpu.memory_space<vmem_shared>>) target(%dma_start3A_74 : memref<640x128xf32, #tpu.memory_space<hbm>>) target_semaphore(%run_scoped3A_72 : memref<!tpu.dma_semaphore, #tpu.memory_space<semaphore_mem>>)
      %dma_wait3A_77 = arith.constant 0 : i32
      %dma_wait3A_78 = tpu.memref_slice %arg8[%add3A, %dma_wait3A_77] : memref<20480x128xf32, #tpu.memory_space<hbm>> -> memref<640x128xf32, #tpu.memory_space<hbm>>
      %dma_wait3A_79 = arith.constant 0 : i32
      %dma_wait3A_80 = tpu.memref_slice %arg9[%mul3A_65, %dma_wait3A_79] : memref<10240x128xf32, #tpu.memory_space<vmem_shared>> -> memref<640x128xf32, #tpu.memory_space<vmem_shared>>
      tpu.wait_dma2 semaphore(%run_scoped3A_72 : memref<!tpu.dma_semaphore, #tpu.memory_space<semaphore_mem>>) src(%dma_wait3A_80 : memref<640x128xf32, #tpu.memory_space<vmem_shared>>) dst(%dma_wait3A_78 : memref<640x128xf32, #tpu.memory_space<hbm>>)
      tpu.yield
    }) : () -> ()
    return
  }
}

#map = affine_map<(d0, d1) -> (0, 0)>
#map1 = affine_map<(d0, d1) -> (0, 0, 0)>
#map2 = affine_map<(d0, d1) -> (0, 0, 0, 0)>
module attributes {stable_mosaic.version = 14 : i64} {
  func.func @_sc_agg_body(%arg0: i32, %arg1: i32, %arg2: memref<180000x128xf32, #tpu.memory_space<hbm>>, %arg3: memref<16x80x128xi32, #tpu.memory_space<hbm>>, %arg4: memref<16x80x128xi32, #tpu.memory_space<hbm>>, %arg5: memref<2x16x80x128xi32, #tpu.memory_space<hbm>>, %arg6: memref<2x16x80x128xi32, #tpu.memory_space<hbm>>, %arg7: memref<10240x128xf32, #tpu.memory_space<hbm>>, %arg8: memref<20480x128xf32, #tpu.memory_space<hbm>>, %arg9: memref<10240x128xf32, #tpu.memory_space<vmem_shared>>, %arg10: memref<128xi32, #tpu.memory_space<vmem>>, %arg11: memref<128xi32, #tpu.memory_space<vmem>>, %arg12: memref<128xi32, #tpu.memory_space<vmem>>, %arg13: memref<128xi32, #tpu.memory_space<vmem>>, %arg14: memref<128x128xf32, #tpu.memory_space<vmem>>, %arg15: memref<128x128xf32, #tpu.memory_space<vmem>>, %arg16: memref<!tpu.dma_semaphore, #tpu.memory_space<semaphore_mem>>, %arg17: memref<!tpu.dma_semaphore, #tpu.memory_space<semaphore_mem>>, %arg18: memref<!tpu.dma_semaphore, #tpu.memory_space<semaphore_mem>>, %arg19: memref<!tpu.dma_semaphore, #tpu.memory_space<semaphore_mem>>, %arg20: memref<!tpu.dma_semaphore, #tpu.memory_space<semaphore_mem>>, %arg21: memref<!tpu.dma_semaphore, #tpu.memory_space<semaphore_mem>>, %arg22: memref<!tpu.dma_semaphore, #tpu.memory_space<semaphore_mem>>, %arg23: memref<!tpu.dma_semaphore, #tpu.memory_space<semaphore_mem>>) attributes {dimension_semantics = [#tpu.dimension_semantics<core_parallel>, #tpu.dimension_semantics<subcore_parallel>], iteration_bounds = array<i64: 2, 16>, scalar_prefetch = 0 : i64, scratch_operands = 15 : i64, tpu.core_type = #tpu.core_type<sc_vector_subcore>, window_params = [{transform_indices = #map}, {transform_indices = #map1}, {transform_indices = #map1}, {transform_indices = #map2}, {transform_indices = #map2}, {transform_indices = #map}, {transform_indices = #map}]} {
    %mul3A = arith.constant 640 : i32
    %mul3A_0 = arith.muli %arg1, %mul3A : i32
    %mul3A_1 = arith.constant 640 : i32
    %mul3A_2 = arith.muli %arg1, %mul3A_1 : i32
    "tpu.region"() ({
      %run_scoped3A_72 = tpu.sem_alloc : memref<!tpu.dma_semaphore, #tpu.memory_space<semaphore_mem>>
      %dma_start3A_73 = arith.constant 0 : i32
      %dma_start3A_74 = tpu.memref_slice %arg9[%mul3A_2, %dma_start3A_73] : memref<10240x128xf32, #tpu.memory_space<vmem_shared>> -> memref<640x128xf32, #tpu.memory_space<vmem_shared>>
      %dma_start3A_75 = arith.constant 0 : i32
      %dma_start3A_76 = tpu.memref_slice %arg7[%mul3A_0, %dma_start3A_75] : memref<10240x128xf32, #tpu.memory_space<hbm>> -> memref<640x128xf32, #tpu.memory_space<hbm>>
      tpu.enqueue_dma source(%dma_start3A_76 : memref<640x128xf32, #tpu.memory_space<hbm>>) target(%dma_start3A_74 : memref<640x128xf32, #tpu.memory_space<vmem_shared>>) target_semaphore(%run_scoped3A_72 : memref<!tpu.dma_semaphore, #tpu.memory_space<semaphore_mem>>)
      %dma_wait3A_77 = arith.constant 0 : i32
      %dma_wait3A_78 = tpu.memref_slice %arg9[%mul3A_2, %dma_wait3A_77] : memref<10240x128xf32, #tpu.memory_space<vmem_shared>> -> memref<640x128xf32, #tpu.memory_space<vmem_shared>>
      %dma_wait3A_79 = arith.constant 0 : i32
      %dma_wait3A_80 = tpu.memref_slice %arg7[%mul3A_0, %dma_wait3A_79] : memref<10240x128xf32, #tpu.memory_space<hbm>> -> memref<640x128xf32, #tpu.memory_space<hbm>>
      tpu.wait_dma2 semaphore(%run_scoped3A_72 : memref<!tpu.dma_semaphore, #tpu.memory_space<semaphore_mem>>) src(%dma_wait3A_80 : memref<640x128xf32, #tpu.memory_space<hbm>>) dst(%dma_wait3A_78 : memref<640x128xf32, #tpu.memory_space<vmem_shared>>)
      tpu.yield
    }) : () -> ()
    %barrier3A = arith.constant 0 : index
    tpu.barrier barrier_id(%barrier3A)
    %run_scoped3A = arith.constant 0 : i32
    "tpu.region"() ({
      %run_scoped3A_72 = tpu.sem_alloc : memref<!tpu.dma_semaphore, #tpu.memory_space<semaphore_mem>>
      %dma_start3A_73 = arith.constant 0 : i32
      %dma_start3A_74 = tpu.memref_slice %arg3[%arg1, %run_scoped3A, %dma_start3A_73] : memref<16x80x128xi32, #tpu.memory_space<hbm>> -> memref<1x1x128xi32, #tpu.memory_space<hbm>>
      %dma_start3A_75 = tpu.memref_squeeze %dma_start3A_74 : memref<1x1x128xi32, #tpu.memory_space<hbm>> -> memref<128xi32, #tpu.memory_space<hbm>>
      %dma_start3A_76 = arith.constant 0 : i32
      %dma_start3A_77 = tpu.memref_slice %arg3[%arg1, %run_scoped3A, %dma_start3A_76] : memref<16x80x128xi32, #tpu.memory_space<hbm>> -> memref<1x1x128xi32, #tpu.memory_space<hbm>>
      %dma_start3A_78 = tpu.memref_squeeze %dma_start3A_77 : memref<1x1x128xi32, #tpu.memory_space<hbm>> -> memref<128xi32, #tpu.memory_space<hbm>>
      tpu.enqueue_dma source(%dma_start3A_78 : memref<128xi32, #tpu.memory_space<hbm>>) target(%arg10 : memref<128xi32, #tpu.memory_space<vmem>>) target_semaphore(%run_scoped3A_72 : memref<!tpu.dma_semaphore, #tpu.memory_space<semaphore_mem>>)
      %dma_wait3A_79 = arith.constant 0 : i32
      %dma_wait3A_80 = tpu.memref_slice %arg3[%arg1, %run_scoped3A, %dma_wait3A_79] : memref<16x80x128xi32, #tpu.memory_space<hbm>> -> memref<1x1x128xi32, #tpu.memory_space<hbm>>
      %dma_wait3A_81 = tpu.memref_squeeze %dma_wait3A_80 : memref<1x1x128xi32, #tpu.memory_space<hbm>> -> memref<128xi32, #tpu.memory_space<hbm>>
      %dma_wait3A_82 = arith.constant 0 : i32
      %dma_wait3A_83 = tpu.memref_slice %arg3[%arg1, %run_scoped3A, %dma_wait3A_82] : memref<16x80x128xi32, #tpu.memory_space<hbm>> -> memref<1x1x128xi32, #tpu.memory_space<hbm>>
      %dma_wait3A_84 = tpu.memref_squeeze %dma_wait3A_83 : memref<1x1x128xi32, #tpu.memory_space<hbm>> -> memref<128xi32, #tpu.memory_space<hbm>>
      tpu.wait_dma2 semaphore(%run_scoped3A_72 : memref<!tpu.dma_semaphore, #tpu.memory_space<semaphore_mem>>) src(%dma_wait3A_84 : memref<128xi32, #tpu.memory_space<hbm>>) dst(%arg10 : memref<128xi32, #tpu.memory_space<vmem>>)
      tpu.yield
    }) : () -> ()
    %dma_start3A = arith.constant 0 : i32
    %dma_start3A_3 = arith.constant 0 : i32
    %dma_start3A_4 = tpu.memref_slice %arg5[%arg0, %arg1, %dma_start3A, %dma_start3A_3] : memref<2x16x80x128xi32, #tpu.memory_space<hbm>> -> memref<1x1x1x128xi32, #tpu.memory_space<hbm>>
    %dma_start3A_5 = tpu.memref_squeeze %dma_start3A_4 : memref<1x1x1x128xi32, #tpu.memory_space<hbm>> -> memref<128xi32, #tpu.memory_space<hbm>>
    %dma_start3A_6 = arith.constant 0 : i32
    %dma_start3A_7 = tpu.memref_slice %arg5[%arg0, %arg1, %dma_start3A, %dma_start3A_6] : memref<2x16x80x128xi32, #tpu.memory_space<hbm>> -> memref<1x1x1x128xi32, #tpu.memory_space<hbm>>
    %dma_start3A_8 = tpu.memref_squeeze %dma_start3A_7 : memref<1x1x1x128xi32, #tpu.memory_space<hbm>> -> memref<128xi32, #tpu.memory_space<hbm>>
    tpu.enqueue_dma source(%dma_start3A_8 : memref<128xi32, #tpu.memory_space<hbm>>) target(%arg12 : memref<128xi32, #tpu.memory_space<vmem>>) target_semaphore(%arg22 : memref<!tpu.dma_semaphore, #tpu.memory_space<semaphore_mem>>)
    %dma_start3A_9 = arith.constant 0 : i32
    %dma_start3A_10 = arith.constant 0 : i32
    %dma_start3A_11 = tpu.memref_slice %arg2[%dma_start3A_9, %dma_start3A_10] : memref<180000x128xf32, #tpu.memory_space<hbm>> -> memref<180000x128xf32, #tpu.memory_space<hbm>>
    tpu.enqueue_indirect_dma source(%dma_start3A_11 : memref<180000x128xf32, #tpu.memory_space<hbm>>) target(%arg14 : memref<128x128xf32, #tpu.memory_space<vmem>>) offsets(%arg10 : memref<128xi32, #tpu.memory_space<vmem>>) semaphore(%arg16 : memref<!tpu.dma_semaphore, #tpu.memory_space<semaphore_mem>>)
    %dma_start3A_12 = arith.constant 1 : i32
    %dma_start3A_13 = arith.constant 0 : i32
    %dma_start3A_14 = tpu.memref_slice %arg3[%arg1, %dma_start3A_12, %dma_start3A_13] : memref<16x80x128xi32, #tpu.memory_space<hbm>> -> memref<1x1x128xi32, #tpu.memory_space<hbm>>
    %dma_start3A_15 = tpu.memref_squeeze %dma_start3A_14 : memref<1x1x128xi32, #tpu.memory_space<hbm>> -> memref<128xi32, #tpu.memory_space<hbm>>
    %dma_start3A_16 = arith.constant 0 : i32
    %dma_start3A_17 = tpu.memref_slice %arg3[%arg1, %dma_start3A_12, %dma_start3A_16] : memref<16x80x128xi32, #tpu.memory_space<hbm>> -> memref<1x1x128xi32, #tpu.memory_space<hbm>>
    %dma_start3A_18 = tpu.memref_squeeze %dma_start3A_17 : memref<1x1x128xi32, #tpu.memory_space<hbm>> -> memref<128xi32, #tpu.memory_space<hbm>>
    tpu.enqueue_dma source(%dma_start3A_18 : memref<128xi32, #tpu.memory_space<hbm>>) target(%arg11 : memref<128xi32, #tpu.memory_space<vmem>>) target_semaphore(%arg21 : memref<!tpu.dma_semaphore, #tpu.memory_space<semaphore_mem>>)
    %while3A = arith.constant 0 : i32
    %while3A_19 = arith.constant 0 : i32
    %while3A_20 = arith.constant 40 : i32
    %while3A_21 = arith.subi %while3A_20, %while3A_19 : i32
    %while3A_22 = arith.addi %while3A_19, %while3A_21 : i32
    %while3A_23 = arith.constant 1 : i32
    %while3A_24 = arith.divsi %while3A_21, %while3A_23 : i32
    %while3A_25 = arith.muli %while3A_24, %while3A_23 : i32
    %while3A_26 = arith.addi %while3A_19, %while3A_25 : i32
    %while3A_27 = arith.constant 1 : i32
    scf.for %while3A_72 = %while3A_19 to %while3A_26 step %while3A_27  : i32 {
      %mul3A_73 = arith.constant 2 : i32
      %mul3A_74 = arith.muli %while3A_72, %mul3A_73 : i32
      %add3A_75 = arith.constant 0 : i32
      %add3A_76 = arith.addi %mul3A_74, %add3A_75 : i32
      %dma_wait3A_77 = arith.constant 0 : i32
      %dma_wait3A_78 = arith.constant 0 : i32
      %dma_wait3A_79 = tpu.memref_slice %arg2[%dma_wait3A_77, %dma_wait3A_78] : memref<180000x128xf32, #tpu.memory_space<hbm>> -> memref<180000x128xf32, #tpu.memory_space<hbm>>
      tpu.wait_indirect_dma semaphore(%arg16 : memref<!tpu.dma_semaphore, #tpu.memory_space<semaphore_mem>>) src(%dma_wait3A_79 : memref<180000x128xf32, #tpu.memory_space<hbm>>) dst(%arg14 : memref<128x128xf32, #tpu.memory_space<vmem>>)
      %add3A_80 = arith.constant 2 : i32
      %add3A_81 = arith.addi %add3A_76, %add3A_80 : i32
      %lt3A = arith.constant 80 : i32
      %lt3A_82 = arith.cmpi slt, %add3A_81, %lt3A : i32
      %convert_element_type3A = arith.extui %lt3A_82 : i1 to i32
      %cond3A = arith.constant 0 : i32
      %cond3A_83 = arith.cmpi ne, %convert_element_type3A, %cond3A : i32
      scf.if %cond3A_83 {
        %add3A_153 = arith.constant 2 : i32
        %add3A_154 = arith.addi %add3A_76, %add3A_153 : i32
        %dma_start3A_155 = arith.constant 0 : i32
        %dma_start3A_156 = tpu.memref_slice %arg3[%arg1, %add3A_154, %dma_start3A_155] : memref<16x80x128xi32, #tpu.memory_space<hbm>> -> memref<1x1x128xi32, #tpu.memory_space<hbm>>
        %dma_start3A_157 = tpu.memref_squeeze %dma_start3A_156 : memref<1x1x128xi32, #tpu.memory_space<hbm>> -> memref<128xi32, #tpu.memory_space<hbm>>
        %dma_start3A_158 = arith.constant 0 : i32
        %dma_start3A_159 = tpu.memref_slice %arg3[%arg1, %add3A_154, %dma_start3A_158] : memref<16x80x128xi32, #tpu.memory_space<hbm>> -> memref<1x1x128xi32, #tpu.memory_space<hbm>>
        %dma_start3A_160 = tpu.memref_squeeze %dma_start3A_159 : memref<1x1x128xi32, #tpu.memory_space<hbm>> -> memref<128xi32, #tpu.memory_space<hbm>>
        tpu.enqueue_dma source(%dma_start3A_160 : memref<128xi32, #tpu.memory_space<hbm>>) target(%arg10 : memref<128xi32, #tpu.memory_space<vmem>>) target_semaphore(%arg20 : memref<!tpu.dma_semaphore, #tpu.memory_space<semaphore_mem>>)
      } else {
      }
      %ge3A = arith.constant 1 : i32
      %ge3A_84 = arith.cmpi sge, %add3A_76, %ge3A : i32
      %convert_element_type3A_85 = arith.extui %ge3A_84 : i1 to i32
      %cond3A_86 = arith.constant 0 : i32
      %cond3A_87 = arith.cmpi ne, %convert_element_type3A_85, %cond3A_86 : i32
      scf.if %cond3A_87 {
        %dma_wait3A_153 = arith.constant 0 : i32
        %dma_wait3A_154 = arith.constant 0 : i32
        %dma_wait3A_155 = tpu.memref_slice %arg9[%dma_wait3A_153, %dma_wait3A_154] : memref<10240x128xf32, #tpu.memory_space<vmem_shared>> -> memref<10240x128xf32, #tpu.memory_space<vmem_shared>>
        tpu.wait_indirect_dma semaphore(%arg19 : memref<!tpu.dma_semaphore, #tpu.memory_space<semaphore_mem>>) src(%arg15 : memref<128x128xf32, #tpu.memory_space<vmem>>) dst(%dma_wait3A_155 : memref<10240x128xf32, #tpu.memory_space<vmem_shared>>)
      } else {
      }
      %add3A_88 = arith.constant 1 : i32
      %add3A_89 = arith.addi %add3A_76, %add3A_88 : i32
      %lt3A_90 = arith.constant 80 : i32
      %lt3A_91 = arith.cmpi slt, %add3A_89, %lt3A_90 : i32
      %convert_element_type3A_92 = arith.extui %lt3A_91 : i1 to i32
      %cond3A_93 = arith.constant 0 : i32
      %cond3A_94 = arith.cmpi ne, %convert_element_type3A_92, %cond3A_93 : i32
      scf.if %cond3A_94 {
        %add3A_153 = arith.constant 1 : i32
        %add3A_154 = arith.addi %add3A_76, %add3A_153 : i32
        %dma_start3A_155 = arith.constant 0 : i32
        %dma_start3A_156 = tpu.memref_slice %arg5[%arg0, %arg1, %add3A_154, %dma_start3A_155] : memref<2x16x80x128xi32, #tpu.memory_space<hbm>> -> memref<1x1x1x128xi32, #tpu.memory_space<hbm>>
        %dma_start3A_157 = tpu.memref_squeeze %dma_start3A_156 : memref<1x1x1x128xi32, #tpu.memory_space<hbm>> -> memref<128xi32, #tpu.memory_space<hbm>>
        %dma_start3A_158 = arith.constant 0 : i32
        %dma_start3A_159 = tpu.memref_slice %arg5[%arg0, %arg1, %add3A_154, %dma_start3A_158] : memref<2x16x80x128xi32, #tpu.memory_space<hbm>> -> memref<1x1x1x128xi32, #tpu.memory_space<hbm>>
        %dma_start3A_160 = tpu.memref_squeeze %dma_start3A_159 : memref<1x1x1x128xi32, #tpu.memory_space<hbm>> -> memref<128xi32, #tpu.memory_space<hbm>>
        tpu.enqueue_dma source(%dma_start3A_160 : memref<128xi32, #tpu.memory_space<hbm>>) target(%arg13 : memref<128xi32, #tpu.memory_space<vmem>>) target_semaphore(%arg23 : memref<!tpu.dma_semaphore, #tpu.memory_space<semaphore_mem>>)
      } else {
      }
      %add3A_95 = arith.constant 1 : i32
      %add3A_96 = arith.addi %add3A_76, %add3A_95 : i32
      %lt3A_97 = arith.constant 80 : i32
      %lt3A_98 = arith.cmpi slt, %add3A_96, %lt3A_97 : i32
      %convert_element_type3A_99 = arith.extui %lt3A_98 : i1 to i32
      %cond3A_100 = arith.constant 0 : i32
      %cond3A_101 = arith.cmpi ne, %convert_element_type3A_99, %cond3A_100 : i32
      scf.if %cond3A_101 {
        %add3A_153 = arith.constant 1 : i32
        %add3A_154 = arith.addi %add3A_76, %add3A_153 : i32
        %dma_wait3A_155 = arith.constant 0 : i32
        %dma_wait3A_156 = tpu.memref_slice %arg3[%arg1, %add3A_154, %dma_wait3A_155] : memref<16x80x128xi32, #tpu.memory_space<hbm>> -> memref<1x1x128xi32, #tpu.memory_space<hbm>>
        %dma_wait3A_157 = tpu.memref_squeeze %dma_wait3A_156 : memref<1x1x128xi32, #tpu.memory_space<hbm>> -> memref<128xi32, #tpu.memory_space<hbm>>
        %dma_wait3A_158 = arith.constant 0 : i32
        %dma_wait3A_159 = tpu.memref_slice %arg3[%arg1, %add3A_154, %dma_wait3A_158] : memref<16x80x128xi32, #tpu.memory_space<hbm>> -> memref<1x1x128xi32, #tpu.memory_space<hbm>>
        %dma_wait3A_160 = tpu.memref_squeeze %dma_wait3A_159 : memref<1x1x128xi32, #tpu.memory_space<hbm>> -> memref<128xi32, #tpu.memory_space<hbm>>
        tpu.wait_dma2 semaphore(%arg21 : memref<!tpu.dma_semaphore, #tpu.memory_space<semaphore_mem>>) src(%dma_wait3A_160 : memref<128xi32, #tpu.memory_space<hbm>>) dst(%arg11 : memref<128xi32, #tpu.memory_space<vmem>>)
        %dma_start3A_161 = arith.constant 0 : i32
        %dma_start3A_162 = arith.constant 0 : i32
        %dma_start3A_163 = tpu.memref_slice %arg2[%dma_start3A_161, %dma_start3A_162] : memref<180000x128xf32, #tpu.memory_space<hbm>> -> memref<180000x128xf32, #tpu.memory_space<hbm>>
        tpu.enqueue_indirect_dma source(%dma_start3A_163 : memref<180000x128xf32, #tpu.memory_space<hbm>>) target(%arg15 : memref<128x128xf32, #tpu.memory_space<vmem>>) offsets(%arg11 : memref<128xi32, #tpu.memory_space<vmem>>) semaphore(%arg17 : memref<!tpu.dma_semaphore, #tpu.memory_space<semaphore_mem>>)
      } else {
      }
      %dma_wait3A_102 = arith.constant 0 : i32
      %dma_wait3A_103 = tpu.memref_slice %arg5[%arg0, %arg1, %add3A_76, %dma_wait3A_102] : memref<2x16x80x128xi32, #tpu.memory_space<hbm>> -> memref<1x1x1x128xi32, #tpu.memory_space<hbm>>
      %dma_wait3A_104 = tpu.memref_squeeze %dma_wait3A_103 : memref<1x1x1x128xi32, #tpu.memory_space<hbm>> -> memref<128xi32, #tpu.memory_space<hbm>>
      %dma_wait3A_105 = arith.constant 0 : i32
      %dma_wait3A_106 = tpu.memref_slice %arg5[%arg0, %arg1, %add3A_76, %dma_wait3A_105] : memref<2x16x80x128xi32, #tpu.memory_space<hbm>> -> memref<1x1x1x128xi32, #tpu.memory_space<hbm>>
      %dma_wait3A_107 = tpu.memref_squeeze %dma_wait3A_106 : memref<1x1x1x128xi32, #tpu.memory_space<hbm>> -> memref<128xi32, #tpu.memory_space<hbm>>
      tpu.wait_dma2 semaphore(%arg22 : memref<!tpu.dma_semaphore, #tpu.memory_space<semaphore_mem>>) src(%dma_wait3A_107 : memref<128xi32, #tpu.memory_space<hbm>>) dst(%arg12 : memref<128xi32, #tpu.memory_space<vmem>>)
      %dma_start3A_108 = arith.constant 0 : i32
      %dma_start3A_109 = arith.constant 0 : i32
      %dma_start3A_110 = tpu.memref_slice %arg9[%dma_start3A_108, %dma_start3A_109] : memref<10240x128xf32, #tpu.memory_space<vmem_shared>> -> memref<10240x128xf32, #tpu.memory_space<vmem_shared>>
      tpu.enqueue_indirect_dma source(%arg14 : memref<128x128xf32, #tpu.memory_space<vmem>>) target(%dma_start3A_110 : memref<10240x128xf32, #tpu.memory_space<vmem_shared>>) offsets(%arg12 : memref<128xi32, #tpu.memory_space<vmem>>) semaphore(%arg18 : memref<!tpu.dma_semaphore, #tpu.memory_space<semaphore_mem>>) {add = true}
      %mul3A_111 = arith.constant 2 : i32
      %mul3A_112 = arith.muli %while3A_72, %mul3A_111 : i32
      %add3A_113 = arith.constant 1 : i32
      %add3A_114 = arith.addi %mul3A_112, %add3A_113 : i32
      %dma_wait3A_115 = arith.constant 0 : i32
      %dma_wait3A_116 = arith.constant 0 : i32
      %dma_wait3A_117 = tpu.memref_slice %arg2[%dma_wait3A_115, %dma_wait3A_116] : memref<180000x128xf32, #tpu.memory_space<hbm>> -> memref<180000x128xf32, #tpu.memory_space<hbm>>
      tpu.wait_indirect_dma semaphore(%arg17 : memref<!tpu.dma_semaphore, #tpu.memory_space<semaphore_mem>>) src(%dma_wait3A_117 : memref<180000x128xf32, #tpu.memory_space<hbm>>) dst(%arg15 : memref<128x128xf32, #tpu.memory_space<vmem>>)
      %add3A_118 = arith.constant 2 : i32
      %add3A_119 = arith.addi %add3A_114, %add3A_118 : i32
      %lt3A_120 = arith.constant 80 : i32
      %lt3A_121 = arith.cmpi slt, %add3A_119, %lt3A_120 : i32
      %convert_element_type3A_122 = arith.extui %lt3A_121 : i1 to i32
      %cond3A_123 = arith.constant 0 : i32
      %cond3A_124 = arith.cmpi ne, %convert_element_type3A_122, %cond3A_123 : i32
      scf.if %cond3A_124 {
        %add3A_153 = arith.constant 2 : i32
        %add3A_154 = arith.addi %add3A_114, %add3A_153 : i32
        %dma_start3A_155 = arith.constant 0 : i32
        %dma_start3A_156 = tpu.memref_slice %arg3[%arg1, %add3A_154, %dma_start3A_155] : memref<16x80x128xi32, #tpu.memory_space<hbm>> -> memref<1x1x128xi32, #tpu.memory_space<hbm>>
        %dma_start3A_157 = tpu.memref_squeeze %dma_start3A_156 : memref<1x1x128xi32, #tpu.memory_space<hbm>> -> memref<128xi32, #tpu.memory_space<hbm>>
        %dma_start3A_158 = arith.constant 0 : i32
        %dma_start3A_159 = tpu.memref_slice %arg3[%arg1, %add3A_154, %dma_start3A_158] : memref<16x80x128xi32, #tpu.memory_space<hbm>> -> memref<1x1x128xi32, #tpu.memory_space<hbm>>
        %dma_start3A_160 = tpu.memref_squeeze %dma_start3A_159 : memref<1x1x128xi32, #tpu.memory_space<hbm>> -> memref<128xi32, #tpu.memory_space<hbm>>
        tpu.enqueue_dma source(%dma_start3A_160 : memref<128xi32, #tpu.memory_space<hbm>>) target(%arg11 : memref<128xi32, #tpu.memory_space<vmem>>) target_semaphore(%arg21 : memref<!tpu.dma_semaphore, #tpu.memory_space<semaphore_mem>>)
      } else {
      }
      %ge3A_125 = arith.constant 1 : i32
      %ge3A_126 = arith.cmpi sge, %add3A_114, %ge3A_125 : i32
      %convert_element_type3A_127 = arith.extui %ge3A_126 : i1 to i32
      %cond3A_128 = arith.constant 0 : i32
      %cond3A_129 = arith.cmpi ne, %convert_element_type3A_127, %cond3A_128 : i32
      scf.if %cond3A_129 {
        %dma_wait3A_153 = arith.constant 0 : i32
        %dma_wait3A_154 = arith.constant 0 : i32
        %dma_wait3A_155 = tpu.memref_slice %arg9[%dma_wait3A_153, %dma_wait3A_154] : memref<10240x128xf32, #tpu.memory_space<vmem_shared>> -> memref<10240x128xf32, #tpu.memory_space<vmem_shared>>
        tpu.wait_indirect_dma semaphore(%arg18 : memref<!tpu.dma_semaphore, #tpu.memory_space<semaphore_mem>>) src(%arg14 : memref<128x128xf32, #tpu.memory_space<vmem>>) dst(%dma_wait3A_155 : memref<10240x128xf32, #tpu.memory_space<vmem_shared>>)
      } else {
      }
      %add3A_130 = arith.constant 1 : i32
      %add3A_131 = arith.addi %add3A_114, %add3A_130 : i32
      %lt3A_132 = arith.constant 80 : i32
      %lt3A_133 = arith.cmpi slt, %add3A_131, %lt3A_132 : i32
      %convert_element_type3A_134 = arith.extui %lt3A_133 : i1 to i32
      %cond3A_135 = arith.constant 0 : i32
      %cond3A_136 = arith.cmpi ne, %convert_element_type3A_134, %cond3A_135 : i32
      scf.if %cond3A_136 {
        %add3A_153 = arith.constant 1 : i32
        %add3A_154 = arith.addi %add3A_114, %add3A_153 : i32
        %dma_start3A_155 = arith.constant 0 : i32
        %dma_start3A_156 = tpu.memref_slice %arg5[%arg0, %arg1, %add3A_154, %dma_start3A_155] : memref<2x16x80x128xi32, #tpu.memory_space<hbm>> -> memref<1x1x1x128xi32, #tpu.memory_space<hbm>>
        %dma_start3A_157 = tpu.memref_squeeze %dma_start3A_156 : memref<1x1x1x128xi32, #tpu.memory_space<hbm>> -> memref<128xi32, #tpu.memory_space<hbm>>
        %dma_start3A_158 = arith.constant 0 : i32
        %dma_start3A_159 = tpu.memref_slice %arg5[%arg0, %arg1, %add3A_154, %dma_start3A_158] : memref<2x16x80x128xi32, #tpu.memory_space<hbm>> -> memref<1x1x1x128xi32, #tpu.memory_space<hbm>>
        %dma_start3A_160 = tpu.memref_squeeze %dma_start3A_159 : memref<1x1x1x128xi32, #tpu.memory_space<hbm>> -> memref<128xi32, #tpu.memory_space<hbm>>
        tpu.enqueue_dma source(%dma_start3A_160 : memref<128xi32, #tpu.memory_space<hbm>>) target(%arg12 : memref<128xi32, #tpu.memory_space<vmem>>) target_semaphore(%arg22 : memref<!tpu.dma_semaphore, #tpu.memory_space<semaphore_mem>>)
      } else {
      }
      %add3A_137 = arith.constant 1 : i32
      %add3A_138 = arith.addi %add3A_114, %add3A_137 : i32
      %lt3A_139 = arith.constant 80 : i32
      %lt3A_140 = arith.cmpi slt, %add3A_138, %lt3A_139 : i32
      %convert_element_type3A_141 = arith.extui %lt3A_140 : i1 to i32
      %cond3A_142 = arith.constant 0 : i32
      %cond3A_143 = arith.cmpi ne, %convert_element_type3A_141, %cond3A_142 : i32
      scf.if %cond3A_143 {
        %add3A_153 = arith.constant 1 : i32
        %add3A_154 = arith.addi %add3A_114, %add3A_153 : i32
        %dma_wait3A_155 = arith.constant 0 : i32
        %dma_wait3A_156 = tpu.memref_slice %arg3[%arg1, %add3A_154, %dma_wait3A_155] : memref<16x80x128xi32, #tpu.memory_space<hbm>> -> memref<1x1x128xi32, #tpu.memory_space<hbm>>
        %dma_wait3A_157 = tpu.memref_squeeze %dma_wait3A_156 : memref<1x1x128xi32, #tpu.memory_space<hbm>> -> memref<128xi32, #tpu.memory_space<hbm>>
        %dma_wait3A_158 = arith.constant 0 : i32
        %dma_wait3A_159 = tpu.memref_slice %arg3[%arg1, %add3A_154, %dma_wait3A_158] : memref<16x80x128xi32, #tpu.memory_space<hbm>> -> memref<1x1x128xi32, #tpu.memory_space<hbm>>
        %dma_wait3A_160 = tpu.memref_squeeze %dma_wait3A_159 : memref<1x1x128xi32, #tpu.memory_space<hbm>> -> memref<128xi32, #tpu.memory_space<hbm>>
        tpu.wait_dma2 semaphore(%arg20 : memref<!tpu.dma_semaphore, #tpu.memory_space<semaphore_mem>>) src(%dma_wait3A_160 : memref<128xi32, #tpu.memory_space<hbm>>) dst(%arg10 : memref<128xi32, #tpu.memory_space<vmem>>)
        %dma_start3A_161 = arith.constant 0 : i32
        %dma_start3A_162 = arith.constant 0 : i32
        %dma_start3A_163 = tpu.memref_slice %arg2[%dma_start3A_161, %dma_start3A_162] : memref<180000x128xf32, #tpu.memory_space<hbm>> -> memref<180000x128xf32, #tpu.memory_space<hbm>>
        tpu.enqueue_indirect_dma source(%dma_start3A_163 : memref<180000x128xf32, #tpu.memory_space<hbm>>) target(%arg14 : memref<128x128xf32, #tpu.memory_space<vmem>>) offsets(%arg10 : memref<128xi32, #tpu.memory_space<vmem>>) semaphore(%arg16 : memref<!tpu.dma_semaphore, #tpu.memory_space<semaphore_mem>>)
      } else {
      }
      %dma_wait3A_144 = arith.constant 0 : i32
      %dma_wait3A_145 = tpu.memref_slice %arg5[%arg0, %arg1, %add3A_114, %dma_wait3A_144] : memref<2x16x80x128xi32, #tpu.memory_space<hbm>> -> memref<1x1x1x128xi32, #tpu.memory_space<hbm>>
      %dma_wait3A_146 = tpu.memref_squeeze %dma_wait3A_145 : memref<1x1x1x128xi32, #tpu.memory_space<hbm>> -> memref<128xi32, #tpu.memory_space<hbm>>
      %dma_wait3A_147 = arith.constant 0 : i32
      %dma_wait3A_148 = tpu.memref_slice %arg5[%arg0, %arg1, %add3A_114, %dma_wait3A_147] : memref<2x16x80x128xi32, #tpu.memory_space<hbm>> -> memref<1x1x1x128xi32, #tpu.memory_space<hbm>>
      %dma_wait3A_149 = tpu.memref_squeeze %dma_wait3A_148 : memref<1x1x1x128xi32, #tpu.memory_space<hbm>> -> memref<128xi32, #tpu.memory_space<hbm>>
      tpu.wait_dma2 semaphore(%arg23 : memref<!tpu.dma_semaphore, #tpu.memory_space<semaphore_mem>>) src(%dma_wait3A_149 : memref<128xi32, #tpu.memory_space<hbm>>) dst(%arg13 : memref<128xi32, #tpu.memory_space<vmem>>)
      %dma_start3A_150 = arith.constant 0 : i32
      %dma_start3A_151 = arith.constant 0 : i32
      %dma_start3A_152 = tpu.memref_slice %arg9[%dma_start3A_150, %dma_start3A_151] : memref<10240x128xf32, #tpu.memory_space<vmem_shared>> -> memref<10240x128xf32, #tpu.memory_space<vmem_shared>>
      tpu.enqueue_indirect_dma source(%arg15 : memref<128x128xf32, #tpu.memory_space<vmem>>) target(%dma_start3A_152 : memref<10240x128xf32, #tpu.memory_space<vmem_shared>>) offsets(%arg13 : memref<128xi32, #tpu.memory_space<vmem>>) semaphore(%arg19 : memref<!tpu.dma_semaphore, #tpu.memory_space<semaphore_mem>>) {add = true}
    }
    %while3A_28 = arith.constant 1 : i32
    scf.for %while3A_72 = %while3A_26 to %while3A_22 step %while3A_28  : i32 {
      %mul3A_73 = arith.constant 2 : i32
      %mul3A_74 = arith.muli %while3A_72, %mul3A_73 : i32
      %add3A_75 = arith.constant 0 : i32
      %add3A_76 = arith.addi %mul3A_74, %add3A_75 : i32
      %dma_wait3A_77 = arith.constant 0 : i32
      %dma_wait3A_78 = arith.constant 0 : i32
      %dma_wait3A_79 = tpu.memref_slice %arg2[%dma_wait3A_77, %dma_wait3A_78] : memref<180000x128xf32, #tpu.memory_space<hbm>> -> memref<180000x128xf32, #tpu.memory_space<hbm>>
      tpu.wait_indirect_dma semaphore(%arg16 : memref<!tpu.dma_semaphore, #tpu.memory_space<semaphore_mem>>) src(%dma_wait3A_79 : memref<180000x128xf32, #tpu.memory_space<hbm>>) dst(%arg14 : memref<128x128xf32, #tpu.memory_space<vmem>>)
      %add3A_80 = arith.constant 2 : i32
      %add3A_81 = arith.addi %add3A_76, %add3A_80 : i32
      %lt3A = arith.constant 80 : i32
      %lt3A_82 = arith.cmpi slt, %add3A_81, %lt3A : i32
      %convert_element_type3A = arith.extui %lt3A_82 : i1 to i32
      %cond3A = arith.constant 0 : i32
      %cond3A_83 = arith.cmpi ne, %convert_element_type3A, %cond3A : i32
      scf.if %cond3A_83 {
        %add3A_153 = arith.constant 2 : i32
        %add3A_154 = arith.addi %add3A_76, %add3A_153 : i32
        %dma_start3A_155 = arith.constant 0 : i32
        %dma_start3A_156 = tpu.memref_slice %arg3[%arg1, %add3A_154, %dma_start3A_155] : memref<16x80x128xi32, #tpu.memory_space<hbm>> -> memref<1x1x128xi32, #tpu.memory_space<hbm>>
        %dma_start3A_157 = tpu.memref_squeeze %dma_start3A_156 : memref<1x1x128xi32, #tpu.memory_space<hbm>> -> memref<128xi32, #tpu.memory_space<hbm>>
        %dma_start3A_158 = arith.constant 0 : i32
        %dma_start3A_159 = tpu.memref_slice %arg3[%arg1, %add3A_154, %dma_start3A_158] : memref<16x80x128xi32, #tpu.memory_space<hbm>> -> memref<1x1x128xi32, #tpu.memory_space<hbm>>
        %dma_start3A_160 = tpu.memref_squeeze %dma_start3A_159 : memref<1x1x128xi32, #tpu.memory_space<hbm>> -> memref<128xi32, #tpu.memory_space<hbm>>
        tpu.enqueue_dma source(%dma_start3A_160 : memref<128xi32, #tpu.memory_space<hbm>>) target(%arg10 : memref<128xi32, #tpu.memory_space<vmem>>) target_semaphore(%arg20 : memref<!tpu.dma_semaphore, #tpu.memory_space<semaphore_mem>>)
      } else {
      }
      %ge3A = arith.constant 1 : i32
      %ge3A_84 = arith.cmpi sge, %add3A_76, %ge3A : i32
      %convert_element_type3A_85 = arith.extui %ge3A_84 : i1 to i32
      %cond3A_86 = arith.constant 0 : i32
      %cond3A_87 = arith.cmpi ne, %convert_element_type3A_85, %cond3A_86 : i32
      scf.if %cond3A_87 {
        %dma_wait3A_153 = arith.constant 0 : i32
        %dma_wait3A_154 = arith.constant 0 : i32
        %dma_wait3A_155 = tpu.memref_slice %arg9[%dma_wait3A_153, %dma_wait3A_154] : memref<10240x128xf32, #tpu.memory_space<vmem_shared>> -> memref<10240x128xf32, #tpu.memory_space<vmem_shared>>
        tpu.wait_indirect_dma semaphore(%arg19 : memref<!tpu.dma_semaphore, #tpu.memory_space<semaphore_mem>>) src(%arg15 : memref<128x128xf32, #tpu.memory_space<vmem>>) dst(%dma_wait3A_155 : memref<10240x128xf32, #tpu.memory_space<vmem_shared>>)
      } else {
      }
      %add3A_88 = arith.constant 1 : i32
      %add3A_89 = arith.addi %add3A_76, %add3A_88 : i32
      %lt3A_90 = arith.constant 80 : i32
      %lt3A_91 = arith.cmpi slt, %add3A_89, %lt3A_90 : i32
      %convert_element_type3A_92 = arith.extui %lt3A_91 : i1 to i32
      %cond3A_93 = arith.constant 0 : i32
      %cond3A_94 = arith.cmpi ne, %convert_element_type3A_92, %cond3A_93 : i32
      scf.if %cond3A_94 {
        %add3A_153 = arith.constant 1 : i32
        %add3A_154 = arith.addi %add3A_76, %add3A_153 : i32
        %dma_start3A_155 = arith.constant 0 : i32
        %dma_start3A_156 = tpu.memref_slice %arg5[%arg0, %arg1, %add3A_154, %dma_start3A_155] : memref<2x16x80x128xi32, #tpu.memory_space<hbm>> -> memref<1x1x1x128xi32, #tpu.memory_space<hbm>>
        %dma_start3A_157 = tpu.memref_squeeze %dma_start3A_156 : memref<1x1x1x128xi32, #tpu.memory_space<hbm>> -> memref<128xi32, #tpu.memory_space<hbm>>
        %dma_start3A_158 = arith.constant 0 : i32
        %dma_start3A_159 = tpu.memref_slice %arg5[%arg0, %arg1, %add3A_154, %dma_start3A_158] : memref<2x16x80x128xi32, #tpu.memory_space<hbm>> -> memref<1x1x1x128xi32, #tpu.memory_space<hbm>>
        %dma_start3A_160 = tpu.memref_squeeze %dma_start3A_159 : memref<1x1x1x128xi32, #tpu.memory_space<hbm>> -> memref<128xi32, #tpu.memory_space<hbm>>
        tpu.enqueue_dma source(%dma_start3A_160 : memref<128xi32, #tpu.memory_space<hbm>>) target(%arg13 : memref<128xi32, #tpu.memory_space<vmem>>) target_semaphore(%arg23 : memref<!tpu.dma_semaphore, #tpu.memory_space<semaphore_mem>>)
      } else {
      }
      %add3A_95 = arith.constant 1 : i32
      %add3A_96 = arith.addi %add3A_76, %add3A_95 : i32
      %lt3A_97 = arith.constant 80 : i32
      %lt3A_98 = arith.cmpi slt, %add3A_96, %lt3A_97 : i32
      %convert_element_type3A_99 = arith.extui %lt3A_98 : i1 to i32
      %cond3A_100 = arith.constant 0 : i32
      %cond3A_101 = arith.cmpi ne, %convert_element_type3A_99, %cond3A_100 : i32
      scf.if %cond3A_101 {
        %add3A_153 = arith.constant 1 : i32
        %add3A_154 = arith.addi %add3A_76, %add3A_153 : i32
        %dma_wait3A_155 = arith.constant 0 : i32
        %dma_wait3A_156 = tpu.memref_slice %arg3[%arg1, %add3A_154, %dma_wait3A_155] : memref<16x80x128xi32, #tpu.memory_space<hbm>> -> memref<1x1x128xi32, #tpu.memory_space<hbm>>
        %dma_wait3A_157 = tpu.memref_squeeze %dma_wait3A_156 : memref<1x1x128xi32, #tpu.memory_space<hbm>> -> memref<128xi32, #tpu.memory_space<hbm>>
        %dma_wait3A_158 = arith.constant 0 : i32
        %dma_wait3A_159 = tpu.memref_slice %arg3[%arg1, %add3A_154, %dma_wait3A_158] : memref<16x80x128xi32, #tpu.memory_space<hbm>> -> memref<1x1x128xi32, #tpu.memory_space<hbm>>
        %dma_wait3A_160 = tpu.memref_squeeze %dma_wait3A_159 : memref<1x1x128xi32, #tpu.memory_space<hbm>> -> memref<128xi32, #tpu.memory_space<hbm>>
        tpu.wait_dma2 semaphore(%arg21 : memref<!tpu.dma_semaphore, #tpu.memory_space<semaphore_mem>>) src(%dma_wait3A_160 : memref<128xi32, #tpu.memory_space<hbm>>) dst(%arg11 : memref<128xi32, #tpu.memory_space<vmem>>)
        %dma_start3A_161 = arith.constant 0 : i32
        %dma_start3A_162 = arith.constant 0 : i32
        %dma_start3A_163 = tpu.memref_slice %arg2[%dma_start3A_161, %dma_start3A_162] : memref<180000x128xf32, #tpu.memory_space<hbm>> -> memref<180000x128xf32, #tpu.memory_space<hbm>>
        tpu.enqueue_indirect_dma source(%dma_start3A_163 : memref<180000x128xf32, #tpu.memory_space<hbm>>) target(%arg15 : memref<128x128xf32, #tpu.memory_space<vmem>>) offsets(%arg11 : memref<128xi32, #tpu.memory_space<vmem>>) semaphore(%arg17 : memref<!tpu.dma_semaphore, #tpu.memory_space<semaphore_mem>>)
      } else {
      }
      %dma_wait3A_102 = arith.constant 0 : i32
      %dma_wait3A_103 = tpu.memref_slice %arg5[%arg0, %arg1, %add3A_76, %dma_wait3A_102] : memref<2x16x80x128xi32, #tpu.memory_space<hbm>> -> memref<1x1x1x128xi32, #tpu.memory_space<hbm>>
      %dma_wait3A_104 = tpu.memref_squeeze %dma_wait3A_103 : memref<1x1x1x128xi32, #tpu.memory_space<hbm>> -> memref<128xi32, #tpu.memory_space<hbm>>
      %dma_wait3A_105 = arith.constant 0 : i32
      %dma_wait3A_106 = tpu.memref_slice %arg5[%arg0, %arg1, %add3A_76, %dma_wait3A_105] : memref<2x16x80x128xi32, #tpu.memory_space<hbm>> -> memref<1x1x1x128xi32, #tpu.memory_space<hbm>>
      %dma_wait3A_107 = tpu.memref_squeeze %dma_wait3A_106 : memref<1x1x1x128xi32, #tpu.memory_space<hbm>> -> memref<128xi32, #tpu.memory_space<hbm>>
      tpu.wait_dma2 semaphore(%arg22 : memref<!tpu.dma_semaphore, #tpu.memory_space<semaphore_mem>>) src(%dma_wait3A_107 : memref<128xi32, #tpu.memory_space<hbm>>) dst(%arg12 : memref<128xi32, #tpu.memory_space<vmem>>)
      %dma_start3A_108 = arith.constant 0 : i32
      %dma_start3A_109 = arith.constant 0 : i32
      %dma_start3A_110 = tpu.memref_slice %arg9[%dma_start3A_108, %dma_start3A_109] : memref<10240x128xf32, #tpu.memory_space<vmem_shared>> -> memref<10240x128xf32, #tpu.memory_space<vmem_shared>>
      tpu.enqueue_indirect_dma source(%arg14 : memref<128x128xf32, #tpu.memory_space<vmem>>) target(%dma_start3A_110 : memref<10240x128xf32, #tpu.memory_space<vmem_shared>>) offsets(%arg12 : memref<128xi32, #tpu.memory_space<vmem>>) semaphore(%arg18 : memref<!tpu.dma_semaphore, #tpu.memory_space<semaphore_mem>>) {add = true}
      %mul3A_111 = arith.constant 2 : i32
      %mul3A_112 = arith.muli %while3A_72, %mul3A_111 : i32
      %add3A_113 = arith.constant 1 : i32
      %add3A_114 = arith.addi %mul3A_112, %add3A_113 : i32
      %dma_wait3A_115 = arith.constant 0 : i32
      %dma_wait3A_116 = arith.constant 0 : i32
      %dma_wait3A_117 = tpu.memref_slice %arg2[%dma_wait3A_115, %dma_wait3A_116] : memref<180000x128xf32, #tpu.memory_space<hbm>> -> memref<180000x128xf32, #tpu.memory_space<hbm>>
      tpu.wait_indirect_dma semaphore(%arg17 : memref<!tpu.dma_semaphore, #tpu.memory_space<semaphore_mem>>) src(%dma_wait3A_117 : memref<180000x128xf32, #tpu.memory_space<hbm>>) dst(%arg15 : memref<128x128xf32, #tpu.memory_space<vmem>>)
      %add3A_118 = arith.constant 2 : i32
      %add3A_119 = arith.addi %add3A_114, %add3A_118 : i32
      %lt3A_120 = arith.constant 80 : i32
      %lt3A_121 = arith.cmpi slt, %add3A_119, %lt3A_120 : i32
      %convert_element_type3A_122 = arith.extui %lt3A_121 : i1 to i32
      %cond3A_123 = arith.constant 0 : i32
      %cond3A_124 = arith.cmpi ne, %convert_element_type3A_122, %cond3A_123 : i32
      scf.if %cond3A_124 {
        %add3A_153 = arith.constant 2 : i32
        %add3A_154 = arith.addi %add3A_114, %add3A_153 : i32
        %dma_start3A_155 = arith.constant 0 : i32
        %dma_start3A_156 = tpu.memref_slice %arg3[%arg1, %add3A_154, %dma_start3A_155] : memref<16x80x128xi32, #tpu.memory_space<hbm>> -> memref<1x1x128xi32, #tpu.memory_space<hbm>>
        %dma_start3A_157 = tpu.memref_squeeze %dma_start3A_156 : memref<1x1x128xi32, #tpu.memory_space<hbm>> -> memref<128xi32, #tpu.memory_space<hbm>>
        %dma_start3A_158 = arith.constant 0 : i32
        %dma_start3A_159 = tpu.memref_slice %arg3[%arg1, %add3A_154, %dma_start3A_158] : memref<16x80x128xi32, #tpu.memory_space<hbm>> -> memref<1x1x128xi32, #tpu.memory_space<hbm>>
        %dma_start3A_160 = tpu.memref_squeeze %dma_start3A_159 : memref<1x1x128xi32, #tpu.memory_space<hbm>> -> memref<128xi32, #tpu.memory_space<hbm>>
        tpu.enqueue_dma source(%dma_start3A_160 : memref<128xi32, #tpu.memory_space<hbm>>) target(%arg11 : memref<128xi32, #tpu.memory_space<vmem>>) target_semaphore(%arg21 : memref<!tpu.dma_semaphore, #tpu.memory_space<semaphore_mem>>)
      } else {
      }
      %ge3A_125 = arith.constant 1 : i32
      %ge3A_126 = arith.cmpi sge, %add3A_114, %ge3A_125 : i32
      %convert_element_type3A_127 = arith.extui %ge3A_126 : i1 to i32
      %cond3A_128 = arith.constant 0 : i32
      %cond3A_129 = arith.cmpi ne, %convert_element_type3A_127, %cond3A_128 : i32
      scf.if %cond3A_129 {
        %dma_wait3A_153 = arith.constant 0 : i32
        %dma_wait3A_154 = arith.constant 0 : i32
        %dma_wait3A_155 = tpu.memref_slice %arg9[%dma_wait3A_153, %dma_wait3A_154] : memref<10240x128xf32, #tpu.memory_space<vmem_shared>> -> memref<10240x128xf32, #tpu.memory_space<vmem_shared>>
        tpu.wait_indirect_dma semaphore(%arg18 : memref<!tpu.dma_semaphore, #tpu.memory_space<semaphore_mem>>) src(%arg14 : memref<128x128xf32, #tpu.memory_space<vmem>>) dst(%dma_wait3A_155 : memref<10240x128xf32, #tpu.memory_space<vmem_shared>>)
      } else {
      }
      %add3A_130 = arith.constant 1 : i32
      %add3A_131 = arith.addi %add3A_114, %add3A_130 : i32
      %lt3A_132 = arith.constant 80 : i32
      %lt3A_133 = arith.cmpi slt, %add3A_131, %lt3A_132 : i32
      %convert_element_type3A_134 = arith.extui %lt3A_133 : i1 to i32
      %cond3A_135 = arith.constant 0 : i32
      %cond3A_136 = arith.cmpi ne, %convert_element_type3A_134, %cond3A_135 : i32
      scf.if %cond3A_136 {
        %add3A_153 = arith.constant 1 : i32
        %add3A_154 = arith.addi %add3A_114, %add3A_153 : i32
        %dma_start3A_155 = arith.constant 0 : i32
        %dma_start3A_156 = tpu.memref_slice %arg5[%arg0, %arg1, %add3A_154, %dma_start3A_155] : memref<2x16x80x128xi32, #tpu.memory_space<hbm>> -> memref<1x1x1x128xi32, #tpu.memory_space<hbm>>
        %dma_start3A_157 = tpu.memref_squeeze %dma_start3A_156 : memref<1x1x1x128xi32, #tpu.memory_space<hbm>> -> memref<128xi32, #tpu.memory_space<hbm>>
        %dma_start3A_158 = arith.constant 0 : i32
        %dma_start3A_159 = tpu.memref_slice %arg5[%arg0, %arg1, %add3A_154, %dma_start3A_158] : memref<2x16x80x128xi32, #tpu.memory_space<hbm>> -> memref<1x1x1x128xi32, #tpu.memory_space<hbm>>
        %dma_start3A_160 = tpu.memref_squeeze %dma_start3A_159 : memref<1x1x1x128xi32, #tpu.memory_space<hbm>> -> memref<128xi32, #tpu.memory_space<hbm>>
        tpu.enqueue_dma source(%dma_start3A_160 : memref<128xi32, #tpu.memory_space<hbm>>) target(%arg12 : memref<128xi32, #tpu.memory_space<vmem>>) target_semaphore(%arg22 : memref<!tpu.dma_semaphore, #tpu.memory_space<semaphore_mem>>)
      } else {
      }
      %add3A_137 = arith.constant 1 : i32
      %add3A_138 = arith.addi %add3A_114, %add3A_137 : i32
      %lt3A_139 = arith.constant 80 : i32
      %lt3A_140 = arith.cmpi slt, %add3A_138, %lt3A_139 : i32
      %convert_element_type3A_141 = arith.extui %lt3A_140 : i1 to i32
      %cond3A_142 = arith.constant 0 : i32
      %cond3A_143 = arith.cmpi ne, %convert_element_type3A_141, %cond3A_142 : i32
      scf.if %cond3A_143 {
        %add3A_153 = arith.constant 1 : i32
        %add3A_154 = arith.addi %add3A_114, %add3A_153 : i32
        %dma_wait3A_155 = arith.constant 0 : i32
        %dma_wait3A_156 = tpu.memref_slice %arg3[%arg1, %add3A_154, %dma_wait3A_155] : memref<16x80x128xi32, #tpu.memory_space<hbm>> -> memref<1x1x128xi32, #tpu.memory_space<hbm>>
        %dma_wait3A_157 = tpu.memref_squeeze %dma_wait3A_156 : memref<1x1x128xi32, #tpu.memory_space<hbm>> -> memref<128xi32, #tpu.memory_space<hbm>>
        %dma_wait3A_158 = arith.constant 0 : i32
        %dma_wait3A_159 = tpu.memref_slice %arg3[%arg1, %add3A_154, %dma_wait3A_158] : memref<16x80x128xi32, #tpu.memory_space<hbm>> -> memref<1x1x128xi32, #tpu.memory_space<hbm>>
        %dma_wait3A_160 = tpu.memref_squeeze %dma_wait3A_159 : memref<1x1x128xi32, #tpu.memory_space<hbm>> -> memref<128xi32, #tpu.memory_space<hbm>>
        tpu.wait_dma2 semaphore(%arg20 : memref<!tpu.dma_semaphore, #tpu.memory_space<semaphore_mem>>) src(%dma_wait3A_160 : memref<128xi32, #tpu.memory_space<hbm>>) dst(%arg10 : memref<128xi32, #tpu.memory_space<vmem>>)
        %dma_start3A_161 = arith.constant 0 : i32
        %dma_start3A_162 = arith.constant 0 : i32
        %dma_start3A_163 = tpu.memref_slice %arg2[%dma_start3A_161, %dma_start3A_162] : memref<180000x128xf32, #tpu.memory_space<hbm>> -> memref<180000x128xf32, #tpu.memory_space<hbm>>
        tpu.enqueue_indirect_dma source(%dma_start3A_163 : memref<180000x128xf32, #tpu.memory_space<hbm>>) target(%arg14 : memref<128x128xf32, #tpu.memory_space<vmem>>) offsets(%arg10 : memref<128xi32, #tpu.memory_space<vmem>>) semaphore(%arg16 : memref<!tpu.dma_semaphore, #tpu.memory_space<semaphore_mem>>)
      } else {
      }
      %dma_wait3A_144 = arith.constant 0 : i32
      %dma_wait3A_145 = tpu.memref_slice %arg5[%arg0, %arg1, %add3A_114, %dma_wait3A_144] : memref<2x16x80x128xi32, #tpu.memory_space<hbm>> -> memref<1x1x1x128xi32, #tpu.memory_space<hbm>>
      %dma_wait3A_146 = tpu.memref_squeeze %dma_wait3A_145 : memref<1x1x1x128xi32, #tpu.memory_space<hbm>> -> memref<128xi32, #tpu.memory_space<hbm>>
      %dma_wait3A_147 = arith.constant 0 : i32
      %dma_wait3A_148 = tpu.memref_slice %arg5[%arg0, %arg1, %add3A_114, %dma_wait3A_147] : memref<2x16x80x128xi32, #tpu.memory_space<hbm>> -> memref<1x1x1x128xi32, #tpu.memory_space<hbm>>
      %dma_wait3A_149 = tpu.memref_squeeze %dma_wait3A_148 : memref<1x1x1x128xi32, #tpu.memory_space<hbm>> -> memref<128xi32, #tpu.memory_space<hbm>>
      tpu.wait_dma2 semaphore(%arg23 : memref<!tpu.dma_semaphore, #tpu.memory_space<semaphore_mem>>) src(%dma_wait3A_149 : memref<128xi32, #tpu.memory_space<hbm>>) dst(%arg13 : memref<128xi32, #tpu.memory_space<vmem>>)
      %dma_start3A_150 = arith.constant 0 : i32
      %dma_start3A_151 = arith.constant 0 : i32
      %dma_start3A_152 = tpu.memref_slice %arg9[%dma_start3A_150, %dma_start3A_151] : memref<10240x128xf32, #tpu.memory_space<vmem_shared>> -> memref<10240x128xf32, #tpu.memory_space<vmem_shared>>
      tpu.enqueue_indirect_dma source(%arg15 : memref<128x128xf32, #tpu.memory_space<vmem>>) target(%dma_start3A_152 : memref<10240x128xf32, #tpu.memory_space<vmem_shared>>) offsets(%arg13 : memref<128xi32, #tpu.memory_space<vmem>>) semaphore(%arg19 : memref<!tpu.dma_semaphore, #tpu.memory_space<semaphore_mem>>) {add = true}
    }
    %dma_wait3A = arith.constant 0 : i32
    %dma_wait3A_29 = arith.constant 0 : i32
    %dma_wait3A_30 = tpu.memref_slice %arg9[%dma_wait3A, %dma_wait3A_29] : memref<10240x128xf32, #tpu.memory_space<vmem_shared>> -> memref<10240x128xf32, #tpu.memory_space<vmem_shared>>
    tpu.wait_indirect_dma semaphore(%arg19 : memref<!tpu.dma_semaphore, #tpu.memory_space<semaphore_mem>>) src(%arg15 : memref<128x128xf32, #tpu.memory_space<vmem>>) dst(%dma_wait3A_30 : memref<10240x128xf32, #tpu.memory_space<vmem_shared>>)
    %run_scoped3A_31 = arith.constant 0 : i32
    "tpu.region"() ({
      %run_scoped3A_72 = tpu.sem_alloc : memref<!tpu.dma_semaphore, #tpu.memory_space<semaphore_mem>>
      %dma_start3A_73 = arith.constant 0 : i32
      %dma_start3A_74 = tpu.memref_slice %arg4[%arg1, %run_scoped3A_31, %dma_start3A_73] : memref<16x80x128xi32, #tpu.memory_space<hbm>> -> memref<1x1x128xi32, #tpu.memory_space<hbm>>
      %dma_start3A_75 = tpu.memref_squeeze %dma_start3A_74 : memref<1x1x128xi32, #tpu.memory_space<hbm>> -> memref<128xi32, #tpu.memory_space<hbm>>
      %dma_start3A_76 = arith.constant 0 : i32
      %dma_start3A_77 = tpu.memref_slice %arg4[%arg1, %run_scoped3A_31, %dma_start3A_76] : memref<16x80x128xi32, #tpu.memory_space<hbm>> -> memref<1x1x128xi32, #tpu.memory_space<hbm>>
      %dma_start3A_78 = tpu.memref_squeeze %dma_start3A_77 : memref<1x1x128xi32, #tpu.memory_space<hbm>> -> memref<128xi32, #tpu.memory_space<hbm>>
      tpu.enqueue_dma source(%dma_start3A_78 : memref<128xi32, #tpu.memory_space<hbm>>) target(%arg10 : memref<128xi32, #tpu.memory_space<vmem>>) target_semaphore(%run_scoped3A_72 : memref<!tpu.dma_semaphore, #tpu.memory_space<semaphore_mem>>)
      %dma_wait3A_79 = arith.constant 0 : i32
      %dma_wait3A_80 = tpu.memref_slice %arg4[%arg1, %run_scoped3A_31, %dma_wait3A_79] : memref<16x80x128xi32, #tpu.memory_space<hbm>> -> memref<1x1x128xi32, #tpu.memory_space<hbm>>
      %dma_wait3A_81 = tpu.memref_squeeze %dma_wait3A_80 : memref<1x1x128xi32, #tpu.memory_space<hbm>> -> memref<128xi32, #tpu.memory_space<hbm>>
      %dma_wait3A_82 = arith.constant 0 : i32
      %dma_wait3A_83 = tpu.memref_slice %arg4[%arg1, %run_scoped3A_31, %dma_wait3A_82] : memref<16x80x128xi32, #tpu.memory_space<hbm>> -> memref<1x1x128xi32, #tpu.memory_space<hbm>>
      %dma_wait3A_84 = tpu.memref_squeeze %dma_wait3A_83 : memref<1x1x128xi32, #tpu.memory_space<hbm>> -> memref<128xi32, #tpu.memory_space<hbm>>
      tpu.wait_dma2 semaphore(%run_scoped3A_72 : memref<!tpu.dma_semaphore, #tpu.memory_space<semaphore_mem>>) src(%dma_wait3A_84 : memref<128xi32, #tpu.memory_space<hbm>>) dst(%arg10 : memref<128xi32, #tpu.memory_space<vmem>>)
      tpu.yield
    }) : () -> ()
    %dma_start3A_32 = arith.constant 0 : i32
    %dma_start3A_33 = arith.constant 0 : i32
    %dma_start3A_34 = tpu.memref_slice %arg6[%arg0, %arg1, %dma_start3A_32, %dma_start3A_33] : memref<2x16x80x128xi32, #tpu.memory_space<hbm>> -> memref<1x1x1x128xi32, #tpu.memory_space<hbm>>
    %dma_start3A_35 = tpu.memref_squeeze %dma_start3A_34 : memref<1x1x1x128xi32, #tpu.memory_space<hbm>> -> memref<128xi32, #tpu.memory_space<hbm>>
    %dma_start3A_36 = arith.constant 0 : i32
    %dma_start3A_37 = tpu.memref_slice %arg6[%arg0, %arg1, %dma_start3A_32, %dma_start3A_36] : memref<2x16x80x128xi32, #tpu.memory_space<hbm>> -> memref<1x1x1x128xi32, #tpu.memory_space<hbm>>
    %dma_start3A_38 = tpu.memref_squeeze %dma_start3A_37 : memref<1x1x1x128xi32, #tpu.memory_space<hbm>> -> memref<128xi32, #tpu.memory_space<hbm>>
    tpu.enqueue_dma source(%dma_start3A_38 : memref<128xi32, #tpu.memory_space<hbm>>) target(%arg12 : memref<128xi32, #tpu.memory_space<vmem>>) target_semaphore(%arg22 : memref<!tpu.dma_semaphore, #tpu.memory_space<semaphore_mem>>)
    %dma_start3A_39 = arith.constant 0 : i32
    %dma_start3A_40 = arith.constant 0 : i32
    %dma_start3A_41 = tpu.memref_slice %arg2[%dma_start3A_39, %dma_start3A_40] : memref<180000x128xf32, #tpu.memory_space<hbm>> -> memref<180000x128xf32, #tpu.memory_space<hbm>>
    tpu.enqueue_indirect_dma source(%dma_start3A_41 : memref<180000x128xf32, #tpu.memory_space<hbm>>) target(%arg14 : memref<128x128xf32, #tpu.memory_space<vmem>>) offsets(%arg10 : memref<128xi32, #tpu.memory_space<vmem>>) semaphore(%arg16 : memref<!tpu.dma_semaphore, #tpu.memory_space<semaphore_mem>>)
    %dma_start3A_42 = arith.constant 1 : i32
    %dma_start3A_43 = arith.constant 0 : i32
    %dma_start3A_44 = tpu.memref_slice %arg4[%arg1, %dma_start3A_42, %dma_start3A_43] : memref<16x80x128xi32, #tpu.memory_space<hbm>> -> memref<1x1x128xi32, #tpu.memory_space<hbm>>
    %dma_start3A_45 = tpu.memref_squeeze %dma_start3A_44 : memref<1x1x128xi32, #tpu.memory_space<hbm>> -> memref<128xi32, #tpu.memory_space<hbm>>
    %dma_start3A_46 = arith.constant 0 : i32
    %dma_start3A_47 = tpu.memref_slice %arg4[%arg1, %dma_start3A_42, %dma_start3A_46] : memref<16x80x128xi32, #tpu.memory_space<hbm>> -> memref<1x1x128xi32, #tpu.memory_space<hbm>>
    %dma_start3A_48 = tpu.memref_squeeze %dma_start3A_47 : memref<1x1x128xi32, #tpu.memory_space<hbm>> -> memref<128xi32, #tpu.memory_space<hbm>>
    tpu.enqueue_dma source(%dma_start3A_48 : memref<128xi32, #tpu.memory_space<hbm>>) target(%arg11 : memref<128xi32, #tpu.memory_space<vmem>>) target_semaphore(%arg21 : memref<!tpu.dma_semaphore, #tpu.memory_space<semaphore_mem>>)
    %while3A_49 = arith.constant 0 : i32
    %while3A_50 = arith.constant 0 : i32
    %while3A_51 = arith.constant 40 : i32
    %while3A_52 = arith.subi %while3A_51, %while3A_50 : i32
    %while3A_53 = arith.addi %while3A_50, %while3A_52 : i32
    %while3A_54 = arith.constant 1 : i32
    %while3A_55 = arith.divsi %while3A_52, %while3A_54 : i32
    %while3A_56 = arith.muli %while3A_55, %while3A_54 : i32
    %while3A_57 = arith.addi %while3A_50, %while3A_56 : i32
    %while3A_58 = arith.constant 1 : i32
    scf.for %while3A_72 = %while3A_50 to %while3A_57 step %while3A_58  : i32 {
      %mul3A_73 = arith.constant 2 : i32
      %mul3A_74 = arith.muli %while3A_72, %mul3A_73 : i32
      %add3A_75 = arith.constant 0 : i32
      %add3A_76 = arith.addi %mul3A_74, %add3A_75 : i32
      %dma_wait3A_77 = arith.constant 0 : i32
      %dma_wait3A_78 = arith.constant 0 : i32
      %dma_wait3A_79 = tpu.memref_slice %arg2[%dma_wait3A_77, %dma_wait3A_78] : memref<180000x128xf32, #tpu.memory_space<hbm>> -> memref<180000x128xf32, #tpu.memory_space<hbm>>
      tpu.wait_indirect_dma semaphore(%arg16 : memref<!tpu.dma_semaphore, #tpu.memory_space<semaphore_mem>>) src(%dma_wait3A_79 : memref<180000x128xf32, #tpu.memory_space<hbm>>) dst(%arg14 : memref<128x128xf32, #tpu.memory_space<vmem>>)
      %add3A_80 = arith.constant 2 : i32
      %add3A_81 = arith.addi %add3A_76, %add3A_80 : i32
      %lt3A = arith.constant 80 : i32
      %lt3A_82 = arith.cmpi slt, %add3A_81, %lt3A : i32
      %convert_element_type3A = arith.extui %lt3A_82 : i1 to i32
      %cond3A = arith.constant 0 : i32
      %cond3A_83 = arith.cmpi ne, %convert_element_type3A, %cond3A : i32
      scf.if %cond3A_83 {
        %add3A_153 = arith.constant 2 : i32
        %add3A_154 = arith.addi %add3A_76, %add3A_153 : i32
        %dma_start3A_155 = arith.constant 0 : i32
        %dma_start3A_156 = tpu.memref_slice %arg4[%arg1, %add3A_154, %dma_start3A_155] : memref<16x80x128xi32, #tpu.memory_space<hbm>> -> memref<1x1x128xi32, #tpu.memory_space<hbm>>
        %dma_start3A_157 = tpu.memref_squeeze %dma_start3A_156 : memref<1x1x128xi32, #tpu.memory_space<hbm>> -> memref<128xi32, #tpu.memory_space<hbm>>
        %dma_start3A_158 = arith.constant 0 : i32
        %dma_start3A_159 = tpu.memref_slice %arg4[%arg1, %add3A_154, %dma_start3A_158] : memref<16x80x128xi32, #tpu.memory_space<hbm>> -> memref<1x1x128xi32, #tpu.memory_space<hbm>>
        %dma_start3A_160 = tpu.memref_squeeze %dma_start3A_159 : memref<1x1x128xi32, #tpu.memory_space<hbm>> -> memref<128xi32, #tpu.memory_space<hbm>>
        tpu.enqueue_dma source(%dma_start3A_160 : memref<128xi32, #tpu.memory_space<hbm>>) target(%arg10 : memref<128xi32, #tpu.memory_space<vmem>>) target_semaphore(%arg20 : memref<!tpu.dma_semaphore, #tpu.memory_space<semaphore_mem>>)
      } else {
      }
      %ge3A = arith.constant 1 : i32
      %ge3A_84 = arith.cmpi sge, %add3A_76, %ge3A : i32
      %convert_element_type3A_85 = arith.extui %ge3A_84 : i1 to i32
      %cond3A_86 = arith.constant 0 : i32
      %cond3A_87 = arith.cmpi ne, %convert_element_type3A_85, %cond3A_86 : i32
      scf.if %cond3A_87 {
        %dma_wait3A_153 = arith.constant 0 : i32
        %dma_wait3A_154 = arith.constant 0 : i32
        %dma_wait3A_155 = tpu.memref_slice %arg9[%dma_wait3A_153, %dma_wait3A_154] : memref<10240x128xf32, #tpu.memory_space<vmem_shared>> -> memref<10240x128xf32, #tpu.memory_space<vmem_shared>>
        tpu.wait_indirect_dma semaphore(%arg19 : memref<!tpu.dma_semaphore, #tpu.memory_space<semaphore_mem>>) src(%arg15 : memref<128x128xf32, #tpu.memory_space<vmem>>) dst(%dma_wait3A_155 : memref<10240x128xf32, #tpu.memory_space<vmem_shared>>)
      } else {
      }
      %add3A_88 = arith.constant 1 : i32
      %add3A_89 = arith.addi %add3A_76, %add3A_88 : i32
      %lt3A_90 = arith.constant 80 : i32
      %lt3A_91 = arith.cmpi slt, %add3A_89, %lt3A_90 : i32
      %convert_element_type3A_92 = arith.extui %lt3A_91 : i1 to i32
      %cond3A_93 = arith.constant 0 : i32
      %cond3A_94 = arith.cmpi ne, %convert_element_type3A_92, %cond3A_93 : i32
      scf.if %cond3A_94 {
        %add3A_153 = arith.constant 1 : i32
        %add3A_154 = arith.addi %add3A_76, %add3A_153 : i32
        %dma_start3A_155 = arith.constant 0 : i32
        %dma_start3A_156 = tpu.memref_slice %arg6[%arg0, %arg1, %add3A_154, %dma_start3A_155] : memref<2x16x80x128xi32, #tpu.memory_space<hbm>> -> memref<1x1x1x128xi32, #tpu.memory_space<hbm>>
        %dma_start3A_157 = tpu.memref_squeeze %dma_start3A_156 : memref<1x1x1x128xi32, #tpu.memory_space<hbm>> -> memref<128xi32, #tpu.memory_space<hbm>>
        %dma_start3A_158 = arith.constant 0 : i32
        %dma_start3A_159 = tpu.memref_slice %arg6[%arg0, %arg1, %add3A_154, %dma_start3A_158] : memref<2x16x80x128xi32, #tpu.memory_space<hbm>> -> memref<1x1x1x128xi32, #tpu.memory_space<hbm>>
        %dma_start3A_160 = tpu.memref_squeeze %dma_start3A_159 : memref<1x1x1x128xi32, #tpu.memory_space<hbm>> -> memref<128xi32, #tpu.memory_space<hbm>>
        tpu.enqueue_dma source(%dma_start3A_160 : memref<128xi32, #tpu.memory_space<hbm>>) target(%arg13 : memref<128xi32, #tpu.memory_space<vmem>>) target_semaphore(%arg23 : memref<!tpu.dma_semaphore, #tpu.memory_space<semaphore_mem>>)
      } else {
      }
      %add3A_95 = arith.constant 1 : i32
      %add3A_96 = arith.addi %add3A_76, %add3A_95 : i32
      %lt3A_97 = arith.constant 80 : i32
      %lt3A_98 = arith.cmpi slt, %add3A_96, %lt3A_97 : i32
      %convert_element_type3A_99 = arith.extui %lt3A_98 : i1 to i32
      %cond3A_100 = arith.constant 0 : i32
      %cond3A_101 = arith.cmpi ne, %convert_element_type3A_99, %cond3A_100 : i32
      scf.if %cond3A_101 {
        %add3A_153 = arith.constant 1 : i32
        %add3A_154 = arith.addi %add3A_76, %add3A_153 : i32
        %dma_wait3A_155 = arith.constant 0 : i32
        %dma_wait3A_156 = tpu.memref_slice %arg4[%arg1, %add3A_154, %dma_wait3A_155] : memref<16x80x128xi32, #tpu.memory_space<hbm>> -> memref<1x1x128xi32, #tpu.memory_space<hbm>>
        %dma_wait3A_157 = tpu.memref_squeeze %dma_wait3A_156 : memref<1x1x128xi32, #tpu.memory_space<hbm>> -> memref<128xi32, #tpu.memory_space<hbm>>
        %dma_wait3A_158 = arith.constant 0 : i32
        %dma_wait3A_159 = tpu.memref_slice %arg4[%arg1, %add3A_154, %dma_wait3A_158] : memref<16x80x128xi32, #tpu.memory_space<hbm>> -> memref<1x1x128xi32, #tpu.memory_space<hbm>>
        %dma_wait3A_160 = tpu.memref_squeeze %dma_wait3A_159 : memref<1x1x128xi32, #tpu.memory_space<hbm>> -> memref<128xi32, #tpu.memory_space<hbm>>
        tpu.wait_dma2 semaphore(%arg21 : memref<!tpu.dma_semaphore, #tpu.memory_space<semaphore_mem>>) src(%dma_wait3A_160 : memref<128xi32, #tpu.memory_space<hbm>>) dst(%arg11 : memref<128xi32, #tpu.memory_space<vmem>>)
        %dma_start3A_161 = arith.constant 0 : i32
        %dma_start3A_162 = arith.constant 0 : i32
        %dma_start3A_163 = tpu.memref_slice %arg2[%dma_start3A_161, %dma_start3A_162] : memref<180000x128xf32, #tpu.memory_space<hbm>> -> memref<180000x128xf32, #tpu.memory_space<hbm>>
        tpu.enqueue_indirect_dma source(%dma_start3A_163 : memref<180000x128xf32, #tpu.memory_space<hbm>>) target(%arg15 : memref<128x128xf32, #tpu.memory_space<vmem>>) offsets(%arg11 : memref<128xi32, #tpu.memory_space<vmem>>) semaphore(%arg17 : memref<!tpu.dma_semaphore, #tpu.memory_space<semaphore_mem>>)
      } else {
      }
      %dma_wait3A_102 = arith.constant 0 : i32
      %dma_wait3A_103 = tpu.memref_slice %arg6[%arg0, %arg1, %add3A_76, %dma_wait3A_102] : memref<2x16x80x128xi32, #tpu.memory_space<hbm>> -> memref<1x1x1x128xi32, #tpu.memory_space<hbm>>
      %dma_wait3A_104 = tpu.memref_squeeze %dma_wait3A_103 : memref<1x1x1x128xi32, #tpu.memory_space<hbm>> -> memref<128xi32, #tpu.memory_space<hbm>>
      %dma_wait3A_105 = arith.constant 0 : i32
      %dma_wait3A_106 = tpu.memref_slice %arg6[%arg0, %arg1, %add3A_76, %dma_wait3A_105] : memref<2x16x80x128xi32, #tpu.memory_space<hbm>> -> memref<1x1x1x128xi32, #tpu.memory_space<hbm>>
      %dma_wait3A_107 = tpu.memref_squeeze %dma_wait3A_106 : memref<1x1x1x128xi32, #tpu.memory_space<hbm>> -> memref<128xi32, #tpu.memory_space<hbm>>
      tpu.wait_dma2 semaphore(%arg22 : memref<!tpu.dma_semaphore, #tpu.memory_space<semaphore_mem>>) src(%dma_wait3A_107 : memref<128xi32, #tpu.memory_space<hbm>>) dst(%arg12 : memref<128xi32, #tpu.memory_space<vmem>>)
      %dma_start3A_108 = arith.constant 0 : i32
      %dma_start3A_109 = arith.constant 0 : i32
      %dma_start3A_110 = tpu.memref_slice %arg9[%dma_start3A_108, %dma_start3A_109] : memref<10240x128xf32, #tpu.memory_space<vmem_shared>> -> memref<10240x128xf32, #tpu.memory_space<vmem_shared>>
      tpu.enqueue_indirect_dma source(%arg14 : memref<128x128xf32, #tpu.memory_space<vmem>>) target(%dma_start3A_110 : memref<10240x128xf32, #tpu.memory_space<vmem_shared>>) offsets(%arg12 : memref<128xi32, #tpu.memory_space<vmem>>) semaphore(%arg18 : memref<!tpu.dma_semaphore, #tpu.memory_space<semaphore_mem>>) {add = true}
      %mul3A_111 = arith.constant 2 : i32
      %mul3A_112 = arith.muli %while3A_72, %mul3A_111 : i32
      %add3A_113 = arith.constant 1 : i32
      %add3A_114 = arith.addi %mul3A_112, %add3A_113 : i32
      %dma_wait3A_115 = arith.constant 0 : i32
      %dma_wait3A_116 = arith.constant 0 : i32
      %dma_wait3A_117 = tpu.memref_slice %arg2[%dma_wait3A_115, %dma_wait3A_116] : memref<180000x128xf32, #tpu.memory_space<hbm>> -> memref<180000x128xf32, #tpu.memory_space<hbm>>
      tpu.wait_indirect_dma semaphore(%arg17 : memref<!tpu.dma_semaphore, #tpu.memory_space<semaphore_mem>>) src(%dma_wait3A_117 : memref<180000x128xf32, #tpu.memory_space<hbm>>) dst(%arg15 : memref<128x128xf32, #tpu.memory_space<vmem>>)
      %add3A_118 = arith.constant 2 : i32
      %add3A_119 = arith.addi %add3A_114, %add3A_118 : i32
      %lt3A_120 = arith.constant 80 : i32
      %lt3A_121 = arith.cmpi slt, %add3A_119, %lt3A_120 : i32
      %convert_element_type3A_122 = arith.extui %lt3A_121 : i1 to i32
      %cond3A_123 = arith.constant 0 : i32
      %cond3A_124 = arith.cmpi ne, %convert_element_type3A_122, %cond3A_123 : i32
      scf.if %cond3A_124 {
        %add3A_153 = arith.constant 2 : i32
        %add3A_154 = arith.addi %add3A_114, %add3A_153 : i32
        %dma_start3A_155 = arith.constant 0 : i32
        %dma_start3A_156 = tpu.memref_slice %arg4[%arg1, %add3A_154, %dma_start3A_155] : memref<16x80x128xi32, #tpu.memory_space<hbm>> -> memref<1x1x128xi32, #tpu.memory_space<hbm>>
        %dma_start3A_157 = tpu.memref_squeeze %dma_start3A_156 : memref<1x1x128xi32, #tpu.memory_space<hbm>> -> memref<128xi32, #tpu.memory_space<hbm>>
        %dma_start3A_158 = arith.constant 0 : i32
        %dma_start3A_159 = tpu.memref_slice %arg4[%arg1, %add3A_154, %dma_start3A_158] : memref<16x80x128xi32, #tpu.memory_space<hbm>> -> memref<1x1x128xi32, #tpu.memory_space<hbm>>
        %dma_start3A_160 = tpu.memref_squeeze %dma_start3A_159 : memref<1x1x128xi32, #tpu.memory_space<hbm>> -> memref<128xi32, #tpu.memory_space<hbm>>
        tpu.enqueue_dma source(%dma_start3A_160 : memref<128xi32, #tpu.memory_space<hbm>>) target(%arg11 : memref<128xi32, #tpu.memory_space<vmem>>) target_semaphore(%arg21 : memref<!tpu.dma_semaphore, #tpu.memory_space<semaphore_mem>>)
      } else {
      }
      %ge3A_125 = arith.constant 1 : i32
      %ge3A_126 = arith.cmpi sge, %add3A_114, %ge3A_125 : i32
      %convert_element_type3A_127 = arith.extui %ge3A_126 : i1 to i32
      %cond3A_128 = arith.constant 0 : i32
      %cond3A_129 = arith.cmpi ne, %convert_element_type3A_127, %cond3A_128 : i32
      scf.if %cond3A_129 {
        %dma_wait3A_153 = arith.constant 0 : i32
        %dma_wait3A_154 = arith.constant 0 : i32
        %dma_wait3A_155 = tpu.memref_slice %arg9[%dma_wait3A_153, %dma_wait3A_154] : memref<10240x128xf32, #tpu.memory_space<vmem_shared>> -> memref<10240x128xf32, #tpu.memory_space<vmem_shared>>
        tpu.wait_indirect_dma semaphore(%arg18 : memref<!tpu.dma_semaphore, #tpu.memory_space<semaphore_mem>>) src(%arg14 : memref<128x128xf32, #tpu.memory_space<vmem>>) dst(%dma_wait3A_155 : memref<10240x128xf32, #tpu.memory_space<vmem_shared>>)
      } else {
      }
      %add3A_130 = arith.constant 1 : i32
      %add3A_131 = arith.addi %add3A_114, %add3A_130 : i32
      %lt3A_132 = arith.constant 80 : i32
      %lt3A_133 = arith.cmpi slt, %add3A_131, %lt3A_132 : i32
      %convert_element_type3A_134 = arith.extui %lt3A_133 : i1 to i32
      %cond3A_135 = arith.constant 0 : i32
      %cond3A_136 = arith.cmpi ne, %convert_element_type3A_134, %cond3A_135 : i32
      scf.if %cond3A_136 {
        %add3A_153 = arith.constant 1 : i32
        %add3A_154 = arith.addi %add3A_114, %add3A_153 : i32
        %dma_start3A_155 = arith.constant 0 : i32
        %dma_start3A_156 = tpu.memref_slice %arg6[%arg0, %arg1, %add3A_154, %dma_start3A_155] : memref<2x16x80x128xi32, #tpu.memory_space<hbm>> -> memref<1x1x1x128xi32, #tpu.memory_space<hbm>>
        %dma_start3A_157 = tpu.memref_squeeze %dma_start3A_156 : memref<1x1x1x128xi32, #tpu.memory_space<hbm>> -> memref<128xi32, #tpu.memory_space<hbm>>
        %dma_start3A_158 = arith.constant 0 : i32
        %dma_start3A_159 = tpu.memref_slice %arg6[%arg0, %arg1, %add3A_154, %dma_start3A_158] : memref<2x16x80x128xi32, #tpu.memory_space<hbm>> -> memref<1x1x1x128xi32, #tpu.memory_space<hbm>>
        %dma_start3A_160 = tpu.memref_squeeze %dma_start3A_159 : memref<1x1x1x128xi32, #tpu.memory_space<hbm>> -> memref<128xi32, #tpu.memory_space<hbm>>
        tpu.enqueue_dma source(%dma_start3A_160 : memref<128xi32, #tpu.memory_space<hbm>>) target(%arg12 : memref<128xi32, #tpu.memory_space<vmem>>) target_semaphore(%arg22 : memref<!tpu.dma_semaphore, #tpu.memory_space<semaphore_mem>>)
      } else {
      }
      %add3A_137 = arith.constant 1 : i32
      %add3A_138 = arith.addi %add3A_114, %add3A_137 : i32
      %lt3A_139 = arith.constant 80 : i32
      %lt3A_140 = arith.cmpi slt, %add3A_138, %lt3A_139 : i32
      %convert_element_type3A_141 = arith.extui %lt3A_140 : i1 to i32
      %cond3A_142 = arith.constant 0 : i32
      %cond3A_143 = arith.cmpi ne, %convert_element_type3A_141, %cond3A_142 : i32
      scf.if %cond3A_143 {
        %add3A_153 = arith.constant 1 : i32
        %add3A_154 = arith.addi %add3A_114, %add3A_153 : i32
        %dma_wait3A_155 = arith.constant 0 : i32
        %dma_wait3A_156 = tpu.memref_slice %arg4[%arg1, %add3A_154, %dma_wait3A_155] : memref<16x80x128xi32, #tpu.memory_space<hbm>> -> memref<1x1x128xi32, #tpu.memory_space<hbm>>
        %dma_wait3A_157 = tpu.memref_squeeze %dma_wait3A_156 : memref<1x1x128xi32, #tpu.memory_space<hbm>> -> memref<128xi32, #tpu.memory_space<hbm>>
        %dma_wait3A_158 = arith.constant 0 : i32
        %dma_wait3A_159 = tpu.memref_slice %arg4[%arg1, %add3A_154, %dma_wait3A_158] : memref<16x80x128xi32, #tpu.memory_space<hbm>> -> memref<1x1x128xi32, #tpu.memory_space<hbm>>
        %dma_wait3A_160 = tpu.memref_squeeze %dma_wait3A_159 : memref<1x1x128xi32, #tpu.memory_space<hbm>> -> memref<128xi32, #tpu.memory_space<hbm>>
        tpu.wait_dma2 semaphore(%arg20 : memref<!tpu.dma_semaphore, #tpu.memory_space<semaphore_mem>>) src(%dma_wait3A_160 : memref<128xi32, #tpu.memory_space<hbm>>) dst(%arg10 : memref<128xi32, #tpu.memory_space<vmem>>)
        %dma_start3A_161 = arith.constant 0 : i32
        %dma_start3A_162 = arith.constant 0 : i32
        %dma_start3A_163 = tpu.memref_slice %arg2[%dma_start3A_161, %dma_start3A_162] : memref<180000x128xf32, #tpu.memory_space<hbm>> -> memref<180000x128xf32, #tpu.memory_space<hbm>>
        tpu.enqueue_indirect_dma source(%dma_start3A_163 : memref<180000x128xf32, #tpu.memory_space<hbm>>) target(%arg14 : memref<128x128xf32, #tpu.memory_space<vmem>>) offsets(%arg10 : memref<128xi32, #tpu.memory_space<vmem>>) semaphore(%arg16 : memref<!tpu.dma_semaphore, #tpu.memory_space<semaphore_mem>>)
      } else {
      }
      %dma_wait3A_144 = arith.constant 0 : i32
      %dma_wait3A_145 = tpu.memref_slice %arg6[%arg0, %arg1, %add3A_114, %dma_wait3A_144] : memref<2x16x80x128xi32, #tpu.memory_space<hbm>> -> memref<1x1x1x128xi32, #tpu.memory_space<hbm>>
      %dma_wait3A_146 = tpu.memref_squeeze %dma_wait3A_145 : memref<1x1x1x128xi32, #tpu.memory_space<hbm>> -> memref<128xi32, #tpu.memory_space<hbm>>
      %dma_wait3A_147 = arith.constant 0 : i32
      %dma_wait3A_148 = tpu.memref_slice %arg6[%arg0, %arg1, %add3A_114, %dma_wait3A_147] : memref<2x16x80x128xi32, #tpu.memory_space<hbm>> -> memref<1x1x1x128xi32, #tpu.memory_space<hbm>>
      %dma_wait3A_149 = tpu.memref_squeeze %dma_wait3A_148 : memref<1x1x1x128xi32, #tpu.memory_space<hbm>> -> memref<128xi32, #tpu.memory_space<hbm>>
      tpu.wait_dma2 semaphore(%arg23 : memref<!tpu.dma_semaphore, #tpu.memory_space<semaphore_mem>>) src(%dma_wait3A_149 : memref<128xi32, #tpu.memory_space<hbm>>) dst(%arg13 : memref<128xi32, #tpu.memory_space<vmem>>)
      %dma_start3A_150 = arith.constant 0 : i32
      %dma_start3A_151 = arith.constant 0 : i32
      %dma_start3A_152 = tpu.memref_slice %arg9[%dma_start3A_150, %dma_start3A_151] : memref<10240x128xf32, #tpu.memory_space<vmem_shared>> -> memref<10240x128xf32, #tpu.memory_space<vmem_shared>>
      tpu.enqueue_indirect_dma source(%arg15 : memref<128x128xf32, #tpu.memory_space<vmem>>) target(%dma_start3A_152 : memref<10240x128xf32, #tpu.memory_space<vmem_shared>>) offsets(%arg13 : memref<128xi32, #tpu.memory_space<vmem>>) semaphore(%arg19 : memref<!tpu.dma_semaphore, #tpu.memory_space<semaphore_mem>>) {add = true}
    }
    %while3A_59 = arith.constant 1 : i32
    scf.for %while3A_72 = %while3A_57 to %while3A_53 step %while3A_59  : i32 {
      %mul3A_73 = arith.constant 2 : i32
      %mul3A_74 = arith.muli %while3A_72, %mul3A_73 : i32
      %add3A_75 = arith.constant 0 : i32
      %add3A_76 = arith.addi %mul3A_74, %add3A_75 : i32
      %dma_wait3A_77 = arith.constant 0 : i32
      %dma_wait3A_78 = arith.constant 0 : i32
      %dma_wait3A_79 = tpu.memref_slice %arg2[%dma_wait3A_77, %dma_wait3A_78] : memref<180000x128xf32, #tpu.memory_space<hbm>> -> memref<180000x128xf32, #tpu.memory_space<hbm>>
      tpu.wait_indirect_dma semaphore(%arg16 : memref<!tpu.dma_semaphore, #tpu.memory_space<semaphore_mem>>) src(%dma_wait3A_79 : memref<180000x128xf32, #tpu.memory_space<hbm>>) dst(%arg14 : memref<128x128xf32, #tpu.memory_space<vmem>>)
      %add3A_80 = arith.constant 2 : i32
      %add3A_81 = arith.addi %add3A_76, %add3A_80 : i32
      %lt3A = arith.constant 80 : i32
      %lt3A_82 = arith.cmpi slt, %add3A_81, %lt3A : i32
      %convert_element_type3A = arith.extui %lt3A_82 : i1 to i32
      %cond3A = arith.constant 0 : i32
      %cond3A_83 = arith.cmpi ne, %convert_element_type3A, %cond3A : i32
      scf.if %cond3A_83 {
        %add3A_153 = arith.constant 2 : i32
        %add3A_154 = arith.addi %add3A_76, %add3A_153 : i32
        %dma_start3A_155 = arith.constant 0 : i32
        %dma_start3A_156 = tpu.memref_slice %arg4[%arg1, %add3A_154, %dma_start3A_155] : memref<16x80x128xi32, #tpu.memory_space<hbm>> -> memref<1x1x128xi32, #tpu.memory_space<hbm>>
        %dma_start3A_157 = tpu.memref_squeeze %dma_start3A_156 : memref<1x1x128xi32, #tpu.memory_space<hbm>> -> memref<128xi32, #tpu.memory_space<hbm>>
        %dma_start3A_158 = arith.constant 0 : i32
        %dma_start3A_159 = tpu.memref_slice %arg4[%arg1, %add3A_154, %dma_start3A_158] : memref<16x80x128xi32, #tpu.memory_space<hbm>> -> memref<1x1x128xi32, #tpu.memory_space<hbm>>
        %dma_start3A_160 = tpu.memref_squeeze %dma_start3A_159 : memref<1x1x128xi32, #tpu.memory_space<hbm>> -> memref<128xi32, #tpu.memory_space<hbm>>
        tpu.enqueue_dma source(%dma_start3A_160 : memref<128xi32, #tpu.memory_space<hbm>>) target(%arg10 : memref<128xi32, #tpu.memory_space<vmem>>) target_semaphore(%arg20 : memref<!tpu.dma_semaphore, #tpu.memory_space<semaphore_mem>>)
      } else {
      }
      %ge3A = arith.constant 1 : i32
      %ge3A_84 = arith.cmpi sge, %add3A_76, %ge3A : i32
      %convert_element_type3A_85 = arith.extui %ge3A_84 : i1 to i32
      %cond3A_86 = arith.constant 0 : i32
      %cond3A_87 = arith.cmpi ne, %convert_element_type3A_85, %cond3A_86 : i32
      scf.if %cond3A_87 {
        %dma_wait3A_153 = arith.constant 0 : i32
        %dma_wait3A_154 = arith.constant 0 : i32
        %dma_wait3A_155 = tpu.memref_slice %arg9[%dma_wait3A_153, %dma_wait3A_154] : memref<10240x128xf32, #tpu.memory_space<vmem_shared>> -> memref<10240x128xf32, #tpu.memory_space<vmem_shared>>
        tpu.wait_indirect_dma semaphore(%arg19 : memref<!tpu.dma_semaphore, #tpu.memory_space<semaphore_mem>>) src(%arg15 : memref<128x128xf32, #tpu.memory_space<vmem>>) dst(%dma_wait3A_155 : memref<10240x128xf32, #tpu.memory_space<vmem_shared>>)
      } else {
      }
      %add3A_88 = arith.constant 1 : i32
      %add3A_89 = arith.addi %add3A_76, %add3A_88 : i32
      %lt3A_90 = arith.constant 80 : i32
      %lt3A_91 = arith.cmpi slt, %add3A_89, %lt3A_90 : i32
      %convert_element_type3A_92 = arith.extui %lt3A_91 : i1 to i32
      %cond3A_93 = arith.constant 0 : i32
      %cond3A_94 = arith.cmpi ne, %convert_element_type3A_92, %cond3A_93 : i32
      scf.if %cond3A_94 {
        %add3A_153 = arith.constant 1 : i32
        %add3A_154 = arith.addi %add3A_76, %add3A_153 : i32
        %dma_start3A_155 = arith.constant 0 : i32
        %dma_start3A_156 = tpu.memref_slice %arg6[%arg0, %arg1, %add3A_154, %dma_start3A_155] : memref<2x16x80x128xi32, #tpu.memory_space<hbm>> -> memref<1x1x1x128xi32, #tpu.memory_space<hbm>>
        %dma_start3A_157 = tpu.memref_squeeze %dma_start3A_156 : memref<1x1x1x128xi32, #tpu.memory_space<hbm>> -> memref<128xi32, #tpu.memory_space<hbm>>
        %dma_start3A_158 = arith.constant 0 : i32
        %dma_start3A_159 = tpu.memref_slice %arg6[%arg0, %arg1, %add3A_154, %dma_start3A_158] : memref<2x16x80x128xi32, #tpu.memory_space<hbm>> -> memref<1x1x1x128xi32, #tpu.memory_space<hbm>>
        %dma_start3A_160 = tpu.memref_squeeze %dma_start3A_159 : memref<1x1x1x128xi32, #tpu.memory_space<hbm>> -> memref<128xi32, #tpu.memory_space<hbm>>
        tpu.enqueue_dma source(%dma_start3A_160 : memref<128xi32, #tpu.memory_space<hbm>>) target(%arg13 : memref<128xi32, #tpu.memory_space<vmem>>) target_semaphore(%arg23 : memref<!tpu.dma_semaphore, #tpu.memory_space<semaphore_mem>>)
      } else {
      }
      %add3A_95 = arith.constant 1 : i32
      %add3A_96 = arith.addi %add3A_76, %add3A_95 : i32
      %lt3A_97 = arith.constant 80 : i32
      %lt3A_98 = arith.cmpi slt, %add3A_96, %lt3A_97 : i32
      %convert_element_type3A_99 = arith.extui %lt3A_98 : i1 to i32
      %cond3A_100 = arith.constant 0 : i32
      %cond3A_101 = arith.cmpi ne, %convert_element_type3A_99, %cond3A_100 : i32
      scf.if %cond3A_101 {
        %add3A_153 = arith.constant 1 : i32
        %add3A_154 = arith.addi %add3A_76, %add3A_153 : i32
        %dma_wait3A_155 = arith.constant 0 : i32
        %dma_wait3A_156 = tpu.memref_slice %arg4[%arg1, %add3A_154, %dma_wait3A_155] : memref<16x80x128xi32, #tpu.memory_space<hbm>> -> memref<1x1x128xi32, #tpu.memory_space<hbm>>
        %dma_wait3A_157 = tpu.memref_squeeze %dma_wait3A_156 : memref<1x1x128xi32, #tpu.memory_space<hbm>> -> memref<128xi32, #tpu.memory_space<hbm>>
        %dma_wait3A_158 = arith.constant 0 : i32
        %dma_wait3A_159 = tpu.memref_slice %arg4[%arg1, %add3A_154, %dma_wait3A_158] : memref<16x80x128xi32, #tpu.memory_space<hbm>> -> memref<1x1x128xi32, #tpu.memory_space<hbm>>
        %dma_wait3A_160 = tpu.memref_squeeze %dma_wait3A_159 : memref<1x1x128xi32, #tpu.memory_space<hbm>> -> memref<128xi32, #tpu.memory_space<hbm>>
        tpu.wait_dma2 semaphore(%arg21 : memref<!tpu.dma_semaphore, #tpu.memory_space<semaphore_mem>>) src(%dma_wait3A_160 : memref<128xi32, #tpu.memory_space<hbm>>) dst(%arg11 : memref<128xi32, #tpu.memory_space<vmem>>)
        %dma_start3A_161 = arith.constant 0 : i32
        %dma_start3A_162 = arith.constant 0 : i32
        %dma_start3A_163 = tpu.memref_slice %arg2[%dma_start3A_161, %dma_start3A_162] : memref<180000x128xf32, #tpu.memory_space<hbm>> -> memref<180000x128xf32, #tpu.memory_space<hbm>>
        tpu.enqueue_indirect_dma source(%dma_start3A_163 : memref<180000x128xf32, #tpu.memory_space<hbm>>) target(%arg15 : memref<128x128xf32, #tpu.memory_space<vmem>>) offsets(%arg11 : memref<128xi32, #tpu.memory_space<vmem>>) semaphore(%arg17 : memref<!tpu.dma_semaphore, #tpu.memory_space<semaphore_mem>>)
      } else {
      }
      %dma_wait3A_102 = arith.constant 0 : i32
      %dma_wait3A_103 = tpu.memref_slice %arg6[%arg0, %arg1, %add3A_76, %dma_wait3A_102] : memref<2x16x80x128xi32, #tpu.memory_space<hbm>> -> memref<1x1x1x128xi32, #tpu.memory_space<hbm>>
      %dma_wait3A_104 = tpu.memref_squeeze %dma_wait3A_103 : memref<1x1x1x128xi32, #tpu.memory_space<hbm>> -> memref<128xi32, #tpu.memory_space<hbm>>
      %dma_wait3A_105 = arith.constant 0 : i32
      %dma_wait3A_106 = tpu.memref_slice %arg6[%arg0, %arg1, %add3A_76, %dma_wait3A_105] : memref<2x16x80x128xi32, #tpu.memory_space<hbm>> -> memref<1x1x1x128xi32, #tpu.memory_space<hbm>>
      %dma_wait3A_107 = tpu.memref_squeeze %dma_wait3A_106 : memref<1x1x1x128xi32, #tpu.memory_space<hbm>> -> memref<128xi32, #tpu.memory_space<hbm>>
      tpu.wait_dma2 semaphore(%arg22 : memref<!tpu.dma_semaphore, #tpu.memory_space<semaphore_mem>>) src(%dma_wait3A_107 : memref<128xi32, #tpu.memory_space<hbm>>) dst(%arg12 : memref<128xi32, #tpu.memory_space<vmem>>)
      %dma_start3A_108 = arith.constant 0 : i32
      %dma_start3A_109 = arith.constant 0 : i32
      %dma_start3A_110 = tpu.memref_slice %arg9[%dma_start3A_108, %dma_start3A_109] : memref<10240x128xf32, #tpu.memory_space<vmem_shared>> -> memref<10240x128xf32, #tpu.memory_space<vmem_shared>>
      tpu.enqueue_indirect_dma source(%arg14 : memref<128x128xf32, #tpu.memory_space<vmem>>) target(%dma_start3A_110 : memref<10240x128xf32, #tpu.memory_space<vmem_shared>>) offsets(%arg12 : memref<128xi32, #tpu.memory_space<vmem>>) semaphore(%arg18 : memref<!tpu.dma_semaphore, #tpu.memory_space<semaphore_mem>>) {add = true}
      %mul3A_111 = arith.constant 2 : i32
      %mul3A_112 = arith.muli %while3A_72, %mul3A_111 : i32
      %add3A_113 = arith.constant 1 : i32
      %add3A_114 = arith.addi %mul3A_112, %add3A_113 : i32
      %dma_wait3A_115 = arith.constant 0 : i32
      %dma_wait3A_116 = arith.constant 0 : i32
      %dma_wait3A_117 = tpu.memref_slice %arg2[%dma_wait3A_115, %dma_wait3A_116] : memref<180000x128xf32, #tpu.memory_space<hbm>> -> memref<180000x128xf32, #tpu.memory_space<hbm>>
      tpu.wait_indirect_dma semaphore(%arg17 : memref<!tpu.dma_semaphore, #tpu.memory_space<semaphore_mem>>) src(%dma_wait3A_117 : memref<180000x128xf32, #tpu.memory_space<hbm>>) dst(%arg15 : memref<128x128xf32, #tpu.memory_space<vmem>>)
      %add3A_118 = arith.constant 2 : i32
      %add3A_119 = arith.addi %add3A_114, %add3A_118 : i32
      %lt3A_120 = arith.constant 80 : i32
      %lt3A_121 = arith.cmpi slt, %add3A_119, %lt3A_120 : i32
      %convert_element_type3A_122 = arith.extui %lt3A_121 : i1 to i32
      %cond3A_123 = arith.constant 0 : i32
      %cond3A_124 = arith.cmpi ne, %convert_element_type3A_122, %cond3A_123 : i32
      scf.if %cond3A_124 {
        %add3A_153 = arith.constant 2 : i32
        %add3A_154 = arith.addi %add3A_114, %add3A_153 : i32
        %dma_start3A_155 = arith.constant 0 : i32
        %dma_start3A_156 = tpu.memref_slice %arg4[%arg1, %add3A_154, %dma_start3A_155] : memref<16x80x128xi32, #tpu.memory_space<hbm>> -> memref<1x1x128xi32, #tpu.memory_space<hbm>>
        %dma_start3A_157 = tpu.memref_squeeze %dma_start3A_156 : memref<1x1x128xi32, #tpu.memory_space<hbm>> -> memref<128xi32, #tpu.memory_space<hbm>>
        %dma_start3A_158 = arith.constant 0 : i32
        %dma_start3A_159 = tpu.memref_slice %arg4[%arg1, %add3A_154, %dma_start3A_158] : memref<16x80x128xi32, #tpu.memory_space<hbm>> -> memref<1x1x128xi32, #tpu.memory_space<hbm>>
        %dma_start3A_160 = tpu.memref_squeeze %dma_start3A_159 : memref<1x1x128xi32, #tpu.memory_space<hbm>> -> memref<128xi32, #tpu.memory_space<hbm>>
        tpu.enqueue_dma source(%dma_start3A_160 : memref<128xi32, #tpu.memory_space<hbm>>) target(%arg11 : memref<128xi32, #tpu.memory_space<vmem>>) target_semaphore(%arg21 : memref<!tpu.dma_semaphore, #tpu.memory_space<semaphore_mem>>)
      } else {
      }
      %ge3A_125 = arith.constant 1 : i32
      %ge3A_126 = arith.cmpi sge, %add3A_114, %ge3A_125 : i32
      %convert_element_type3A_127 = arith.extui %ge3A_126 : i1 to i32
      %cond3A_128 = arith.constant 0 : i32
      %cond3A_129 = arith.cmpi ne, %convert_element_type3A_127, %cond3A_128 : i32
      scf.if %cond3A_129 {
        %dma_wait3A_153 = arith.constant 0 : i32
        %dma_wait3A_154 = arith.constant 0 : i32
        %dma_wait3A_155 = tpu.memref_slice %arg9[%dma_wait3A_153, %dma_wait3A_154] : memref<10240x128xf32, #tpu.memory_space<vmem_shared>> -> memref<10240x128xf32, #tpu.memory_space<vmem_shared>>
        tpu.wait_indirect_dma semaphore(%arg18 : memref<!tpu.dma_semaphore, #tpu.memory_space<semaphore_mem>>) src(%arg14 : memref<128x128xf32, #tpu.memory_space<vmem>>) dst(%dma_wait3A_155 : memref<10240x128xf32, #tpu.memory_space<vmem_shared>>)
      } else {
      }
      %add3A_130 = arith.constant 1 : i32
      %add3A_131 = arith.addi %add3A_114, %add3A_130 : i32
      %lt3A_132 = arith.constant 80 : i32
      %lt3A_133 = arith.cmpi slt, %add3A_131, %lt3A_132 : i32
      %convert_element_type3A_134 = arith.extui %lt3A_133 : i1 to i32
      %cond3A_135 = arith.constant 0 : i32
      %cond3A_136 = arith.cmpi ne, %convert_element_type3A_134, %cond3A_135 : i32
      scf.if %cond3A_136 {
        %add3A_153 = arith.constant 1 : i32
        %add3A_154 = arith.addi %add3A_114, %add3A_153 : i32
        %dma_start3A_155 = arith.constant 0 : i32
        %dma_start3A_156 = tpu.memref_slice %arg6[%arg0, %arg1, %add3A_154, %dma_start3A_155] : memref<2x16x80x128xi32, #tpu.memory_space<hbm>> -> memref<1x1x1x128xi32, #tpu.memory_space<hbm>>
        %dma_start3A_157 = tpu.memref_squeeze %dma_start3A_156 : memref<1x1x1x128xi32, #tpu.memory_space<hbm>> -> memref<128xi32, #tpu.memory_space<hbm>>
        %dma_start3A_158 = arith.constant 0 : i32
        %dma_start3A_159 = tpu.memref_slice %arg6[%arg0, %arg1, %add3A_154, %dma_start3A_158] : memref<2x16x80x128xi32, #tpu.memory_space<hbm>> -> memref<1x1x1x128xi32, #tpu.memory_space<hbm>>
        %dma_start3A_160 = tpu.memref_squeeze %dma_start3A_159 : memref<1x1x1x128xi32, #tpu.memory_space<hbm>> -> memref<128xi32, #tpu.memory_space<hbm>>
        tpu.enqueue_dma source(%dma_start3A_160 : memref<128xi32, #tpu.memory_space<hbm>>) target(%arg12 : memref<128xi32, #tpu.memory_space<vmem>>) target_semaphore(%arg22 : memref<!tpu.dma_semaphore, #tpu.memory_space<semaphore_mem>>)
      } else {
      }
      %add3A_137 = arith.constant 1 : i32
      %add3A_138 = arith.addi %add3A_114, %add3A_137 : i32
      %lt3A_139 = arith.constant 80 : i32
      %lt3A_140 = arith.cmpi slt, %add3A_138, %lt3A_139 : i32
      %convert_element_type3A_141 = arith.extui %lt3A_140 : i1 to i32
      %cond3A_142 = arith.constant 0 : i32
      %cond3A_143 = arith.cmpi ne, %convert_element_type3A_141, %cond3A_142 : i32
      scf.if %cond3A_143 {
        %add3A_153 = arith.constant 1 : i32
        %add3A_154 = arith.addi %add3A_114, %add3A_153 : i32
        %dma_wait3A_155 = arith.constant 0 : i32
        %dma_wait3A_156 = tpu.memref_slice %arg4[%arg1, %add3A_154, %dma_wait3A_155] : memref<16x80x128xi32, #tpu.memory_space<hbm>> -> memref<1x1x128xi32, #tpu.memory_space<hbm>>
        %dma_wait3A_157 = tpu.memref_squeeze %dma_wait3A_156 : memref<1x1x128xi32, #tpu.memory_space<hbm>> -> memref<128xi32, #tpu.memory_space<hbm>>
        %dma_wait3A_158 = arith.constant 0 : i32
        %dma_wait3A_159 = tpu.memref_slice %arg4[%arg1, %add3A_154, %dma_wait3A_158] : memref<16x80x128xi32, #tpu.memory_space<hbm>> -> memref<1x1x128xi32, #tpu.memory_space<hbm>>
        %dma_wait3A_160 = tpu.memref_squeeze %dma_wait3A_159 : memref<1x1x128xi32, #tpu.memory_space<hbm>> -> memref<128xi32, #tpu.memory_space<hbm>>
        tpu.wait_dma2 semaphore(%arg20 : memref<!tpu.dma_semaphore, #tpu.memory_space<semaphore_mem>>) src(%dma_wait3A_160 : memref<128xi32, #tpu.memory_space<hbm>>) dst(%arg10 : memref<128xi32, #tpu.memory_space<vmem>>)
        %dma_start3A_161 = arith.constant 0 : i32
        %dma_start3A_162 = arith.constant 0 : i32
        %dma_start3A_163 = tpu.memref_slice %arg2[%dma_start3A_161, %dma_start3A_162] : memref<180000x128xf32, #tpu.memory_space<hbm>> -> memref<180000x128xf32, #tpu.memory_space<hbm>>
        tpu.enqueue_indirect_dma source(%dma_start3A_163 : memref<180000x128xf32, #tpu.memory_space<hbm>>) target(%arg14 : memref<128x128xf32, #tpu.memory_space<vmem>>) offsets(%arg10 : memref<128xi32, #tpu.memory_space<vmem>>) semaphore(%arg16 : memref<!tpu.dma_semaphore, #tpu.memory_space<semaphore_mem>>)
      } else {
      }
      %dma_wait3A_144 = arith.constant 0 : i32
      %dma_wait3A_145 = tpu.memref_slice %arg6[%arg0, %arg1, %add3A_114, %dma_wait3A_144] : memref<2x16x80x128xi32, #tpu.memory_space<hbm>> -> memref<1x1x1x128xi32, #tpu.memory_space<hbm>>
      %dma_wait3A_146 = tpu.memref_squeeze %dma_wait3A_145 : memref<1x1x1x128xi32, #tpu.memory_space<hbm>> -> memref<128xi32, #tpu.memory_space<hbm>>
      %dma_wait3A_147 = arith.constant 0 : i32
      %dma_wait3A_148 = tpu.memref_slice %arg6[%arg0, %arg1, %add3A_114, %dma_wait3A_147] : memref<2x16x80x128xi32, #tpu.memory_space<hbm>> -> memref<1x1x1x128xi32, #tpu.memory_space<hbm>>
      %dma_wait3A_149 = tpu.memref_squeeze %dma_wait3A_148 : memref<1x1x1x128xi32, #tpu.memory_space<hbm>> -> memref<128xi32, #tpu.memory_space<hbm>>
      tpu.wait_dma2 semaphore(%arg23 : memref<!tpu.dma_semaphore, #tpu.memory_space<semaphore_mem>>) src(%dma_wait3A_149 : memref<128xi32, #tpu.memory_space<hbm>>) dst(%arg13 : memref<128xi32, #tpu.memory_space<vmem>>)
      %dma_start3A_150 = arith.constant 0 : i32
      %dma_start3A_151 = arith.constant 0 : i32
      %dma_start3A_152 = tpu.memref_slice %arg9[%dma_start3A_150, %dma_start3A_151] : memref<10240x128xf32, #tpu.memory_space<vmem_shared>> -> memref<10240x128xf32, #tpu.memory_space<vmem_shared>>
      tpu.enqueue_indirect_dma source(%arg15 : memref<128x128xf32, #tpu.memory_space<vmem>>) target(%dma_start3A_152 : memref<10240x128xf32, #tpu.memory_space<vmem_shared>>) offsets(%arg13 : memref<128xi32, #tpu.memory_space<vmem>>) semaphore(%arg19 : memref<!tpu.dma_semaphore, #tpu.memory_space<semaphore_mem>>) {add = true}
    }
    %dma_wait3A_60 = arith.constant 0 : i32
    %dma_wait3A_61 = arith.constant 0 : i32
    %dma_wait3A_62 = tpu.memref_slice %arg9[%dma_wait3A_60, %dma_wait3A_61] : memref<10240x128xf32, #tpu.memory_space<vmem_shared>> -> memref<10240x128xf32, #tpu.memory_space<vmem_shared>>
    tpu.wait_indirect_dma semaphore(%arg19 : memref<!tpu.dma_semaphore, #tpu.memory_space<semaphore_mem>>) src(%arg15 : memref<128x128xf32, #tpu.memory_space<vmem>>) dst(%dma_wait3A_62 : memref<10240x128xf32, #tpu.memory_space<vmem_shared>>)
    %barrier3A_63 = arith.constant 0 : index
    tpu.barrier barrier_id(%barrier3A_63)
    %mul3A_64 = arith.constant 640 : i32
    %mul3A_65 = arith.muli %arg1, %mul3A_64 : i32
    %mul3A_66 = arith.constant 2 : i32
    %mul3A_67 = arith.muli %arg0, %mul3A_66 : i32
    %mul3A_68 = arith.constant 5120 : i32
    %mul3A_69 = arith.muli %mul3A_67, %mul3A_68 : i32
    %mul3A_70 = arith.constant 640 : i32
    %mul3A_71 = arith.muli %arg1, %mul3A_70 : i32
    %add3A = arith.addi %mul3A_69, %mul3A_71 : i32
    "tpu.region"() ({
      %run_scoped3A_72 = tpu.sem_alloc : memref<!tpu.dma_semaphore, #tpu.memory_space<semaphore_mem>>
      %dma_start3A_73 = arith.constant 0 : i32
      %dma_start3A_74 = tpu.memref_slice %arg8[%add3A, %dma_start3A_73] : memref<20480x128xf32, #tpu.memory_space<hbm>> -> memref<640x128xf32, #tpu.memory_space<hbm>>
      %dma_start3A_75 = arith.constant 0 : i32
      %dma_start3A_76 = tpu.memref_slice %arg9[%mul3A_65, %dma_start3A_75] : memref<10240x128xf32, #tpu.memory_space<vmem_shared>> -> memref<640x128xf32, #tpu.memory_space<vmem_shared>>
      tpu.enqueue_dma source(%dma_start3A_76 : memref<640x128xf32, #tpu.memory_space<vmem_shared>>) target(%dma_start3A_74 : memref<640x128xf32, #tpu.memory_space<hbm>>) target_semaphore(%run_scoped3A_72 : memref<!tpu.dma_semaphore, #tpu.memory_space<semaphore_mem>>)
      %dma_wait3A_77 = arith.constant 0 : i32
      %dma_wait3A_78 = tpu.memref_slice %arg8[%add3A, %dma_wait3A_77] : memref<20480x128xf32, #tpu.memory_space<hbm>> -> memref<640x128xf32, #tpu.memory_space<hbm>>
      %dma_wait3A_79 = arith.constant 0 : i32
      %dma_wait3A_80 = tpu.memref_slice %arg9[%mul3A_65, %dma_wait3A_79] : memref<10240x128xf32, #tpu.memory_space<vmem_shared>> -> memref<640x128xf32, #tpu.memory_space<vmem_shared>>
      tpu.wait_dma2 semaphore(%run_scoped3A_72 : memref<!tpu.dma_semaphore, #tpu.memory_space<semaphore_mem>>) src(%dma_wait3A_80 : memref<640x128xf32, #tpu.memory_space<vmem_shared>>) dst(%dma_wait3A_78 : memref<640x128xf32, #tpu.memory_space<hbm>>)
      tpu.yield
    }) : () -> ()
    return
  }
}

module attributes {stable_mosaic.version = 14 : i64} {
  func.func @_prep_body(%arg0: i32, %arg1: memref<1280x128xi32, #tpu.memory_space<vmem>>, %arg2: memref<1280x128xi32, #tpu.memory_space<vmem>>, %arg3: memref<1280x128xi32, #tpu.memory_space<vmem>>, %arg4: memref<1280x128xi32, #tpu.memory_space<vmem>>, %arg5: memref<1280x128xi32, #tpu.memory_space<vmem>>, %arg6: memref<2x1280x128xi32, #tpu.memory_space<vmem>>, %arg7: memref<2x1280x128xi32, #tpu.memory_space<vmem>>, %arg8: memref<1280x128xi32, #tpu.memory_space<vmem>>, %arg9: memref<10240x128xf32, #tpu.memory_space<vmem>>, %arg10: memref<10112x128xf32, #tpu.memory_space<vmem>>, %arg11: memref<128x128xf32, #tpu.memory_space<vmem>>) attributes {dimension_semantics = [#tpu.dimension_semantics<arbitrary>], iteration_bounds = array<i64: 1>, scalar_prefetch = 0 : i64, scratch_operands = 0 : i64, tpu.core_type = #tpu.core_type<tc>, window_params = [{pipeline_mode = #tpu.pipeline_mode<synchronous>, transform_indices = @transform_0, window_bounds = array<i64: 1280, 128>}, {pipeline_mode = #tpu.pipeline_mode<synchronous>, transform_indices = @transform_1, window_bounds = array<i64: 1280, 128>}, {pipeline_mode = #tpu.pipeline_mode<synchronous>, transform_indices = @transform_2, window_bounds = array<i64: 1280, 128>}, {pipeline_mode = #tpu.pipeline_mode<synchronous>, transform_indices = @transform_3, window_bounds = array<i64: 1280, 128>}, {pipeline_mode = #tpu.pipeline_mode<synchronous>, transform_indices = @transform_4, window_bounds = array<i64: 1280, 128>}, {pipeline_mode = #tpu.pipeline_mode<synchronous>, transform_indices = @transform_5, window_bounds = array<i64: 2, 1280, 128>}, {pipeline_mode = #tpu.pipeline_mode<synchronous>, transform_indices = @transform_6, window_bounds = array<i64: 2, 1280, 128>}, {pipeline_mode = #tpu.pipeline_mode<synchronous>, transform_indices = @transform_7, window_bounds = array<i64: 1280, 128>}, {pipeline_mode = #tpu.pipeline_mode<synchronous>, transform_indices = @transform_8, window_bounds = array<i64: 10240, 128>}, {pipeline_mode = #tpu.pipeline_mode<synchronous>, transform_indices = @transform_9, window_bounds = array<i64: 10112, 128>}, {pipeline_mode = #tpu.pipeline_mode<synchronous>, transform_indices = @transform_10, window_bounds = array<i64: 128, 128>}]} {
    %iota3A = tpu.iota {dimensions = array<i32: 0>} : vector<1280x128xi32>
    %iota3A_0 = tpu.iota {dimensions = array<i32: 1>} : vector<1280x128xi32>
    %ge3A = arith.constant 1250 : i32
    %ge3A_1 = vector.broadcast %ge3A : i32 to vector<1280x128xi32>
    %ge3A_2 = arith.cmpi sge, %iota3A, %ge3A_1 : vector<1280x128xi32>
    %get3A = arith.constant 0 : index
    %get3A_3 = arith.constant 0 : index
    %get3A_4 = vector.load %arg1[%get3A, %get3A_3] : memref<1280x128xi32, #tpu.memory_space<vmem>>, vector<1280x128xi32>
    %get3A_5 = arith.constant 0 : index
    %get3A_6 = arith.constant 0 : index
    %get3A_7 = vector.load %arg2[%get3A_5, %get3A_6] : memref<1280x128xi32, #tpu.memory_space<vmem>>, vector<1280x128xi32>
    %mul3A = arith.constant 10000 : i32
    %mul3A_8 = vector.broadcast %mul3A : i32 to vector<1280x128xi32>
    %mul3A_9 = arith.muli %get3A_7, %mul3A_8 : vector<1280x128xi32>
    %add3A = arith.addi %mul3A_9, %get3A_4 : vector<1280x128xi32>
    %select_n3A = arith.select %ge3A_2, %iota3A_0, %add3A : vector<1280x128xi1>, vector<1280x128xi32>
    %swap3A = arith.constant 0 : index
    %swap3A_10 = arith.constant 0 : index
    %swap3A_11 = vector.load %arg4[%swap3A, %swap3A_10] : memref<1280x128xi32, #tpu.memory_space<vmem>>, vector<1280x128xi32>
    tpu.vector_store %arg4[%swap3A, %swap3A_10], %select_n3A {strides = array<i32>} : memref<1280x128xi32, #tpu.memory_space<vmem>>, vector<1280x128xi32>,
    %add3A_12 = arith.constant 90000 : i32
    %add3A_13 = vector.broadcast %add3A_12 : i32 to vector<1280x128xi32>
    %add3A_14 = arith.addi %select_n3A, %add3A_13 : vector<1280x128xi32>
    %swap3A_15 = arith.constant 0 : index
    %swap3A_16 = arith.constant 0 : index
    %swap3A_17 = vector.load %arg5[%swap3A_15, %swap3A_16] : memref<1280x128xi32, #tpu.memory_space<vmem>>, vector<1280x128xi32>
    tpu.vector_store %arg5[%swap3A_15, %swap3A_16], %add3A_14 {strides = array<i32>} : memref<1280x128xi32, #tpu.memory_space<vmem>>, vector<1280x128xi32>,
    %get3A_18 = arith.constant 0 : index
    %get3A_19 = arith.constant 0 : index
    %get3A_20 = vector.load %arg3[%get3A_18, %get3A_19] : memref<1280x128xi32, #tpu.memory_space<vmem>>, vector<1280x128xi32>
    %jit3A = arith.constant 120 : i32
    %eq3A = arith.constant 0 : i32
    %eq3A_21 = arith.cmpi eq, %jit3A, %eq3A : i32
    %jit3A_22 = arith.constant 1 : i32
    %select_n3A_23 = arith.select %eq3A_21, %jit3A_22, %jit3A : i32
    %rem3A = vector.broadcast %select_n3A_23 : i32 to vector<1280x128xi32>
    %rem3A_24 = arith.remsi %iota3A_0, %rem3A : vector<1280x128xi32>
    %ne3A = arith.constant 0 : i32
    %ne3A_25 = vector.broadcast %ne3A : i32 to vector<1280x128xi32>
    %ne3A_26 = arith.cmpi ne, %rem3A_24, %ne3A_25 : vector<1280x128xi32>
    %lt3A = arith.constant 0 : i32
    %lt3A_27 = vector.broadcast %lt3A : i32 to vector<1280x128xi32>
    %lt3A_28 = arith.cmpi slt, %rem3A_24, %lt3A_27 : vector<1280x128xi32>
    %lt3A_29 = arith.constant 0 : i32
    %lt3A_30 = arith.cmpi slt, %select_n3A_23, %lt3A_29 : i32
    %ne3A_31 = vector.broadcast %lt3A_30 : i1 to vector<1280x128xi1>
    %ne3A_32 = vector.broadcast %ne3A_31 : vector<1280x128xi1> to vector<1280x128xi1>
    %ne3A_33 = arith.xori %lt3A_28, %ne3A_32 : vector<1280x128xi1>
    %and3A = arith.andi %ne3A_33, %ne3A_26 : vector<1280x128xi1>
    %add3A_34 = vector.broadcast %select_n3A_23 : i32 to vector<1280x128xi32>
    %add3A_35 = arith.addi %rem3A_24, %add3A_34 : vector<1280x128xi32>
    %select_n3A_36 = arith.select %and3A, %add3A_35, %rem3A_24 : vector<1280x128xi1>, vector<1280x128xi32>
    %add3A_37 = arith.constant 5000 : i32
    %add3A_38 = vector.broadcast %add3A_37 : i32 to vector<1280x128xi32>
    %add3A_39 = arith.addi %add3A_38, %select_n3A_36 : vector<1280x128xi32>
    %ge3A_40 = arith.constant 5000 : i32
    %ge3A_41 = vector.broadcast %ge3A_40 : i32 to vector<1280x128xi32>
    %ge3A_42 = arith.cmpi sge, %get3A_20, %ge3A_41 : vector<1280x128xi32>
    %or3A = arith.ori %ge3A_2, %ge3A_42 : vector<1280x128xi1>
    %select_n3A_43 = arith.select %or3A, %add3A_39, %get3A_20 : vector<1280x128xi1>, vector<1280x128xi32>
    %lt3A_44 = arith.constant 5000 : i32
    %lt3A_45 = vector.broadcast %lt3A_44 : i32 to vector<1280x128xi32>
    %lt3A_46 = arith.cmpi slt, %get3A_20, %lt3A_45 : vector<1280x128xi32>
    %or3A_47 = arith.ori %ge3A_2, %lt3A_46 : vector<1280x128xi1>
    %sub3A = arith.constant 5000 : i32
    %sub3A_48 = vector.broadcast %sub3A : i32 to vector<1280x128xi32>
    %sub3A_49 = arith.subi %get3A_20, %sub3A_48 : vector<1280x128xi32>
    %select_n3A_50 = arith.select %or3A_47, %add3A_39, %sub3A_49 : vector<1280x128xi1>, vector<1280x128xi32>
    %swap3A_51 = arith.constant 0 : index
    %swap3A_52 = arith.constant 0 : index
    %swap3A_53 = arith.constant 0 : index
    %swap3A_54 = vector.load %arg6[%swap3A_51, %swap3A_52, %swap3A_53] : memref<2x1280x128xi32, #tpu.memory_space<vmem>>, vector<1x1280x128xi32>
    %swap3A_55 = vector.shape_cast %swap3A_54 : vector<1x1280x128xi32> to vector<1280x128xi32>
    %swap3A_56 = vector.shape_cast %select_n3A_43 : vector<1280x128xi32> to vector<1x1280x128xi32>
    tpu.vector_store %arg6[%swap3A_51, %swap3A_52, %swap3A_53], %swap3A_56 {strides = array<i32>} : memref<2x1280x128xi32, #tpu.memory_space<vmem>>, vector<1x1280x128xi32>,
    %swap3A_57 = arith.constant 1 : index
    %swap3A_58 = arith.constant 0 : index
    %swap3A_59 = arith.constant 0 : index
    %swap3A_60 = vector.load %arg6[%swap3A_57, %swap3A_58, %swap3A_59] : memref<2x1280x128xi32, #tpu.memory_space<vmem>>, vector<1x1280x128xi32>
    %swap3A_61 = vector.shape_cast %swap3A_60 : vector<1x1280x128xi32> to vector<1280x128xi32>
    %swap3A_62 = vector.shape_cast %select_n3A_50 : vector<1280x128xi32> to vector<1x1280x128xi32>
    tpu.vector_store %arg6[%swap3A_57, %swap3A_58, %swap3A_59], %swap3A_62 {strides = array<i32>} : memref<2x1280x128xi32, #tpu.memory_space<vmem>>, vector<1x1280x128xi32>,
    %add3A_63 = arith.constant 5120 : i32
    %add3A_64 = vector.broadcast %add3A_63 : i32 to vector<1280x128xi32>
    %add3A_65 = arith.addi %select_n3A_43, %add3A_64 : vector<1280x128xi32>
    %swap3A_66 = arith.constant 0 : index
    %swap3A_67 = arith.constant 0 : index
    %swap3A_68 = arith.constant 0 : index
    %swap3A_69 = vector.load %arg7[%swap3A_66, %swap3A_67, %swap3A_68] : memref<2x1280x128xi32, #tpu.memory_space<vmem>>, vector<1x1280x128xi32>
    %swap3A_70 = vector.shape_cast %swap3A_69 : vector<1x1280x128xi32> to vector<1280x128xi32>
    %swap3A_71 = vector.shape_cast %add3A_65 : vector<1280x128xi32> to vector<1x1280x128xi32>
    tpu.vector_store %arg7[%swap3A_66, %swap3A_67, %swap3A_68], %swap3A_71 {strides = array<i32>} : memref<2x1280x128xi32, #tpu.memory_space<vmem>>, vector<1x1280x128xi32>,
    %add3A_72 = arith.constant 5120 : i32
    %add3A_73 = vector.broadcast %add3A_72 : i32 to vector<1280x128xi32>
    %add3A_74 = arith.addi %select_n3A_50, %add3A_73 : vector<1280x128xi32>
    %swap3A_75 = arith.constant 1 : index
    %swap3A_76 = arith.constant 0 : index
    %swap3A_77 = arith.constant 0 : index
    %swap3A_78 = vector.load %arg7[%swap3A_75, %swap3A_76, %swap3A_77] : memref<2x1280x128xi32, #tpu.memory_space<vmem>>, vector<1x1280x128xi32>
    %swap3A_79 = vector.shape_cast %swap3A_78 : vector<1x1280x128xi32> to vector<1280x128xi32>
    %swap3A_80 = vector.shape_cast %add3A_74 : vector<1280x128xi32> to vector<1x1280x128xi32>
    tpu.vector_store %arg7[%swap3A_75, %swap3A_76, %swap3A_77], %swap3A_80 {strides = array<i32>} : memref<2x1280x128xi32, #tpu.memory_space<vmem>>, vector<1x1280x128xi32>,
    %jit3A_81 = arith.constant 112 : i32
    %eq3A_82 = arith.constant 0 : i32
    %eq3A_83 = arith.cmpi eq, %jit3A_81, %eq3A_82 : i32
    %jit3A_84 = arith.constant 1 : i32
    %select_n3A_85 = arith.select %eq3A_83, %jit3A_84, %jit3A_81 : i32
    %rem3A_86 = vector.broadcast %select_n3A_85 : i32 to vector<1280x128xi32>
    %rem3A_87 = arith.remsi %iota3A_0, %rem3A_86 : vector<1280x128xi32>
    %ne3A_88 = arith.constant 0 : i32
    %ne3A_89 = vector.broadcast %ne3A_88 : i32 to vector<1280x128xi32>
    %ne3A_90 = arith.cmpi ne, %rem3A_87, %ne3A_89 : vector<1280x128xi32>
    %lt3A_91 = arith.constant 0 : i32
    %lt3A_92 = vector.broadcast %lt3A_91 : i32 to vector<1280x128xi32>
    %lt3A_93 = arith.cmpi slt, %rem3A_87, %lt3A_92 : vector<1280x128xi32>
    %lt3A_94 = arith.constant 0 : i32
    %lt3A_95 = arith.cmpi slt, %select_n3A_85, %lt3A_94 : i32
    %ne3A_96 = vector.broadcast %lt3A_95 : i1 to vector<1280x128xi1>
    %ne3A_97 = vector.broadcast %ne3A_96 : vector<1280x128xi1> to vector<1280x128xi1>
    %ne3A_98 = arith.xori %lt3A_93, %ne3A_97 : vector<1280x128xi1>
    %and3A_99 = arith.andi %ne3A_98, %ne3A_90 : vector<1280x128xi1>
    %add3A_100 = vector.broadcast %select_n3A_85 : i32 to vector<1280x128xi32>
    %add3A_101 = arith.addi %rem3A_87, %add3A_100 : vector<1280x128xi32>
    %select_n3A_102 = arith.select %and3A_99, %add3A_101, %rem3A_87 : vector<1280x128xi1>, vector<1280x128xi32>
    %add3A_103 = arith.constant 10000 : i32
    %add3A_104 = vector.broadcast %add3A_103 : i32 to vector<1280x128xi32>
    %add3A_105 = arith.addi %add3A_104, %select_n3A_102 : vector<1280x128xi32>
    %select_n3A_106 = arith.select %ge3A_2, %add3A_105, %get3A_20 : vector<1280x128xi1>, vector<1280x128xi32>
    %swap3A_107 = arith.constant 0 : index
    %swap3A_108 = arith.constant 0 : index
    %swap3A_109 = vector.load %arg8[%swap3A_107, %swap3A_108] : memref<1280x128xi32, #tpu.memory_space<vmem>>, vector<1280x128xi32>
    tpu.vector_store %arg8[%swap3A_107, %swap3A_108], %select_n3A_106 {strides = array<i32>} : memref<1280x128xi32, #tpu.memory_space<vmem>>, vector<1280x128xi32>,
    %broadcast_in_dim3A = arith.constant 0.000000e+00 : f32
    %broadcast_in_dim3A_110 = vector.broadcast %broadcast_in_dim3A : f32 to vector<10240x128xf32>
    %swap3A_111 = arith.constant 0 : index
    %swap3A_112 = arith.constant 0 : index
    %swap3A_113 = vector.load %arg9[%swap3A_111, %swap3A_112] : memref<10240x128xf32, #tpu.memory_space<vmem>>, vector<10240x128xf32>
    tpu.vector_store %arg9[%swap3A_111, %swap3A_112], %broadcast_in_dim3A_110 {strides = array<i32>} : memref<10240x128xf32, #tpu.memory_space<vmem>>, vector<10240x128xf32>,
    %broadcast_in_dim3A_114 = arith.constant 0.000000e+00 : f32
    %broadcast_in_dim3A_115 = vector.broadcast %broadcast_in_dim3A_114 : f32 to vector<10112x128xf32>
    %swap3A_116 = arith.constant 0 : index
    %swap3A_117 = arith.constant 0 : index
    %swap3A_118 = vector.load %arg10[%swap3A_116, %swap3A_117] : memref<10112x128xf32, #tpu.memory_space<vmem>>, vector<10112x128xf32>
    tpu.vector_store %arg10[%swap3A_116, %swap3A_117], %broadcast_in_dim3A_115 {strides = array<i32>} : memref<10112x128xf32, #tpu.memory_space<vmem>>, vector<10112x128xf32>,
    %broadcast_in_dim3A_119 = arith.constant 1.000000e+00 : f32
    %broadcast_in_dim3A_120 = vector.broadcast %broadcast_in_dim3A_119 : f32 to vector<128x128xf32>
    %swap3A_121 = arith.constant 0 : index
    %swap3A_122 = arith.constant 0 : index
    %swap3A_123 = vector.load %arg11[%swap3A_121, %swap3A_122] : memref<128x128xf32, #tpu.memory_space<vmem>>, vector<128x128xf32>
    tpu.vector_store %arg11[%swap3A_121, %swap3A_122], %broadcast_in_dim3A_120 {strides = array<i32>} : memref<128x128xf32, #tpu.memory_space<vmem>>, vector<128x128xf32>,
    return
  }
  func.func @transform_0(%arg0: i32) -> (i32, i32) {
    %c0_i32 = arith.constant 0 : i32
    %c0_i32_0 = arith.constant 0 : i32
    %c0_i32_1 = arith.constant 0 : i32
    return %c0_i32, %c0_i32_0 : i32, i32
  }
  func.func @transform_1(%arg0: i32) -> (i32, i32) {
    %c0_i32 = arith.constant 0 : i32
    %c0_i32_0 = arith.constant 0 : i32
    %c0_i32_1 = arith.constant 0 : i32
    return %c0_i32, %c0_i32_0 : i32, i32
  }
  func.func @transform_2(%arg0: i32) -> (i32, i32) {
    %c0_i32 = arith.constant 0 : i32
    %c0_i32_0 = arith.constant 0 : i32
    %c0_i32_1 = arith.constant 0 : i32
    return %c0_i32, %c0_i32_0 : i32, i32
  }
  func.func @transform_3(%arg0: i32) -> (i32, i32) {
    %c0_i32 = arith.constant 0 : i32
    %c0_i32_0 = arith.constant 0 : i32
    %c0_i32_1 = arith.constant 0 : i32
    return %c0_i32, %c0_i32_0 : i32, i32
  }
  func.func @transform_4(%arg0: i32) -> (i32, i32) {
    %c0_i32 = arith.constant 0 : i32
    %c0_i32_0 = arith.constant 0 : i32
    %c0_i32_1 = arith.constant 0 : i32
    return %c0_i32, %c0_i32_0 : i32, i32
  }
  func.func @transform_5(%arg0: i32) -> (i32, i32, i32) {
    %c0_i32 = arith.constant 0 : i32
    %c0_i32_0 = arith.constant 0 : i32
    %c0_i32_1 = arith.constant 0 : i32
    %c0_i32_2 = arith.constant 0 : i32
    return %c0_i32, %c0_i32_0, %c0_i32_1 : i32, i32, i32
  }
  func.func @transform_6(%arg0: i32) -> (i32, i32, i32) {
    %c0_i32 = arith.constant 0 : i32
    %c0_i32_0 = arith.constant 0 : i32
    %c0_i32_1 = arith.constant 0 : i32
    %c0_i32_2 = arith.constant 0 : i32
    return %c0_i32, %c0_i32_0, %c0_i32_1 : i32, i32, i32
  }
  func.func @transform_7(%arg0: i32) -> (i32, i32) {
    %c0_i32 = arith.constant 0 : i32
    %c0_i32_0 = arith.constant 0 : i32
    %c0_i32_1 = arith.constant 0 : i32
    return %c0_i32, %c0_i32_0 : i32, i32
  }
  func.func @transform_8(%arg0: i32) -> (i32, i32) {
    %c0_i32 = arith.constant 0 : i32
    %c0_i32_0 = arith.constant 0 : i32
    %c0_i32_1 = arith.constant 0 : i32
    return %c0_i32, %c0_i32_0 : i32, i32
  }
  func.func @transform_9(%arg0: i32) -> (i32, i32) {
    %c0_i32 = arith.constant 0 : i32
    %c0_i32_0 = arith.constant 0 : i32
    %c0_i32_1 = arith.constant 0 : i32
    return %c0_i32, %c0_i32_0 : i32, i32
  }
  func.func @transform_10(%arg0: i32) -> (i32, i32) {
    %c0_i32 = arith.constant 0 : i32
    %c0_i32_0 = arith.constant 0 : i32
    %c0_i32_1 = arith.constant 0 : i32
    return %c0_i32, %c0_i32_0 : i32, i32
  }
}

module attributes {stable_mosaic.version = 14 : i64} {
  func.func @_wcat_body(%arg0: i32, %arg1: memref<8x4xf32, #tpu.memory_space<smem>>, %arg2: memref<4x256x256xf32, #tpu.memory_space<vmem>>, %arg3: memref<256x256xf32, #tpu.memory_space<vmem>>, %arg4: memref<256x2304xf32, #tpu.memory_space<vmem>>) attributes {dimension_semantics = [#tpu.dimension_semantics<arbitrary>], iteration_bounds = array<i64: 1>, scalar_prefetch = 0 : i64, scratch_operands = 0 : i64, tpu.core_type = #tpu.core_type<tc>, window_params = [{transform_indices = @transform_0, window_bounds = array<i64: 8, 4>}, {pipeline_mode = #tpu.pipeline_mode<synchronous>, transform_indices = @transform_1, window_bounds = array<i64: 4, 256, 256>}, {pipeline_mode = #tpu.pipeline_mode<synchronous>, transform_indices = @transform_2, window_bounds = array<i64: 256, 256>}, {pipeline_mode = #tpu.pipeline_mode<synchronous>, transform_indices = @transform_3, window_bounds = array<i64: 256, 2304>}]} {
    %get3A = arith.constant 0 : index
    %get3A_0 = arith.constant 0 : index
    %get3A_1 = memref.load %arg1[%get3A, %get3A_0] : memref<8x4xf32, #tpu.memory_space<smem>>
    %get3A_2 = arith.constant 0 : index
    %get3A_3 = arith.constant 0 : index
    %get3A_4 = arith.constant 0 : index
    %get3A_5 = vector.load %arg2[%get3A_2, %get3A_3, %get3A_4] : memref<4x256x256xf32, #tpu.memory_space<vmem>>, vector<1x256x256xf32>
    %get3A_6 = vector.shape_cast %get3A_5 : vector<1x256x256xf32> to vector<256x256xf32>
    %mul3A = vector.broadcast %get3A_1 : f32 to vector<256x256xf32>
    %mul3A_7 = arith.mulf %mul3A, %get3A_6 : vector<256x256xf32>
    %get3A_8 = arith.constant 0 : index
    %get3A_9 = arith.constant 1 : index
    %get3A_10 = memref.load %arg1[%get3A_8, %get3A_9] : memref<8x4xf32, #tpu.memory_space<smem>>
    %get3A_11 = arith.constant 1 : index
    %get3A_12 = arith.constant 0 : index
    %get3A_13 = arith.constant 0 : index
    %get3A_14 = vector.load %arg2[%get3A_11, %get3A_12, %get3A_13] : memref<4x256x256xf32, #tpu.memory_space<vmem>>, vector<1x256x256xf32>
    %get3A_15 = vector.shape_cast %get3A_14 : vector<1x256x256xf32> to vector<256x256xf32>
    %mul3A_16 = vector.broadcast %get3A_10 : f32 to vector<256x256xf32>
    %mul3A_17 = arith.mulf %mul3A_16, %get3A_15 : vector<256x256xf32>
    %add3A = arith.addf %mul3A_7, %mul3A_17 : vector<256x256xf32>
    %get3A_18 = arith.constant 0 : index
    %get3A_19 = arith.constant 2 : index
    %get3A_20 = memref.load %arg1[%get3A_18, %get3A_19] : memref<8x4xf32, #tpu.memory_space<smem>>
    %get3A_21 = arith.constant 2 : index
    %get3A_22 = arith.constant 0 : index
    %get3A_23 = arith.constant 0 : index
    %get3A_24 = vector.load %arg2[%get3A_21, %get3A_22, %get3A_23] : memref<4x256x256xf32, #tpu.memory_space<vmem>>, vector<1x256x256xf32>
    %get3A_25 = vector.shape_cast %get3A_24 : vector<1x256x256xf32> to vector<256x256xf32>
    %mul3A_26 = vector.broadcast %get3A_20 : f32 to vector<256x256xf32>
    %mul3A_27 = arith.mulf %mul3A_26, %get3A_25 : vector<256x256xf32>
    %add3A_28 = arith.addf %add3A, %mul3A_27 : vector<256x256xf32>
    %get3A_29 = arith.constant 0 : index
    %get3A_30 = arith.constant 3 : index
    %get3A_31 = memref.load %arg1[%get3A_29, %get3A_30] : memref<8x4xf32, #tpu.memory_space<smem>>
    %get3A_32 = arith.constant 3 : index
    %get3A_33 = arith.constant 0 : index
    %get3A_34 = arith.constant 0 : index
    %get3A_35 = vector.load %arg2[%get3A_32, %get3A_33, %get3A_34] : memref<4x256x256xf32, #tpu.memory_space<vmem>>, vector<1x256x256xf32>
    %get3A_36 = vector.shape_cast %get3A_35 : vector<1x256x256xf32> to vector<256x256xf32>
    %mul3A_37 = vector.broadcast %get3A_31 : f32 to vector<256x256xf32>
    %mul3A_38 = arith.mulf %mul3A_37, %get3A_36 : vector<256x256xf32>
    %add3A_39 = arith.addf %add3A_28, %mul3A_38 : vector<256x256xf32>
    %slice3A = vector.extract_strided_slice %add3A_39 {offsets = [0, 0], sizes = [256, 128], strides = [1, 1]} : vector<256x256xf32> to vector<256x128xf32>
    %swap3A = arith.constant 0 : index
    %swap3A_40 = arith.constant 0 : index
    %swap3A_41 = vector.load %arg4[%swap3A, %swap3A_40] : memref<256x2304xf32, #tpu.memory_space<vmem>>, vector<256x128xf32>
    tpu.vector_store %arg4[%swap3A, %swap3A_40], %slice3A {strides = array<i32>} : memref<256x2304xf32, #tpu.memory_space<vmem>>, vector<256x128xf32>,
    %slice3A_42 = vector.extract_strided_slice %add3A_39 {offsets = [0, 128], sizes = [256, 128], strides = [1, 1]} : vector<256x256xf32> to vector<256x128xf32>
    %swap3A_43 = arith.constant 0 : index
    %swap3A_44 = arith.constant 1152 : index
    %swap3A_45 = vector.load %arg4[%swap3A_43, %swap3A_44] : memref<256x2304xf32, #tpu.memory_space<vmem>>, vector<256x128xf32>
    tpu.vector_store %arg4[%swap3A_43, %swap3A_44], %slice3A_42 {strides = array<i32>} : memref<256x2304xf32, #tpu.memory_space<vmem>>, vector<256x128xf32>,
    %get3A_46 = arith.constant 1 : index
    %get3A_47 = arith.constant 0 : index
    %get3A_48 = memref.load %arg1[%get3A_46, %get3A_47] : memref<8x4xf32, #tpu.memory_space<smem>>
    %get3A_49 = arith.constant 0 : index
    %get3A_50 = arith.constant 0 : index
    %get3A_51 = arith.constant 0 : index
    %get3A_52 = vector.load %arg2[%get3A_49, %get3A_50, %get3A_51] : memref<4x256x256xf32, #tpu.memory_space<vmem>>, vector<1x256x256xf32>
    %get3A_53 = vector.shape_cast %get3A_52 : vector<1x256x256xf32> to vector<256x256xf32>
    %mul3A_54 = vector.broadcast %get3A_48 : f32 to vector<256x256xf32>
    %mul3A_55 = arith.mulf %mul3A_54, %get3A_53 : vector<256x256xf32>
    %get3A_56 = arith.constant 1 : index
    %get3A_57 = arith.constant 1 : index
    %get3A_58 = memref.load %arg1[%get3A_56, %get3A_57] : memref<8x4xf32, #tpu.memory_space<smem>>
    %get3A_59 = arith.constant 1 : index
    %get3A_60 = arith.constant 0 : index
    %get3A_61 = arith.constant 0 : index
    %get3A_62 = vector.load %arg2[%get3A_59, %get3A_60, %get3A_61] : memref<4x256x256xf32, #tpu.memory_space<vmem>>, vector<1x256x256xf32>
    %get3A_63 = vector.shape_cast %get3A_62 : vector<1x256x256xf32> to vector<256x256xf32>
    %mul3A_64 = vector.broadcast %get3A_58 : f32 to vector<256x256xf32>
    %mul3A_65 = arith.mulf %mul3A_64, %get3A_63 : vector<256x256xf32>
    %add3A_66 = arith.addf %mul3A_55, %mul3A_65 : vector<256x256xf32>
    %get3A_67 = arith.constant 1 : index
    %get3A_68 = arith.constant 2 : index
    %get3A_69 = memref.load %arg1[%get3A_67, %get3A_68] : memref<8x4xf32, #tpu.memory_space<smem>>
    %get3A_70 = arith.constant 2 : index
    %get3A_71 = arith.constant 0 : index
    %get3A_72 = arith.constant 0 : index
    %get3A_73 = vector.load %arg2[%get3A_70, %get3A_71, %get3A_72] : memref<4x256x256xf32, #tpu.memory_space<vmem>>, vector<1x256x256xf32>
    %get3A_74 = vector.shape_cast %get3A_73 : vector<1x256x256xf32> to vector<256x256xf32>
    %mul3A_75 = vector.broadcast %get3A_69 : f32 to vector<256x256xf32>
    %mul3A_76 = arith.mulf %mul3A_75, %get3A_74 : vector<256x256xf32>
    %add3A_77 = arith.addf %add3A_66, %mul3A_76 : vector<256x256xf32>
    %get3A_78 = arith.constant 1 : index
    %get3A_79 = arith.constant 3 : index
    %get3A_80 = memref.load %arg1[%get3A_78, %get3A_79] : memref<8x4xf32, #tpu.memory_space<smem>>
    %get3A_81 = arith.constant 3 : index
    %get3A_82 = arith.constant 0 : index
    %get3A_83 = arith.constant 0 : index
    %get3A_84 = vector.load %arg2[%get3A_81, %get3A_82, %get3A_83] : memref<4x256x256xf32, #tpu.memory_space<vmem>>, vector<1x256x256xf32>
    %get3A_85 = vector.shape_cast %get3A_84 : vector<1x256x256xf32> to vector<256x256xf32>
    %mul3A_86 = vector.broadcast %get3A_80 : f32 to vector<256x256xf32>
    %mul3A_87 = arith.mulf %mul3A_86, %get3A_85 : vector<256x256xf32>
    %add3A_88 = arith.addf %add3A_77, %mul3A_87 : vector<256x256xf32>
    %slice3A_89 = vector.extract_strided_slice %add3A_88 {offsets = [0, 0], sizes = [256, 128], strides = [1, 1]} : vector<256x256xf32> to vector<256x128xf32>
    %swap3A_90 = arith.constant 0 : index
    %swap3A_91 = arith.constant 128 : index
    %swap3A_92 = vector.load %arg4[%swap3A_90, %swap3A_91] : memref<256x2304xf32, #tpu.memory_space<vmem>>, vector<256x128xf32>
    tpu.vector_store %arg4[%swap3A_90, %swap3A_91], %slice3A_89 {strides = array<i32>} : memref<256x2304xf32, #tpu.memory_space<vmem>>, vector<256x128xf32>,
    %slice3A_93 = vector.extract_strided_slice %add3A_88 {offsets = [0, 128], sizes = [256, 128], strides = [1, 1]} : vector<256x256xf32> to vector<256x128xf32>
    %swap3A_94 = arith.constant 0 : index
    %swap3A_95 = arith.constant 1280 : index
    %swap3A_96 = vector.load %arg4[%swap3A_94, %swap3A_95] : memref<256x2304xf32, #tpu.memory_space<vmem>>, vector<256x128xf32>
    tpu.vector_store %arg4[%swap3A_94, %swap3A_95], %slice3A_93 {strides = array<i32>} : memref<256x2304xf32, #tpu.memory_space<vmem>>, vector<256x128xf32>,
    %get3A_97 = arith.constant 2 : index
    %get3A_98 = arith.constant 0 : index
    %get3A_99 = memref.load %arg1[%get3A_97, %get3A_98] : memref<8x4xf32, #tpu.memory_space<smem>>
    %get3A_100 = arith.constant 0 : index
    %get3A_101 = arith.constant 0 : index
    %get3A_102 = arith.constant 0 : index
    %get3A_103 = vector.load %arg2[%get3A_100, %get3A_101, %get3A_102] : memref<4x256x256xf32, #tpu.memory_space<vmem>>, vector<1x256x256xf32>
    %get3A_104 = vector.shape_cast %get3A_103 : vector<1x256x256xf32> to vector<256x256xf32>
    %mul3A_105 = vector.broadcast %get3A_99 : f32 to vector<256x256xf32>
    %mul3A_106 = arith.mulf %mul3A_105, %get3A_104 : vector<256x256xf32>
    %get3A_107 = arith.constant 2 : index
    %get3A_108 = arith.constant 1 : index
    %get3A_109 = memref.load %arg1[%get3A_107, %get3A_108] : memref<8x4xf32, #tpu.memory_space<smem>>
    %get3A_110 = arith.constant 1 : index
    %get3A_111 = arith.constant 0 : index
    %get3A_112 = arith.constant 0 : index
    %get3A_113 = vector.load %arg2[%get3A_110, %get3A_111, %get3A_112] : memref<4x256x256xf32, #tpu.memory_space<vmem>>, vector<1x256x256xf32>
    %get3A_114 = vector.shape_cast %get3A_113 : vector<1x256x256xf32> to vector<256x256xf32>
    %mul3A_115 = vector.broadcast %get3A_109 : f32 to vector<256x256xf32>
    %mul3A_116 = arith.mulf %mul3A_115, %get3A_114 : vector<256x256xf32>
    %add3A_117 = arith.addf %mul3A_106, %mul3A_116 : vector<256x256xf32>
    %get3A_118 = arith.constant 2 : index
    %get3A_119 = arith.constant 2 : index
    %get3A_120 = memref.load %arg1[%get3A_118, %get3A_119] : memref<8x4xf32, #tpu.memory_space<smem>>
    %get3A_121 = arith.constant 2 : index
    %get3A_122 = arith.constant 0 : index
    %get3A_123 = arith.constant 0 : index
    %get3A_124 = vector.load %arg2[%get3A_121, %get3A_122, %get3A_123] : memref<4x256x256xf32, #tpu.memory_space<vmem>>, vector<1x256x256xf32>
    %get3A_125 = vector.shape_cast %get3A_124 : vector<1x256x256xf32> to vector<256x256xf32>
    %mul3A_126 = vector.broadcast %get3A_120 : f32 to vector<256x256xf32>
    %mul3A_127 = arith.mulf %mul3A_126, %get3A_125 : vector<256x256xf32>
    %add3A_128 = arith.addf %add3A_117, %mul3A_127 : vector<256x256xf32>
    %get3A_129 = arith.constant 2 : index
    %get3A_130 = arith.constant 3 : index
    %get3A_131 = memref.load %arg1[%get3A_129, %get3A_130] : memref<8x4xf32, #tpu.memory_space<smem>>
    %get3A_132 = arith.constant 3 : index
    %get3A_133 = arith.constant 0 : index
    %get3A_134 = arith.constant 0 : index
    %get3A_135 = vector.load %arg2[%get3A_132, %get3A_133, %get3A_134] : memref<4x256x256xf32, #tpu.memory_space<vmem>>, vector<1x256x256xf32>
    %get3A_136 = vector.shape_cast %get3A_135 : vector<1x256x256xf32> to vector<256x256xf32>
    %mul3A_137 = vector.broadcast %get3A_131 : f32 to vector<256x256xf32>
    %mul3A_138 = arith.mulf %mul3A_137, %get3A_136 : vector<256x256xf32>
    %add3A_139 = arith.addf %add3A_128, %mul3A_138 : vector<256x256xf32>
    %slice3A_140 = vector.extract_strided_slice %add3A_139 {offsets = [0, 0], sizes = [256, 128], strides = [1, 1]} : vector<256x256xf32> to vector<256x128xf32>
    %swap3A_141 = arith.constant 0 : index
    %swap3A_142 = arith.constant 256 : index
    %swap3A_143 = vector.load %arg4[%swap3A_141, %swap3A_142] : memref<256x2304xf32, #tpu.memory_space<vmem>>, vector<256x128xf32>
    tpu.vector_store %arg4[%swap3A_141, %swap3A_142], %slice3A_140 {strides = array<i32>} : memref<256x2304xf32, #tpu.memory_space<vmem>>, vector<256x128xf32>,
    %slice3A_144 = vector.extract_strided_slice %add3A_139 {offsets = [0, 128], sizes = [256, 128], strides = [1, 1]} : vector<256x256xf32> to vector<256x128xf32>
    %swap3A_145 = arith.constant 0 : index
    %swap3A_146 = arith.constant 1408 : index
    %swap3A_147 = vector.load %arg4[%swap3A_145, %swap3A_146] : memref<256x2304xf32, #tpu.memory_space<vmem>>, vector<256x128xf32>
    tpu.vector_store %arg4[%swap3A_145, %swap3A_146], %slice3A_144 {strides = array<i32>} : memref<256x2304xf32, #tpu.memory_space<vmem>>, vector<256x128xf32>,
    %get3A_148 = arith.constant 3 : index
    %get3A_149 = arith.constant 0 : index
    %get3A_150 = memref.load %arg1[%get3A_148, %get3A_149] : memref<8x4xf32, #tpu.memory_space<smem>>
    %get3A_151 = arith.constant 0 : index
    %get3A_152 = arith.constant 0 : index
    %get3A_153 = arith.constant 0 : index
    %get3A_154 = vector.load %arg2[%get3A_151, %get3A_152, %get3A_153] : memref<4x256x256xf32, #tpu.memory_space<vmem>>, vector<1x256x256xf32>
    %get3A_155 = vector.shape_cast %get3A_154 : vector<1x256x256xf32> to vector<256x256xf32>
    %mul3A_156 = vector.broadcast %get3A_150 : f32 to vector<256x256xf32>
    %mul3A_157 = arith.mulf %mul3A_156, %get3A_155 : vector<256x256xf32>
    %get3A_158 = arith.constant 3 : index
    %get3A_159 = arith.constant 1 : index
    %get3A_160 = memref.load %arg1[%get3A_158, %get3A_159] : memref<8x4xf32, #tpu.memory_space<smem>>
    %get3A_161 = arith.constant 1 : index
    %get3A_162 = arith.constant 0 : index
    %get3A_163 = arith.constant 0 : index
    %get3A_164 = vector.load %arg2[%get3A_161, %get3A_162, %get3A_163] : memref<4x256x256xf32, #tpu.memory_space<vmem>>, vector<1x256x256xf32>
    %get3A_165 = vector.shape_cast %get3A_164 : vector<1x256x256xf32> to vector<256x256xf32>
    %mul3A_166 = vector.broadcast %get3A_160 : f32 to vector<256x256xf32>
    %mul3A_167 = arith.mulf %mul3A_166, %get3A_165 : vector<256x256xf32>
    %add3A_168 = arith.addf %mul3A_157, %mul3A_167 : vector<256x256xf32>
    %get3A_169 = arith.constant 3 : index
    %get3A_170 = arith.constant 2 : index
    %get3A_171 = memref.load %arg1[%get3A_169, %get3A_170] : memref<8x4xf32, #tpu.memory_space<smem>>
    %get3A_172 = arith.constant 2 : index
    %get3A_173 = arith.constant 0 : index
    %get3A_174 = arith.constant 0 : index
    %get3A_175 = vector.load %arg2[%get3A_172, %get3A_173, %get3A_174] : memref<4x256x256xf32, #tpu.memory_space<vmem>>, vector<1x256x256xf32>
    %get3A_176 = vector.shape_cast %get3A_175 : vector<1x256x256xf32> to vector<256x256xf32>
    %mul3A_177 = vector.broadcast %get3A_171 : f32 to vector<256x256xf32>
    %mul3A_178 = arith.mulf %mul3A_177, %get3A_176 : vector<256x256xf32>
    %add3A_179 = arith.addf %add3A_168, %mul3A_178 : vector<256x256xf32>
    %get3A_180 = arith.constant 3 : index
    %get3A_181 = arith.constant 3 : index
    %get3A_182 = memref.load %arg1[%get3A_180, %get3A_181] : memref<8x4xf32, #tpu.memory_space<smem>>
    %get3A_183 = arith.constant 3 : index
    %get3A_184 = arith.constant 0 : index
    %get3A_185 = arith.constant 0 : index
    %get3A_186 = vector.load %arg2[%get3A_183, %get3A_184, %get3A_185] : memref<4x256x256xf32, #tpu.memory_space<vmem>>, vector<1x256x256xf32>
    %get3A_187 = vector.shape_cast %get3A_186 : vector<1x256x256xf32> to vector<256x256xf32>
    %mul3A_188 = vector.broadcast %get3A_182 : f32 to vector<256x256xf32>
    %mul3A_189 = arith.mulf %mul3A_188, %get3A_187 : vector<256x256xf32>
    %add3A_190 = arith.addf %add3A_179, %mul3A_189 : vector<256x256xf32>
    %slice3A_191 = vector.extract_strided_slice %add3A_190 {offsets = [0, 0], sizes = [256, 128], strides = [1, 1]} : vector<256x256xf32> to vector<256x128xf32>
    %swap3A_192 = arith.constant 0 : index
    %swap3A_193 = arith.constant 384 : index
    %swap3A_194 = vector.load %arg4[%swap3A_192, %swap3A_193] : memref<256x2304xf32, #tpu.memory_space<vmem>>, vector<256x128xf32>
    tpu.vector_store %arg4[%swap3A_192, %swap3A_193], %slice3A_191 {strides = array<i32>} : memref<256x2304xf32, #tpu.memory_space<vmem>>, vector<256x128xf32>,
    %slice3A_195 = vector.extract_strided_slice %add3A_190 {offsets = [0, 128], sizes = [256, 128], strides = [1, 1]} : vector<256x256xf32> to vector<256x128xf32>
    %swap3A_196 = arith.constant 0 : index
    %swap3A_197 = arith.constant 1536 : index
    %swap3A_198 = vector.load %arg4[%swap3A_196, %swap3A_197] : memref<256x2304xf32, #tpu.memory_space<vmem>>, vector<256x128xf32>
    tpu.vector_store %arg4[%swap3A_196, %swap3A_197], %slice3A_195 {strides = array<i32>} : memref<256x2304xf32, #tpu.memory_space<vmem>>, vector<256x128xf32>,
    %get3A_199 = arith.constant 4 : index
    %get3A_200 = arith.constant 0 : index
    %get3A_201 = memref.load %arg1[%get3A_199, %get3A_200] : memref<8x4xf32, #tpu.memory_space<smem>>
    %get3A_202 = arith.constant 0 : index
    %get3A_203 = arith.constant 0 : index
    %get3A_204 = arith.constant 0 : index
    %get3A_205 = vector.load %arg2[%get3A_202, %get3A_203, %get3A_204] : memref<4x256x256xf32, #tpu.memory_space<vmem>>, vector<1x256x256xf32>
    %get3A_206 = vector.shape_cast %get3A_205 : vector<1x256x256xf32> to vector<256x256xf32>
    %mul3A_207 = vector.broadcast %get3A_201 : f32 to vector<256x256xf32>
    %mul3A_208 = arith.mulf %mul3A_207, %get3A_206 : vector<256x256xf32>
    %get3A_209 = arith.constant 4 : index
    %get3A_210 = arith.constant 1 : index
    %get3A_211 = memref.load %arg1[%get3A_209, %get3A_210] : memref<8x4xf32, #tpu.memory_space<smem>>
    %get3A_212 = arith.constant 1 : index
    %get3A_213 = arith.constant 0 : index
    %get3A_214 = arith.constant 0 : index
    %get3A_215 = vector.load %arg2[%get3A_212, %get3A_213, %get3A_214] : memref<4x256x256xf32, #tpu.memory_space<vmem>>, vector<1x256x256xf32>
    %get3A_216 = vector.shape_cast %get3A_215 : vector<1x256x256xf32> to vector<256x256xf32>
    %mul3A_217 = vector.broadcast %get3A_211 : f32 to vector<256x256xf32>
    %mul3A_218 = arith.mulf %mul3A_217, %get3A_216 : vector<256x256xf32>
    %add3A_219 = arith.addf %mul3A_208, %mul3A_218 : vector<256x256xf32>
    %get3A_220 = arith.constant 4 : index
    %get3A_221 = arith.constant 2 : index
    %get3A_222 = memref.load %arg1[%get3A_220, %get3A_221] : memref<8x4xf32, #tpu.memory_space<smem>>
    %get3A_223 = arith.constant 2 : index
    %get3A_224 = arith.constant 0 : index
    %get3A_225 = arith.constant 0 : index
    %get3A_226 = vector.load %arg2[%get3A_223, %get3A_224, %get3A_225] : memref<4x256x256xf32, #tpu.memory_space<vmem>>, vector<1x256x256xf32>
    %get3A_227 = vector.shape_cast %get3A_226 : vector<1x256x256xf32> to vector<256x256xf32>
    %mul3A_228 = vector.broadcast %get3A_222 : f32 to vector<256x256xf32>
    %mul3A_229 = arith.mulf %mul3A_228, %get3A_227 : vector<256x256xf32>
    %add3A_230 = arith.addf %add3A_219, %mul3A_229 : vector<256x256xf32>
    %get3A_231 = arith.constant 4 : index
    %get3A_232 = arith.constant 3 : index
    %get3A_233 = memref.load %arg1[%get3A_231, %get3A_232] : memref<8x4xf32, #tpu.memory_space<smem>>
    %get3A_234 = arith.constant 3 : index
    %get3A_235 = arith.constant 0 : index
    %get3A_236 = arith.constant 0 : index
    %get3A_237 = vector.load %arg2[%get3A_234, %get3A_235, %get3A_236] : memref<4x256x256xf32, #tpu.memory_space<vmem>>, vector<1x256x256xf32>
    %get3A_238 = vector.shape_cast %get3A_237 : vector<1x256x256xf32> to vector<256x256xf32>
    %mul3A_239 = vector.broadcast %get3A_233 : f32 to vector<256x256xf32>
    %mul3A_240 = arith.mulf %mul3A_239, %get3A_238 : vector<256x256xf32>
    %add3A_241 = arith.addf %add3A_230, %mul3A_240 : vector<256x256xf32>
    %slice3A_242 = vector.extract_strided_slice %add3A_241 {offsets = [0, 0], sizes = [256, 128], strides = [1, 1]} : vector<256x256xf32> to vector<256x128xf32>
    %swap3A_243 = arith.constant 0 : index
    %swap3A_244 = arith.constant 512 : index
    %swap3A_245 = vector.load %arg4[%swap3A_243, %swap3A_244] : memref<256x2304xf32, #tpu.memory_space<vmem>>, vector<256x128xf32>
    tpu.vector_store %arg4[%swap3A_243, %swap3A_244], %slice3A_242 {strides = array<i32>} : memref<256x2304xf32, #tpu.memory_space<vmem>>, vector<256x128xf32>,
    %slice3A_246 = vector.extract_strided_slice %add3A_241 {offsets = [0, 128], sizes = [256, 128], strides = [1, 1]} : vector<256x256xf32> to vector<256x128xf32>
    %swap3A_247 = arith.constant 0 : index
    %swap3A_248 = arith.constant 1664 : index
    %swap3A_249 = vector.load %arg4[%swap3A_247, %swap3A_248] : memref<256x2304xf32, #tpu.memory_space<vmem>>, vector<256x128xf32>
    tpu.vector_store %arg4[%swap3A_247, %swap3A_248], %slice3A_246 {strides = array<i32>} : memref<256x2304xf32, #tpu.memory_space<vmem>>, vector<256x128xf32>,
    %get3A_250 = arith.constant 5 : index
    %get3A_251 = arith.constant 0 : index
    %get3A_252 = memref.load %arg1[%get3A_250, %get3A_251] : memref<8x4xf32, #tpu.memory_space<smem>>
    %get3A_253 = arith.constant 0 : index
    %get3A_254 = arith.constant 0 : index
    %get3A_255 = arith.constant 0 : index
    %get3A_256 = vector.load %arg2[%get3A_253, %get3A_254, %get3A_255] : memref<4x256x256xf32, #tpu.memory_space<vmem>>, vector<1x256x256xf32>
    %get3A_257 = vector.shape_cast %get3A_256 : vector<1x256x256xf32> to vector<256x256xf32>
    %mul3A_258 = vector.broadcast %get3A_252 : f32 to vector<256x256xf32>
    %mul3A_259 = arith.mulf %mul3A_258, %get3A_257 : vector<256x256xf32>
    %get3A_260 = arith.constant 5 : index
    %get3A_261 = arith.constant 1 : index
    %get3A_262 = memref.load %arg1[%get3A_260, %get3A_261] : memref<8x4xf32, #tpu.memory_space<smem>>
    %get3A_263 = arith.constant 1 : index
    %get3A_264 = arith.constant 0 : index
    %get3A_265 = arith.constant 0 : index
    %get3A_266 = vector.load %arg2[%get3A_263, %get3A_264, %get3A_265] : memref<4x256x256xf32, #tpu.memory_space<vmem>>, vector<1x256x256xf32>
    %get3A_267 = vector.shape_cast %get3A_266 : vector<1x256x256xf32> to vector<256x256xf32>
    %mul3A_268 = vector.broadcast %get3A_262 : f32 to vector<256x256xf32>
    %mul3A_269 = arith.mulf %mul3A_268, %get3A_267 : vector<256x256xf32>
    %add3A_270 = arith.addf %mul3A_259, %mul3A_269 : vector<256x256xf32>
    %get3A_271 = arith.constant 5 : index
    %get3A_272 = arith.constant 2 : index
    %get3A_273 = memref.load %arg1[%get3A_271, %get3A_272] : memref<8x4xf32, #tpu.memory_space<smem>>
    %get3A_274 = arith.constant 2 : index
    %get3A_275 = arith.constant 0 : index
    %get3A_276 = arith.constant 0 : index
    %get3A_277 = vector.load %arg2[%get3A_274, %get3A_275, %get3A_276] : memref<4x256x256xf32, #tpu.memory_space<vmem>>, vector<1x256x256xf32>
    %get3A_278 = vector.shape_cast %get3A_277 : vector<1x256x256xf32> to vector<256x256xf32>
    %mul3A_279 = vector.broadcast %get3A_273 : f32 to vector<256x256xf32>
    %mul3A_280 = arith.mulf %mul3A_279, %get3A_278 : vector<256x256xf32>
    %add3A_281 = arith.addf %add3A_270, %mul3A_280 : vector<256x256xf32>
    %get3A_282 = arith.constant 5 : index
    %get3A_283 = arith.constant 3 : index
    %get3A_284 = memref.load %arg1[%get3A_282, %get3A_283] : memref<8x4xf32, #tpu.memory_space<smem>>
    %get3A_285 = arith.constant 3 : index
    %get3A_286 = arith.constant 0 : index
    %get3A_287 = arith.constant 0 : index
    %get3A_288 = vector.load %arg2[%get3A_285, %get3A_286, %get3A_287] : memref<4x256x256xf32, #tpu.memory_space<vmem>>, vector<1x256x256xf32>
    %get3A_289 = vector.shape_cast %get3A_288 : vector<1x256x256xf32> to vector<256x256xf32>
    %mul3A_290 = vector.broadcast %get3A_284 : f32 to vector<256x256xf32>
    %mul3A_291 = arith.mulf %mul3A_290, %get3A_289 : vector<256x256xf32>
    %add3A_292 = arith.addf %add3A_281, %mul3A_291 : vector<256x256xf32>
    %slice3A_293 = vector.extract_strided_slice %add3A_292 {offsets = [0, 0], sizes = [256, 128], strides = [1, 1]} : vector<256x256xf32> to vector<256x128xf32>
    %swap3A_294 = arith.constant 0 : index
    %swap3A_295 = arith.constant 640 : index
    %swap3A_296 = vector.load %arg4[%swap3A_294, %swap3A_295] : memref<256x2304xf32, #tpu.memory_space<vmem>>, vector<256x128xf32>
    tpu.vector_store %arg4[%swap3A_294, %swap3A_295], %slice3A_293 {strides = array<i32>} : memref<256x2304xf32, #tpu.memory_space<vmem>>, vector<256x128xf32>,
    %slice3A_297 = vector.extract_strided_slice %add3A_292 {offsets = [0, 128], sizes = [256, 128], strides = [1, 1]} : vector<256x256xf32> to vector<256x128xf32>
    %swap3A_298 = arith.constant 0 : index
    %swap3A_299 = arith.constant 1792 : index
    %swap3A_300 = vector.load %arg4[%swap3A_298, %swap3A_299] : memref<256x2304xf32, #tpu.memory_space<vmem>>, vector<256x128xf32>
    tpu.vector_store %arg4[%swap3A_298, %swap3A_299], %slice3A_297 {strides = array<i32>} : memref<256x2304xf32, #tpu.memory_space<vmem>>, vector<256x128xf32>,
    %get3A_301 = arith.constant 6 : index
    %get3A_302 = arith.constant 0 : index
    %get3A_303 = memref.load %arg1[%get3A_301, %get3A_302] : memref<8x4xf32, #tpu.memory_space<smem>>
    %get3A_304 = arith.constant 0 : index
    %get3A_305 = arith.constant 0 : index
    %get3A_306 = arith.constant 0 : index
    %get3A_307 = vector.load %arg2[%get3A_304, %get3A_305, %get3A_306] : memref<4x256x256xf32, #tpu.memory_space<vmem>>, vector<1x256x256xf32>
    %get3A_308 = vector.shape_cast %get3A_307 : vector<1x256x256xf32> to vector<256x256xf32>
    %mul3A_309 = vector.broadcast %get3A_303 : f32 to vector<256x256xf32>
    %mul3A_310 = arith.mulf %mul3A_309, %get3A_308 : vector<256x256xf32>
    %get3A_311 = arith.constant 6 : index
    %get3A_312 = arith.constant 1 : index
    %get3A_313 = memref.load %arg1[%get3A_311, %get3A_312] : memref<8x4xf32, #tpu.memory_space<smem>>
    %get3A_314 = arith.constant 1 : index
    %get3A_315 = arith.constant 0 : index
    %get3A_316 = arith.constant 0 : index
    %get3A_317 = vector.load %arg2[%get3A_314, %get3A_315, %get3A_316] : memref<4x256x256xf32, #tpu.memory_space<vmem>>, vector<1x256x256xf32>
    %get3A_318 = vector.shape_cast %get3A_317 : vector<1x256x256xf32> to vector<256x256xf32>
    %mul3A_319 = vector.broadcast %get3A_313 : f32 to vector<256x256xf32>
    %mul3A_320 = arith.mulf %mul3A_319, %get3A_318 : vector<256x256xf32>
    %add3A_321 = arith.addf %mul3A_310, %mul3A_320 : vector<256x256xf32>
    %get3A_322 = arith.constant 6 : index
    %get3A_323 = arith.constant 2 : index
    %get3A_324 = memref.load %arg1[%get3A_322, %get3A_323] : memref<8x4xf32, #tpu.memory_space<smem>>
    %get3A_325 = arith.constant 2 : index
    %get3A_326 = arith.constant 0 : index
    %get3A_327 = arith.constant 0 : index
    %get3A_328 = vector.load %arg2[%get3A_325, %get3A_326, %get3A_327] : memref<4x256x256xf32, #tpu.memory_space<vmem>>, vector<1x256x256xf32>
    %get3A_329 = vector.shape_cast %get3A_328 : vector<1x256x256xf32> to vector<256x256xf32>
    %mul3A_330 = vector.broadcast %get3A_324 : f32 to vector<256x256xf32>
    %mul3A_331 = arith.mulf %mul3A_330, %get3A_329 : vector<256x256xf32>
    %add3A_332 = arith.addf %add3A_321, %mul3A_331 : vector<256x256xf32>
    %get3A_333 = arith.constant 6 : index
    %get3A_334 = arith.constant 3 : index
    %get3A_335 = memref.load %arg1[%get3A_333, %get3A_334] : memref<8x4xf32, #tpu.memory_space<smem>>
    %get3A_336 = arith.constant 3 : index
    %get3A_337 = arith.constant 0 : index
    %get3A_338 = arith.constant 0 : index
    %get3A_339 = vector.load %arg2[%get3A_336, %get3A_337, %get3A_338] : memref<4x256x256xf32, #tpu.memory_space<vmem>>, vector<1x256x256xf32>
    %get3A_340 = vector.shape_cast %get3A_339 : vector<1x256x256xf32> to vector<256x256xf32>
    %mul3A_341 = vector.broadcast %get3A_335 : f32 to vector<256x256xf32>
    %mul3A_342 = arith.mulf %mul3A_341, %get3A_340 : vector<256x256xf32>
    %add3A_343 = arith.addf %add3A_332, %mul3A_342 : vector<256x256xf32>
    %slice3A_344 = vector.extract_strided_slice %add3A_343 {offsets = [0, 0], sizes = [256, 128], strides = [1, 1]} : vector<256x256xf32> to vector<256x128xf32>
    %swap3A_345 = arith.constant 0 : index
    %swap3A_346 = arith.constant 768 : index
    %swap3A_347 = vector.load %arg4[%swap3A_345, %swap3A_346] : memref<256x2304xf32, #tpu.memory_space<vmem>>, vector<256x128xf32>
    tpu.vector_store %arg4[%swap3A_345, %swap3A_346], %slice3A_344 {strides = array<i32>} : memref<256x2304xf32, #tpu.memory_space<vmem>>, vector<256x128xf32>,
    %slice3A_348 = vector.extract_strided_slice %add3A_343 {offsets = [0, 128], sizes = [256, 128], strides = [1, 1]} : vector<256x256xf32> to vector<256x128xf32>
    %swap3A_349 = arith.constant 0 : index
    %swap3A_350 = arith.constant 1920 : index
    %swap3A_351 = vector.load %arg4[%swap3A_349, %swap3A_350] : memref<256x2304xf32, #tpu.memory_space<vmem>>, vector<256x128xf32>
    tpu.vector_store %arg4[%swap3A_349, %swap3A_350], %slice3A_348 {strides = array<i32>} : memref<256x2304xf32, #tpu.memory_space<vmem>>, vector<256x128xf32>,
    %get3A_352 = arith.constant 7 : index
    %get3A_353 = arith.constant 0 : index
    %get3A_354 = memref.load %arg1[%get3A_352, %get3A_353] : memref<8x4xf32, #tpu.memory_space<smem>>
    %get3A_355 = arith.constant 0 : index
    %get3A_356 = arith.constant 0 : index
    %get3A_357 = arith.constant 0 : index
    %get3A_358 = vector.load %arg2[%get3A_355, %get3A_356, %get3A_357] : memref<4x256x256xf32, #tpu.memory_space<vmem>>, vector<1x256x256xf32>
    %get3A_359 = vector.shape_cast %get3A_358 : vector<1x256x256xf32> to vector<256x256xf32>
    %mul3A_360 = vector.broadcast %get3A_354 : f32 to vector<256x256xf32>
    %mul3A_361 = arith.mulf %mul3A_360, %get3A_359 : vector<256x256xf32>
    %get3A_362 = arith.constant 7 : index
    %get3A_363 = arith.constant 1 : index
    %get3A_364 = memref.load %arg1[%get3A_362, %get3A_363] : memref<8x4xf32, #tpu.memory_space<smem>>
    %get3A_365 = arith.constant 1 : index
    %get3A_366 = arith.constant 0 : index
    %get3A_367 = arith.constant 0 : index
    %get3A_368 = vector.load %arg2[%get3A_365, %get3A_366, %get3A_367] : memref<4x256x256xf32, #tpu.memory_space<vmem>>, vector<1x256x256xf32>
    %get3A_369 = vector.shape_cast %get3A_368 : vector<1x256x256xf32> to vector<256x256xf32>
    %mul3A_370 = vector.broadcast %get3A_364 : f32 to vector<256x256xf32>
    %mul3A_371 = arith.mulf %mul3A_370, %get3A_369 : vector<256x256xf32>
    %add3A_372 = arith.addf %mul3A_361, %mul3A_371 : vector<256x256xf32>
    %get3A_373 = arith.constant 7 : index
    %get3A_374 = arith.constant 2 : index
    %get3A_375 = memref.load %arg1[%get3A_373, %get3A_374] : memref<8x4xf32, #tpu.memory_space<smem>>
    %get3A_376 = arith.constant 2 : index
    %get3A_377 = arith.constant 0 : index
    %get3A_378 = arith.constant 0 : index
    %get3A_379 = vector.load %arg2[%get3A_376, %get3A_377, %get3A_378] : memref<4x256x256xf32, #tpu.memory_space<vmem>>, vector<1x256x256xf32>
    %get3A_380 = vector.shape_cast %get3A_379 : vector<1x256x256xf32> to vector<256x256xf32>
    %mul3A_381 = vector.broadcast %get3A_375 : f32 to vector<256x256xf32>
    %mul3A_382 = arith.mulf %mul3A_381, %get3A_380 : vector<256x256xf32>
    %add3A_383 = arith.addf %add3A_372, %mul3A_382 : vector<256x256xf32>
    %get3A_384 = arith.constant 7 : index
    %get3A_385 = arith.constant 3 : index
    %get3A_386 = memref.load %arg1[%get3A_384, %get3A_385] : memref<8x4xf32, #tpu.memory_space<smem>>
    %get3A_387 = arith.constant 3 : index
    %get3A_388 = arith.constant 0 : index
    %get3A_389 = arith.constant 0 : index
    %get3A_390 = vector.load %arg2[%get3A_387, %get3A_388, %get3A_389] : memref<4x256x256xf32, #tpu.memory_space<vmem>>, vector<1x256x256xf32>
    %get3A_391 = vector.shape_cast %get3A_390 : vector<1x256x256xf32> to vector<256x256xf32>
    %mul3A_392 = vector.broadcast %get3A_386 : f32 to vector<256x256xf32>
    %mul3A_393 = arith.mulf %mul3A_392, %get3A_391 : vector<256x256xf32>
    %add3A_394 = arith.addf %add3A_383, %mul3A_393 : vector<256x256xf32>
    %slice3A_395 = vector.extract_strided_slice %add3A_394 {offsets = [0, 0], sizes = [256, 128], strides = [1, 1]} : vector<256x256xf32> to vector<256x128xf32>
    %swap3A_396 = arith.constant 0 : index
    %swap3A_397 = arith.constant 896 : index
    %swap3A_398 = vector.load %arg4[%swap3A_396, %swap3A_397] : memref<256x2304xf32, #tpu.memory_space<vmem>>, vector<256x128xf32>
    tpu.vector_store %arg4[%swap3A_396, %swap3A_397], %slice3A_395 {strides = array<i32>} : memref<256x2304xf32, #tpu.memory_space<vmem>>, vector<256x128xf32>,
    %slice3A_399 = vector.extract_strided_slice %add3A_394 {offsets = [0, 128], sizes = [256, 128], strides = [1, 1]} : vector<256x256xf32> to vector<256x128xf32>
    %swap3A_400 = arith.constant 0 : index
    %swap3A_401 = arith.constant 2048 : index
    %swap3A_402 = vector.load %arg4[%swap3A_400, %swap3A_401] : memref<256x2304xf32, #tpu.memory_space<vmem>>, vector<256x128xf32>
    tpu.vector_store %arg4[%swap3A_400, %swap3A_401], %slice3A_399 {strides = array<i32>} : memref<256x2304xf32, #tpu.memory_space<vmem>>, vector<256x128xf32>,
    %get3A_403 = arith.constant 0 : index
    %get3A_404 = arith.constant 0 : index
    %get3A_405 = vector.load %arg3[%get3A_403, %get3A_404] : memref<256x256xf32, #tpu.memory_space<vmem>>, vector<256x256xf32>
    %slice3A_406 = vector.extract_strided_slice %get3A_405 {offsets = [0, 0], sizes = [256, 128], strides = [1, 1]} : vector<256x256xf32> to vector<256x128xf32>
    %swap3A_407 = arith.constant 0 : index
    %swap3A_408 = arith.constant 1024 : index
    %swap3A_409 = vector.load %arg4[%swap3A_407, %swap3A_408] : memref<256x2304xf32, #tpu.memory_space<vmem>>, vector<256x128xf32>
    tpu.vector_store %arg4[%swap3A_407, %swap3A_408], %slice3A_406 {strides = array<i32>} : memref<256x2304xf32, #tpu.memory_space<vmem>>, vector<256x128xf32>,
    %slice3A_410 = vector.extract_strided_slice %get3A_405 {offsets = [0, 128], sizes = [256, 128], strides = [1, 1]} : vector<256x256xf32> to vector<256x128xf32>
    %swap3A_411 = arith.constant 0 : index
    %swap3A_412 = arith.constant 2176 : index
    %swap3A_413 = vector.load %arg4[%swap3A_411, %swap3A_412] : memref<256x2304xf32, #tpu.memory_space<vmem>>, vector<256x128xf32>
    tpu.vector_store %arg4[%swap3A_411, %swap3A_412], %slice3A_410 {strides = array<i32>} : memref<256x2304xf32, #tpu.memory_space<vmem>>, vector<256x128xf32>,
    return
  }
  func.func @transform_0(%arg0: i32) -> (i32, i32) {
    %c0_i32 = arith.constant 0 : i32
    %c0_i32_0 = arith.constant 0 : i32
    %c0_i32_1 = arith.constant 0 : i32
    return %c0_i32, %c0_i32_0 : i32, i32
  }
  func.func @transform_1(%arg0: i32) -> (i32, i32, i32) {
    %c0_i32 = arith.constant 0 : i32
    %c0_i32_0 = arith.constant 0 : i32
    %c0_i32_1 = arith.constant 0 : i32
    %c0_i32_2 = arith.constant 0 : i32
    return %c0_i32, %c0_i32_0, %c0_i32_1 : i32, i32, i32
  }
  func.func @transform_2(%arg0: i32) -> (i32, i32) {
    %c0_i32 = arith.constant 0 : i32
    %c0_i32_0 = arith.constant 0 : i32
    %c0_i32_1 = arith.constant 0 : i32
    return %c0_i32, %c0_i32_0 : i32, i32
  }
  func.func @transform_3(%arg0: i32) -> (i32, i32) {
    %c0_i32 = arith.constant 0 : i32
    %c0_i32_0 = arith.constant 0 : i32
    %c0_i32_1 = arith.constant 0 : i32
    return %c0_i32, %c0_i32_0 : i32, i32
  }
}

module attributes {stable_mosaic.version = 14 : i64} {
  func.func @_mm_body(%arg0: i32, %arg1: memref<400x256xf32, #tpu.memory_space<vmem>>, %arg2: memref<256x2304xf32, #tpu.memory_space<vmem>>, %arg3: memref<18x400x128xf32, #tpu.memory_space<vmem>>) attributes {dimension_semantics = [#tpu.dimension_semantics<arbitrary>], iteration_bounds = array<i64: 25>, scalar_prefetch = 0 : i64, scratch_operands = 0 : i64, tpu.core_type = #tpu.core_type<tc>, window_params = [{transform_indices = @transform_0, window_bounds = array<i64: 400, 256>}, {pipeline_mode = #tpu.pipeline_mode<synchronous>, transform_indices = @transform_1, window_bounds = array<i64: 256, 2304>}, {transform_indices = @transform_2, window_bounds = array<i64: 18, 400, 128>}]} {
    %get3A = arith.constant 0 : index
    %get3A_0 = arith.constant 0 : index
    %get3A_1 = vector.load %arg1[%get3A, %get3A_0] : memref<400x256xf32, #tpu.memory_space<vmem>>, vector<400x256xf32>
    %convert_element_type3A = arith.truncf %get3A_1 : vector<400x256xf32> to vector<400x256xbf16>
    %get3A_2 = arith.constant 0 : index
    %get3A_3 = arith.constant 0 : index
    %get3A_4 = vector.load %arg2[%get3A_2, %get3A_3] : memref<256x2304xf32, #tpu.memory_space<vmem>>, vector<256x2304xf32>
    %convert_element_type3A_5 = arith.truncf %get3A_4 : vector<256x2304xf32> to vector<256x2304xbf16>
    %dot_general3A = arith.constant dense<0.000000e+00> : vector<400x2304xf32>
    %dot_general3A_6 = tpu.matmul %convert_element_type3A, %convert_element_type3A_5, %dot_general3A {dimension_numbers = #tpu.dot_dimension_numbers<[1], [0], [0], [1], [0, 0, 1, 1], [], []>, transpose_lhs_hint = false} : vector<400x256xbf16>, vector<256x2304xbf16>, vector<400x2304xf32> -> vector<400x2304xf32>
    %slice3A = vector.extract_strided_slice %dot_general3A_6 {offsets = [0, 0], sizes = [400, 128], strides = [1, 1]} : vector<400x2304xf32> to vector<400x128xf32>
    %swap3A = arith.constant 0 : index
    %swap3A_7 = arith.constant 0 : index
    %swap3A_8 = arith.constant 0 : index
    %swap3A_9 = vector.load %arg3[%swap3A, %swap3A_7, %swap3A_8] : memref<18x400x128xf32, #tpu.memory_space<vmem>>, vector<1x400x128xf32>
    %swap3A_10 = vector.shape_cast %swap3A_9 : vector<1x400x128xf32> to vector<400x128xf32>
    %swap3A_11 = vector.shape_cast %slice3A : vector<400x128xf32> to vector<1x400x128xf32>
    tpu.vector_store %arg3[%swap3A, %swap3A_7, %swap3A_8], %swap3A_11 {strides = array<i32>} : memref<18x400x128xf32, #tpu.memory_space<vmem>>, vector<1x400x128xf32>,
    %slice3A_12 = vector.extract_strided_slice %dot_general3A_6 {offsets = [0, 128], sizes = [400, 128], strides = [1, 1]} : vector<400x2304xf32> to vector<400x128xf32>
    %swap3A_13 = arith.constant 1 : index
    %swap3A_14 = arith.constant 0 : index
    %swap3A_15 = arith.constant 0 : index
    %swap3A_16 = vector.load %arg3[%swap3A_13, %swap3A_14, %swap3A_15] : memref<18x400x128xf32, #tpu.memory_space<vmem>>, vector<1x400x128xf32>
    %swap3A_17 = vector.shape_cast %swap3A_16 : vector<1x400x128xf32> to vector<400x128xf32>
    %swap3A_18 = vector.shape_cast %slice3A_12 : vector<400x128xf32> to vector<1x400x128xf32>
    tpu.vector_store %arg3[%swap3A_13, %swap3A_14, %swap3A_15], %swap3A_18 {strides = array<i32>} : memref<18x400x128xf32, #tpu.memory_space<vmem>>, vector<1x400x128xf32>,
    %slice3A_19 = vector.extract_strided_slice %dot_general3A_6 {offsets = [0, 256], sizes = [400, 128], strides = [1, 1]} : vector<400x2304xf32> to vector<400x128xf32>
    %swap3A_20 = arith.constant 2 : index
    %swap3A_21 = arith.constant 0 : index
    %swap3A_22 = arith.constant 0 : index
    %swap3A_23 = vector.load %arg3[%swap3A_20, %swap3A_21, %swap3A_22] : memref<18x400x128xf32, #tpu.memory_space<vmem>>, vector<1x400x128xf32>
    %swap3A_24 = vector.shape_cast %swap3A_23 : vector<1x400x128xf32> to vector<400x128xf32>
    %swap3A_25 = vector.shape_cast %slice3A_19 : vector<400x128xf32> to vector<1x400x128xf32>
    tpu.vector_store %arg3[%swap3A_20, %swap3A_21, %swap3A_22], %swap3A_25 {strides = array<i32>} : memref<18x400x128xf32, #tpu.memory_space<vmem>>, vector<1x400x128xf32>,
    %slice3A_26 = vector.extract_strided_slice %dot_general3A_6 {offsets = [0, 384], sizes = [400, 128], strides = [1, 1]} : vector<400x2304xf32> to vector<400x128xf32>
    %swap3A_27 = arith.constant 3 : index
    %swap3A_28 = arith.constant 0 : index
    %swap3A_29 = arith.constant 0 : index
    %swap3A_30 = vector.load %arg3[%swap3A_27, %swap3A_28, %swap3A_29] : memref<18x400x128xf32, #tpu.memory_space<vmem>>, vector<1x400x128xf32>
    %swap3A_31 = vector.shape_cast %swap3A_30 : vector<1x400x128xf32> to vector<400x128xf32>
    %swap3A_32 = vector.shape_cast %slice3A_26 : vector<400x128xf32> to vector<1x400x128xf32>
    tpu.vector_store %arg3[%swap3A_27, %swap3A_28, %swap3A_29], %swap3A_32 {strides = array<i32>} : memref<18x400x128xf32, #tpu.memory_space<vmem>>, vector<1x400x128xf32>,
    %slice3A_33 = vector.extract_strided_slice %dot_general3A_6 {offsets = [0, 512], sizes = [400, 128], strides = [1, 1]} : vector<400x2304xf32> to vector<400x128xf32>
    %swap3A_34 = arith.constant 4 : index
    %swap3A_35 = arith.constant 0 : index
    %swap3A_36 = arith.constant 0 : index
    %swap3A_37 = vector.load %arg3[%swap3A_34, %swap3A_35, %swap3A_36] : memref<18x400x128xf32, #tpu.memory_space<vmem>>, vector<1x400x128xf32>
    %swap3A_38 = vector.shape_cast %swap3A_37 : vector<1x400x128xf32> to vector<400x128xf32>
    %swap3A_39 = vector.shape_cast %slice3A_33 : vector<400x128xf32> to vector<1x400x128xf32>
    tpu.vector_store %arg3[%swap3A_34, %swap3A_35, %swap3A_36], %swap3A_39 {strides = array<i32>} : memref<18x400x128xf32, #tpu.memory_space<vmem>>, vector<1x400x128xf32>,
    %slice3A_40 = vector.extract_strided_slice %dot_general3A_6 {offsets = [0, 640], sizes = [400, 128], strides = [1, 1]} : vector<400x2304xf32> to vector<400x128xf32>
    %swap3A_41 = arith.constant 5 : index
    %swap3A_42 = arith.constant 0 : index
    %swap3A_43 = arith.constant 0 : index
    %swap3A_44 = vector.load %arg3[%swap3A_41, %swap3A_42, %swap3A_43] : memref<18x400x128xf32, #tpu.memory_space<vmem>>, vector<1x400x128xf32>
    %swap3A_45 = vector.shape_cast %swap3A_44 : vector<1x400x128xf32> to vector<400x128xf32>
    %swap3A_46 = vector.shape_cast %slice3A_40 : vector<400x128xf32> to vector<1x400x128xf32>
    tpu.vector_store %arg3[%swap3A_41, %swap3A_42, %swap3A_43], %swap3A_46 {strides = array<i32>} : memref<18x400x128xf32, #tpu.memory_space<vmem>>, vector<1x400x128xf32>,
    %slice3A_47 = vector.extract_strided_slice %dot_general3A_6 {offsets = [0, 768], sizes = [400, 128], strides = [1, 1]} : vector<400x2304xf32> to vector<400x128xf32>
    %swap3A_48 = arith.constant 6 : index
    %swap3A_49 = arith.constant 0 : index
    %swap3A_50 = arith.constant 0 : index
    %swap3A_51 = vector.load %arg3[%swap3A_48, %swap3A_49, %swap3A_50] : memref<18x400x128xf32, #tpu.memory_space<vmem>>, vector<1x400x128xf32>
    %swap3A_52 = vector.shape_cast %swap3A_51 : vector<1x400x128xf32> to vector<400x128xf32>
    %swap3A_53 = vector.shape_cast %slice3A_47 : vector<400x128xf32> to vector<1x400x128xf32>
    tpu.vector_store %arg3[%swap3A_48, %swap3A_49, %swap3A_50], %swap3A_53 {strides = array<i32>} : memref<18x400x128xf32, #tpu.memory_space<vmem>>, vector<1x400x128xf32>,
    %slice3A_54 = vector.extract_strided_slice %dot_general3A_6 {offsets = [0, 896], sizes = [400, 128], strides = [1, 1]} : vector<400x2304xf32> to vector<400x128xf32>
    %swap3A_55 = arith.constant 7 : index
    %swap3A_56 = arith.constant 0 : index
    %swap3A_57 = arith.constant 0 : index
    %swap3A_58 = vector.load %arg3[%swap3A_55, %swap3A_56, %swap3A_57] : memref<18x400x128xf32, #tpu.memory_space<vmem>>, vector<1x400x128xf32>
    %swap3A_59 = vector.shape_cast %swap3A_58 : vector<1x400x128xf32> to vector<400x128xf32>
    %swap3A_60 = vector.shape_cast %slice3A_54 : vector<400x128xf32> to vector<1x400x128xf32>
    tpu.vector_store %arg3[%swap3A_55, %swap3A_56, %swap3A_57], %swap3A_60 {strides = array<i32>} : memref<18x400x128xf32, #tpu.memory_space<vmem>>, vector<1x400x128xf32>,
    %slice3A_61 = vector.extract_strided_slice %dot_general3A_6 {offsets = [0, 1024], sizes = [400, 128], strides = [1, 1]} : vector<400x2304xf32> to vector<400x128xf32>
    %swap3A_62 = arith.constant 8 : index
    %swap3A_63 = arith.constant 0 : index
    %swap3A_64 = arith.constant 0 : index
    %swap3A_65 = vector.load %arg3[%swap3A_62, %swap3A_63, %swap3A_64] : memref<18x400x128xf32, #tpu.memory_space<vmem>>, vector<1x400x128xf32>
    %swap3A_66 = vector.shape_cast %swap3A_65 : vector<1x400x128xf32> to vector<400x128xf32>
    %swap3A_67 = vector.shape_cast %slice3A_61 : vector<400x128xf32> to vector<1x400x128xf32>
    tpu.vector_store %arg3[%swap3A_62, %swap3A_63, %swap3A_64], %swap3A_67 {strides = array<i32>} : memref<18x400x128xf32, #tpu.memory_space<vmem>>, vector<1x400x128xf32>,
    %slice3A_68 = vector.extract_strided_slice %dot_general3A_6 {offsets = [0, 1152], sizes = [400, 128], strides = [1, 1]} : vector<400x2304xf32> to vector<400x128xf32>
    %swap3A_69 = arith.constant 9 : index
    %swap3A_70 = arith.constant 0 : index
    %swap3A_71 = arith.constant 0 : index
    %swap3A_72 = vector.load %arg3[%swap3A_69, %swap3A_70, %swap3A_71] : memref<18x400x128xf32, #tpu.memory_space<vmem>>, vector<1x400x128xf32>
    %swap3A_73 = vector.shape_cast %swap3A_72 : vector<1x400x128xf32> to vector<400x128xf32>
    %swap3A_74 = vector.shape_cast %slice3A_68 : vector<400x128xf32> to vector<1x400x128xf32>
    tpu.vector_store %arg3[%swap3A_69, %swap3A_70, %swap3A_71], %swap3A_74 {strides = array<i32>} : memref<18x400x128xf32, #tpu.memory_space<vmem>>, vector<1x400x128xf32>,
    %slice3A_75 = vector.extract_strided_slice %dot_general3A_6 {offsets = [0, 1280], sizes = [400, 128], strides = [1, 1]} : vector<400x2304xf32> to vector<400x128xf32>
    %swap3A_76 = arith.constant 10 : index
    %swap3A_77 = arith.constant 0 : index
    %swap3A_78 = arith.constant 0 : index
    %swap3A_79 = vector.load %arg3[%swap3A_76, %swap3A_77, %swap3A_78] : memref<18x400x128xf32, #tpu.memory_space<vmem>>, vector<1x400x128xf32>
    %swap3A_80 = vector.shape_cast %swap3A_79 : vector<1x400x128xf32> to vector<400x128xf32>
    %swap3A_81 = vector.shape_cast %slice3A_75 : vector<400x128xf32> to vector<1x400x128xf32>
    tpu.vector_store %arg3[%swap3A_76, %swap3A_77, %swap3A_78], %swap3A_81 {strides = array<i32>} : memref<18x400x128xf32, #tpu.memory_space<vmem>>, vector<1x400x128xf32>,
    %slice3A_82 = vector.extract_strided_slice %dot_general3A_6 {offsets = [0, 1408], sizes = [400, 128], strides = [1, 1]} : vector<400x2304xf32> to vector<400x128xf32>
    %swap3A_83 = arith.constant 11 : index
    %swap3A_84 = arith.constant 0 : index
    %swap3A_85 = arith.constant 0 : index
    %swap3A_86 = vector.load %arg3[%swap3A_83, %swap3A_84, %swap3A_85] : memref<18x400x128xf32, #tpu.memory_space<vmem>>, vector<1x400x128xf32>
    %swap3A_87 = vector.shape_cast %swap3A_86 : vector<1x400x128xf32> to vector<400x128xf32>
    %swap3A_88 = vector.shape_cast %slice3A_82 : vector<400x128xf32> to vector<1x400x128xf32>
    tpu.vector_store %arg3[%swap3A_83, %swap3A_84, %swap3A_85], %swap3A_88 {strides = array<i32>} : memref<18x400x128xf32, #tpu.memory_space<vmem>>, vector<1x400x128xf32>,
    %slice3A_89 = vector.extract_strided_slice %dot_general3A_6 {offsets = [0, 1536], sizes = [400, 128], strides = [1, 1]} : vector<400x2304xf32> to vector<400x128xf32>
    %swap3A_90 = arith.constant 12 : index
    %swap3A_91 = arith.constant 0 : index
    %swap3A_92 = arith.constant 0 : index
    %swap3A_93 = vector.load %arg3[%swap3A_90, %swap3A_91, %swap3A_92] : memref<18x400x128xf32, #tpu.memory_space<vmem>>, vector<1x400x128xf32>
    %swap3A_94 = vector.shape_cast %swap3A_93 : vector<1x400x128xf32> to vector<400x128xf32>
    %swap3A_95 = vector.shape_cast %slice3A_89 : vector<400x128xf32> to vector<1x400x128xf32>
    tpu.vector_store %arg3[%swap3A_90, %swap3A_91, %swap3A_92], %swap3A_95 {strides = array<i32>} : memref<18x400x128xf32, #tpu.memory_space<vmem>>, vector<1x400x128xf32>,
    %slice3A_96 = vector.extract_strided_slice %dot_general3A_6 {offsets = [0, 1664], sizes = [400, 128], strides = [1, 1]} : vector<400x2304xf32> to vector<400x128xf32>
    %swap3A_97 = arith.constant 13 : index
    %swap3A_98 = arith.constant 0 : index
    %swap3A_99 = arith.constant 0 : index
    %swap3A_100 = vector.load %arg3[%swap3A_97, %swap3A_98, %swap3A_99] : memref<18x400x128xf32, #tpu.memory_space<vmem>>, vector<1x400x128xf32>
    %swap3A_101 = vector.shape_cast %swap3A_100 : vector<1x400x128xf32> to vector<400x128xf32>
    %swap3A_102 = vector.shape_cast %slice3A_96 : vector<400x128xf32> to vector<1x400x128xf32>
    tpu.vector_store %arg3[%swap3A_97, %swap3A_98, %swap3A_99], %swap3A_102 {strides = array<i32>} : memref<18x400x128xf32, #tpu.memory_space<vmem>>, vector<1x400x128xf32>,
    %slice3A_103 = vector.extract_strided_slice %dot_general3A_6 {offsets = [0, 1792], sizes = [400, 128], strides = [1, 1]} : vector<400x2304xf32> to vector<400x128xf32>
    %swap3A_104 = arith.constant 14 : index
    %swap3A_105 = arith.constant 0 : index
    %swap3A_106 = arith.constant 0 : index
    %swap3A_107 = vector.load %arg3[%swap3A_104, %swap3A_105, %swap3A_106] : memref<18x400x128xf32, #tpu.memory_space<vmem>>, vector<1x400x128xf32>
    %swap3A_108 = vector.shape_cast %swap3A_107 : vector<1x400x128xf32> to vector<400x128xf32>
    %swap3A_109 = vector.shape_cast %slice3A_103 : vector<400x128xf32> to vector<1x400x128xf32>
    tpu.vector_store %arg3[%swap3A_104, %swap3A_105, %swap3A_106], %swap3A_109 {strides = array<i32>} : memref<18x400x128xf32, #tpu.memory_space<vmem>>, vector<1x400x128xf32>,
    %slice3A_110 = vector.extract_strided_slice %dot_general3A_6 {offsets = [0, 1920], sizes = [400, 128], strides = [1, 1]} : vector<400x2304xf32> to vector<400x128xf32>
    %swap3A_111 = arith.constant 15 : index
    %swap3A_112 = arith.constant 0 : index
    %swap3A_113 = arith.constant 0 : index
    %swap3A_114 = vector.load %arg3[%swap3A_111, %swap3A_112, %swap3A_113] : memref<18x400x128xf32, #tpu.memory_space<vmem>>, vector<1x400x128xf32>
    %swap3A_115 = vector.shape_cast %swap3A_114 : vector<1x400x128xf32> to vector<400x128xf32>
    %swap3A_116 = vector.shape_cast %slice3A_110 : vector<400x128xf32> to vector<1x400x128xf32>
    tpu.vector_store %arg3[%swap3A_111, %swap3A_112, %swap3A_113], %swap3A_116 {strides = array<i32>} : memref<18x400x128xf32, #tpu.memory_space<vmem>>, vector<1x400x128xf32>,
    %slice3A_117 = vector.extract_strided_slice %dot_general3A_6 {offsets = [0, 2048], sizes = [400, 128], strides = [1, 1]} : vector<400x2304xf32> to vector<400x128xf32>
    %swap3A_118 = arith.constant 16 : index
    %swap3A_119 = arith.constant 0 : index
    %swap3A_120 = arith.constant 0 : index
    %swap3A_121 = vector.load %arg3[%swap3A_118, %swap3A_119, %swap3A_120] : memref<18x400x128xf32, #tpu.memory_space<vmem>>, vector<1x400x128xf32>
    %swap3A_122 = vector.shape_cast %swap3A_121 : vector<1x400x128xf32> to vector<400x128xf32>
    %swap3A_123 = vector.shape_cast %slice3A_117 : vector<400x128xf32> to vector<1x400x128xf32>
    tpu.vector_store %arg3[%swap3A_118, %swap3A_119, %swap3A_120], %swap3A_123 {strides = array<i32>} : memref<18x400x128xf32, #tpu.memory_space<vmem>>, vector<1x400x128xf32>,
    %slice3A_124 = vector.extract_strided_slice %dot_general3A_6 {offsets = [0, 2176], sizes = [400, 128], strides = [1, 1]} : vector<400x2304xf32> to vector<400x128xf32>
    %swap3A_125 = arith.constant 17 : index
    %swap3A_126 = arith.constant 0 : index
    %swap3A_127 = arith.constant 0 : index
    %swap3A_128 = vector.load %arg3[%swap3A_125, %swap3A_126, %swap3A_127] : memref<18x400x128xf32, #tpu.memory_space<vmem>>, vector<1x400x128xf32>
    %swap3A_129 = vector.shape_cast %swap3A_128 : vector<1x400x128xf32> to vector<400x128xf32>
    %swap3A_130 = vector.shape_cast %slice3A_124 : vector<400x128xf32> to vector<1x400x128xf32>
    tpu.vector_store %arg3[%swap3A_125, %swap3A_126, %swap3A_127], %swap3A_130 {strides = array<i32>} : memref<18x400x128xf32, #tpu.memory_space<vmem>>, vector<1x400x128xf32>,
    return
  }
  func.func @transform_0(%arg0: i32) -> (i32, i32) {
    %c0_i32 = arith.constant 0 : i32
    %c0_i32_0 = arith.constant 0 : i32
    return %arg0, %c0_i32 : i32, i32
  }
  func.func @transform_1(%arg0: i32) -> (i32, i32) {
    %c0_i32 = arith.constant 0 : i32
    %c0_i32_0 = arith.constant 0 : i32
    %c0_i32_1 = arith.constant 0 : i32
    return %c0_i32, %c0_i32_0 : i32, i32
  }
  func.func @transform_2(%arg0: i32) -> (i32, i32, i32) {
    %c0_i32 = arith.constant 0 : i32
    %c0_i32_0 = arith.constant 0 : i32
    %c0_i32_1 = arith.constant 0 : i32
    return %c0_i32, %arg0, %c0_i32_0 : i32, i32, i32
  }
}

module attributes {stable_mosaic.version = 14 : i64} {
  func.func @_fin_body(%arg0: i32, %arg1: memref<400x128xf32, #tpu.memory_space<vmem>>, %arg2: memref<400x128xf32, #tpu.memory_space<vmem>>, %arg3: memref<1x400x128xf32, #tpu.memory_space<vmem>>, %arg4: memref<1x400x128xf32, #tpu.memory_space<vmem>>, %arg5: memref<1x256xf32, #tpu.memory_space<vmem>>, %arg6: memref<1x400x128xf32, #tpu.memory_space<vmem>>, %arg7: memref<1x400x128xf32, #tpu.memory_space<vmem>>, %arg8: memref<400x256xf32, #tpu.memory_space<vmem>>) attributes {dimension_semantics = [#tpu.dimension_semantics<arbitrary>], iteration_bounds = array<i64: 25>, scalar_prefetch = 0 : i64, scratch_operands = 0 : i64, tpu.core_type = #tpu.core_type<tc>, window_params = [{transform_indices = @transform_0, window_bounds = array<i64: 400, 128>}, {transform_indices = @transform_1, window_bounds = array<i64: 400, 128>}, {transform_indices = @transform_2, window_bounds = array<i64: 1, 400, 128>}, {transform_indices = @transform_3, window_bounds = array<i64: 1, 400, 128>}, {pipeline_mode = #tpu.pipeline_mode<synchronous>, transform_indices = @transform_4, window_bounds = array<i64: 1, 256>}, {transform_indices = @transform_5, window_bounds = array<i64: 1, 400, 128>}, {transform_indices = @transform_6, window_bounds = array<i64: 1, 400, 128>}, {transform_indices = @transform_7, window_bounds = array<i64: 400, 256>}]} {
    %get3A = arith.constant 0 : index
    %get3A_0 = arith.constant 0 : index
    %get3A_1 = arith.constant 0 : index
    %get3A_2 = vector.load %arg3[%get3A, %get3A_0, %get3A_1] : memref<1x400x128xf32, #tpu.memory_space<vmem>>, vector<1x400x128xf32>
    %get3A_3 = vector.shape_cast %get3A_2 : vector<1x400x128xf32> to vector<400x128xf32>
    %slice3A = vector.extract_strided_slice %get3A_3 {offsets = [0, 0], sizes = [400, 1], strides = [1, 1]} : vector<400x128xf32> to vector<400x1xf32>
    %get3A_4 = arith.constant 0 : index
    %get3A_5 = arith.constant 0 : index
    %get3A_6 = arith.constant 0 : index
    %get3A_7 = vector.load %arg4[%get3A_4, %get3A_5, %get3A_6] : memref<1x400x128xf32, #tpu.memory_space<vmem>>, vector<1x400x128xf32>
    %get3A_8 = vector.shape_cast %get3A_7 : vector<1x400x128xf32> to vector<400x128xf32>
    %slice3A_9 = vector.extract_strided_slice %get3A_8 {offsets = [0, 0], sizes = [400, 1], strides = [1, 1]} : vector<400x128xf32> to vector<400x1xf32>
    %add3A = arith.addf %slice3A, %slice3A_9 : vector<400x1xf32>
    %max3A = arith.constant 1.000000e+00 : f32
    %max3A_10 = vector.broadcast %max3A : f32 to vector<400x1xf32>
    %max3A_11 = arith.maximumf %add3A, %max3A_10 : vector<400x1xf32>
    %div3A = arith.constant 1.000000e+00 : f32
    %div3A_12 = vector.broadcast %div3A : f32 to vector<400x1xf32>
    %div3A_13 = arith.divf %div3A_12, %max3A_11 : vector<400x1xf32>
    %get3A_14 = arith.constant 0 : index
    %get3A_15 = arith.constant 0 : index
    %get3A_16 = vector.load %arg1[%get3A_14, %get3A_15] : memref<400x128xf32, #tpu.memory_space<vmem>>, vector<400x128xf32>
    %mul3A = vector.broadcast %div3A_13 : vector<400x1xf32> to vector<400x128xf32>
    %mul3A_17 = arith.mulf %get3A_16, %mul3A : vector<400x128xf32>
    %get3A_18 = arith.constant 0 : index
    %get3A_19 = arith.constant 0 : index
    %get3A_20 = vector.load %arg5[%get3A_18, %get3A_19] : memref<1x256xf32, #tpu.memory_space<vmem>>, vector<1x128xf32>
    %add3A_21 = vector.broadcast %get3A_20 : vector<1x128xf32> to vector<400x128xf32>
    %add3A_22 = arith.addf %mul3A_17, %add3A_21 : vector<400x128xf32>
    %get3A_23 = arith.constant 0 : index
    %get3A_24 = arith.constant 0 : index
    %get3A_25 = arith.constant 0 : index
    %get3A_26 = vector.load %arg6[%get3A_23, %get3A_24, %get3A_25] : memref<1x400x128xf32, #tpu.memory_space<vmem>>, vector<1x400x128xf32>
    %get3A_27 = vector.shape_cast %get3A_26 : vector<1x400x128xf32> to vector<400x128xf32>
    %add3A_28 = arith.addf %add3A_22, %get3A_27 : vector<400x128xf32>
    %get3A_29 = arith.constant 0 : index
    %get3A_30 = arith.constant 0 : index
    %get3A_31 = vector.load %arg2[%get3A_29, %get3A_30] : memref<400x128xf32, #tpu.memory_space<vmem>>, vector<400x128xf32>
    %mul3A_32 = vector.broadcast %div3A_13 : vector<400x1xf32> to vector<400x128xf32>
    %mul3A_33 = arith.mulf %get3A_31, %mul3A_32 : vector<400x128xf32>
    %get3A_34 = arith.constant 0 : index
    %get3A_35 = arith.constant 128 : index
    %get3A_36 = vector.load %arg5[%get3A_34, %get3A_35] : memref<1x256xf32, #tpu.memory_space<vmem>>, vector<1x128xf32>
    %add3A_37 = vector.broadcast %get3A_36 : vector<1x128xf32> to vector<400x128xf32>
    %add3A_38 = arith.addf %mul3A_33, %add3A_37 : vector<400x128xf32>
    %get3A_39 = arith.constant 0 : index
    %get3A_40 = arith.constant 0 : index
    %get3A_41 = arith.constant 0 : index
    %get3A_42 = vector.load %arg7[%get3A_39, %get3A_40, %get3A_41] : memref<1x400x128xf32, #tpu.memory_space<vmem>>, vector<1x400x128xf32>
    %get3A_43 = vector.shape_cast %get3A_42 : vector<1x400x128xf32> to vector<400x128xf32>
    %add3A_44 = arith.addf %add3A_38, %get3A_43 : vector<400x128xf32>
    %max3A_45 = arith.constant 0.000000e+00 : f32
    %max3A_46 = vector.broadcast %max3A_45 : f32 to vector<400x128xf32>
    %max3A_47 = arith.maximumf %add3A_28, %max3A_46 : vector<400x128xf32>
    %max3A_48 = arith.constant 0.000000e+00 : f32
    %max3A_49 = vector.broadcast %max3A_48 : f32 to vector<400x128xf32>
    %max3A_50 = arith.maximumf %add3A_44, %max3A_49 : vector<400x128xf32>
    %swap3A = arith.constant 0 : index
    %swap3A_51 = arith.constant 0 : index
    %swap3A_52 = vector.load %arg8[%swap3A, %swap3A_51] : memref<400x256xf32, #tpu.memory_space<vmem>>, vector<400x128xf32>
    tpu.vector_store %arg8[%swap3A, %swap3A_51], %max3A_47 {strides = array<i32>} : memref<400x256xf32, #tpu.memory_space<vmem>>, vector<400x128xf32>,
    %swap3A_53 = arith.constant 0 : index
    %swap3A_54 = arith.constant 128 : index
    %swap3A_55 = vector.load %arg8[%swap3A_53, %swap3A_54] : memref<400x256xf32, #tpu.memory_space<vmem>>, vector<400x128xf32>
    tpu.vector_store %arg8[%swap3A_53, %swap3A_54], %max3A_50 {strides = array<i32>} : memref<400x256xf32, #tpu.memory_space<vmem>>, vector<400x128xf32>,
    return
  }
  func.func @transform_0(%arg0: i32) -> (i32, i32) {
    %c0_i32 = arith.constant 0 : i32
    %c0_i32_0 = arith.constant 0 : i32
    return %arg0, %c0_i32 : i32, i32
  }
  func.func @transform_1(%arg0: i32) -> (i32, i32) {
    %c0_i32 = arith.constant 0 : i32
    %c0_i32_0 = arith.constant 0 : i32
    return %arg0, %c0_i32 : i32, i32
  }
  func.func @transform_2(%arg0: i32) -> (i32, i32, i32) {
    %c0_i32 = arith.constant 0 : i32
    %c0_i32_0 = arith.constant 0 : i32
    %c0_i32_1 = arith.constant 0 : i32
    return %c0_i32, %arg0, %c0_i32_0 : i32, i32, i32
  }
  func.func @transform_3(%arg0: i32) -> (i32, i32, i32) {
    %c1_i32 = arith.constant 1 : i32
    %c0_i32 = arith.constant 0 : i32
    %c0_i32_0 = arith.constant 0 : i32
    return %c1_i32, %arg0, %c0_i32 : i32, i32, i32
  }
  func.func @transform_4(%arg0: i32) -> (i32, i32) {
    %c0_i32 = arith.constant 0 : i32
    %c0_i32_0 = arith.constant 0 : i32
    %c0_i32_1 = arith.constant 0 : i32
    return %c0_i32, %c0_i32_0 : i32, i32
  }
  func.func @transform_5(%arg0: i32) -> (i32, i32, i32) {
    %c8_i32 = arith.constant 8 : i32
    %c0_i32 = arith.constant 0 : i32
    %c0_i32_0 = arith.constant 0 : i32
    return %c8_i32, %arg0, %c0_i32 : i32, i32, i32
  }
  func.func @transform_6(%arg0: i32) -> (i32, i32, i32) {
    %c17_i32 = arith.constant 17 : i32
    %c0_i32 = arith.constant 0 : i32
    %c0_i32_0 = arith.constant 0 : i32
    return %c17_i32, %arg0, %c0_i32 : i32, i32, i32
  }
  func.func @transform_7(%arg0: i32) -> (i32, i32) {
    %c0_i32 = arith.constant 0 : i32
    %c0_i32_0 = arith.constant 0 : i32
    return %arg0, %c0_i32 : i32, i32
  }
}

module attributes {stable_mosaic.version = 14 : i64} {
  func.func @_fin_body(%arg0: i32, %arg1: memref<400x128xf32, #tpu.memory_space<vmem>>, %arg2: memref<400x128xf32, #tpu.memory_space<vmem>>, %arg3: memref<1x400x128xf32, #tpu.memory_space<vmem>>, %arg4: memref<1x400x128xf32, #tpu.memory_space<vmem>>, %arg5: memref<1x256xf32, #tpu.memory_space<vmem>>, %arg6: memref<1x400x128xf32, #tpu.memory_space<vmem>>, %arg7: memref<1x400x128xf32, #tpu.memory_space<vmem>>, %arg8: memref<400x256xf32, #tpu.memory_space<vmem>>) attributes {dimension_semantics = [#tpu.dimension_semantics<arbitrary>], iteration_bounds = array<i64: 25>, scalar_prefetch = 0 : i64, scratch_operands = 0 : i64, tpu.core_type = #tpu.core_type<tc>, window_params = [{transform_indices = @transform_0, window_bounds = array<i64: 400, 128>}, {transform_indices = @transform_1, window_bounds = array<i64: 400, 128>}, {transform_indices = @transform_2, window_bounds = array<i64: 1, 400, 128>}, {transform_indices = @transform_3, window_bounds = array<i64: 1, 400, 128>}, {pipeline_mode = #tpu.pipeline_mode<synchronous>, transform_indices = @transform_4, window_bounds = array<i64: 1, 256>}, {transform_indices = @transform_5, window_bounds = array<i64: 1, 400, 128>}, {transform_indices = @transform_6, window_bounds = array<i64: 1, 400, 128>}, {transform_indices = @transform_7, window_bounds = array<i64: 400, 256>}]} {
    %get3A = arith.constant 0 : index
    %get3A_0 = arith.constant 0 : index
    %get3A_1 = arith.constant 0 : index
    %get3A_2 = vector.load %arg3[%get3A, %get3A_0, %get3A_1] : memref<1x400x128xf32, #tpu.memory_space<vmem>>, vector<1x400x128xf32>
    %get3A_3 = vector.shape_cast %get3A_2 : vector<1x400x128xf32> to vector<400x128xf32>
    %slice3A = vector.extract_strided_slice %get3A_3 {offsets = [0, 0], sizes = [400, 1], strides = [1, 1]} : vector<400x128xf32> to vector<400x1xf32>
    %get3A_4 = arith.constant 0 : index
    %get3A_5 = arith.constant 0 : index
    %get3A_6 = arith.constant 0 : index
    %get3A_7 = vector.load %arg4[%get3A_4, %get3A_5, %get3A_6] : memref<1x400x128xf32, #tpu.memory_space<vmem>>, vector<1x400x128xf32>
    %get3A_8 = vector.shape_cast %get3A_7 : vector<1x400x128xf32> to vector<400x128xf32>
    %slice3A_9 = vector.extract_strided_slice %get3A_8 {offsets = [0, 0], sizes = [400, 1], strides = [1, 1]} : vector<400x128xf32> to vector<400x1xf32>
    %add3A = arith.addf %slice3A, %slice3A_9 : vector<400x1xf32>
    %max3A = arith.constant 1.000000e+00 : f32
    %max3A_10 = vector.broadcast %max3A : f32 to vector<400x1xf32>
    %max3A_11 = arith.maximumf %add3A, %max3A_10 : vector<400x1xf32>
    %div3A = arith.constant 1.000000e+00 : f32
    %div3A_12 = vector.broadcast %div3A : f32 to vector<400x1xf32>
    %div3A_13 = arith.divf %div3A_12, %max3A_11 : vector<400x1xf32>
    %get3A_14 = arith.constant 0 : index
    %get3A_15 = arith.constant 0 : index
    %get3A_16 = vector.load %arg1[%get3A_14, %get3A_15] : memref<400x128xf32, #tpu.memory_space<vmem>>, vector<400x128xf32>
    %mul3A = vector.broadcast %div3A_13 : vector<400x1xf32> to vector<400x128xf32>
    %mul3A_17 = arith.mulf %get3A_16, %mul3A : vector<400x128xf32>
    %get3A_18 = arith.constant 0 : index
    %get3A_19 = arith.constant 0 : index
    %get3A_20 = vector.load %arg5[%get3A_18, %get3A_19] : memref<1x256xf32, #tpu.memory_space<vmem>>, vector<1x128xf32>
    %add3A_21 = vector.broadcast %get3A_20 : vector<1x128xf32> to vector<400x128xf32>
    %add3A_22 = arith.addf %mul3A_17, %add3A_21 : vector<400x128xf32>
    %get3A_23 = arith.constant 0 : index
    %get3A_24 = arith.constant 0 : index
    %get3A_25 = arith.constant 0 : index
    %get3A_26 = vector.load %arg6[%get3A_23, %get3A_24, %get3A_25] : memref<1x400x128xf32, #tpu.memory_space<vmem>>, vector<1x400x128xf32>
    %get3A_27 = vector.shape_cast %get3A_26 : vector<1x400x128xf32> to vector<400x128xf32>
    %add3A_28 = arith.addf %add3A_22, %get3A_27 : vector<400x128xf32>
    %get3A_29 = arith.constant 0 : index
    %get3A_30 = arith.constant 0 : index
    %get3A_31 = vector.load %arg2[%get3A_29, %get3A_30] : memref<400x128xf32, #tpu.memory_space<vmem>>, vector<400x128xf32>
    %mul3A_32 = vector.broadcast %div3A_13 : vector<400x1xf32> to vector<400x128xf32>
    %mul3A_33 = arith.mulf %get3A_31, %mul3A_32 : vector<400x128xf32>
    %get3A_34 = arith.constant 0 : index
    %get3A_35 = arith.constant 128 : index
    %get3A_36 = vector.load %arg5[%get3A_34, %get3A_35] : memref<1x256xf32, #tpu.memory_space<vmem>>, vector<1x128xf32>
    %add3A_37 = vector.broadcast %get3A_36 : vector<1x128xf32> to vector<400x128xf32>
    %add3A_38 = arith.addf %mul3A_33, %add3A_37 : vector<400x128xf32>
    %get3A_39 = arith.constant 0 : index
    %get3A_40 = arith.constant 0 : index
    %get3A_41 = arith.constant 0 : index
    %get3A_42 = vector.load %arg7[%get3A_39, %get3A_40, %get3A_41] : memref<1x400x128xf32, #tpu.memory_space<vmem>>, vector<1x400x128xf32>
    %get3A_43 = vector.shape_cast %get3A_42 : vector<1x400x128xf32> to vector<400x128xf32>
    %add3A_44 = arith.addf %add3A_38, %get3A_43 : vector<400x128xf32>
    %swap3A = arith.constant 0 : index
    %swap3A_45 = arith.constant 0 : index
    %swap3A_46 = vector.load %arg8[%swap3A, %swap3A_45] : memref<400x256xf32, #tpu.memory_space<vmem>>, vector<400x128xf32>
    tpu.vector_store %arg8[%swap3A, %swap3A_45], %add3A_28 {strides = array<i32>} : memref<400x256xf32, #tpu.memory_space<vmem>>, vector<400x128xf32>,
    %swap3A_47 = arith.constant 0 : index
    %swap3A_48 = arith.constant 128 : index
    %swap3A_49 = vector.load %arg8[%swap3A_47, %swap3A_48] : memref<400x256xf32, #tpu.memory_space<vmem>>, vector<400x128xf32>
    tpu.vector_store %arg8[%swap3A_47, %swap3A_48], %add3A_44 {strides = array<i32>} : memref<400x256xf32, #tpu.memory_space<vmem>>, vector<400x128xf32>,
    return
  }
  func.func @transform_0(%arg0: i32) -> (i32, i32) {
    %c0_i32 = arith.constant 0 : i32
    %c0_i32_0 = arith.constant 0 : i32
    return %arg0, %c0_i32 : i32, i32
  }
  func.func @transform_1(%arg0: i32) -> (i32, i32) {
    %c0_i32 = arith.constant 0 : i32
    %c0_i32_0 = arith.constant 0 : i32
    return %arg0, %c0_i32 : i32, i32
  }
  func.func @transform_2(%arg0: i32) -> (i32, i32, i32) {
    %c0_i32 = arith.constant 0 : i32
    %c0_i32_0 = arith.constant 0 : i32
    %c0_i32_1 = arith.constant 0 : i32
    return %c0_i32, %arg0, %c0_i32_0 : i32, i32, i32
  }
  func.func @transform_3(%arg0: i32) -> (i32, i32, i32) {
    %c1_i32 = arith.constant 1 : i32
    %c0_i32 = arith.constant 0 : i32
    %c0_i32_0 = arith.constant 0 : i32
    return %c1_i32, %arg0, %c0_i32 : i32, i32, i32
  }
  func.func @transform_4(%arg0: i32) -> (i32, i32) {
    %c0_i32 = arith.constant 0 : i32
    %c0_i32_0 = arith.constant 0 : i32
    %c0_i32_1 = arith.constant 0 : i32
    return %c0_i32, %c0_i32_0 : i32, i32
  }
  func.func @transform_5(%arg0: i32) -> (i32, i32, i32) {
    %c8_i32 = arith.constant 8 : i32
    %c0_i32 = arith.constant 0 : i32
    %c0_i32_0 = arith.constant 0 : i32
    return %c8_i32, %arg0, %c0_i32 : i32, i32, i32
  }
  func.func @transform_6(%arg0: i32) -> (i32, i32, i32) {
    %c17_i32 = arith.constant 17 : i32
    %c0_i32 = arith.constant 0 : i32
    %c0_i32_0 = arith.constant 0 : i32
    return %c17_i32, %arg0, %c0_i32 : i32, i32, i32
  }
  func.func @transform_7(%arg0: i32) -> (i32, i32) {
    %c0_i32 = arith.constant 0 : i32
    %c0_i32_0 = arith.constant 0 : i32
    return %arg0, %c0_i32 : i32, i32
  }
}

</mosaic_0001>

<sc_bundles>
// kernel: kernel.12.cloned.1.call-start
scs
__scs_entry_jumppad:
0x0: {  	(pc) =	sbr.rel $0x88, $3  }
0x1: {  	(tag) =	ssettag $0x0;
	lr =	simm.s32 $0x1  }
0x2: {  	[smem:$0x3F96] =	sst lr;
	_ =	strace $0xD0000000  }
0x3: {  	_ = 	snop  }
0x4: {  	_ = 	snop  }
0x5: {  	_ = 	snop  }
0x6: {  	_ = 	snop  }
0x7: {  	_ = 	snop  }
__scs_overlays_trampoline_lowered:
0x8: {  	[smem:$0x3FA5] =	sst s0  }
0x9: {  	[smem:$0x3FA6] =	sst s1  }
0xa: {  	[smem:$0x3FA7] =	sst s2  }
0xb: {  	[smem:$0x3FA8] =	sst s3  }
0xc: {  	[smem:$0x3FA9] =	sst s4  }
0xd: {  	[smem:$0x3FAA] =	sst s5  }
0xe: {  	[smem:$0x3FAB] =	sst s6  }
0xf: {  	[smem:$0x3FAC] =	sst s7  }
0x10: {  	[smem:$0x3FAD] =	sst s8  }
0x11: {  	[smem:$0x3FAE] =	sst s9;
	s0 =	simm.s32 @!p0 $0x0  }
0x12: {  	s1 =	sld [smem:$0x3F94];
	s0 =	simm.s32 @p0 $0x1  }
0x13: {  	[smem:$0x3FAF] =	sst s0;
	s0 =	simm.s32 @!p1 $0x0  }
0x14: {  	s2 =	sld [smem:$0x3F93];
	s0 =	simm.s32 @p1 $0x1  }
0x15: {  	[smem:$0x3FB0] =	sst s0;
	s0 =	simm.s32 @!p2 $0x0  }
0x16: {  	s3 =	sld [smem:$0x3FDB];
	s0 =	simm.s32 @p2 $0x1  }
0x17: {  	s4 =	simm.s32 $0x1BF5;
	[smem:$0x3FB2] =	sst s0  }
0x18: {  	s0 =	sld [smem:$0x3F95];
	_ =	swait.ge [sflag:s4], $0x0  }
0x19: {  	s7 =	sld [smem:$0x3F96]  }
0x1a: {  	s8 =	sadd.s32 $0xFFFFE003, lr  }
0x1b: {  	s9 =	sadd.s32 $0xFFFFFEF7, lr;
	s5 =	simm.s32 $0xFFFFFFFF;
	p2 =	slt.u32 s8, $0xFFFFF086  }
0x1c: {  	p1 =	slt.u32 s9, $0xF7A;
	s5 =	simm.s32 @!p2 $0x0  }
0x1d: {  	s5 =	simm.s32 @p1 $0x1;
	p0 =	seq.s32 s7, s2  }
0x1e: {  	s7 =	smul.u32 @!p0 $0xF7A, s2;
	p2 =	seq.s32 @!p0 s5, $0x0  }
0x1f: {  	s9 =	smul.u32 $0xF7A, s1;
	s8 =	simm.s32 @!p0 $0x1BF5;
	p2 =	por !p2, p0  }
0x20: {  	[sflag:s8] =	ssyncset.s32 @!p0 $0xFFFFF086;
	s6 =	sadd.s32 @!p0 s3, s7;
	s7 =	simm.s32 @!p0 $0x108  }
0x21: {  	s3 =	sadd.s32 s3, s9;
	s6 =	sadd.s32 @!p0 $0x88, s6;
	s7 =	simm.s32 @p2 $0x1082  }
0x22: {  	[simem:s7], [sflag:s8] =	dma.local @!p0 [hbm:s6], $0xF7A  }
0x23: {  	s9 =	sor.u32 $0xD0000000, s2;
	s6 =	simm.s32 $0x108;
	_ =	swait.ge @!p0 [sflag:s8], $0x0  }
0x24: {  	s3 =	sadd.s32 $0x88, s3;
	s6 =	simm.s32 @!p1 $0x1082;
	[sflag:s4] =	ssyncset.s32 $0xFFFFF086  }
0x25: {  	[simem:s6], [sflag:s4] =	dma.local [hbm:s3], $0xF7A  }
0x26: {  	[smem:$0x3F96] =	sst s1;
	(tag) =	ssettag s2;
	_ =	strace s9  }
0x27: {  	s1 =	sld [smem:$0x3FA6]  }
0x28: {  	s2 =	sld [smem:$0x3FA7]  }
0x29: {  	s4 =	sld [smem:$0x3FA9]  }
0x2a: {  	p0 =	seq.s32 s5, $0x0;
	s5 =	sld [smem:$0x3FAA]  }
0x2b: {  	s6 =	sld [smem:$0x3FAB]  }
0x2c: {  	s7 =	sld [smem:$0x3FAC]  }
0x2d: {  	s3 =	simm.s32 $0x108;
	s8 =	sld [smem:$0x3FAD]  }
0x2e: {  	s3 =	simm.s32 @!p0 $0x1082;
	s9 =	sld [smem:$0x3FAE]  }
0x2f: {  	lr =	sadd.s32 s0, s3;
	s0 =	sld [smem:$0x3FA5]  }
0x30: {  	s3 =	sld [smem:$0x3FA8]  }
0x31: {  	[smem:$0x3FB1] =	sst s10  }
0x32: {  	s10 =	sld [smem:$0x3FAF];
	_ =	sdelay $0x3  }
0x33: {  	p0 =	seq.s32 s10, $0x1;
	s10 =	sld [smem:$0x3FB1];
	_ =	sdelay $0x3  }
0x34: {  	[smem:$0x3FB1] =	sst s10  }
0x35: {  	s10 =	sld [smem:$0x3FB0];
	_ =	sdelay $0x3  }
0x36: {  	p1 =	seq.s32 s10, $0x1;
	s10 =	sld [smem:$0x3FB1];
	_ =	sdelay $0x3  }
0x37: {  	[smem:$0x3FB1] =	sst s10  }
0x38: {  	s10 =	sld [smem:$0x3FB2]  }
0x39: {  	_ = 	snop;
	(pc) =	sbr.ind lr, $3  }
0x3a: {  	_ = 	snop  }
0x3b: {  	_ = 	snop  }
0x3c: {  	p2 =	seq.s32 s10, $0x1;
	s10 =	sld [smem:$0x3FB1]  }
0x3d: {  	_ =	shalt  }
0x3e: {  	_ =	shalt  }
0x3f: {  	_ =	shalt  }
0x40: {  	_ =	shalt  }
0x41: {  	_ =	shalt  }
0x42: {  	_ =	shalt  }
0x43: {  	_ =	shalt  }
0x44: {  	_ =	shalt  }
0x45: {  	_ =	shalt  }
0x46: {  	_ =	shalt  }
0x47: {  	_ =	shalt  }
0x48: {  	_ =	shalt  }
0x49: {  	_ =	shalt  }
0x4a: {  	_ =	shalt  }
0x4b: {  	_ =	shalt  }
0x4c: {  	_ =	shalt  }
0x4d: {  	_ =	shalt  }
0x4e: {  	_ =	shalt  }
0x4f: {  	_ =	shalt  }
0x50: {  	_ =	shalt  }
0x51: {  	_ =	shalt  }
0x52: {  	_ =	shalt  }
0x53: {  	_ =	shalt  }
0x54: {  	_ =	shalt  }
0x55: {  	_ =	shalt  }
0x56: {  	_ =	shalt  }
0x57: {  	_ =	shalt  }
0x58: {  	_ =	shalt  }
0x59: {  	_ =	shalt  }
0x5a: {  	_ =	shalt  }
0x5b: {  	_ =	shalt  }
0x5c: {  	_ =	shalt  }
0x5d: {  	_ =	shalt  }
0x5e: {  	_ =	shalt  }
0x5f: {  	_ =	shalt  }
0x60: {  	_ =	shalt  }
0x61: {  	_ =	shalt  }
0x62: {  	_ =	shalt  }
0x63: {  	_ =	shalt  }
0x64: {  	_ =	shalt  }
0x65: {  	_ =	shalt  }
0x66: {  	_ =	shalt  }
0x67: {  	_ =	shalt  }
0x68: {  	_ =	shalt  }
0x69: {  	_ =	shalt  }
0x6a: {  	_ =	shalt  }
0x6b: {  	_ =	shalt  }
0x6c: {  	_ =	shalt  }
0x6d: {  	_ =	shalt  }
0x6e: {  	_ =	shalt  }
0x6f: {  	_ =	shalt  }
0x70: {  	_ =	shalt  }
0x71: {  	_ =	shalt  }
0x72: {  	_ =	shalt  }
0x73: {  	_ =	shalt  }
0x74: {  	_ =	shalt  }
0x75: {  	_ =	shalt  }
0x76: {  	_ =	shalt  }
0x77: {  	_ =	shalt  }
0x78: {  	_ =	shalt  }
0x79: {  	_ =	shalt  }
0x7a: {  	_ =	shalt  }
0x7b: {  	_ =	shalt  }
0x7c: {  	_ =	shalt  }
0x7d: {  	_ =	shalt  }
0x7e: {  	_ =	shalt  }
0x7f: {  	_ =	shalt  }
0x80: {  	_ =	shalt  }
0x81: {  	_ =	shalt  }
0x82: {  	_ =	shalt  }
0x83: {  	_ =	shalt  }
0x84: {  	_ =	shalt  }
0x85: {  	_ =	shalt  }
0x86: {  	_ =	shalt  }
0x87: {  	_ =	shalt  }
.Lfunc_end0:
.L_simem_size_0:
called_computation_lowered:
.L_overlay_start_0:
0x88: {  	s2 =	sld [smem:$0x3FD9]  }
0x89: {  	s3 =	sld [smem:$0x3FFE];
	_ =	sdelay $0x1  }
0x8a: {  	s1 =	srdreg.scid  }
0x8b: {  	s0 =	sand.u32 $0x1, s1  }
0x8c: {  	s17 =	sshll.u32 s0, $0xA;
	s2 =	sadd.s32 s3, s2  }
0x8d: {  	s2 =	sadd.s32 s2, s17  }
0x8e: {  	[smem:$0x3FBD] =	sst s2  }
0x8f: {  	_ = 	snop  }
0x90: {  	s2 =	sld [smem:$0x3FD0];
	(tm) =	ssettm $0x1  }
0x91: {  	s18 =	sld [smem:$0x3FFB];
	_ =	sdelay $0x3  }
0x92: {  	_ =	strace s18  }
0x93: {  	s3 =	sld [smem:$0x3FFC];
	_ =	sdelay $0x3  }
0x94: {  	_ =	strace s3  }
0x95: {  	s3 =	sld [smem:$0x3FFD];
	_ =	sdelay $0x3  }
0x96: {  	_ =	strace s3  }
0x97: {  	_ =	strace $0x8FFFFFFF  }
0x98: {  	s19 =	sld [smem:$0x3FDB];
	_ =	sdelay $0x1  }
0x99: {  	s4 =	simm.s32 $_scs_section_size  }
0x9a: {  	s5 =	simm.s32 $_size__tile_overlayer_lowered;
	s6 =	simm.s32 $_tile_overlayer_lowered  }
0x9b: {  	s22 =	simm.s32 $0x1BFF;
	s21 =	sshll.u32 s6, $0x1;
	s3 =	sadd.s32 s4, s19  }
0x9c: {  	s7 =	simm.s32 $0x0;
	s20 =	sshll.u32 s5, $0x1;
	s5 =	sadd.s32 s21, s3  }
0x9d: {  	[timem:s7], [sflag:s22] =	dma.local [hbm:s5], s20  }
0x9e: {  	_ =	swait.ge [sflag:s22], s20  }
0x9f: {  	s4 =	ssub.s32 $0x0, s20;
	[sflag:s22] =	ssyncset.done $0x0  }
0xa0: {  	[sflag:s22] =	ssyncadd.s32 s4;
	_ =	sdelay $0x1  }
0xa1: {  	s23 =	simm.s32 $0x1B8B  }
0xa2: {  	_ =	swait.ge [sflag:s23], $0x1  }
0xa3: {  	[sflag:s23] =	ssyncset.done $0x0  }
0xa4: {  	s25 =	simm.s32 $0x1B8E;
	s24 =	sld [smem:$0x3FFE];
	[sflag:s23] =	ssyncadd.s32 $0xFFFFFFFF  }
0xa5: {  	s26 =	simm.s32 $execute0_lowered;
	[smem:$0x3FD2] =	sst s25  }
0xa6: {  	s5 =	sshll.u32 s26, $0x1;
	_ =	strace $0x80000046;
	[dreg:$0x1] =	wrdreg $0xFFFFFFFF  }
0xa7: {  	s28 =	simm.s32 $_size_execute0_lowered;
	s3 =	sadd.s32 s3, s5;
	[dreg:$0x0] =	wrdreg $0x0  }
0xa8: {  	s5 =	sshll.u32 s28, $0x1;
	[dreg:$0x2] =	wrdreg s3  }
0xa9: {  	[dreg:$0x3] =	wrdreg s5  }
0xaa: {  	[dreg:$0x4] =	wrdreg $0xC0  }
0xab: {  	_ =	task [dreg:s7], $0x5FFFF  }
0xac: {  	[dreg:$0x1] =	wrdreg $0xFFFFFFFF  }
0xad: {  	[dreg:$0x0] =	wrdreg $0x60  }
0xae: {  	[dreg:$0x2] =	wrdreg s24  }
0xaf: {  	[dreg:$0x3] =	wrdreg s2  }
0xb0: {  	[dreg:$0x4] =	wrdreg $0x0  }
0xb1: {  	[dreg:$0x5] =	wrdreg $0x9  }
0xb2: {  	_ =	task.clear_ibuf [dreg:s7], $0x6FFFF;
	_ =	strace $0x90000046  }
0xb3: {  	s29 =	simm.s32 $0x9;
	_ =	strace $0x80000048  }
0xb4: {  	_ =	swait.ge [sflag:s29], $0x1  }
0xb5: {  	[sflag:s29] =	ssyncadd.s32 $0xFFFFFFFF  }
0xb6: {  	_ =	strace $0x90000048  }
0xb7: {  	_ =	sfence  }
0xb8: {  	s30 =	sld [smem:$0x0];
	_ =	sdelay $0x2  }
0xb9: {  	s31 =	sshll.u32 s1, $0xD;
	s1 =	sshrl.u32 s1, $0x2  }
0xba: {  	s3 =	sand.u32 $0x4000, s31;
	s1 =	sadd.s32 s1, s30  }
0xbb: {  	s0 =	sor.u32 s3, s0;
	s1 =	sshll.u32 s1, $0x11  }
0xbc: {  	s0 =	sor.u32 s1, s0  }
0xbd: {  	s0 =	sadd.s32 $0x8F2B, s0  }
0xbe: {  	[sflag:s0] =	ssyncadd.remote.s32 $0x1  }
0xbf: {  	_ =	sfence.sel $0xFFFF  }
0xc0: {  	[dreg:$0x0] =	wrdreg $0xFFFFFFFF;
	(pc) =	sbr.abs _section_cstart, $3  }
0xc1: {  	[dreg:$0x1] =	wrdreg $0xFFFFFFFF  }
0xc2: {  	_ =	task.clear_ibuf [dreg:s7], $0x2FFFF;
	_ =	strace $0x9FFFFFFF  }
0xc3: {  	(tm) =	ssettm $0x7FFFFFFF  }
tec
execute0_lowered:
.L_overlay_start_1:
0x0: {  	(tag) =	ssettag $0x1  }
0x1: {  	s5 =	rddreg [dreg:$0x0]  }
0x2: {  	s6 =	rddreg [dreg:$0x1]  }
0x3: {  	s0 =	srdreg.scid;
	s2 =	rddreg [dreg:$0x2]  }
0x4: {  	s1 =	rddreg [dreg:$0x3];
	s4 =	sand.u32 $0x1, s0  }
0x5: {  	s3 =	simm.s32 $0x0;
	s0 =	stileid.u32;
	s7 =	smul.u32 $0x2800, s4  }
0x6: {  	s13 =	simm.s32 $0x13C00;
	s14 =	simm.s32 $0x80;
	s8 =	smul.u32 $0x13C00, s0  }
0x7: {  	s15 =	simm.s32 $0x0;
	[smem:$0x7FF] =	sst s3;
	s9 =	smul.u32 $0x13C000, s4  }
0x8: {  	_ =	strace $0x80000047;
	s10 =	ssub.s32 $0x2, s4;
	s11 =	smul.u32 $0x4F000, s0  }
0x9: {  	s4 =	sadd.s32 $0x8000, s5;
	s29 =	smul.u32 $0x280, s0;
	s31 =	sshll.u32 s0, $0x6  }
0xa: {  	s26 =	sshrl.u32 s10, $0x1;
	s7 =	sadd.s32 s7, s5;
	s9 =	sadd.s32 s8, s9  }
0xb: {  	s10 =	ssub.s32 s10, s26;
	s28 =	sshrl.u32 s11, $0x2;
	s30 =	sshrl.u32 s8, $0x3  }
0xc: {  	s9 =	sshrl.u32 s9, $0x3;
	s12 =	sadd.s32 s28, s2;
	s11 =	sadd.s32 s29, s7  }
0xd: {  	s8 =	smax.u32 s10, $0x1;
	s9 =	sadd.s32 s9, s5;
	s5 =	sadd.s32 s6, s30  }
0xe: {  	s6 =	sor.u32 $0x1C01, s31;
	s10 =	sshrl.u32 s12, $0x3;
	s12 =	simm.s32 $0x13C80  }
0xf: {  	s7 =	sadd.s32 $0x4E800, s9;
	s9 =	sadd.s32 $0x3000, s11;
	s11 =	simm.s32 $0x1  }
.LBB2_1:
0x10: {  	[spmem:s10], [sflag:s6] =	dma.local [hbm:s5], $0x2780  }
0x11: {  	_ =	swait.ge [sflag:s11], $0x2780  }
0x12: {  	[sflag:s11] =	ssyncset.done $0x0  }
0x13: {  	[sflag:s11] =	ssyncadd.s32 $0xFFFFD880  }
0x14: {  	[tilespmem:s12], [sflag:$0x1] =	stream.linear.gather [hbm4b:s4+s3], $0x4000, $0x38;
	[tilespmem:$0x17C80] =	vst v63  }
0x15: {  	_ =	swait.ge [sflag:s11], $0x4000  }
0x16: {  	[sflag:s11] =	ssyncset.done $0x0  }
0x17: {  	[sflag:s11] =	ssyncadd.s32 $0xFFFFC000  }
0x18: {  	s16 =	sadd.s32 $0x0, s9;
	[bflag:$0x0] =	sbarrier.arrive $0xFFFF  }
0x19: {  	[tilespmem:s13], [sflag:$0x1] =	stream.linear.gather [hbm4b:s16+s3], $0x80, $0x38;
	[tilespmem:$0x17C80] =	vst v63  }
0x1a: {  	_ =	swait.ge [sflag:s11], $0x80  }
0x1b: {  	[sflag:s11] =	ssyncset.done $0x0  }
0x1c: {  	[sflag:s11] =	ssyncadd.s32 $0xFFFFFF80  }
0x1d: {  	[spmem:s2] =	stream.indirect.scatter.add.f32 [tilespmem:s12], [sflag:$0x1], $0x80, s13, s14, $0xb8;
	[tilespmem:$0x17C80] =	vst v63  }
0x1e: {  	_ =	swait.ge [sflag:s11], $0x4000  }
0x1f: {  	s17 =	simm.s32 $0x20;
	s16 =	simm.s32 $0x10;
	[sflag:s11] =	ssyncset.done $0x0  }
.LBB2_2:
0x20: {  	s18 =	sadd.s32 s16, s9  }
0x21: {  	[sflag:s11] =	ssyncadd.s32 $0xFFFFC000;
	s16 =	smov.u32 s17;
	s19 =	sadd.s32 $0x10, s17  }
0x22: {  	[tilespmem:s13], [sflag:$0x1] =	stream.linear.gather [hbm4b:s18+s3], $0x80, $0x38;
	[tilespmem:$0x17C80] =	vst v63  }
0x23: {  	p0 =	sne.s32 s17, $0x270;
	_ =	swait.ge [sflag:s11], $0x80  }
.Ltmp0:
0x24: {  	[sflag:s11] =	ssyncset.done $0x0;
	(pc) =	sbr.rel @p0 .LBB2_2-.Ltmp0, $4  }
0x25: {  	[sflag:s11] =	ssyncadd.s32 $0xFFFFFF80  }
0x26: {  	[spmem:s2] =	stream.indirect.scatter.add.f32 [tilespmem:s12], [sflag:$0x1], $0x80, s13, s14, $0xb8;
	[tilespmem:$0x17C80] =	vst v63  }
0x27: {  	_ =	swait.ge [sflag:s11], $0x4000  }
0x28: {  	s17 =	smov.u32 s19;
	[sflag:s11] =	ssyncset.done $0x0  }
0x29: {  	s16 =	sadd.s32 s16, s9;
	[sflag:s11] =	ssyncadd.s32 $0xFFFFC000  }
0x2a: {  	[tilespmem:s13], [sflag:$0x1] =	stream.linear.gather [hbm4b:s16+s3], $0x80, $0x38;
	[tilespmem:$0x17C80] =	vst v63  }
0x2b: {  	_ =	swait.ge [sflag:s11], $0x80  }
0x2c: {  	[sflag:s11] =	ssyncset.done $0x0  }
0x2d: {  	[sflag:s11] =	ssyncadd.s32 $0xFFFFFF80  }
0x2e: {  	[spmem:s2] =	stream.indirect.scatter.add.f32 [tilespmem:s12], [sflag:$0x1], $0x80, s13, s14, $0xb8;
	[tilespmem:$0x17C80] =	vst v63  }
0x2f: {  	_ =	swait.ge [sflag:s11], $0x4000  }
0x30: {  	s15 =	sadd.s32 $0x1, s15;
	[sflag:s11] =	ssyncset.done $0x0  }
0x31: {  	p0 =	sne.s32 s15, s8;
	[sflag:s11] =	ssyncadd.s32 $0xFFFFC000  }
.Ltmp1:
0x32: {  	[bflag:$0x0] =	sbarrier.arrive $0xFFFF;
	(pc) =	sbr.rel @p0 .LBB2_1-.Ltmp1, $4  }
0x33: {  	[hbm:s7], [sflag:s6] =	dma.local [spmem:s10], $0x2780  }
0x34: {  	_ =	swait.ge [sflag:s11], $0x2780  }
0x35: {  	[sflag:s11] =	ssyncset.done $0x0  }
0x36: {  	[sflag:s11] =	ssyncadd.s32 $0xFFFFD880  }
0x37: {  	_ =	sfence.sel $0x180000  }
0x38: {  	[bflag:$0x0] =	sbarrier.arrive $0xFFFF  }
0x39: {  	p0 =	sne.s32 s0, $0x0;
	_ =	strace $0x90000047  }
0x3a: {  	s0 =	sadd.s32 @!p0 $0x100000, s1;
	[bflag:$0x2] =	sbarrier.arrive $0xFFFF  }
0x3b: {  	[sflag:s0] =	ssyncadd.tile.s32 @!p0 $0x1;
	_ =	shalt  }
.Lfunc_end2:
_tile_overlayer_lowered:
.L_overlay_start_2:
0x3c: {  	(tag) =	ssettag $0x2  }
0x3d: {  	s0 =	rddreg [dreg:$0x0];
	s2 =	stileid.u32  }
0x3e: {  	s1 =	rddreg [dreg:$0x1];
	p0 =	sne.s32 s2, $0x0  }
0x3f: {  	s3 =	rddreg [dreg:$0x2];
	[bflag:$0x3] =	sbarrier.arrive $0xFFFF;
	s2 =	simm.s32 @!p0 $0x1C01  }
0x40: {  	[timem:s3], [sflag:s2] =	dma.local @!p0 [hbm:s0], s1  }
0x41: {  	s0 =	simm.s32 @!p0 $0x1  }
0x42: {  	_ =	swait.ge @!p0 [sflag:s0], s1  }
0x43: {  	s1 =	ssub.s32 @!p0 $0x0, s1;
	[sflag:s0] =	ssyncset.done @!p0 $0x0  }
0x44: {  	[sflag:s0] =	ssyncadd.s32 @!p0 s1  }
0x45: {  	[bflag:$0x3] =	sbarrier.arrive $0xFFFF  }
0x46: {  	_ =	shalt  }

// kernel: kernel.15.cloned.1.call-start
scs
__scs_entry_jumppad:
0x0: {  	(pc) =	sbr.rel $0x88, $3  }
0x1: {  	(tag) =	ssettag $0x0;
	lr =	simm.s32 $0x1  }
0x2: {  	[smem:$0x3F96] =	sst lr;
	_ =	strace $0xD0000000  }
0x3: {  	_ = 	snop  }
0x4: {  	_ = 	snop  }
0x5: {  	_ = 	snop  }
0x6: {  	_ = 	snop  }
0x7: {  	_ = 	snop  }
__scs_overlays_trampoline_lowered:
0x8: {  	[smem:$0x3FA5] =	sst s0  }
0x9: {  	[smem:$0x3FA6] =	sst s1  }
0xa: {  	[smem:$0x3FA7] =	sst s2  }
0xb: {  	[smem:$0x3FA8] =	sst s3  }
0xc: {  	[smem:$0x3FA9] =	sst s4  }
0xd: {  	[smem:$0x3FAA] =	sst s5  }
0xe: {  	[smem:$0x3FAB] =	sst s6  }
0xf: {  	[smem:$0x3FAC] =	sst s7  }
0x10: {  	[smem:$0x3FAD] =	sst s8  }
0x11: {  	[smem:$0x3FAE] =	sst s9;
	s0 =	simm.s32 @!p0 $0x0  }
0x12: {  	s1 =	sld [smem:$0x3F94];
	s0 =	simm.s32 @p0 $0x1  }
0x13: {  	[smem:$0x3FAF] =	sst s0;
	s0 =	simm.s32 @!p1 $0x0  }
0x14: {  	s2 =	sld [smem:$0x3F93];
	s0 =	simm.s32 @p1 $0x1  }
0x15: {  	[smem:$0x3FB0] =	sst s0;
	s0 =	simm.s32 @!p2 $0x0  }
0x16: {  	s3 =	sld [smem:$0x3FDB];
	s0 =	simm.s32 @p2 $0x1  }
0x17: {  	s4 =	simm.s32 $0x1BF5;
	[smem:$0x3FB2] =	sst s0  }
0x18: {  	s0 =	sld [smem:$0x3F95];
	_ =	swait.ge [sflag:s4], $0x0  }
0x19: {  	s7 =	sld [smem:$0x3F96]  }
0x1a: {  	s8 =	sadd.s32 $0xFFFFE003, lr  }
0x1b: {  	s9 =	sadd.s32 $0xFFFFFEF7, lr;
	s5 =	simm.s32 $0xFFFFFFFF;
	p2 =	slt.u32 s8, $0xFFFFF086  }
0x1c: {  	p1 =	slt.u32 s9, $0xF7A;
	s5 =	simm.s32 @!p2 $0x0  }
0x1d: {  	s5 =	simm.s32 @p1 $0x1;
	p0 =	seq.s32 s7, s2  }
0x1e: {  	s7 =	smul.u32 @!p0 $0xF7A, s2;
	p2 =	seq.s32 @!p0 s5, $0x0  }
0x1f: {  	s9 =	smul.u32 $0xF7A, s1;
	s8 =	simm.s32 @!p0 $0x1BF5;
	p2 =	por !p2, p0  }
0x20: {  	[sflag:s8] =	ssyncset.s32 @!p0 $0xFFFFF086;
	s6 =	sadd.s32 @!p0 s3, s7;
	s7 =	simm.s32 @!p0 $0x108  }
0x21: {  	s3 =	sadd.s32 s3, s9;
	s6 =	sadd.s32 @!p0 $0x88, s6;
	s7 =	simm.s32 @p2 $0x1082  }
0x22: {  	[simem:s7], [sflag:s8] =	dma.local @!p0 [hbm:s6], $0xF7A  }
0x23: {  	s9 =	sor.u32 $0xD0000000, s2;
	s6 =	simm.s32 $0x108;
	_ =	swait.ge @!p0 [sflag:s8], $0x0  }
0x24: {  	s3 =	sadd.s32 $0x88, s3;
	s6 =	simm.s32 @!p1 $0x1082;
	[sflag:s4] =	ssyncset.s32 $0xFFFFF086  }
0x25: {  	[simem:s6], [sflag:s4] =	dma.local [hbm:s3], $0xF7A  }
0x26: {  	[smem:$0x3F96] =	sst s1;
	(tag) =	ssettag s2;
	_ =	strace s9  }
0x27: {  	s1 =	sld [smem:$0x3FA6]  }
0x28: {  	s2 =	sld [smem:$0x3FA7]  }
0x29: {  	s4 =	sld [smem:$0x3FA9]  }
0x2a: {  	p0 =	seq.s32 s5, $0x0;
	s5 =	sld [smem:$0x3FAA]  }
0x2b: {  	s6 =	sld [smem:$0x3FAB]  }
0x2c: {  	s7 =	sld [smem:$0x3FAC]  }
0x2d: {  	s3 =	simm.s32 $0x108;
	s8 =	sld [smem:$0x3FAD]  }
0x2e: {  	s3 =	simm.s32 @!p0 $0x1082;
	s9 =	sld [smem:$0x3FAE]  }
0x2f: {  	lr =	sadd.s32 s0, s3;
	s0 =	sld [smem:$0x3FA5]  }
0x30: {  	s3 =	sld [smem:$0x3FA8]  }
0x31: {  	[smem:$0x3FB1] =	sst s10  }
0x32: {  	s10 =	sld [smem:$0x3FAF];
	_ =	sdelay $0x3  }
0x33: {  	p0 =	seq.s32 s10, $0x1;
	s10 =	sld [smem:$0x3FB1];
	_ =	sdelay $0x3  }
0x34: {  	[smem:$0x3FB1] =	sst s10  }
0x35: {  	s10 =	sld [smem:$0x3FB0];
	_ =	sdelay $0x3  }
0x36: {  	p1 =	seq.s32 s10, $0x1;
	s10 =	sld [smem:$0x3FB1];
	_ =	sdelay $0x3  }
0x37: {  	[smem:$0x3FB1] =	sst s10  }
0x38: {  	s10 =	sld [smem:$0x3FB2]  }
0x39: {  	_ = 	snop;
	(pc) =	sbr.ind lr, $3  }
0x3a: {  	_ = 	snop  }
0x3b: {  	_ = 	snop  }
0x3c: {  	p2 =	seq.s32 s10, $0x1;
	s10 =	sld [smem:$0x3FB1]  }
0x3d: {  	_ =	shalt  }
0x3e: {  	_ =	shalt  }
0x3f: {  	_ =	shalt  }
0x40: {  	_ =	shalt  }
0x41: {  	_ =	shalt  }
0x42: {  	_ =	shalt  }
0x43: {  	_ =	shalt  }
0x44: {  	_ =	shalt  }
0x45: {  	_ =	shalt  }
0x46: {  	_ =	shalt  }
0x47: {  	_ =	shalt  }
0x48: {  	_ =	shalt  }
0x49: {  	_ =	shalt  }
0x4a: {  	_ =	shalt  }
0x4b: {  	_ =	shalt  }
0x4c: {  	_ =	shalt  }
0x4d: {  	_ =	shalt  }
0x4e: {  	_ =	shalt  }
0x4f: {  	_ =	shalt  }
0x50: {  	_ =	shalt  }
0x51: {  	_ =	shalt  }
0x52: {  	_ =	shalt  }
0x53: {  	_ =	shalt  }
0x54: {  	_ =	shalt  }
0x55: {  	_ =	shalt  }
0x56: {  	_ =	shalt  }
0x57: {  	_ =	shalt  }
0x58: {  	_ =	shalt  }
0x59: {  	_ =	shalt  }
0x5a: {  	_ =	shalt  }
0x5b: {  	_ =	shalt  }
0x5c: {  	_ =	shalt  }
0x5d: {  	_ =	shalt  }
0x5e: {  	_ =	shalt  }
0x5f: {  	_ =	shalt  }
0x60: {  	_ =	shalt  }
0x61: {  	_ =	shalt  }
0x62: {  	_ =	shalt  }
0x63: {  	_ =	shalt  }
0x64: {  	_ =	shalt  }
0x65: {  	_ =	shalt  }
0x66: {  	_ =	shalt  }
0x67: {  	_ =	shalt  }
0x68: {  	_ =	shalt  }
0x69: {  	_ =	shalt  }
0x6a: {  	_ =	shalt  }
0x6b: {  	_ =	shalt  }
0x6c: {  	_ =	shalt  }
0x6d: {  	_ =	shalt  }
0x6e: {  	_ =	shalt  }
0x6f: {  	_ =	shalt  }
0x70: {  	_ =	shalt  }
0x71: {  	_ =	shalt  }
0x72: {  	_ =	shalt  }
0x73: {  	_ =	shalt  }
0x74: {  	_ =	shalt  }
0x75: {  	_ =	shalt  }
0x76: {  	_ =	shalt  }
0x77: {  	_ =	shalt  }
0x78: {  	_ =	shalt  }
0x79: {  	_ =	shalt  }
0x7a: {  	_ =	shalt  }
0x7b: {  	_ =	shalt  }
0x7c: {  	_ =	shalt  }
0x7d: {  	_ =	shalt  }
0x7e: {  	_ =	shalt  }
0x7f: {  	_ =	shalt  }
0x80: {  	_ =	shalt  }
0x81: {  	_ =	shalt  }
0x82: {  	_ =	shalt  }
0x83: {  	_ =	shalt  }
0x84: {  	_ =	shalt  }
0x85: {  	_ =	shalt  }
0x86: {  	_ =	shalt  }
0x87: {  	_ =	shalt  }
.Lfunc_end0:
.L_simem_size_0:
called_computation.1_lowered:
.L_overlay_start_0:
0x88: {  	s2 =	sld [smem:$0x3FD9]  }
0x89: {  	s3 =	sld [smem:$0x3FFE];
	_ =	sdelay $0x1  }
0x8a: {  	s1 =	srdreg.scid  }
0x8b: {  	s0 =	sand.u32 $0x1, s1  }
0x8c: {  	s17 =	sshll.u32 s0, $0xA;
	s2 =	sadd.s32 s3, s2  }
0x8d: {  	s2 =	sadd.s32 s2, s17  }
0x8e: {  	[smem:$0x3FBD] =	sst s2  }
0x8f: {  	_ = 	snop  }
0x90: {  	s2 =	sld [smem:$0x3FD0];
	(tm) =	ssettm $0x1  }
0x91: {  	s18 =	sld [smem:$0x3FFB];
	_ =	sdelay $0x3  }
0x92: {  	_ =	strace s18  }
0x93: {  	s3 =	sld [smem:$0x3FFC];
	_ =	sdelay $0x3  }
0x94: {  	_ =	strace s3  }
0x95: {  	s3 =	sld [smem:$0x3FFD];
	_ =	sdelay $0x3  }
0x96: {  	_ =	strace s3  }
0x97: {  	_ =	strace $0x8FFFFFFF  }
0x98: {  	s19 =	sld [smem:$0x3FDB];
	_ =	sdelay $0x1  }
0x99: {  	s4 =	simm.s32 $_scs_section_size  }
0x9a: {  	s5 =	simm.s32 $_size__tile_overlayer_lowered;
	s6 =	simm.s32 $_tile_overlayer_lowered  }
0x9b: {  	s22 =	simm.s32 $0x1BFF;
	s21 =	sshll.u32 s6, $0x1;
	s3 =	sadd.s32 s4, s19  }
0x9c: {  	s7 =	simm.s32 $0x0;
	s20 =	sshll.u32 s5, $0x1;
	s5 =	sadd.s32 s21, s3  }
0x9d: {  	[timem:s7], [sflag:s22] =	dma.local [hbm:s5], s20  }
0x9e: {  	_ =	swait.ge [sflag:s22], s20  }
0x9f: {  	s4 =	ssub.s32 $0x0, s20;
	[sflag:s22] =	ssyncset.done $0x0  }
0xa0: {  	[sflag:s22] =	ssyncadd.s32 s4;
	_ =	sdelay $0x1  }
0xa1: {  	s23 =	simm.s32 $0x1B8B  }
0xa2: {  	_ =	swait.ge [sflag:s23], $0x1  }
0xa3: {  	[sflag:s23] =	ssyncset.done $0x0  }
0xa4: {  	s25 =	simm.s32 $0x1B8E;
	s24 =	sld [smem:$0x3FFE];
	[sflag:s23] =	ssyncadd.s32 $0xFFFFFFFF  }
0xa5: {  	s26 =	simm.s32 $execute0_lowered;
	[smem:$0x3FD2] =	sst s25  }
0xa6: {  	s5 =	sshll.u32 s26, $0x1;
	_ =	strace $0x80000049;
	[dreg:$0x1] =	wrdreg $0xFFFFFFFF  }
0xa7: {  	s28 =	simm.s32 $_size_execute0_lowered;
	s3 =	sadd.s32 s3, s5;
	[dreg:$0x0] =	wrdreg $0x0  }
0xa8: {  	s5 =	sshll.u32 s28, $0x1;
	[dreg:$0x2] =	wrdreg s3  }
0xa9: {  	[dreg:$0x3] =	wrdreg s5  }
0xaa: {  	[dreg:$0x4] =	wrdreg $0xC0  }
0xab: {  	_ =	task [dreg:s7], $0x5FFFF  }
0xac: {  	[dreg:$0x1] =	wrdreg $0xFFFFFFFF  }
0xad: {  	[dreg:$0x0] =	wrdreg $0x60  }
0xae: {  	[dreg:$0x2] =	wrdreg s24  }
0xaf: {  	[dreg:$0x3] =	wrdreg s2  }
0xb0: {  	[dreg:$0x4] =	wrdreg $0x0  }
0xb1: {  	[dreg:$0x5] =	wrdreg $0x9  }
0xb2: {  	_ =	task.clear_ibuf [dreg:s7], $0x6FFFF;
	_ =	strace $0x90000049  }
0xb3: {  	s29 =	simm.s32 $0x9;
	_ =	strace $0x8000004B  }
0xb4: {  	_ =	swait.ge [sflag:s29], $0x1  }
0xb5: {  	[sflag:s29] =	ssyncadd.s32 $0xFFFFFFFF  }
0xb6: {  	_ =	strace $0x9000004B  }
0xb7: {  	_ =	sfence  }
0xb8: {  	s30 =	sld [smem:$0x0];
	_ =	sdelay $0x2  }
0xb9: {  	s31 =	sshll.u32 s1, $0xD;
	s1 =	sshrl.u32 s1, $0x2  }
0xba: {  	s3 =	sand.u32 $0x4000, s31;
	s1 =	sadd.s32 s1, s30  }
0xbb: {  	s0 =	sor.u32 s3, s0;
	s1 =	sshll.u32 s1, $0x11  }
0xbc: {  	s0 =	sor.u32 s1, s0  }
0xbd: {  	s0 =	sadd.s32 $0x8F2B, s0  }
0xbe: {  	[sflag:s0] =	ssyncadd.remote.s32 $0x1  }
0xbf: {  	_ =	sfence.sel $0xFFFF  }
0xc0: {  	[dreg:$0x0] =	wrdreg $0xFFFFFFFF;
	(pc) =	sbr.abs _section_cstart, $3  }
0xc1: {  	[dreg:$0x1] =	wrdreg $0xFFFFFFFF  }
0xc2: {  	_ =	task.clear_ibuf [dreg:s7], $0x2FFFF;
	_ =	strace $0x9FFFFFFF  }
0xc3: {  	(tm) =	ssettm $0x7FFFFFFF  }
tec
execute0_lowered:
.L_overlay_start_1:
0x0: {  	(tag) =	ssettag $0x1  }
0x1: {  	s0 =	rddreg [dreg:$0x0]  }
0x2: {  	s3 =	rddreg [dreg:$0x1]  }
0x3: {  	s1 =	rddreg [dreg:$0x2]  }
0x4: {  	s2 =	simm.s32 $0x0;
	s15 =	stileid.u32;
	s9 =	srdreg.scid  }
0x5: {  	s28 =	simm.s32 $0x14080;
	s29 =	simm.s32 $0x1;
	s30 =	simm.s32 $0x14180  }
0x6: {  	s31 =	simm.s32 $0x6;
	[smem:$0x7FF] =	sst s2;
	s4 =	sadd.s32 $0x9D800, s0  }
0x7: {  	s5 =	sadd.s32 $0x44800, s0;
	s6 =	sadd.s32 $0x49800, s0;
	s7 =	smul.u32 $0x2800, s15  }
0x8: {  	s8 =	sadd.s32 $0x30800, s0;
	s10 =	sand.u32 $0x1, s9;
	s11 =	smul.u32 $0x50000, s15  }
0x9: {  	s9 =	sadd.s32 $0x3A800, s0;
	s18 =	sshll.u32 s15, $0x6;
	_ =	strace $0x8000004A  }
0xa: {  	s12 =	ssub.s32 $0x2, s10;
	s10 =	smul.u32 $0x28000, s10;
	s0 =	sadd.s32 s7, s0  }
0xb: {  	s13 =	sshrl.u32 s12, $0x1;
	s11 =	sshrl.u32 s11, $0x2;
	s19 =	sshrl.u32 s7, $0x3  }
0xc: {  	s13 =	ssub.s32 s12, s13;
	s14 =	sadd.s32 s11, s1;
	s0 =	sadd.s32 $0x8800, s0  }
0xd: {  	s11 =	sadd.s32 s7, s10;
	s12 =	sor.u32 $0x1C09, s18;
	s21 =	sor.u32 $0x10, s19  }
0xe: {  	s16 =	sadd.s32 s5, s19;
	s15 =	sadd.s32 s6, s19;
	[dreg:$0x4] =	wrdreg s0  }
0xf: {  	s10 =	simm.s32 $0x2;
	s20 =	sshrl.u32 s11, $0x3;
	[dreg:$0x5] =	wrdreg s16  }
0x10: {  	s23 =	sadd.s32 s5, s21;
	[dreg:$0x8] =	wrdreg s15;
	s24 =	sadd.s32 s6, s21  }
0x11: {  	s25 =	sadd.s32 s3, s11;
	s26 =	smax.u32 s13, $0x1;
	s21 =	sshrl.u32 s14, $0x3  }
0x12: {  	s3 =	simm.s32 $0x7;
	s13 =	simm.s32 $0x8;
	[dreg:$0x7] =	wrdreg s23  }
0x13: {  	s14 =	simm.s32 $0x4;
	s15 =	simm.s32 $0x0;
	[dreg:$0xa] =	wrdreg s24  }
0x14: {  	s22 =	sadd.s32 s8, s20;
	s0 =	sadd.s32 s9, s20;
	[dreg:$0xb] =	wrdreg s25  }
0x15: {  	[dreg:$0xc] =	wrdreg s26;
	s23 =	simm.s32 $0x14000;
	s24 =	simm.s32 $0x14100  }
0x16: {  	s25 =	simm.s32 $0x80;
	s26 =	simm.s32 $0x14200;
	[dreg:$0x6] =	wrdreg s22  }
0x17: {  	[dreg:$0x9] =	wrdreg s0;
	s22 =	simm.s32 $0x9;
	s0 =	simm.s32 $0x18200  }
.LBB2_1:
0x18: {  	s16 =	rddreg [dreg:$0x4]  }
0x19: {  	[spmem:s21], [sflag:s12] =	dma.local [hbm:s16], $0x2800  }
0x1a: {  	_ =	swait.ge [sflag:s22], $0x2800  }
0x1b: {  	[sflag:s22] =	ssyncset.done $0x0  }
0x1c: {  	[sflag:s22] =	ssyncadd.s32 $0xFFFFD800  }
0x1d: {  	[bflag:$0x0] =	sbarrier.arrive $0xFFFF  }
0x1e: {  	s18 =	rddreg [dreg:$0x5]  }
0x1f: {  	[tilespmem:s23], [sflag:$0x9] =	stream.linear.gather [hbm4b:s18+s2], $0x80, $0x38;
	[tilespmem:$0x1C200] =	vst v63  }
0x20: {  	_ =	swait.ge [sflag:s22], $0x80  }
0x21: {  	[sflag:s22] =	ssyncset.done $0x0  }
0x22: {  	s19 =	rddreg [dreg:$0x6];
	[sflag:s22] =	ssyncadd.s32 $0xFFFFFF80  }
0x23: {  	[tilespmem:s24], [sflag:$0x7] =	stream.linear.gather [hbm4b:s19+s2], $0x80, $0x38;
	[tilespmem:$0x1C200] =	vst v63  }
0x24: {  	_ = 	snop  }
0x25: {  	[tilespmem:s26], [sflag:$0x1] =	stream.indirect.gather [hbm4b:s4+s25], $0x80, s23, s25, $0xb8;
	[tilespmem:$0x1C200] =	vst v63  }
0x26: {  	s16 =	simm.s32 $0x0;
	s20 =	rddreg [dreg:$0x7]  }
0x27: {  	[tilespmem:s28], [sflag:$0x6] =	stream.linear.gather [hbm4b:s20+s2], $0x80, $0x38;
	[tilespmem:$0x1C200] =	vst v63  }
.LBB2_2:
0x28: {  	p0 =	seq.s32 s16, $0x2700  }
0x29: {  	s17 =	sadd.s32 @!p0 $0x100, s16  }
0x2a: {  	s18 =	sand.u32 @!p0 $0x7C00, s17  }
0x2b: {  	s17 =	sand.u32 @!p0 $0x300, s17;
	s18 =	sadd.s32 @!p0 s7, s18  }
0x2c: {  	_ =	swait.ge [sflag:s29], $0x4000;
	s17 =	sor.u32 @!p0 s17, s18  }
0x2d: {  	[sflag:s29] =	ssyncset.done $0x0;
	s19 =	simm.s32 @!p0 $0x14000;
	s17 =	sshrl.u32 @!p0 s17, $0x3  }
0x2e: {  	[sflag:s29] =	ssyncadd.s32 $0xFFFFC000;
	s18 =	simm.s32 @!p0 $0x0;
	s17 =	sadd.s32 @!p0 s5, s17  }
0x2f: {  	[tilespmem:s19], [sflag:$0x5] =	stream.linear.gather @!p0 [hbm4b:s17+s18], $0x80, $0x38;
	[tilespmem:$0x1C200] =	vst v63  }
0x30: {  	s19 =	sand.u32 $0x3C00, s16  }
0x31: {  	s20 =	sand.u32 $0x300, s16;
	p1 =	seq.s32 @!p0 s16, $0x0;
	s17 =	sadd.s32 s11, s19  }
0x32: {  	p0 =	por p0, !p1;
	s17 =	sor.u32 s17, s20  }
0x33: {  	_ =	swait.ge @p0 [sflag:s14], $0x4000;
	s17 =	sor.u32 $0x80, s17  }
0x34: {  	[sflag:s14] =	ssyncset.done @p0 $0x0;
	s17 =	sshrl.u32 s17, $0x3  }
0x35: {  	[sflag:s14] =	ssyncadd.s32 @p0 $0xFFFFC000;
	s17 =	sadd.s32 s8, s17  }
0x36: {  	[tilespmem:s30], [sflag:$0x8] =	stream.linear.gather [hbm4b:s17+s2], $0x80, $0x38;
	[tilespmem:$0x1C200] =	vst v63  }
0x37: {  	_ =	swait.ge [sflag:s31], $0x80  }
0x38: {  	[sflag:s31] =	ssyncset.done $0x0  }
0x39: {  	p0 =	sne.s32 s16, $0x2700;
	[sflag:s31] =	ssyncadd.s32 $0xFFFFFF80  }
0x3a: {  	[tilespmem:s0], [sflag:$0x2] =	stream.indirect.gather [hbm4b:s4+s25], $0x80, s28, s25, $0xb8;
	[tilespmem:$0x1C200] =	vst v63  }
0x3b: {  	s17 =	sadd.s32 @p0 $0x180, s16;
	_ =	swait.ge [sflag:s3], $0x80  }
0x3c: {  	s18 =	sand.u32 @p0 $0x7C00, s17;
	[sflag:s3] =	ssyncset.done $0x0  }
0x3d: {  	s17 =	sand.u32 @p0 $0x380, s17;
	s18 =	sadd.s32 @p0 s7, s18;
	[sflag:s3] =	ssyncadd.s32 $0xFFFFFF80  }
0x3e: {  	[spmem:s1] =	stream.indirect.scatter.add.f32 [tilespmem:s26], [sflag:$0x3], $0x80, s24, s25, $0xb8;
	[tilespmem:$0x1C200] =	vst v63  }
0x3f: {  	s17 =	sor.u32 @p0 s17, s18;
	_ =	swait.ge [sflag:s10], $0x4000  }
0x40: {  	s19 =	simm.s32 @p0 $0x14080;
	s17 =	sshrl.u32 @p0 s17, $0x3;
	[sflag:s10] =	ssyncset.done $0x0  }
0x41: {  	s18 =	simm.s32 @p0 $0x0;
	s17 =	sadd.s32 @p0 s5, s17;
	[sflag:s10] =	ssyncadd.s32 $0xFFFFC000  }
0x42: {  	[tilespmem:s19], [sflag:$0x6] =	stream.linear.gather @p0 [hbm4b:s17+s18], $0x80, $0x38;
	[tilespmem:$0x1C200] =	vst v63  }
0x43: {  	s17 =	sadd.s32 @p0 $0x100, s16  }
0x44: {  	s19 =	sand.u32 @p0 $0x7C00, s17  }
0x45: {  	s20 =	simm.s32 @p0 $0x3;
	s17 =	sand.u32 @p0 $0x300, s17;
	s19 =	sadd.s32 @p0 s11, s19  }
0x46: {  	_ =	swait.ge @p0 [sflag:s20], $0x4000;
	s17 =	sor.u32 @p0 s17, s19  }
0x47: {  	[sflag:s20] =	ssyncset.done @p0 $0x0;
	s17 =	sshrl.u32 @p0 s17, $0x3  }
0x48: {  	[sflag:s20] =	ssyncadd.s32 @p0 $0xFFFFC000;
	s19 =	simm.s32 @p0 $0x14100;
	s17 =	sadd.s32 @p0 s8, s17  }
0x49: {  	[tilespmem:s19], [sflag:$0x7] =	stream.linear.gather @p0 [hbm4b:s17+s18], $0x80, $0x38;
	[tilespmem:$0x1C200] =	vst v63  }
0x4a: {  	s17 =	simm.s32 @p0 $0x5  }
0x4b: {  	_ =	swait.ge @p0 [sflag:s17], $0x80  }
0x4c: {  	s18 =	simm.s32 @p0 $0x14000;
	[sflag:s17] =	ssyncset.done @p0 $0x0  }
0x4d: {  	s19 =	simm.s32 @p0 $0x14200;
	[sflag:s17] =	ssyncadd.s32 @p0 $0xFFFFFF80;
	s17 =	simm.s32 @p0 $0x80  }
0x4e: {  	[tilespmem:s19], [sflag:$0x1] =	stream.indirect.gather @p0 [hbm4b:s4+s17], $0x80, s18, s17, $0xb8;
	[tilespmem:$0x1C200] =	vst v63  }
0x4f: {  	s17 =	simm.s32 @!p0 $0x3  }
0x50: {  	_ =	swait.ge @!p0 [sflag:s17], $0x4000  }
0x51: {  	s16 =	sadd.s32 $0x100, s16;
	[sflag:s17] =	ssyncset.done @!p0 $0x0  }
0x52: {  	[sflag:s17] =	ssyncadd.s32 @!p0 $0xFFFFC000;
	p0 =	sne.s32 s16, $0x2800  }
.Ltmp0:
0x53: {  	_ = 	snop;
	(pc) =	sbr.rel @p0 .LBB2_2-.Ltmp0, $4  }
0x54: {  	_ =	swait.ge [sflag:s13], $0x80  }
0x55: {  	[sflag:s13] =	ssyncset.done $0x0  }
0x56: {  	[sflag:s13] =	ssyncadd.s32 $0xFFFFFF80  }
0x57: {  	[spmem:s1] =	stream.indirect.scatter.add.f32 [tilespmem:s0], [sflag:$0x4], $0x80, s30, s25, $0xb8;
	[tilespmem:$0x1C200] =	vst v63  }
0x58: {  	_ =	swait.ge [sflag:s14], $0x4000  }
0x59: {  	[sflag:s14] =	ssyncset.done $0x0  }
0x5a: {  	s16 =	simm.s32 $0x0;
	s17 =	rddreg [dreg:$0x8];
	[sflag:s14] =	ssyncadd.s32 $0xFFFFC000  }
0x5b: {  	[tilespmem:s23], [sflag:$0x9] =	stream.linear.gather [hbm4b:s17+s16], $0x80, $0x38;
	[tilespmem:$0x1C200] =	vst v63  }
0x5c: {  	_ =	swait.ge [sflag:s22], $0x80  }
0x5d: {  	[sflag:s22] =	ssyncset.done $0x0  }
0x5e: {  	s19 =	rddreg [dreg:$0x9];
	[sflag:s22] =	ssyncadd.s32 $0xFFFFFF80  }
0x5f: {  	[tilespmem:s24], [sflag:$0x7] =	stream.linear.gather [hbm4b:s19+s16], $0x80, $0x38;
	[tilespmem:$0x1C200] =	vst v63  }
0x60: {  	_ = 	snop  }
0x61: {  	[tilespmem:s26], [sflag:$0x1] =	stream.indirect.gather [hbm4b:s4+s25], $0x80, s23, s25, $0xb8;
	[tilespmem:$0x1C200] =	vst v63  }
0x62: {  	s20 =	rddreg [dreg:$0xa]  }
0x63: {  	[tilespmem:s28], [sflag:$0x6] =	stream.linear.gather [hbm4b:s20+s16], $0x80, $0x38;
	[tilespmem:$0x1C200] =	vst v63  }
.LBB2_4:
0x64: {  	p0 =	seq.s32 s16, $0x2700  }
0x65: {  	s17 =	sadd.s32 @!p0 $0x100, s16  }
0x66: {  	s18 =	sand.u32 @!p0 $0x7C00, s17  }
0x67: {  	s17 =	sand.u32 @!p0 $0x300, s17;
	s18 =	sadd.s32 @!p0 s7, s18  }
0x68: {  	_ =	swait.ge [sflag:s29], $0x4000;
	s17 =	sor.u32 @!p0 s17, s18  }
0x69: {  	[sflag:s29] =	ssyncset.done $0x0;
	s19 =	simm.s32 @!p0 $0x14000;
	s17 =	sshrl.u32 @!p0 s17, $0x3  }
0x6a: {  	[sflag:s29] =	ssyncadd.s32 $0xFFFFC000;
	s18 =	simm.s32 @!p0 $0x0;
	s17 =	sadd.s32 @!p0 s6, s17  }
0x6b: {  	[tilespmem:s19], [sflag:$0x5] =	stream.linear.gather @!p0 [hbm4b:s17+s18], $0x80, $0x38;
	[tilespmem:$0x1C200] =	vst v63  }
0x6c: {  	s19 =	sand.u32 $0x3C00, s16  }
0x6d: {  	s20 =	sand.u32 $0x300, s16;
	p1 =	seq.s32 @!p0 s16, $0x0;
	s17 =	sadd.s32 s11, s19  }
0x6e: {  	p0 =	por p0, !p1;
	s17 =	sor.u32 s17, s20  }
0x6f: {  	_ =	swait.ge @p0 [sflag:s14], $0x4000;
	s17 =	sor.u32 $0x80, s17  }
0x70: {  	[sflag:s14] =	ssyncset.done @p0 $0x0;
	s17 =	sshrl.u32 s17, $0x3  }
0x71: {  	[sflag:s14] =	ssyncadd.s32 @p0 $0xFFFFC000;
	s17 =	sadd.s32 s9, s17  }
0x72: {  	[tilespmem:s30], [sflag:$0x8] =	stream.linear.gather [hbm4b:s17+s2], $0x80, $0x38;
	[tilespmem:$0x1C200] =	vst v63  }
0x73: {  	_ =	swait.ge [sflag:s31], $0x80  }
0x74: {  	[sflag:s31] =	ssyncset.done $0x0  }
0x75: {  	p0 =	sne.s32 s16, $0x2700;
	[sflag:s31] =	ssyncadd.s32 $0xFFFFFF80  }
0x76: {  	[tilespmem:s0], [sflag:$0x2] =	stream.indirect.gather [hbm4b:s4+s25], $0x80, s28, s25, $0xb8;
	[tilespmem:$0x1C200] =	vst v63  }
0x77: {  	s17 =	sadd.s32 @p0 $0x180, s16;
	_ =	swait.ge [sflag:s3], $0x80  }
0x78: {  	s18 =	sand.u32 @p0 $0x7C00, s17;
	[sflag:s3] =	ssyncset.done $0x0  }
0x79: {  	s17 =	sand.u32 @p0 $0x380, s17;
	s18 =	sadd.s32 @p0 s7, s18;
	[sflag:s3] =	ssyncadd.s32 $0xFFFFFF80  }
0x7a: {  	[spmem:s1] =	stream.indirect.scatter.add.f32 [tilespmem:s26], [sflag:$0x3], $0x80, s24, s25, $0xb8;
	[tilespmem:$0x1C200] =	vst v63  }
0x7b: {  	s17 =	sor.u32 @p0 s17, s18;
	_ =	swait.ge [sflag:s10], $0x4000  }
0x7c: {  	s19 =	simm.s32 @p0 $0x14080;
	s17 =	sshrl.u32 @p0 s17, $0x3;
	[sflag:s10] =	ssyncset.done $0x0  }
0x7d: {  	s18 =	simm.s32 @p0 $0x0;
	s17 =	sadd.s32 @p0 s6, s17;
	[sflag:s10] =	ssyncadd.s32 $0xFFFFC000  }
0x7e: {  	[tilespmem:s19], [sflag:$0x6] =	stream.linear.gather @p0 [hbm4b:s17+s18], $0x80, $0x38;
	[tilespmem:$0x1C200] =	vst v63  }
0x7f: {  	s17 =	sadd.s32 @p0 $0x100, s16  }
0x80: {  	s19 =	sand.u32 @p0 $0x7C00, s17  }
0x81: {  	s20 =	simm.s32 @p0 $0x3;
	s17 =	sand.u32 @p0 $0x300, s17;
	s19 =	sadd.s32 @p0 s11, s19  }
0x82: {  	_ =	swait.ge @p0 [sflag:s20], $0x4000;
	s17 =	sor.u32 @p0 s17, s19  }
0x83: {  	[sflag:s20] =	ssyncset.done @p0 $0x0;
	s17 =	sshrl.u32 @p0 s17, $0x3  }
0x84: {  	[sflag:s20] =	ssyncadd.s32 @p0 $0xFFFFC000;
	s19 =	simm.s32 @p0 $0x14100;
	s17 =	sadd.s32 @p0 s9, s17  }
0x85: {  	[tilespmem:s19], [sflag:$0x7] =	stream.linear.gather @p0 [hbm4b:s17+s18], $0x80, $0x38;
	[tilespmem:$0x1C200] =	vst v63  }
0x86: {  	s17 =	simm.s32 @p0 $0x5  }
0x87: {  	_ =	swait.ge @p0 [sflag:s17], $0x80  }
0x88: {  	s18 =	simm.s32 @p0 $0x14000;
	[sflag:s17] =	ssyncset.done @p0 $0x0  }
0x89: {  	s19 =	simm.s32 @p0 $0x14200;
	[sflag:s17] =	ssyncadd.s32 @p0 $0xFFFFFF80;
	s17 =	simm.s32 @p0 $0x80  }
0x8a: {  	[tilespmem:s19], [sflag:$0x1] =	stream.indirect.gather @p0 [hbm4b:s4+s17], $0x80, s18, s17, $0xb8;
	[tilespmem:$0x1C200] =	vst v63  }
0x8b: {  	s17 =	simm.s32 @!p0 $0x3  }
0x8c: {  	_ =	swait.ge @!p0 [sflag:s17], $0x4000  }
0x8d: {  	s16 =	sadd.s32 $0x100, s16;
	[sflag:s17] =	ssyncset.done @!p0 $0x0  }
0x8e: {  	[sflag:s17] =	ssyncadd.s32 @!p0 $0xFFFFC000;
	p0 =	sne.s32 s16, $0x2800  }
.Ltmp1:
0x8f: {  	_ = 	snop;
	(pc) =	sbr.rel @p0 .LBB2_4-.Ltmp1, $4  }
0x90: {  	_ =	swait.ge [sflag:s13], $0x80  }
0x91: {  	[sflag:s13] =	ssyncset.done $0x0  }
0x92: {  	[sflag:s13] =	ssyncadd.s32 $0xFFFFFF80  }
0x93: {  	[spmem:s1] =	stream.indirect.scatter.add.f32 [tilespmem:s0], [sflag:$0x4], $0x80, s30, s25, $0xb8;
	[tilespmem:$0x1C200] =	vst v63  }
0x94: {  	_ =	swait.ge [sflag:s14], $0x4000  }
0x95: {  	[sflag:s14] =	ssyncset.done $0x0  }
0x96: {  	[sflag:s14] =	ssyncadd.s32 $0xFFFFC000  }
0x97: {  	[bflag:$0x0] =	sbarrier.arrive $0xFFFF  }
0x98: {  	s16 =	rddreg [dreg:$0xb]  }
0x99: {  	[hbm:s16], [sflag:s12] =	dma.local [spmem:s21], $0x2800  }
0x9a: {  	_ =	swait.ge [sflag:s22], $0x2800  }
0x9b: {  	s15 =	sadd.s32 $0x1, s15;
	s20 =	rddreg [dreg:$0xc]  }
0x9c: {  	p0 =	sne.s32 s15, s20  }
.Ltmp2:
0x9d: {  	_ = 	snop;
	(pc) =	sbr.rel @p0 .LBB2_1-.Ltmp2, $3  }
0x9e: {  	_ =	sdelay $0x1  }
0x9f: {  	[sflag:s22] =	ssyncset.done $0x0  }
0xa0: {  	[sflag:s22] =	ssyncadd.s32 $0xFFFFD800  }
0xa1: {  	_ =	sfence.sel $0x180000  }
0xa2: {  	[bflag:$0x0] =	sbarrier.arrive $0xFFFF  }
0xa3: {  	_ =	strace $0x9000004A  }
0xa4: {  	s0 =	stileid.u32;
	[bflag:$0x2] =	sbarrier.arrive $0xFFFF  }
0xa5: {  	p0 =	sne.s32 s0, $0x0;
	s0 =	rddreg [dreg:$0x3]  }
0xa6: {  	s0 =	sadd.s32 @!p0 $0x100000, s0  }
0xa7: {  	[sflag:s0] =	ssyncadd.tile.s32 @!p0 $0x1;
	_ =	shalt  }
.Lfunc_end2:
_tile_overlayer_lowered:
.L_overlay_start_2:
0xa8: {  	(tag) =	ssettag $0x2  }
0xa9: {  	s0 =	rddreg [dreg:$0x0];
	s2 =	stileid.u32  }
0xaa: {  	s1 =	rddreg [dreg:$0x1];
	p0 =	sne.s32 s2, $0x0  }
0xab: {  	s3 =	rddreg [dreg:$0x2];
	[bflag:$0x3] =	sbarrier.arrive $0xFFFF;
	s2 =	simm.s32 @!p0 $0x1C09  }
0xac: {  	[timem:s3], [sflag:s2] =	dma.local @!p0 [hbm:s0], s1  }
0xad: {  	s0 =	simm.s32 @!p0 $0x9  }
0xae: {  	_ =	swait.ge @!p0 [sflag:s0], s1  }
0xaf: {  	s1 =	ssub.s32 @!p0 $0x0, s1;
	[sflag:s0] =	ssyncset.done @!p0 $0x0  }
0xb0: {  	[sflag:s0] =	ssyncadd.s32 @!p0 s1  }
0xb1: {  	[bflag:$0x3] =	sbarrier.arrive $0xFFFF  }
0xb2: {  	_ =	shalt  }

// kernel: kernel.18.cloned.1.call-start
scs
__scs_entry_jumppad:
0x0: {  	(pc) =	sbr.rel $0x88, $3  }
0x1: {  	(tag) =	ssettag $0x0;
	lr =	simm.s32 $0x1  }
0x2: {  	[smem:$0x3F96] =	sst lr;
	_ =	strace $0xD0000000  }
0x3: {  	_ = 	snop  }
0x4: {  	_ = 	snop  }
0x5: {  	_ = 	snop  }
0x6: {  	_ = 	snop  }
0x7: {  	_ = 	snop  }
__scs_overlays_trampoline_lowered:
0x8: {  	[smem:$0x3FA5] =	sst s0  }
0x9: {  	[smem:$0x3FA6] =	sst s1  }
0xa: {  	[smem:$0x3FA7] =	sst s2  }
0xb: {  	[smem:$0x3FA8] =	sst s3  }
0xc: {  	[smem:$0x3FA9] =	sst s4  }
0xd: {  	[smem:$0x3FAA] =	sst s5  }
0xe: {  	[smem:$0x3FAB] =	sst s6  }
0xf: {  	[smem:$0x3FAC] =	sst s7  }
0x10: {  	[smem:$0x3FAD] =	sst s8  }
0x11: {  	[smem:$0x3FAE] =	sst s9;
	s0 =	simm.s32 @!p0 $0x0  }
0x12: {  	s1 =	sld [smem:$0x3F94];
	s0 =	simm.s32 @p0 $0x1  }
0x13: {  	[smem:$0x3FAF] =	sst s0;
	s0 =	simm.s32 @!p1 $0x0  }
0x14: {  	s2 =	sld [smem:$0x3F93];
	s0 =	simm.s32 @p1 $0x1  }
0x15: {  	[smem:$0x3FB0] =	sst s0;
	s0 =	simm.s32 @!p2 $0x0  }
0x16: {  	s3 =	sld [smem:$0x3FDB];
	s0 =	simm.s32 @p2 $0x1  }
0x17: {  	s4 =	simm.s32 $0x1BF5;
	[smem:$0x3FB2] =	sst s0  }
0x18: {  	s0 =	sld [smem:$0x3F95];
	_ =	swait.ge [sflag:s4], $0x0  }
0x19: {  	s7 =	sld [smem:$0x3F96]  }
0x1a: {  	s8 =	sadd.s32 $0xFFFFE003, lr  }
0x1b: {  	s9 =	sadd.s32 $0xFFFFFEF7, lr;
	s5 =	simm.s32 $0xFFFFFFFF;
	p2 =	slt.u32 s8, $0xFFFFF086  }
0x1c: {  	p1 =	slt.u32 s9, $0xF7A;
	s5 =	simm.s32 @!p2 $0x0  }
0x1d: {  	s5 =	simm.s32 @p1 $0x1;
	p0 =	seq.s32 s7, s2  }
0x1e: {  	s7 =	smul.u32 @!p0 $0xF7A, s2;
	p2 =	seq.s32 @!p0 s5, $0x0  }
0x1f: {  	s9 =	smul.u32 $0xF7A, s1;
	s8 =	simm.s32 @!p0 $0x1BF5;
	p2 =	por !p2, p0  }
0x20: {  	[sflag:s8] =	ssyncset.s32 @!p0 $0xFFFFF086;
	s6 =	sadd.s32 @!p0 s3, s7;
	s7 =	simm.s32 @!p0 $0x108  }
0x21: {  	s3 =	sadd.s32 s3, s9;
	s6 =	sadd.s32 @!p0 $0x88, s6;
	s7 =	simm.s32 @p2 $0x1082  }
0x22: {  	[simem:s7], [sflag:s8] =	dma.local @!p0 [hbm:s6], $0xF7A  }
0x23: {  	s9 =	sor.u32 $0xD0000000, s2;
	s6 =	simm.s32 $0x108;
	_ =	swait.ge @!p0 [sflag:s8], $0x0  }
0x24: {  	s3 =	sadd.s32 $0x88, s3;
	s6 =	simm.s32 @!p1 $0x1082;
	[sflag:s4] =	ssyncset.s32 $0xFFFFF086  }
0x25: {  	[simem:s6], [sflag:s4] =	dma.local [hbm:s3], $0xF7A  }
0x26: {  	[smem:$0x3F96] =	sst s1;
	(tag) =	ssettag s2;
	_ =	strace s9  }
0x27: {  	s1 =	sld [smem:$0x3FA6]  }
0x28: {  	s2 =	sld [smem:$0x3FA7]  }
0x29: {  	s4 =	sld [smem:$0x3FA9]  }
0x2a: {  	p0 =	seq.s32 s5, $0x0;
	s5 =	sld [smem:$0x3FAA]  }
0x2b: {  	s6 =	sld [smem:$0x3FAB]  }
0x2c: {  	s7 =	sld [smem:$0x3FAC]  }
0x2d: {  	s3 =	simm.s32 $0x108;
	s8 =	sld [smem:$0x3FAD]  }
0x2e: {  	s3 =	simm.s32 @!p0 $0x1082;
	s9 =	sld [smem:$0x3FAE]  }
0x2f: {  	lr =	sadd.s32 s0, s3;
	s0 =	sld [smem:$0x3FA5]  }
0x30: {  	s3 =	sld [smem:$0x3FA8]  }
0x31: {  	[smem:$0x3FB1] =	sst s10  }
0x32: {  	s10 =	sld [smem:$0x3FAF];
	_ =	sdelay $0x3  }
0x33: {  	p0 =	seq.s32 s10, $0x1;
	s10 =	sld [smem:$0x3FB1];
	_ =	sdelay $0x3  }
0x34: {  	[smem:$0x3FB1] =	sst s10  }
0x35: {  	s10 =	sld [smem:$0x3FB0];
	_ =	sdelay $0x3  }
0x36: {  	p1 =	seq.s32 s10, $0x1;
	s10 =	sld [smem:$0x3FB1];
	_ =	sdelay $0x3  }
0x37: {  	[smem:$0x3FB1] =	sst s10  }
0x38: {  	s10 =	sld [smem:$0x3FB2]  }
0x39: {  	_ = 	snop;
	(pc) =	sbr.ind lr, $3  }
0x3a: {  	_ = 	snop  }
0x3b: {  	_ = 	snop  }
0x3c: {  	p2 =	seq.s32 s10, $0x1;
	s10 =	sld [smem:$0x3FB1]  }
0x3d: {  	_ =	shalt  }
0x3e: {  	_ =	shalt  }
0x3f: {  	_ =	shalt  }
0x40: {  	_ =	shalt  }
0x41: {  	_ =	shalt  }
0x42: {  	_ =	shalt  }
0x43: {  	_ =	shalt  }
0x44: {  	_ =	shalt  }
0x45: {  	_ =	shalt  }
0x46: {  	_ =	shalt  }
0x47: {  	_ =	shalt  }
0x48: {  	_ =	shalt  }
0x49: {  	_ =	shalt  }
0x4a: {  	_ =	shalt  }
0x4b: {  	_ =	shalt  }
0x4c: {  	_ =	shalt  }
0x4d: {  	_ =	shalt  }
0x4e: {  	_ =	shalt  }
0x4f: {  	_ =	shalt  }
0x50: {  	_ =	shalt  }
0x51: {  	_ =	shalt  }
0x52: {  	_ =	shalt  }
0x53: {  	_ =	shalt  }
0x54: {  	_ =	shalt  }
0x55: {  	_ =	shalt  }
0x56: {  	_ =	shalt  }
0x57: {  	_ =	shalt  }
0x58: {  	_ =	shalt  }
0x59: {  	_ =	shalt  }
0x5a: {  	_ =	shalt  }
0x5b: {  	_ =	shalt  }
0x5c: {  	_ =	shalt  }
0x5d: {  	_ =	shalt  }
0x5e: {  	_ =	shalt  }
0x5f: {  	_ =	shalt  }
0x60: {  	_ =	shalt  }
0x61: {  	_ =	shalt  }
0x62: {  	_ =	shalt  }
0x63: {  	_ =	shalt  }
0x64: {  	_ =	shalt  }
0x65: {  	_ =	shalt  }
0x66: {  	_ =	shalt  }
0x67: {  	_ =	shalt  }
0x68: {  	_ =	shalt  }
0x69: {  	_ =	shalt  }
0x6a: {  	_ =	shalt  }
0x6b: {  	_ =	shalt  }
0x6c: {  	_ =	shalt  }
0x6d: {  	_ =	shalt  }
0x6e: {  	_ =	shalt  }
0x6f: {  	_ =	shalt  }
0x70: {  	_ =	shalt  }
0x71: {  	_ =	shalt  }
0x72: {  	_ =	shalt  }
0x73: {  	_ =	shalt  }
0x74: {  	_ =	shalt  }
0x75: {  	_ =	shalt  }
0x76: {  	_ =	shalt  }
0x77: {  	_ =	shalt  }
0x78: {  	_ =	shalt  }
0x79: {  	_ =	shalt  }
0x7a: {  	_ =	shalt  }
0x7b: {  	_ =	shalt  }
0x7c: {  	_ =	shalt  }
0x7d: {  	_ =	shalt  }
0x7e: {  	_ =	shalt  }
0x7f: {  	_ =	shalt  }
0x80: {  	_ =	shalt  }
0x81: {  	_ =	shalt  }
0x82: {  	_ =	shalt  }
0x83: {  	_ =	shalt  }
0x84: {  	_ =	shalt  }
0x85: {  	_ =	shalt  }
0x86: {  	_ =	shalt  }
0x87: {  	_ =	shalt  }
.Lfunc_end0:
.L_simem_size_0:
called_computation.2_lowered:
.L_overlay_start_0:
0x88: {  	s2 =	sld [smem:$0x3FD9]  }
0x89: {  	s3 =	sld [smem:$0x3FFE];
	_ =	sdelay $0x1  }
0x8a: {  	s1 =	srdreg.scid  }
0x8b: {  	s0 =	sand.u32 $0x1, s1  }
0x8c: {  	s17 =	sshll.u32 s0, $0xA;
	s2 =	sadd.s32 s3, s2  }
0x8d: {  	s2 =	sadd.s32 s2, s17  }
0x8e: {  	[smem:$0x3FBD] =	sst s2  }
0x8f: {  	_ = 	snop  }
0x90: {  	s2 =	sld [smem:$0x3FD0];
	(tm) =	ssettm $0x1  }
0x91: {  	s18 =	sld [smem:$0x3FFB];
	_ =	sdelay $0x3  }
0x92: {  	_ =	strace s18  }
0x93: {  	s3 =	sld [smem:$0x3FFC];
	_ =	sdelay $0x3  }
0x94: {  	_ =	strace s3  }
0x95: {  	s3 =	sld [smem:$0x3FFD];
	_ =	sdelay $0x3  }
0x96: {  	_ =	strace s3  }
0x97: {  	_ =	strace $0x8FFFFFFF  }
0x98: {  	s19 =	sld [smem:$0x3FDB];
	_ =	sdelay $0x1  }
0x99: {  	s4 =	simm.s32 $_scs_section_size  }
0x9a: {  	s5 =	simm.s32 $_size__tile_overlayer_lowered;
	s6 =	simm.s32 $_tile_overlayer_lowered  }
0x9b: {  	s22 =	simm.s32 $0x1BFF;
	s21 =	sshll.u32 s6, $0x1;
	s3 =	sadd.s32 s4, s19  }
0x9c: {  	s7 =	simm.s32 $0x0;
	s20 =	sshll.u32 s5, $0x1;
	s5 =	sadd.s32 s21, s3  }
0x9d: {  	[timem:s7], [sflag:s22] =	dma.local [hbm:s5], s20  }
0x9e: {  	_ =	swait.ge [sflag:s22], s20  }
0x9f: {  	s4 =	ssub.s32 $0x0, s20;
	[sflag:s22] =	ssyncset.done $0x0  }
0xa0: {  	[sflag:s22] =	ssyncadd.s32 s4;
	_ =	sdelay $0x1  }
0xa1: {  	s23 =	simm.s32 $0x1B8B  }
0xa2: {  	_ =	swait.ge [sflag:s23], $0x1  }
0xa3: {  	[sflag:s23] =	ssyncset.done $0x0  }
0xa4: {  	s25 =	simm.s32 $0x1B8E;
	s24 =	sld [smem:$0x3FFE];
	[sflag:s23] =	ssyncadd.s32 $0xFFFFFFFF  }
0xa5: {  	s26 =	simm.s32 $execute0_lowered;
	[smem:$0x3FD2] =	sst s25  }
0xa6: {  	s5 =	sshll.u32 s26, $0x1;
	_ =	strace $0x8000004C;
	[dreg:$0x1] =	wrdreg $0xFFFFFFFF  }
0xa7: {  	s28 =	simm.s32 $_size_execute0_lowered;
	s3 =	sadd.s32 s3, s5;
	[dreg:$0x0] =	wrdreg $0x0  }
0xa8: {  	s5 =	sshll.u32 s28, $0x1;
	[dreg:$0x2] =	wrdreg s3  }
0xa9: {  	[dreg:$0x3] =	wrdreg s5  }
0xaa: {  	[dreg:$0x4] =	wrdreg $0xC0  }
0xab: {  	_ =	task [dreg:s7], $0x5FFFF  }
0xac: {  	[dreg:$0x1] =	wrdreg $0xFFFFFFFF  }
0xad: {  	[dreg:$0x0] =	wrdreg $0x60  }
0xae: {  	[dreg:$0x2] =	wrdreg s24  }
0xaf: {  	[dreg:$0x3] =	wrdreg s2  }
0xb0: {  	[dreg:$0x4] =	wrdreg $0x0  }
0xb1: {  	[dreg:$0x5] =	wrdreg $0x9  }
0xb2: {  	_ =	task.clear_ibuf [dreg:s7], $0x6FFFF;
	_ =	strace $0x9000004C  }
0xb3: {  	s29 =	simm.s32 $0x9;
	_ =	strace $0x8000004E  }
0xb4: {  	_ =	swait.ge [sflag:s29], $0x1  }
0xb5: {  	[sflag:s29] =	ssyncadd.s32 $0xFFFFFFFF  }
0xb6: {  	_ =	strace $0x9000004E  }
0xb7: {  	_ =	sfence  }
0xb8: {  	s30 =	sld [smem:$0x0];
	_ =	sdelay $0x2  }
0xb9: {  	s31 =	sshll.u32 s1, $0xD;
	s1 =	sshrl.u32 s1, $0x2  }
0xba: {  	s3 =	sand.u32 $0x4000, s31;
	s1 =	sadd.s32 s1, s30  }
0xbb: {  	s0 =	sor.u32 s3, s0;
	s1 =	sshll.u32 s1, $0x11  }
0xbc: {  	s0 =	sor.u32 s1, s0  }
0xbd: {  	s0 =	sadd.s32 $0x8F2B, s0  }
0xbe: {  	[sflag:s0] =	ssyncadd.remote.s32 $0x1  }
0xbf: {  	_ =	sfence.sel $0xFFFF  }
0xc0: {  	[dreg:$0x0] =	wrdreg $0xFFFFFFFF;
	(pc) =	sbr.abs _section_cstart, $3  }
0xc1: {  	[dreg:$0x1] =	wrdreg $0xFFFFFFFF  }
0xc2: {  	_ =	task.clear_ibuf [dreg:s7], $0x2FFFF;
	_ =	strace $0x9FFFFFFF  }
0xc3: {  	(tm) =	ssettm $0x7FFFFFFF  }
tec
execute0_lowered:
.L_overlay_start_1:
0x0: {  	(tag) =	ssettag $0x1  }
0x1: {  	s0 =	rddreg [dreg:$0x0]  }
0x2: {  	s3 =	rddreg [dreg:$0x1]  }
0x3: {  	s1 =	rddreg [dreg:$0x2]  }
0x4: {  	s2 =	simm.s32 $0x0;
	s15 =	stileid.u32;
	s9 =	srdreg.scid  }
0x5: {  	s28 =	simm.s32 $0x14080;
	s29 =	simm.s32 $0x1;
	s30 =	simm.s32 $0x14180  }
0x6: {  	s31 =	simm.s32 $0x6;
	[smem:$0x7FF] =	sst s2;
	s4 =	sadd.s32 $0x9D800, s0  }
0x7: {  	s5 =	sadd.s32 $0x44800, s0;
	s6 =	sadd.s32 $0x49800, s0;
	s7 =	smul.u32 $0x2800, s15  }
0x8: {  	s8 =	sadd.s32 $0x30800, s0;
	s10 =	sand.u32 $0x1, s9;
	s11 =	smul.u32 $0x50000, s15  }
0x9: {  	s9 =	sadd.s32 $0x3A800, s0;
	s18 =	sshll.u32 s15, $0x6;
	_ =	strace $0x8000004D  }
0xa: {  	s12 =	ssub.s32 $0x2, s10;
	s10 =	smul.u32 $0x28000, s10;
	s0 =	sadd.s32 s7, s0  }
0xb: {  	s13 =	sshrl.u32 s12, $0x1;
	s11 =	sshrl.u32 s11, $0x2;
	s19 =	sshrl.u32 s7, $0x3  }
0xc: {  	s13 =	ssub.s32 s12, s13;
	s14 =	sadd.s32 s11, s1;
	s0 =	sadd.s32 $0x8800, s0  }
0xd: {  	s11 =	sadd.s32 s7, s10;
	s12 =	sor.u32 $0x1C09, s18;
	s21 =	sor.u32 $0x10, s19  }
0xe: {  	s16 =	sadd.s32 s5, s19;
	s15 =	sadd.s32 s6, s19;
	[dreg:$0x4] =	wrdreg s0  }
0xf: {  	s10 =	simm.s32 $0x2;
	s20 =	sshrl.u32 s11, $0x3;
	[dreg:$0x5] =	wrdreg s16  }
0x10: {  	s23 =	sadd.s32 s5, s21;
	[dreg:$0x8] =	wrdreg s15;
	s24 =	sadd.s32 s6, s21  }
0x11: {  	s25 =	sadd.s32 s3, s11;
	s26 =	smax.u32 s13, $0x1;
	s21 =	sshrl.u32 s14, $0x3  }
0x12: {  	s3 =	simm.s32 $0x7;
	s13 =	simm.s32 $0x8;
	[dreg:$0x7] =	wrdreg s23  }
0x13: {  	s14 =	simm.s32 $0x4;
	s15 =	simm.s32 $0x0;
	[dreg:$0xa] =	wrdreg s24  }
0x14: {  	s22 =	sadd.s32 s8, s20;
	s0 =	sadd.s32 s9, s20;
	[dreg:$0xb] =	wrdreg s25  }
0x15: {  	[dreg:$0xc] =	wrdreg s26;
	s23 =	simm.s32 $0x14000;
	s24 =	simm.s32 $0x14100  }
0x16: {  	s25 =	simm.s32 $0x80;
	s26 =	simm.s32 $0x14200;
	[dreg:$0x6] =	wrdreg s22  }
0x17: {  	[dreg:$0x9] =	wrdreg s0;
	s22 =	simm.s32 $0x9;
	s0 =	simm.s32 $0x18200  }
.LBB2_1:
0x18: {  	s16 =	rddreg [dreg:$0x4]  }
0x19: {  	[spmem:s21], [sflag:s12] =	dma.local [hbm:s16], $0x2800  }
0x1a: {  	_ =	swait.ge [sflag:s22], $0x2800  }
0x1b: {  	[sflag:s22] =	ssyncset.done $0x0  }
0x1c: {  	[sflag:s22] =	ssyncadd.s32 $0xFFFFD800  }
0x1d: {  	[bflag:$0x0] =	sbarrier.arrive $0xFFFF  }
0x1e: {  	s18 =	rddreg [dreg:$0x5]  }
0x1f: {  	[tilespmem:s23], [sflag:$0x9] =	stream.linear.gather [hbm4b:s18+s2], $0x80, $0x38;
	[tilespmem:$0x1C200] =	vst v63  }
0x20: {  	_ =	swait.ge [sflag:s22], $0x80  }
0x21: {  	[sflag:s22] =	ssyncset.done $0x0  }
0x22: {  	s19 =	rddreg [dreg:$0x6];
	[sflag:s22] =	ssyncadd.s32 $0xFFFFFF80  }
0x23: {  	[tilespmem:s24], [sflag:$0x7] =	stream.linear.gather [hbm4b:s19+s2], $0x80, $0x38;
	[tilespmem:$0x1C200] =	vst v63  }
0x24: {  	_ = 	snop  }
0x25: {  	[tilespmem:s26], [sflag:$0x1] =	stream.indirect.gather [hbm4b:s4+s25], $0x80, s23, s25, $0xb8;
	[tilespmem:$0x1C200] =	vst v63  }
0x26: {  	s16 =	simm.s32 $0x0;
	s20 =	rddreg [dreg:$0x7]  }
0x27: {  	[tilespmem:s28], [sflag:$0x6] =	stream.linear.gather [hbm4b:s20+s2], $0x80, $0x38;
	[tilespmem:$0x1C200] =	vst v63  }
.LBB2_2:
0x28: {  	p0 =	seq.s32 s16, $0x2700  }
0x29: {  	s17 =	sadd.s32 @!p0 $0x100, s16  }
0x2a: {  	s18 =	sand.u32 @!p0 $0x7C00, s17  }
0x2b: {  	s17 =	sand.u32 @!p0 $0x300, s17;
	s18 =	sadd.s32 @!p0 s7, s18  }
0x2c: {  	_ =	swait.ge [sflag:s29], $0x4000;
	s17 =	sor.u32 @!p0 s17, s18  }
0x2d: {  	[sflag:s29] =	ssyncset.done $0x0;
	s19 =	simm.s32 @!p0 $0x14000;
	s17 =	sshrl.u32 @!p0 s17, $0x3  }
0x2e: {  	[sflag:s29] =	ssyncadd.s32 $0xFFFFC000;
	s18 =	simm.s32 @!p0 $0x0;
	s17 =	sadd.s32 @!p0 s5, s17  }
0x2f: {  	[tilespmem:s19], [sflag:$0x5] =	stream.linear.gather @!p0 [hbm4b:s17+s18], $0x80, $0x38;
	[tilespmem:$0x1C200] =	vst v63  }
0x30: {  	s19 =	sand.u32 $0x3C00, s16  }
0x31: {  	s20 =	sand.u32 $0x300, s16;
	p1 =	seq.s32 @!p0 s16, $0x0;
	s17 =	sadd.s32 s11, s19  }
0x32: {  	p0 =	por p0, !p1;
	s17 =	sor.u32 s17, s20  }
0x33: {  	_ =	swait.ge @p0 [sflag:s14], $0x4000;
	s17 =	sor.u32 $0x80, s17  }
0x34: {  	[sflag:s14] =	ssyncset.done @p0 $0x0;
	s17 =	sshrl.u32 s17, $0x3  }
0x35: {  	[sflag:s14] =	ssyncadd.s32 @p0 $0xFFFFC000;
	s17 =	sadd.s32 s8, s17  }
0x36: {  	[tilespmem:s30], [sflag:$0x8] =	stream.linear.gather [hbm4b:s17+s2], $0x80, $0x38;
	[tilespmem:$0x1C200] =	vst v63  }
0x37: {  	_ =	swait.ge [sflag:s31], $0x80  }
0x38: {  	[sflag:s31] =	ssyncset.done $0x0  }
0x39: {  	p0 =	sne.s32 s16, $0x2700;
	[sflag:s31] =	ssyncadd.s32 $0xFFFFFF80  }
0x3a: {  	[tilespmem:s0], [sflag:$0x2] =	stream.indirect.gather [hbm4b:s4+s25], $0x80, s28, s25, $0xb8;
	[tilespmem:$0x1C200] =	vst v63  }
0x3b: {  	s17 =	sadd.s32 @p0 $0x180, s16;
	_ =	swait.ge [sflag:s3], $0x80  }
0x3c: {  	s18 =	sand.u32 @p0 $0x7C00, s17;
	[sflag:s3] =	ssyncset.done $0x0  }
0x3d: {  	s17 =	sand.u32 @p0 $0x380, s17;
	s18 =	sadd.s32 @p0 s7, s18;
	[sflag:s3] =	ssyncadd.s32 $0xFFFFFF80  }
0x3e: {  	[spmem:s1] =	stream.indirect.scatter.add.f32 [tilespmem:s26], [sflag:$0x3], $0x80, s24, s25, $0xb8;
	[tilespmem:$0x1C200] =	vst v63  }
0x3f: {  	s17 =	sor.u32 @p0 s17, s18;
	_ =	swait.ge [sflag:s10], $0x4000  }
0x40: {  	s19 =	simm.s32 @p0 $0x14080;
	s17 =	sshrl.u32 @p0 s17, $0x3;
	[sflag:s10] =	ssyncset.done $0x0  }
0x41: {  	s18 =	simm.s32 @p0 $0x0;
	s17 =	sadd.s32 @p0 s5, s17;
	[sflag:s10] =	ssyncadd.s32 $0xFFFFC000  }
0x42: {  	[tilespmem:s19], [sflag:$0x6] =	stream.linear.gather @p0 [hbm4b:s17+s18], $0x80, $0x38;
	[tilespmem:$0x1C200] =	vst v63  }
0x43: {  	s17 =	sadd.s32 @p0 $0x100, s16  }
0x44: {  	s19 =	sand.u32 @p0 $0x7C00, s17  }
0x45: {  	s20 =	simm.s32 @p0 $0x3;
	s17 =	sand.u32 @p0 $0x300, s17;
	s19 =	sadd.s32 @p0 s11, s19  }
0x46: {  	_ =	swait.ge @p0 [sflag:s20], $0x4000;
	s17 =	sor.u32 @p0 s17, s19  }
0x47: {  	[sflag:s20] =	ssyncset.done @p0 $0x0;
	s17 =	sshrl.u32 @p0 s17, $0x3  }
0x48: {  	[sflag:s20] =	ssyncadd.s32 @p0 $0xFFFFC000;
	s19 =	simm.s32 @p0 $0x14100;
	s17 =	sadd.s32 @p0 s8, s17  }
0x49: {  	[tilespmem:s19], [sflag:$0x7] =	stream.linear.gather @p0 [hbm4b:s17+s18], $0x80, $0x38;
	[tilespmem:$0x1C200] =	vst v63  }
0x4a: {  	s17 =	simm.s32 @p0 $0x5  }
0x4b: {  	_ =	swait.ge @p0 [sflag:s17], $0x80  }
0x4c: {  	s18 =	simm.s32 @p0 $0x14000;
	[sflag:s17] =	ssyncset.done @p0 $0x0  }
0x4d: {  	s19 =	simm.s32 @p0 $0x14200;
	[sflag:s17] =	ssyncadd.s32 @p0 $0xFFFFFF80;
	s17 =	simm.s32 @p0 $0x80  }
0x4e: {  	[tilespmem:s19], [sflag:$0x1] =	stream.indirect.gather @p0 [hbm4b:s4+s17], $0x80, s18, s17, $0xb8;
	[tilespmem:$0x1C200] =	vst v63  }
0x4f: {  	s17 =	simm.s32 @!p0 $0x3  }
0x50: {  	_ =	swait.ge @!p0 [sflag:s17], $0x4000  }
0x51: {  	s16 =	sadd.s32 $0x100, s16;
	[sflag:s17] =	ssyncset.done @!p0 $0x0  }
0x52: {  	[sflag:s17] =	ssyncadd.s32 @!p0 $0xFFFFC000;
	p0 =	sne.s32 s16, $0x2800  }
.Ltmp0:
0x53: {  	_ = 	snop;
	(pc) =	sbr.rel @p0 .LBB2_2-.Ltmp0, $4  }
0x54: {  	_ =	swait.ge [sflag:s13], $0x80  }
0x55: {  	[sflag:s13] =	ssyncset.done $0x0  }
0x56: {  	[sflag:s13] =	ssyncadd.s32 $0xFFFFFF80  }
0x57: {  	[spmem:s1] =	stream.indirect.scatter.add.f32 [tilespmem:s0], [sflag:$0x4], $0x80, s30, s25, $0xb8;
	[tilespmem:$0x1C200] =	vst v63  }
0x58: {  	_ =	swait.ge [sflag:s14], $0x4000  }
0x59: {  	[sflag:s14] =	ssyncset.done $0x0  }
0x5a: {  	s16 =	simm.s32 $0x0;
	s17 =	rddreg [dreg:$0x8];
	[sflag:s14] =	ssyncadd.s32 $0xFFFFC000  }
0x5b: {  	[tilespmem:s23], [sflag:$0x9] =	stream.linear.gather [hbm4b:s17+s16], $0x80, $0x38;
	[tilespmem:$0x1C200] =	vst v63  }
0x5c: {  	_ =	swait.ge [sflag:s22], $0x80  }
0x5d: {  	[sflag:s22] =	ssyncset.done $0x0  }
0x5e: {  	s19 =	rddreg [dreg:$0x9];
	[sflag:s22] =	ssyncadd.s32 $0xFFFFFF80  }
0x5f: {  	[tilespmem:s24], [sflag:$0x7] =	stream.linear.gather [hbm4b:s19+s16], $0x80, $0x38;
	[tilespmem:$0x1C200] =	vst v63  }
0x60: {  	_ = 	snop  }
0x61: {  	[tilespmem:s26], [sflag:$0x1] =	stream.indirect.gather [hbm4b:s4+s25], $0x80, s23, s25, $0xb8;
	[tilespmem:$0x1C200] =	vst v63  }
0x62: {  	s20 =	rddreg [dreg:$0xa]  }
0x63: {  	[tilespmem:s28], [sflag:$0x6] =	stream.linear.gather [hbm4b:s20+s16], $0x80, $0x38;
	[tilespmem:$0x1C200] =	vst v63  }
.LBB2_4:
0x64: {  	p0 =	seq.s32 s16, $0x2700  }
0x65: {  	s17 =	sadd.s32 @!p0 $0x100, s16  }
0x66: {  	s18 =	sand.u32 @!p0 $0x7C00, s17  }
0x67: {  	s17 =	sand.u32 @!p0 $0x300, s17;
	s18 =	sadd.s32 @!p0 s7, s18  }
0x68: {  	_ =	swait.ge [sflag:s29], $0x4000;
	s17 =	sor.u32 @!p0 s17, s18  }
0x69: {  	[sflag:s29] =	ssyncset.done $0x0;
	s19 =	simm.s32 @!p0 $0x14000;
	s17 =	sshrl.u32 @!p0 s17, $0x3  }
0x6a: {  	[sflag:s29] =	ssyncadd.s32 $0xFFFFC000;
	s18 =	simm.s32 @!p0 $0x0;
	s17 =	sadd.s32 @!p0 s6, s17  }
0x6b: {  	[tilespmem:s19], [sflag:$0x5] =	stream.linear.gather @!p0 [hbm4b:s17+s18], $0x80, $0x38;
	[tilespmem:$0x1C200] =	vst v63  }
0x6c: {  	s19 =	sand.u32 $0x3C00, s16  }
0x6d: {  	s20 =	sand.u32 $0x300, s16;
	p1 =	seq.s32 @!p0 s16, $0x0;
	s17 =	sadd.s32 s11, s19  }
0x6e: {  	p0 =	por p0, !p1;
	s17 =	sor.u32 s17, s20  }
0x6f: {  	_ =	swait.ge @p0 [sflag:s14], $0x4000;
	s17 =	sor.u32 $0x80, s17  }
0x70: {  	[sflag:s14] =	ssyncset.done @p0 $0x0;
	s17 =	sshrl.u32 s17, $0x3  }
0x71: {  	[sflag:s14] =	ssyncadd.s32 @p0 $0xFFFFC000;
	s17 =	sadd.s32 s9, s17  }
0x72: {  	[tilespmem:s30], [sflag:$0x8] =	stream.linear.gather [hbm4b:s17+s2], $0x80, $0x38;
	[tilespmem:$0x1C200] =	vst v63  }
0x73: {  	_ =	swait.ge [sflag:s31], $0x80  }
0x74: {  	[sflag:s31] =	ssyncset.done $0x0  }
0x75: {  	p0 =	sne.s32 s16, $0x2700;
	[sflag:s31] =	ssyncadd.s32 $0xFFFFFF80  }
0x76: {  	[tilespmem:s0], [sflag:$0x2] =	stream.indirect.gather [hbm4b:s4+s25], $0x80, s28, s25, $0xb8;
	[tilespmem:$0x1C200] =	vst v63  }
0x77: {  	s17 =	sadd.s32 @p0 $0x180, s16;
	_ =	swait.ge [sflag:s3], $0x80  }
0x78: {  	s18 =	sand.u32 @p0 $0x7C00, s17;
	[sflag:s3] =	ssyncset.done $0x0  }
0x79: {  	s17 =	sand.u32 @p0 $0x380, s17;
	s18 =	sadd.s32 @p0 s7, s18;
	[sflag:s3] =	ssyncadd.s32 $0xFFFFFF80  }
0x7a: {  	[spmem:s1] =	stream.indirect.scatter.add.f32 [tilespmem:s26], [sflag:$0x3], $0x80, s24, s25, $0xb8;
	[tilespmem:$0x1C200] =	vst v63  }
0x7b: {  	s17 =	sor.u32 @p0 s17, s18;
	_ =	swait.ge [sflag:s10], $0x4000  }
0x7c: {  	s19 =	simm.s32 @p0 $0x14080;
	s17 =	sshrl.u32 @p0 s17, $0x3;
	[sflag:s10] =	ssyncset.done $0x0  }
0x7d: {  	s18 =	simm.s32 @p0 $0x0;
	s17 =	sadd.s32 @p0 s6, s17;
	[sflag:s10] =	ssyncadd.s32 $0xFFFFC000  }
0x7e: {  	[tilespmem:s19], [sflag:$0x6] =	stream.linear.gather @p0 [hbm4b:s17+s18], $0x80, $0x38;
	[tilespmem:$0x1C200] =	vst v63  }
0x7f: {  	s17 =	sadd.s32 @p0 $0x100, s16  }
0x80: {  	s19 =	sand.u32 @p0 $0x7C00, s17  }
0x81: {  	s20 =	simm.s32 @p0 $0x3;
	s17 =	sand.u32 @p0 $0x300, s17;
	s19 =	sadd.s32 @p0 s11, s19  }
0x82: {  	_ =	swait.ge @p0 [sflag:s20], $0x4000;
	s17 =	sor.u32 @p0 s17, s19  }
0x83: {  	[sflag:s20] =	ssyncset.done @p0 $0x0;
	s17 =	sshrl.u32 @p0 s17, $0x3  }
0x84: {  	[sflag:s20] =	ssyncadd.s32 @p0 $0xFFFFC000;
	s19 =	simm.s32 @p0 $0x14100;
	s17 =	sadd.s32 @p0 s9, s17  }
0x85: {  	[tilespmem:s19], [sflag:$0x7] =	stream.linear.gather @p0 [hbm4b:s17+s18], $0x80, $0x38;
	[tilespmem:$0x1C200] =	vst v63  }
0x86: {  	s17 =	simm.s32 @p0 $0x5  }
0x87: {  	_ =	swait.ge @p0 [sflag:s17], $0x80  }
0x88: {  	s18 =	simm.s32 @p0 $0x14000;
	[sflag:s17] =	ssyncset.done @p0 $0x0  }
0x89: {  	s19 =	simm.s32 @p0 $0x14200;
	[sflag:s17] =	ssyncadd.s32 @p0 $0xFFFFFF80;
	s17 =	simm.s32 @p0 $0x80  }
0x8a: {  	[tilespmem:s19], [sflag:$0x1] =	stream.indirect.gather @p0 [hbm4b:s4+s17], $0x80, s18, s17, $0xb8;
	[tilespmem:$0x1C200] =	vst v63  }
0x8b: {  	s17 =	simm.s32 @!p0 $0x3  }
0x8c: {  	_ =	swait.ge @!p0 [sflag:s17], $0x4000  }
0x8d: {  	s16 =	sadd.s32 $0x100, s16;
	[sflag:s17] =	ssyncset.done @!p0 $0x0  }
0x8e: {  	[sflag:s17] =	ssyncadd.s32 @!p0 $0xFFFFC000;
	p0 =	sne.s32 s16, $0x2800  }
.Ltmp1:
0x8f: {  	_ = 	snop;
	(pc) =	sbr.rel @p0 .LBB2_4-.Ltmp1, $4  }
0x90: {  	_ =	swait.ge [sflag:s13], $0x80  }
0x91: {  	[sflag:s13] =	ssyncset.done $0x0  }
0x92: {  	[sflag:s13] =	ssyncadd.s32 $0xFFFFFF80  }
0x93: {  	[spmem:s1] =	stream.indirect.scatter.add.f32 [tilespmem:s0], [sflag:$0x4], $0x80, s30, s25, $0xb8;
	[tilespmem:$0x1C200] =	vst v63  }
0x94: {  	_ =	swait.ge [sflag:s14], $0x4000  }
0x95: {  	[sflag:s14] =	ssyncset.done $0x0  }
0x96: {  	[sflag:s14] =	ssyncadd.s32 $0xFFFFC000  }
0x97: {  	[bflag:$0x0] =	sbarrier.arrive $0xFFFF  }
0x98: {  	s16 =	rddreg [dreg:$0xb]  }
0x99: {  	[hbm:s16], [sflag:s12] =	dma.local [spmem:s21], $0x2800  }
0x9a: {  	_ =	swait.ge [sflag:s22], $0x2800  }
0x9b: {  	s15 =	sadd.s32 $0x1, s15;
	s20 =	rddreg [dreg:$0xc]  }
0x9c: {  	p0 =	sne.s32 s15, s20  }
.Ltmp2:
0x9d: {  	_ = 	snop;
	(pc) =	sbr.rel @p0 .LBB2_1-.Ltmp2, $3  }
0x9e: {  	_ =	sdelay $0x1  }
0x9f: {  	[sflag:s22] =	ssyncset.done $0x0  }
0xa0: {  	[sflag:s22] =	ssyncadd.s32 $0xFFFFD800  }
0xa1: {  	_ =	sfence.sel $0x180000  }
0xa2: {  	[bflag:$0x0] =	sbarrier.arrive $0xFFFF  }
0xa3: {  	_ =	strace $0x9000004D  }
0xa4: {  	s0 =	stileid.u32;
	[bflag:$0x2] =	sbarrier.arrive $0xFFFF  }
0xa5: {  	p0 =	sne.s32 s0, $0x0;
	s0 =	rddreg [dreg:$0x3]  }
0xa6: {  	s0 =	sadd.s32 @!p0 $0x100000, s0  }
0xa7: {  	[sflag:s0] =	ssyncadd.tile.s32 @!p0 $0x1;
	_ =	shalt  }
.Lfunc_end2:
_tile_overlayer_lowered:
.L_overlay_start_2:
0xa8: {  	(tag) =	ssettag $0x2  }
0xa9: {  	s0 =	rddreg [dreg:$0x0];
	s2 =	stileid.u32  }
0xaa: {  	s1 =	rddreg [dreg:$0x1];
	p0 =	sne.s32 s2, $0x0  }
0xab: {  	s3 =	rddreg [dreg:$0x2];
	[bflag:$0x3] =	sbarrier.arrive $0xFFFF;
	s2 =	simm.s32 @!p0 $0x1C09  }
0xac: {  	[timem:s3], [sflag:s2] =	dma.local @!p0 [hbm:s0], s1  }
0xad: {  	s0 =	simm.s32 @!p0 $0x9  }
0xae: {  	_ =	swait.ge @!p0 [sflag:s0], s1  }
0xaf: {  	s1 =	ssub.s32 @!p0 $0x0, s1;
	[sflag:s0] =	ssyncset.done @!p0 $0x0  }
0xb0: {  	[sflag:s0] =	ssyncadd.s32 @!p0 s1  }
0xb1: {  	[bflag:$0x3] =	sbarrier.arrive $0xFFFF  }
0xb2: {  	_ =	shalt  }

</sc_bundles>
